<compile_context>
chip_gen: v7x
topology: tpu7x:2x2x1
jax: 0.10.2.dev20260603
libtpu: 0.0.44.dev20260713+nightly
codegen_flags: <defaults>
</compile_context>

<pallas_src>
import functools

import jax
import jax.numpy as jnp
from jax.experimental import pallas as pl
from jax.experimental.pallas import tpu as pltpu
from jax.experimental.pallas import tpu_sc as plsc

N_H = 8
N = 64
NUM_CLS = 117
NUM_OBJ = 80
HUMAN_IDX = 49
DIM = 300
ROW = NUM_CLS * DIM
NUM_KEEP = N_H * N - N_H
PAIRS_PER_STEP = 24
NUM_STEPS = NUM_KEEP // PAIRS_PER_STEP
NUM_WORKERS = 32
PAIRS_PER_WORKER = 16


def _l2n(x):
    return x / jnp.maximum(
        jnp.sqrt(jnp.sum(x * x, axis=1, keepdims=True)), 1e-12)


def _tiles_kernel(ent_ref, rel_ref, nv_ref, hp_o, rn_o, wn_o):
    h_n = _l2n(ent_ref[HUMAN_IDX:HUMAN_IDX + 1, :])
    r_n = _l2n(rel_ref[:])
    w_n = _l2n(nv_ref[:])
    h_dot = jnp.sum(h_n * w_n, axis=1, keepdims=True)
    hp_o[:] = h_n - h_dot * w_n
    rn_o[:] = r_n
    wn_o[:] = w_n


_SC_LAG = 4


def _sc_replicate(hp_hbm, rn_hbm, wn_hbm, out_h, out_r, out_w, buf, sem):
    c = jax.lax.axis_index("c")
    s = jax.lax.axis_index("s")
    wid = s * 2 + c
    oid = jax.lax.rem(wid, 3)
    gidx = jax.lax.div(wid, 3)

    def _do(src, out, n_workers, maxn):
        lo = (NUM_KEEP * gidx) // n_workers
        hi = (NUM_KEEP * (gidx + 1)) // n_workers
        pltpu.sync_copy(src, buf)
        for i in range(maxn):
            p = jnp.minimum(lo + i, hi - 1)
            pltpu.async_copy(buf, out.at[p], sem)
            if i >= _SC_LAG:
                pltpu.make_async_copy(buf, out.at[lo], sem).wait()
        for _ in range(min(_SC_LAG, maxn)):
            pltpu.make_async_copy(buf, out.at[lo], sem).wait()

    @pl.when(oid == 0)
    def _():
        _do(hp_hbm, out_h, 11, 46)

    @pl.when(oid == 1)
    def _():
        _do(rn_hbm, out_r, 11, 46)

    @pl.when(oid == 2)
    def _():
        _do(wn_hbm, out_w, 10, 51)


def _t_stream_kernel(labels_ref, ent_ref, rel_ref, nv_ref,
                     out_t, out_s, tn_s, wn_s, sc_s):
    step = pl.program_id(0)

    @pl.when(step == 0)
    def _compute_core():
        row = jax.lax.broadcasted_iota(jnp.int32, (N, 1), 0)
        labels = jnp.where(row < N_H, HUMAN_IDX, labels_ref[:])
        onehot = (labels == jax.lax.broadcasted_iota(
            jnp.int32, (N, NUM_OBJ), 1)).astype(jnp.float32)
        t_n = _l2n(jnp.dot(onehot, ent_ref[:],
                           preferred_element_type=jnp.float32))
        h_n = _l2n(ent_ref[HUMAN_IDX:HUMAN_IDX + 1, :])
        r_n = _l2n(rel_ref[:])
        w_n = _l2n(nv_ref[:])
        h_dot = jnp.sum(h_n * w_n, axis=1, keepdims=True)
        h_p = h_n - h_dot * w_n
        tn_s[:] = t_n
        wn_s[:] = w_n
        a = h_p + r_n
        ones = jnp.ones((1, DIM), jnp.float32)
        aa_row = jax.lax.dot_general(
            ones, a * a, (((1,), (1,)), ((), ())),
            preferred_element_type=jnp.float32)
        aw_row = jax.lax.dot_general(
            ones, a * w_n, (((1,), (1,)), ((), ())),
            preferred_element_type=jnp.float32)
        t_dot = jax.lax.dot_general(
            t_n, w_n, (((1,), (1,)), ((), ())),
            preferred_element_type=jnp.float32)
        a_t = jax.lax.dot_general(
            t_n, a, (((1,), (1,)), ((), ())),
            preferred_element_type=jnp.float32)
        tt = jnp.sum(t_n * t_n, axis=1, keepdims=True)
        sq = aa_row + tt - t_dot * t_dot - 2.0 * a_t + 2.0 * t_dot * aw_row
        sc_s[:] = jnp.sqrt(jnp.maximum(sq, 0.0))

    wn = wn_s[:]
    i_col = jax.lax.broadcasted_iota(jnp.int32, (PAIRS_PER_STEP, 1), 0)
    k = step * PAIRS_PER_STEP + i_col
    x = k // (N - 1)
    j = k - x * (N - 1)
    y = jnp.where(j >= x, j + 1, j)
    sel = (y == jax.lax.broadcasted_iota(
        jnp.int32, (PAIRS_PER_STEP, N), 1)).astype(jnp.float32)

    out_s[:] = jnp.dot(sel, sc_s[:], preferred_element_type=jnp.float32)
    tn_step = jnp.dot(sel, tn_s[:], preferred_element_type=jnp.float32)

    for i in range(PAIRS_PER_STEP):
        tn = tn_step[i:i + 1, :]
        td = jnp.sum(tn * wn, axis=1, keepdims=True)
        out_t[i] = tn - td * wn


@jax.jit
def kernel(box_labels, ent_emb, rel_emb, norm_vec):
    tile = jax.ShapeDtypeStruct((NUM_CLS, DIM), jnp.float32)
    hp, rn, wn = pl.pallas_call(
        _tiles_kernel,
        out_shape=[tile, tile, tile],
    )(ent_emb, rel_emb, norm_vec)

    mesh = plsc.VectorSubcoreMesh(
        core_axis_name="c", subcore_axis_name="s",
        num_cores=2, num_subcores=16)
    big3 = jax.ShapeDtypeStruct((NUM_KEEP, NUM_CLS, DIM), jnp.float32)
    sc_repl = pl.kernel(
        _sc_replicate,
        out_type=[big3, big3, big3],
        mesh=mesh,
        scratch_types=[
            pltpu.VMEM((NUM_CLS, DIM), jnp.float32),
            pltpu.SemaphoreType.DMA,
        ],
    )
    h_keep, r_keep, w_keep = sc_repl(hp, rn, wn)

    labels2d = box_labels.reshape(N, 1)
    t_keep, scores_keep = pl.pallas_call(
        _t_stream_kernel,
        grid=(NUM_STEPS,),
        in_specs=[
            pl.BlockSpec((N, 1), lambda st: (0, 0)),
            pl.BlockSpec((NUM_OBJ, DIM), lambda st: (0, 0)),
            pl.BlockSpec((NUM_CLS, DIM), lambda st: (0, 0)),
            pl.BlockSpec((NUM_CLS, DIM), lambda st: (0, 0)),
        ],
        out_specs=[
            pl.BlockSpec((PAIRS_PER_STEP, NUM_CLS, DIM), lambda st: (st, 0, 0)),
            pl.BlockSpec((PAIRS_PER_STEP, NUM_CLS), lambda st: (st, 0)),
        ],
        out_shape=[
            jax.ShapeDtypeStruct((NUM_KEEP, NUM_CLS, DIM), jnp.float32),
            jax.ShapeDtypeStruct((NUM_KEEP, NUM_CLS), jnp.float32),
        ],
        scratch_shapes=[
            pltpu.VMEM((N, DIM), jnp.float32),
            pltpu.VMEM((NUM_CLS, DIM), jnp.float32),
            pltpu.VMEM((N, NUM_CLS), jnp.float32),
        ],
    )(labels2d, ent_emb, rel_emb, norm_vec)

    return (h_keep, r_keep, w_keep, t_keep, scores_keep)

# --- scband reference (transcript-rebuilt; emitter-appended) ---
"""Pipeline reference for scband-graph-head-17806934409943 (READ-ONLY COPY).

The authoritative reference and input builder live on the scoring server;
editing this copy changes nothing except your own understanding.
"""

import jax, jax.numpy as jnp
import numpy as np

N_H = 8
N = 64
NUM_CLS = 117
NUM_OBJ = 80
HUMAN_IDX = 49
DIM = 300
P_NORM = 2

_xg, _yg = np.meshgrid(np.arange(N_H), np.arange(N), indexing='ij')
KEEP = np.nonzero((_xg != _yg).ravel())[0]


def setup_inputs(seed: int = 0) -> dict:
    key = jax.random.key(seed)
    k1, k2, k3, k4 = jax.random.split(key, 4)
    box_labels = jax.random.randint(k1, (N,), 0, NUM_OBJ, dtype=jnp.int32)
    ent_emb = jax.random.normal(k2, (NUM_OBJ, DIM), dtype=jnp.float32)
    rel_emb = jax.random.normal(k3, (NUM_CLS, DIM), dtype=jnp.float32)
    norm_vec = jax.random.normal(k4, (NUM_CLS, DIM), dtype=jnp.float32)
    return {"box_labels": box_labels, "ent_emb": ent_emb, "rel_emb": rel_emb, "norm_vec": norm_vec}


def _l2norm(x):
    return x / jnp.maximum(jnp.linalg.norm(x, axis=-1, keepdims=True), 1e-12)


def _transfer(e, w):
    # TransH hyperplane projection: e - (e . w_r) w_r
    return e - jnp.sum(e * w, axis=-1, keepdims=True) * w


def reference(box_labels, ent_emb, rel_emb, norm_vec):
    # Human detections permuted to the top, as required by the torch module
    labels = box_labels.at[:N_H].set(HUMAN_IDX)
    # Build (head, relation, tail) triples exactly as transH_head.forward does
    relations = jnp.tile(jnp.arange(NUM_CLS, dtype=jnp.int32), N_H * N)
    heads = jnp.full((N_H * N * NUM_CLS,), HUMAN_IDX, dtype=jnp.int32)
    tails = jnp.tile(jnp.repeat(labels, NUM_CLS), N_H)
    # Embedding lookups (gathers)
    h = jnp.take(ent_emb, heads, axis=0)
    t = jnp.take(ent_emb, tails, axis=0)
    r = jnp.take(rel_emb, relations, axis=0)
    w = _l2norm(jnp.take(norm_vec, relations, axis=0))
    # norm_flag=True -> L2-normalize h, r, t
    h = _l2norm(h)
    r = _l2norm(r)
    t = _l2norm(t)
    h_p = _transfer(h, w)
    t_p = _transfer(t, w)
    score = jnp.linalg.norm(h_p + r - t_p, ord=P_NORM, axis=-1)
    # Keep valid human-object pairs (x != y), matching the torch code
    h_keep = h_p.reshape(N_H * N, NUM_CLS, DIM)[KEEP]
    r_keep = r.reshape(N_H * N, NUM_CLS, DIM)[KEEP]
    w_keep = w.reshape(N_H * N, NUM_CLS, DIM)[KEEP]
    t_keep = t_p.reshape(N_H * N, NUM_CLS, DIM)[KEEP]
    scores_keep = score.reshape(N_H * N, NUM_CLS)[KEEP]
    return (h_keep, r_keep, w_keep, t_keep, scores_keep)

if __name__ == "__main__":
    import jax
    _d = setup_inputs()
    print(jax.jit(kernel)(*tuple(_d.values())))

</pallas_src>

<mosaic_0001>
#map = affine_map<(d0, d1) -> (0, 0)>
#map1 = affine_map<(d0, d1) -> (0, 0, 0)>
module attributes {stable_mosaic.version = 14 : i64} {
  func.func @_sc_replicate(%arg0: i32, %arg1: i32, %arg2: memref<117x300xf32, #tpu.memory_space<hbm>>, %arg3: memref<117x300xf32, #tpu.memory_space<hbm>>, %arg4: memref<117x300xf32, #tpu.memory_space<hbm>>, %arg5: memref<504x117x300xf32, #tpu.memory_space<hbm>>, %arg6: memref<504x117x300xf32, #tpu.memory_space<hbm>>, %arg7: memref<504x117x300xf32, #tpu.memory_space<hbm>>, %arg8: memref<117x300xf32, #tpu.memory_space<vmem>>, %arg9: memref<!tpu.dma_semaphore, #tpu.memory_space<semaphore_mem>>) attributes {dimension_semantics = [#tpu.dimension_semantics<core_parallel>, #tpu.dimension_semantics<subcore_parallel>], iteration_bounds = array<i64: 2, 16>, scalar_prefetch = 0 : i64, scratch_operands = 2 : i64, tpu.core_type = #tpu.core_type<sc_vector_subcore>, window_params = [{transform_indices = #map}, {transform_indices = #map}, {transform_indices = #map}, {transform_indices = #map1}, {transform_indices = #map1}, {transform_indices = #map1}]} {
    %mul3A = arith.constant 2 : i32
    %mul3A_0 = arith.muli %arg1, %mul3A : i32
    %add3A = arith.addi %mul3A_0, %arg0 : i32
    %rem3A = arith.constant 3 : i32
    %rem3A_1 = arith.remsi %add3A, %rem3A : i32
    %div3A = arith.constant 3 : i32
    %div3A_2 = arith.divsi %add3A, %div3A : i32
    %eq3A = arith.constant 0 : i32
    %eq3A_3 = arith.cmpi eq, %rem3A_1, %eq3A : i32
    %convert_element_type3A = arith.extui %eq3A_3 : i1 to i32
    %cond3A = arith.constant 0 : i32
    %cond3A_4 = arith.cmpi ne, %convert_element_type3A, %cond3A : i32
    scf.if %cond3A_4 {
      %mul3A_15 = arith.constant 504 : i32
      %mul3A_16 = arith.muli %mul3A_15, %div3A_2 : i32
      %jit3A = arith.constant 11 : i32
      %div3A_17 = arith.divsi %mul3A_16, %jit3A : i32
      %sign3A = arith.constant 0 : i32
      %sign3A_18 = arith.cmpi sgt, %mul3A_16, %sign3A : i32
      %sign3A_19 = arith.extui %sign3A_18 : i1 to i32
      %sign3A_20 = arith.constant 0 : i32
      %sign3A_21 = arith.cmpi slt, %mul3A_16, %sign3A_20 : i32
      %sign3A_22 = arith.extui %sign3A_21 : i1 to i32
      %sign3A_23 = arith.subi %sign3A_19, %sign3A_22 : i32
      %sign3A_24 = arith.constant 0 : i32
      %sign3A_25 = arith.cmpi sgt, %jit3A, %sign3A_24 : i32
      %sign3A_26 = arith.extui %sign3A_25 : i1 to i32
      %sign3A_27 = arith.constant 0 : i32
      %sign3A_28 = arith.cmpi slt, %jit3A, %sign3A_27 : i32
      %sign3A_29 = arith.extui %sign3A_28 : i1 to i32
      %sign3A_30 = arith.subi %sign3A_26, %sign3A_29 : i32
      %ne3A = arith.cmpi ne, %sign3A_23, %sign3A_30 : i32
      %rem3A_31 = arith.remsi %mul3A_16, %jit3A : i32
      %ne3A_32 = arith.constant 0 : i32
      %ne3A_33 = arith.cmpi ne, %rem3A_31, %ne3A_32 : i32
      %and3A = arith.andi %ne3A, %ne3A_33 : i1
      %sub3A = arith.constant 1 : i32
      %sub3A_34 = arith.subi %div3A_17, %sub3A : i32
      %select_n3A = arith.select %and3A, %sub3A_34, %div3A_17 : i32
      %add3A_35 = arith.constant 1 : i32
      %add3A_36 = arith.addi %div3A_2, %add3A_35 : i32
      %mul3A_37 = arith.constant 504 : i32
      %mul3A_38 = arith.muli %mul3A_37, %add3A_36 : i32
      %jit3A_39 = arith.constant 11 : i32
      %div3A_40 = arith.divsi %mul3A_38, %jit3A_39 : i32
      %sign3A_41 = arith.constant 0 : i32
      %sign3A_42 = arith.cmpi sgt, %mul3A_38, %sign3A_41 : i32
      %sign3A_43 = arith.extui %sign3A_42 : i1 to i32
      %sign3A_44 = arith.constant 0 : i32
      %sign3A_45 = arith.cmpi slt, %mul3A_38, %sign3A_44 : i32
      %sign3A_46 = arith.extui %sign3A_45 : i1 to i32
      %sign3A_47 = arith.subi %sign3A_43, %sign3A_46 : i32
      %sign3A_48 = arith.constant 0 : i32
      %sign3A_49 = arith.cmpi sgt, %jit3A_39, %sign3A_48 : i32
      %sign3A_50 = arith.extui %sign3A_49 : i1 to i32
      %sign3A_51 = arith.constant 0 : i32
      %sign3A_52 = arith.cmpi slt, %jit3A_39, %sign3A_51 : i32
      %sign3A_53 = arith.extui %sign3A_52 : i1 to i32
      %sign3A_54 = arith.subi %sign3A_50, %sign3A_53 : i32
      %ne3A_55 = arith.cmpi ne, %sign3A_47, %sign3A_54 : i32
      %rem3A_56 = arith.remsi %mul3A_38, %jit3A_39 : i32
      %ne3A_57 = arith.constant 0 : i32
      %ne3A_58 = arith.cmpi ne, %rem3A_56, %ne3A_57 : i32
      %and3A_59 = arith.andi %ne3A_55, %ne3A_58 : i1
      %sub3A_60 = arith.constant 1 : i32
      %sub3A_61 = arith.subi %div3A_40, %sub3A_60 : i32
      %select_n3A_62 = arith.select %and3A_59, %sub3A_61, %div3A_40 : i32
      "tpu.region"() ({
        %run_scoped3A = tpu.sem_alloc : memref<!tpu.dma_semaphore, #tpu.memory_space<semaphore_mem>>
        tpu.enqueue_dma source(%arg2 : memref<117x300xf32, #tpu.memory_space<hbm>>) target(%arg8 : memref<117x300xf32, #tpu.memory_space<vmem>>) target_semaphore(%run_scoped3A : memref<!tpu.dma_semaphore, #tpu.memory_space<semaphore_mem>>)
        tpu.wait_dma2 semaphore(%run_scoped3A : memref<!tpu.dma_semaphore, #tpu.memory_space<semaphore_mem>>) src(%arg2 : memref<117x300xf32, #tpu.memory_space<hbm>>) dst(%arg8 : memref<117x300xf32, #tpu.memory_space<vmem>>)
        tpu.yield
      }) : () -> ()
      %add3A_63 = arith.constant 0 : i32
      %add3A_64 = arith.addi %select_n3A, %add3A_63 : i32
      %sub3A_65 = arith.constant 1 : i32
      %sub3A_66 = arith.subi %select_n3A_62, %sub3A_65 : i32
      %min3A = arith.minsi %add3A_64, %sub3A_66 : i32
      %dma_start3A = arith.constant 0 : i32
      %dma_start3A_67 = arith.constant 0 : i32
      %dma_start3A_68 = tpu.memref_slice %arg5[%min3A, %dma_start3A, %dma_start3A_67] : memref<504x117x300xf32, #tpu.memory_space<hbm>> -> memref<1x117x300xf32, #tpu.memory_space<hbm>>
      %dma_start3A_69 = tpu.memref_squeeze %dma_start3A_68 : memref<1x117x300xf32, #tpu.memory_space<hbm>> -> memref<117x300xf32, #tpu.memory_space<hbm>>
      %dma_start3A_70 = arith.constant 0 : i32
      %dma_start3A_71 = arith.constant 0 : i32
      %dma_start3A_72 = tpu.memref_slice %arg5[%min3A, %dma_start3A_70, %dma_start3A_71] : memref<504x117x300xf32, #tpu.memory_space<hbm>> -> memref<1x117x300xf32, #tpu.memory_space<hbm>>
      %dma_start3A_73 = tpu.memref_squeeze %dma_start3A_72 : memref<1x117x300xf32, #tpu.memory_space<hbm>> -> memref<117x300xf32, #tpu.memory_space<hbm>>
      tpu.enqueue_dma source(%arg8 : memref<117x300xf32, #tpu.memory_space<vmem>>) target(%dma_start3A_73 : memref<117x300xf32, #tpu.memory_space<hbm>>) target_semaphore(%arg9 : memref<!tpu.dma_semaphore, #tpu.memory_space<semaphore_mem>>)
      %add3A_74 = arith.constant 1 : i32
      %add3A_75 = arith.addi %select_n3A, %add3A_74 : i32
      %sub3A_76 = arith.constant 1 : i32
      %sub3A_77 = arith.subi %select_n3A_62, %sub3A_76 : i32
      %min3A_78 = arith.minsi %add3A_75, %sub3A_77 : i32
      %dma_start3A_79 = arith.constant 0 : i32
      %dma_start3A_80 = arith.constant 0 : i32
      %dma_start3A_81 = tpu.memref_slice %arg5[%min3A_78, %dma_start3A_79, %dma_start3A_80] : memref<504x117x300xf32, #tpu.memory_space<hbm>> -> memref<1x117x300xf32, #tpu.memory_space<hbm>>
      %dma_start3A_82 = tpu.memref_squeeze %dma_start3A_81 : memref<1x117x300xf32, #tpu.memory_space<hbm>> -> memref<117x300xf32, #tpu.memory_space<hbm>>
      %dma_start3A_83 = arith.constant 0 : i32
      %dma_start3A_84 = arith.constant 0 : i32
      %dma_start3A_85 = tpu.memref_slice %arg5[%min3A_78, %dma_start3A_83, %dma_start3A_84] : memref<504x117x300xf32, #tpu.memory_space<hbm>> -> memref<1x117x300xf32, #tpu.memory_space<hbm>>
      %dma_start3A_86 = tpu.memref_squeeze %dma_start3A_85 : memref<1x117x300xf32, #tpu.memory_space<hbm>> -> memref<117x300xf32, #tpu.memory_space<hbm>>
      tpu.enqueue_dma source(%arg8 : memref<117x300xf32, #tpu.memory_space<vmem>>) target(%dma_start3A_86 : memref<117x300xf32, #tpu.memory_space<hbm>>) target_semaphore(%arg9 : memref<!tpu.dma_semaphore, #tpu.memory_space<semaphore_mem>>)
      %add3A_87 = arith.constant 2 : i32
      %add3A_88 = arith.addi %select_n3A, %add3A_87 : i32
      %sub3A_89 = arith.constant 1 : i32
      %sub3A_90 = arith.subi %select_n3A_62, %sub3A_89 : i32
      %min3A_91 = arith.minsi %add3A_88, %sub3A_90 : i32
      %dma_start3A_92 = arith.constant 0 : i32
      %dma_start3A_93 = arith.constant 0 : i32
      %dma_start3A_94 = tpu.memref_slice %arg5[%min3A_91, %dma_start3A_92, %dma_start3A_93] : memref<504x117x300xf32, #tpu.memory_space<hbm>> -> memref<1x117x300xf32, #tpu.memory_space<hbm>>
      %dma_start3A_95 = tpu.memref_squeeze %dma_start3A_94 : memref<1x117x300xf32, #tpu.memory_space<hbm>> -> memref<117x300xf32, #tpu.memory_space<hbm>>
      %dma_start3A_96 = arith.constant 0 : i32
      %dma_start3A_97 = arith.constant 0 : i32
      %dma_start3A_98 = tpu.memref_slice %arg5[%min3A_91, %dma_start3A_96, %dma_start3A_97] : memref<504x117x300xf32, #tpu.memory_space<hbm>> -> memref<1x117x300xf32, #tpu.memory_space<hbm>>
      %dma_start3A_99 = tpu.memref_squeeze %dma_start3A_98 : memref<1x117x300xf32, #tpu.memory_space<hbm>> -> memref<117x300xf32, #tpu.memory_space<hbm>>
      tpu.enqueue_dma source(%arg8 : memref<117x300xf32, #tpu.memory_space<vmem>>) target(%dma_start3A_99 : memref<117x300xf32, #tpu.memory_space<hbm>>) target_semaphore(%arg9 : memref<!tpu.dma_semaphore, #tpu.memory_space<semaphore_mem>>)
      %add3A_100 = arith.constant 3 : i32
      %add3A_101 = arith.addi %select_n3A, %add3A_100 : i32
      %sub3A_102 = arith.constant 1 : i32
      %sub3A_103 = arith.subi %select_n3A_62, %sub3A_102 : i32
      %min3A_104 = arith.minsi %add3A_101, %sub3A_103 : i32
      %dma_start3A_105 = arith.constant 0 : i32
      %dma_start3A_106 = arith.constant 0 : i32
      %dma_start3A_107 = tpu.memref_slice %arg5[%min3A_104, %dma_start3A_105, %dma_start3A_106] : memref<504x117x300xf32, #tpu.memory_space<hbm>> -> memref<1x117x300xf32, #tpu.memory_space<hbm>>
      %dma_start3A_108 = tpu.memref_squeeze %dma_start3A_107 : memref<1x117x300xf32, #tpu.memory_space<hbm>> -> memref<117x300xf32, #tpu.memory_space<hbm>>
      %dma_start3A_109 = arith.constant 0 : i32
      %dma_start3A_110 = arith.constant 0 : i32
      %dma_start3A_111 = tpu.memref_slice %arg5[%min3A_104, %dma_start3A_109, %dma_start3A_110] : memref<504x117x300xf32, #tpu.memory_space<hbm>> -> memref<1x117x300xf32, #tpu.memory_space<hbm>>
      %dma_start3A_112 = tpu.memref_squeeze %dma_start3A_111 : memref<1x117x300xf32, #tpu.memory_space<hbm>> -> memref<117x300xf32, #tpu.memory_space<hbm>>
      tpu.enqueue_dma source(%arg8 : memref<117x300xf32, #tpu.memory_space<vmem>>) target(%dma_start3A_112 : memref<117x300xf32, #tpu.memory_space<hbm>>) target_semaphore(%arg9 : memref<!tpu.dma_semaphore, #tpu.memory_space<semaphore_mem>>)
      %add3A_113 = arith.constant 4 : i32
      %add3A_114 = arith.addi %select_n3A, %add3A_113 : i32
      %sub3A_115 = arith.constant 1 : i32
      %sub3A_116 = arith.subi %select_n3A_62, %sub3A_115 : i32
      %min3A_117 = arith.minsi %add3A_114, %sub3A_116 : i32
      %dma_start3A_118 = arith.constant 0 : i32
      %dma_start3A_119 = arith.constant 0 : i32
      %dma_start3A_120 = tpu.memref_slice %arg5[%min3A_117, %dma_start3A_118, %dma_start3A_119] : memref<504x117x300xf32, #tpu.memory_space<hbm>> -> memref<1x117x300xf32, #tpu.memory_space<hbm>>
      %dma_start3A_121 = tpu.memref_squeeze %dma_start3A_120 : memref<1x117x300xf32, #tpu.memory_space<hbm>> -> memref<117x300xf32, #tpu.memory_space<hbm>>
      %dma_start3A_122 = arith.constant 0 : i32
      %dma_start3A_123 = arith.constant 0 : i32
      %dma_start3A_124 = tpu.memref_slice %arg5[%min3A_117, %dma_start3A_122, %dma_start3A_123] : memref<504x117x300xf32, #tpu.memory_space<hbm>> -> memref<1x117x300xf32, #tpu.memory_space<hbm>>
      %dma_start3A_125 = tpu.memref_squeeze %dma_start3A_124 : memref<1x117x300xf32, #tpu.memory_space<hbm>> -> memref<117x300xf32, #tpu.memory_space<hbm>>
      tpu.enqueue_dma source(%arg8 : memref<117x300xf32, #tpu.memory_space<vmem>>) target(%dma_start3A_125 : memref<117x300xf32, #tpu.memory_space<hbm>>) target_semaphore(%arg9 : memref<!tpu.dma_semaphore, #tpu.memory_space<semaphore_mem>>)
      %dma_wait3A = arith.constant 0 : i32
      %dma_wait3A_126 = arith.constant 0 : i32
      %dma_wait3A_127 = tpu.memref_slice %arg5[%select_n3A, %dma_wait3A, %dma_wait3A_126] : memref<504x117x300xf32, #tpu.memory_space<hbm>> -> memref<1x117x300xf32, #tpu.memory_space<hbm>>
      %dma_wait3A_128 = tpu.memref_squeeze %dma_wait3A_127 : memref<1x117x300xf32, #tpu.memory_space<hbm>> -> memref<117x300xf32, #tpu.memory_space<hbm>>
      %dma_wait3A_129 = arith.constant 0 : i32
      %dma_wait3A_130 = arith.constant 0 : i32
      %dma_wait3A_131 = tpu.memref_slice %arg5[%select_n3A, %dma_wait3A_129, %dma_wait3A_130] : memref<504x117x300xf32, #tpu.memory_space<hbm>> -> memref<1x117x300xf32, #tpu.memory_space<hbm>>
      %dma_wait3A_132 = tpu.memref_squeeze %dma_wait3A_131 : memref<1x117x300xf32, #tpu.memory_space<hbm>> -> memref<117x300xf32, #tpu.memory_space<hbm>>
      tpu.wait_dma2 semaphore(%arg9 : memref<!tpu.dma_semaphore, #tpu.memory_space<semaphore_mem>>) src(%arg8 : memref<117x300xf32, #tpu.memory_space<vmem>>) dst(%dma_wait3A_132 : memref<117x300xf32, #tpu.memory_space<hbm>>)
      %add3A_133 = arith.constant 5 : i32
      %add3A_134 = arith.addi %select_n3A, %add3A_133 : i32
      %sub3A_135 = arith.constant 1 : i32
      %sub3A_136 = arith.subi %select_n3A_62, %sub3A_135 : i32
      %min3A_137 = arith.minsi %add3A_134, %sub3A_136 : i32
      %dma_start3A_138 = arith.constant 0 : i32
      %dma_start3A_139 = arith.constant 0 : i32
      %dma_start3A_140 = tpu.memref_slice %arg5[%min3A_137, %dma_start3A_138, %dma_start3A_139] : memref<504x117x300xf32, #tpu.memory_space<hbm>> -> memref<1x117x300xf32, #tpu.memory_space<hbm>>
      %dma_start3A_141 = tpu.memref_squeeze %dma_start3A_140 : memref<1x117x300xf32, #tpu.memory_space<hbm>> -> memref<117x300xf32, #tpu.memory_space<hbm>>
      %dma_start3A_142 = arith.constant 0 : i32
      %dma_start3A_143 = arith.constant 0 : i32
      %dma_start3A_144 = tpu.memref_slice %arg5[%min3A_137, %dma_start3A_142, %dma_start3A_143] : memref<504x117x300xf32, #tpu.memory_space<hbm>> -> memref<1x117x300xf32, #tpu.memory_space<hbm>>
      %dma_start3A_145 = tpu.memref_squeeze %dma_start3A_144 : memref<1x117x300xf32, #tpu.memory_space<hbm>> -> memref<117x300xf32, #tpu.memory_space<hbm>>
      tpu.enqueue_dma source(%arg8 : memref<117x300xf32, #tpu.memory_space<vmem>>) target(%dma_start3A_145 : memref<117x300xf32, #tpu.memory_space<hbm>>) target_semaphore(%arg9 : memref<!tpu.dma_semaphore, #tpu.memory_space<semaphore_mem>>)
      %dma_wait3A_146 = arith.constant 0 : i32
      %dma_wait3A_147 = arith.constant 0 : i32
      %dma_wait3A_148 = tpu.memref_slice %arg5[%select_n3A, %dma_wait3A_146, %dma_wait3A_147] : memref<504x117x300xf32, #tpu.memory_space<hbm>> -> memref<1x117x300xf32, #tpu.memory_space<hbm>>
      %dma_wait3A_149 = tpu.memref_squeeze %dma_wait3A_148 : memref<1x117x300xf32, #tpu.memory_space<hbm>> -> memref<117x300xf32, #tpu.memory_space<hbm>>
      %dma_wait3A_150 = arith.constant 0 : i32
      %dma_wait3A_151 = arith.constant 0 : i32
      %dma_wait3A_152 = tpu.memref_slice %arg5[%select_n3A, %dma_wait3A_150, %dma_wait3A_151] : memref<504x117x300xf32, #tpu.memory_space<hbm>> -> memref<1x117x300xf32, #tpu.memory_space<hbm>>
      %dma_wait3A_153 = tpu.memref_squeeze %dma_wait3A_152 : memref<1x117x300xf32, #tpu.memory_space<hbm>> -> memref<117x300xf32, #tpu.memory_space<hbm>>
      tpu.wait_dma2 semaphore(%arg9 : memref<!tpu.dma_semaphore, #tpu.memory_space<semaphore_mem>>) src(%arg8 : memref<117x300xf32, #tpu.memory_space<vmem>>) dst(%dma_wait3A_153 : memref<117x300xf32, #tpu.memory_space<hbm>>)
      %add3A_154 = arith.constant 6 : i32
      %add3A_155 = arith.addi %select_n3A, %add3A_154 : i32
      %sub3A_156 = arith.constant 1 : i32
      %sub3A_157 = arith.subi %select_n3A_62, %sub3A_156 : i32
      %min3A_158 = arith.minsi %add3A_155, %sub3A_157 : i32
      %dma_start3A_159 = arith.constant 0 : i32
      %dma_start3A_160 = arith.constant 0 : i32
      %dma_start3A_161 = tpu.memref_slice %arg5[%min3A_158, %dma_start3A_159, %dma_start3A_160] : memref<504x117x300xf32, #tpu.memory_space<hbm>> -> memref<1x117x300xf32, #tpu.memory_space<hbm>>
      %dma_start3A_162 = tpu.memref_squeeze %dma_start3A_161 : memref<1x117x300xf32, #tpu.memory_space<hbm>> -> memref<117x300xf32, #tpu.memory_space<hbm>>
      %dma_start3A_163 = arith.constant 0 : i32
      %dma_start3A_164 = arith.constant 0 : i32
      %dma_start3A_165 = tpu.memref_slice %arg5[%min3A_158, %dma_start3A_163, %dma_start3A_164] : memref<504x117x300xf32, #tpu.memory_space<hbm>> -> memref<1x117x300xf32, #tpu.memory_space<hbm>>
      %dma_start3A_166 = tpu.memref_squeeze %dma_start3A_165 : memref<1x117x300xf32, #tpu.memory_space<hbm>> -> memref<117x300xf32, #tpu.memory_space<hbm>>
      tpu.enqueue_dma source(%arg8 : memref<117x300xf32, #tpu.memory_space<vmem>>) target(%dma_start3A_166 : memref<117x300xf32, #tpu.memory_space<hbm>>) target_semaphore(%arg9 : memref<!tpu.dma_semaphore, #tpu.memory_space<semaphore_mem>>)
      %dma_wait3A_167 = arith.constant 0 : i32
      %dma_wait3A_168 = arith.constant 0 : i32
      %dma_wait3A_169 = tpu.memref_slice %arg5[%select_n3A, %dma_wait3A_167, %dma_wait3A_168] : memref<504x117x300xf32, #tpu.memory_space<hbm>> -> memref<1x117x300xf32, #tpu.memory_space<hbm>>
      %dma_wait3A_170 = tpu.memref_squeeze %dma_wait3A_169 : memref<1x117x300xf32, #tpu.memory_space<hbm>> -> memref<117x300xf32, #tpu.memory_space<hbm>>
      %dma_wait3A_171 = arith.constant 0 : i32
      %dma_wait3A_172 = arith.constant 0 : i32
      %dma_wait3A_173 = tpu.memref_slice %arg5[%select_n3A, %dma_wait3A_171, %dma_wait3A_172] : memref<504x117x300xf32, #tpu.memory_space<hbm>> -> memref<1x117x300xf32, #tpu.memory_space<hbm>>
      %dma_wait3A_174 = tpu.memref_squeeze %dma_wait3A_173 : memref<1x117x300xf32, #tpu.memory_space<hbm>> -> memref<117x300xf32, #tpu.memory_space<hbm>>
      tpu.wait_dma2 semaphore(%arg9 : memref<!tpu.dma_semaphore, #tpu.memory_space<semaphore_mem>>) src(%arg8 : memref<117x300xf32, #tpu.memory_space<vmem>>) dst(%dma_wait3A_174 : memref<117x300xf32, #tpu.memory_space<hbm>>)
      %add3A_175 = arith.constant 7 : i32
      %add3A_176 = arith.addi %select_n3A, %add3A_175 : i32
      %sub3A_177 = arith.constant 1 : i32
      %sub3A_178 = arith.subi %select_n3A_62, %sub3A_177 : i32
      %min3A_179 = arith.minsi %add3A_176, %sub3A_178 : i32
      %dma_start3A_180 = arith.constant 0 : i32
      %dma_start3A_181 = arith.constant 0 : i32
      %dma_start3A_182 = tpu.memref_slice %arg5[%min3A_179, %dma_start3A_180, %dma_start3A_181] : memref<504x117x300xf32, #tpu.memory_space<hbm>> -> memref<1x117x300xf32, #tpu.memory_space<hbm>>
      %dma_start3A_183 = tpu.memref_squeeze %dma_start3A_182 : memref<1x117x300xf32, #tpu.memory_space<hbm>> -> memref<117x300xf32, #tpu.memory_space<hbm>>
      %dma_start3A_184 = arith.constant 0 : i32
      %dma_start3A_185 = arith.constant 0 : i32
      %dma_start3A_186 = tpu.memref_slice %arg5[%min3A_179, %dma_start3A_184, %dma_start3A_185] : memref<504x117x300xf32, #tpu.memory_space<hbm>> -> memref<1x117x300xf32, #tpu.memory_space<hbm>>
      %dma_start3A_187 = tpu.memref_squeeze %dma_start3A_186 : memref<1x117x300xf32, #tpu.memory_space<hbm>> -> memref<117x300xf32, #tpu.memory_space<hbm>>
      tpu.enqueue_dma source(%arg8 : memref<117x300xf32, #tpu.memory_space<vmem>>) target(%dma_start3A_187 : memref<117x300xf32, #tpu.memory_space<hbm>>) target_semaphore(%arg9 : memref<!tpu.dma_semaphore, #tpu.memory_space<semaphore_mem>>)
      %dma_wait3A_188 = arith.constant 0 : i32
      %dma_wait3A_189 = arith.constant 0 : i32
      %dma_wait3A_190 = tpu.memref_slice %arg5[%select_n3A, %dma_wait3A_188, %dma_wait3A_189] : memref<504x117x300xf32, #tpu.memory_space<hbm>> -> memref<1x117x300xf32, #tpu.memory_space<hbm>>
      %dma_wait3A_191 = tpu.memref_squeeze %dma_wait3A_190 : memref<1x117x300xf32, #tpu.memory_space<hbm>> -> memref<117x300xf32, #tpu.memory_space<hbm>>
      %dma_wait3A_192 = arith.constant 0 : i32
      %dma_wait3A_193 = arith.constant 0 : i32
      %dma_wait3A_194 = tpu.memref_slice %arg5[%select_n3A, %dma_wait3A_192, %dma_wait3A_193] : memref<504x117x300xf32, #tpu.memory_space<hbm>> -> memref<1x117x300xf32, #tpu.memory_space<hbm>>
      %dma_wait3A_195 = tpu.memref_squeeze %dma_wait3A_194 : memref<1x117x300xf32, #tpu.memory_space<hbm>> -> memref<117x300xf32, #tpu.memory_space<hbm>>
      tpu.wait_dma2 semaphore(%arg9 : memref<!tpu.dma_semaphore, #tpu.memory_space<semaphore_mem>>) src(%arg8 : memref<117x300xf32, #tpu.memory_space<vmem>>) dst(%dma_wait3A_195 : memref<117x300xf32, #tpu.memory_space<hbm>>)
      %add3A_196 = arith.constant 8 : i32
      %add3A_197 = arith.addi %select_n3A, %add3A_196 : i32
      %sub3A_198 = arith.constant 1 : i32
      %sub3A_199 = arith.subi %select_n3A_62, %sub3A_198 : i32
      %min3A_200 = arith.minsi %add3A_197, %sub3A_199 : i32
      %dma_start3A_201 = arith.constant 0 : i32
      %dma_start3A_202 = arith.constant 0 : i32
      %dma_start3A_203 = tpu.memref_slice %arg5[%min3A_200, %dma_start3A_201, %dma_start3A_202] : memref<504x117x300xf32, #tpu.memory_space<hbm>> -> memref<1x117x300xf32, #tpu.memory_space<hbm>>
      %dma_start3A_204 = tpu.memref_squeeze %dma_start3A_203 : memref<1x117x300xf32, #tpu.memory_space<hbm>> -> memref<117x300xf32, #tpu.memory_space<hbm>>
      %dma_start3A_205 = arith.constant 0 : i32
      %dma_start3A_206 = arith.constant 0 : i32
      %dma_start3A_207 = tpu.memref_slice %arg5[%min3A_200, %dma_start3A_205, %dma_start3A_206] : memref<504x117x300xf32, #tpu.memory_space<hbm>> -> memref<1x117x300xf32, #tpu.memory_space<hbm>>
      %dma_start3A_208 = tpu.memref_squeeze %dma_start3A_207 : memref<1x117x300xf32, #tpu.memory_space<hbm>> -> memref<117x300xf32, #tpu.memory_space<hbm>>
      tpu.enqueue_dma source(%arg8 : memref<117x300xf32, #tpu.memory_space<vmem>>) target(%dma_start3A_208 : memref<117x300xf32, #tpu.memory_space<hbm>>) target_semaphore(%arg9 : memref<!tpu.dma_semaphore, #tpu.memory_space<semaphore_mem>>)
      %dma_wait3A_209 = arith.constant 0 : i32
      %dma_wait3A_210 = arith.constant 0 : i32
      %dma_wait3A_211 = tpu.memref_slice %arg5[%select_n3A, %dma_wait3A_209, %dma_wait3A_210] : memref<504x117x300xf32, #tpu.memory_space<hbm>> -> memref<1x117x300xf32, #tpu.memory_space<hbm>>
      %dma_wait3A_212 = tpu.memref_squeeze %dma_wait3A_211 : memref<1x117x300xf32, #tpu.memory_space<hbm>> -> memref<117x300xf32, #tpu.memory_space<hbm>>
      %dma_wait3A_213 = arith.constant 0 : i32
      %dma_wait3A_214 = arith.constant 0 : i32
      %dma_wait3A_215 = tpu.memref_slice %arg5[%select_n3A, %dma_wait3A_213, %dma_wait3A_214] : memref<504x117x300xf32, #tpu.memory_space<hbm>> -> memref<1x117x300xf32, #tpu.memory_space<hbm>>
      %dma_wait3A_216 = tpu.memref_squeeze %dma_wait3A_215 : memref<1x117x300xf32, #tpu.memory_space<hbm>> -> memref<117x300xf32, #tpu.memory_space<hbm>>
      tpu.wait_dma2 semaphore(%arg9 : memref<!tpu.dma_semaphore, #tpu.memory_space<semaphore_mem>>) src(%arg8 : memref<117x300xf32, #tpu.memory_space<vmem>>) dst(%dma_wait3A_216 : memref<117x300xf32, #tpu.memory_space<hbm>>)
      %add3A_217 = arith.constant 9 : i32
      %add3A_218 = arith.addi %select_n3A, %add3A_217 : i32
      %sub3A_219 = arith.constant 1 : i32
      %sub3A_220 = arith.subi %select_n3A_62, %sub3A_219 : i32
      %min3A_221 = arith.minsi %add3A_218, %sub3A_220 : i32
      %dma_start3A_222 = arith.constant 0 : i32
      %dma_start3A_223 = arith.constant 0 : i32
      %dma_start3A_224 = tpu.memref_slice %arg5[%min3A_221, %dma_start3A_222, %dma_start3A_223] : memref<504x117x300xf32, #tpu.memory_space<hbm>> -> memref<1x117x300xf32, #tpu.memory_space<hbm>>
      %dma_start3A_225 = tpu.memref_squeeze %dma_start3A_224 : memref<1x117x300xf32, #tpu.memory_space<hbm>> -> memref<117x300xf32, #tpu.memory_space<hbm>>
      %dma_start3A_226 = arith.constant 0 : i32
      %dma_start3A_227 = arith.constant 0 : i32
      %dma_start3A_228 = tpu.memref_slice %arg5[%min3A_221, %dma_start3A_226, %dma_start3A_227] : memref<504x117x300xf32, #tpu.memory_space<hbm>> -> memref<1x117x300xf32, #tpu.memory_space<hbm>>
      %dma_start3A_229 = tpu.memref_squeeze %dma_start3A_228 : memref<1x117x300xf32, #tpu.memory_space<hbm>> -> memref<117x300xf32, #tpu.memory_space<hbm>>
      tpu.enqueue_dma source(%arg8 : memref<117x300xf32, #tpu.memory_space<vmem>>) target(%dma_start3A_229 : memref<117x300xf32, #tpu.memory_space<hbm>>) target_semaphore(%arg9 : memref<!tpu.dma_semaphore, #tpu.memory_space<semaphore_mem>>)
      %dma_wait3A_230 = arith.constant 0 : i32
      %dma_wait3A_231 = arith.constant 0 : i32
      %dma_wait3A_232 = tpu.memref_slice %arg5[%select_n3A, %dma_wait3A_230, %dma_wait3A_231] : memref<504x117x300xf32, #tpu.memory_space<hbm>> -> memref<1x117x300xf32, #tpu.memory_space<hbm>>
      %dma_wait3A_233 = tpu.memref_squeeze %dma_wait3A_232 : memref<1x117x300xf32, #tpu.memory_space<hbm>> -> memref<117x300xf32, #tpu.memory_space<hbm>>
      %dma_wait3A_234 = arith.constant 0 : i32
      %dma_wait3A_235 = arith.constant 0 : i32
      %dma_wait3A_236 = tpu.memref_slice %arg5[%select_n3A, %dma_wait3A_234, %dma_wait3A_235] : memref<504x117x300xf32, #tpu.memory_space<hbm>> -> memref<1x117x300xf32, #tpu.memory_space<hbm>>
      %dma_wait3A_237 = tpu.memref_squeeze %dma_wait3A_236 : memref<1x117x300xf32, #tpu.memory_space<hbm>> -> memref<117x300xf32, #tpu.memory_space<hbm>>
      tpu.wait_dma2 semaphore(%arg9 : memref<!tpu.dma_semaphore, #tpu.memory_space<semaphore_mem>>) src(%arg8 : memref<117x300xf32, #tpu.memory_space<vmem>>) dst(%dma_wait3A_237 : memref<117x300xf32, #tpu.memory_space<hbm>>)
      %add3A_238 = arith.constant 10 : i32
      %add3A_239 = arith.addi %select_n3A, %add3A_238 : i32
      %sub3A_240 = arith.constant 1 : i32
      %sub3A_241 = arith.subi %select_n3A_62, %sub3A_240 : i32
      %min3A_242 = arith.minsi %add3A_239, %sub3A_241 : i32
      %dma_start3A_243 = arith.constant 0 : i32
      %dma_start3A_244 = arith.constant 0 : i32
      %dma_start3A_245 = tpu.memref_slice %arg5[%min3A_242, %dma_start3A_243, %dma_start3A_244] : memref<504x117x300xf32, #tpu.memory_space<hbm>> -> memref<1x117x300xf32, #tpu.memory_space<hbm>>
      %dma_start3A_246 = tpu.memref_squeeze %dma_start3A_245 : memref<1x117x300xf32, #tpu.memory_space<hbm>> -> memref<117x300xf32, #tpu.memory_space<hbm>>
      %dma_start3A_247 = arith.constant 0 : i32
      %dma_start3A_248 = arith.constant 0 : i32
      %dma_start3A_249 = tpu.memref_slice %arg5[%min3A_242, %dma_start3A_247, %dma_start3A_248] : memref<504x117x300xf32, #tpu.memory_space<hbm>> -> memref<1x117x300xf32, #tpu.memory_space<hbm>>
      %dma_start3A_250 = tpu.memref_squeeze %dma_start3A_249 : memref<1x117x300xf32, #tpu.memory_space<hbm>> -> memref<117x300xf32, #tpu.memory_space<hbm>>
      tpu.enqueue_dma source(%arg8 : memref<117x300xf32, #tpu.memory_space<vmem>>) target(%dma_start3A_250 : memref<117x300xf32, #tpu.memory_space<hbm>>) target_semaphore(%arg9 : memref<!tpu.dma_semaphore, #tpu.memory_space<semaphore_mem>>)
      %dma_wait3A_251 = arith.constant 0 : i32
      %dma_wait3A_252 = arith.constant 0 : i32
      %dma_wait3A_253 = tpu.memref_slice %arg5[%select_n3A, %dma_wait3A_251, %dma_wait3A_252] : memref<504x117x300xf32, #tpu.memory_space<hbm>> -> memref<1x117x300xf32, #tpu.memory_space<hbm>>
      %dma_wait3A_254 = tpu.memref_squeeze %dma_wait3A_253 : memref<1x117x300xf32, #tpu.memory_space<hbm>> -> memref<117x300xf32, #tpu.memory_space<hbm>>
      %dma_wait3A_255 = arith.constant 0 : i32
      %dma_wait3A_256 = arith.constant 0 : i32
      %dma_wait3A_257 = tpu.memref_slice %arg5[%select_n3A, %dma_wait3A_255, %dma_wait3A_256] : memref<504x117x300xf32, #tpu.memory_space<hbm>> -> memref<1x117x300xf32, #tpu.memory_space<hbm>>
      %dma_wait3A_258 = tpu.memref_squeeze %dma_wait3A_257 : memref<1x117x300xf32, #tpu.memory_space<hbm>> -> memref<117x300xf32, #tpu.memory_space<hbm>>
      tpu.wait_dma2 semaphore(%arg9 : memref<!tpu.dma_semaphore, #tpu.memory_space<semaphore_mem>>) src(%arg8 : memref<117x300xf32, #tpu.memory_space<vmem>>) dst(%dma_wait3A_258 : memref<117x300xf32, #tpu.memory_space<hbm>>)
      %add3A_259 = arith.constant 11 : i32
      %add3A_260 = arith.addi %select_n3A, %add3A_259 : i32
      %sub3A_261 = arith.constant 1 : i32
      %sub3A_262 = arith.subi %select_n3A_62, %sub3A_261 : i32
      %min3A_263 = arith.minsi %add3A_260, %sub3A_262 : i32
      %dma_start3A_264 = arith.constant 0 : i32
      %dma_start3A_265 = arith.constant 0 : i32
      %dma_start3A_266 = tpu.memref_slice %arg5[%min3A_263, %dma_start3A_264, %dma_start3A_265] : memref<504x117x300xf32, #tpu.memory_space<hbm>> -> memref<1x117x300xf32, #tpu.memory_space<hbm>>
      %dma_start3A_267 = tpu.memref_squeeze %dma_start3A_266 : memref<1x117x300xf32, #tpu.memory_space<hbm>> -> memref<117x300xf32, #tpu.memory_space<hbm>>
      %dma_start3A_268 = arith.constant 0 : i32
      %dma_start3A_269 = arith.constant 0 : i32
      %dma_start3A_270 = tpu.memref_slice %arg5[%min3A_263, %dma_start3A_268, %dma_start3A_269] : memref<504x117x300xf32, #tpu.memory_space<hbm>> -> memref<1x117x300xf32, #tpu.memory_space<hbm>>
      %dma_start3A_271 = tpu.memref_squeeze %dma_start3A_270 : memref<1x117x300xf32, #tpu.memory_space<hbm>> -> memref<117x300xf32, #tpu.memory_space<hbm>>
      tpu.enqueue_dma source(%arg8 : memref<117x300xf32, #tpu.memory_space<vmem>>) target(%dma_start3A_271 : memref<117x300xf32, #tpu.memory_space<hbm>>) target_semaphore(%arg9 : memref<!tpu.dma_semaphore, #tpu.memory_space<semaphore_mem>>)
      %dma_wait3A_272 = arith.constant 0 : i32
      %dma_wait3A_273 = arith.constant 0 : i32
      %dma_wait3A_274 = tpu.memref_slice %arg5[%select_n3A, %dma_wait3A_272, %dma_wait3A_273] : memref<504x117x300xf32, #tpu.memory_space<hbm>> -> memref<1x117x300xf32, #tpu.memory_space<hbm>>
      %dma_wait3A_275 = tpu.memref_squeeze %dma_wait3A_274 : memref<1x117x300xf32, #tpu.memory_space<hbm>> -> memref<117x300xf32, #tpu.memory_space<hbm>>
      %dma_wait3A_276 = arith.constant 0 : i32
      %dma_wait3A_277 = arith.constant 0 : i32
      %dma_wait3A_278 = tpu.memref_slice %arg5[%select_n3A, %dma_wait3A_276, %dma_wait3A_277] : memref<504x117x300xf32, #tpu.memory_space<hbm>> -> memref<1x117x300xf32, #tpu.memory_space<hbm>>
      %dma_wait3A_279 = tpu.memref_squeeze %dma_wait3A_278 : memref<1x117x300xf32, #tpu.memory_space<hbm>> -> memref<117x300xf32, #tpu.memory_space<hbm>>
      tpu.wait_dma2 semaphore(%arg9 : memref<!tpu.dma_semaphore, #tpu.memory_space<semaphore_mem>>) src(%arg8 : memref<117x300xf32, #tpu.memory_space<vmem>>) dst(%dma_wait3A_279 : memref<117x300xf32, #tpu.memory_space<hbm>>)
      %add3A_280 = arith.constant 12 : i32
      %add3A_281 = arith.addi %select_n3A, %add3A_280 : i32
      %sub3A_282 = arith.constant 1 : i32
      %sub3A_283 = arith.subi %select_n3A_62, %sub3A_282 : i32
      %min3A_284 = arith.minsi %add3A_281, %sub3A_283 : i32
      %dma_start3A_285 = arith.constant 0 : i32
      %dma_start3A_286 = arith.constant 0 : i32
      %dma_start3A_287 = tpu.memref_slice %arg5[%min3A_284, %dma_start3A_285, %dma_start3A_286] : memref<504x117x300xf32, #tpu.memory_space<hbm>> -> memref<1x117x300xf32, #tpu.memory_space<hbm>>
      %dma_start3A_288 = tpu.memref_squeeze %dma_start3A_287 : memref<1x117x300xf32, #tpu.memory_space<hbm>> -> memref<117x300xf32, #tpu.memory_space<hbm>>
      %dma_start3A_289 = arith.constant 0 : i32
      %dma_start3A_290 = arith.constant 0 : i32
      %dma_start3A_291 = tpu.memref_slice %arg5[%min3A_284, %dma_start3A_289, %dma_start3A_290] : memref<504x117x300xf32, #tpu.memory_space<hbm>> -> memref<1x117x300xf32, #tpu.memory_space<hbm>>
      %dma_start3A_292 = tpu.memref_squeeze %dma_start3A_291 : memref<1x117x300xf32, #tpu.memory_space<hbm>> -> memref<117x300xf32, #tpu.memory_space<hbm>>
      tpu.enqueue_dma source(%arg8 : memref<117x300xf32, #tpu.memory_space<vmem>>) target(%dma_start3A_292 : memref<117x300xf32, #tpu.memory_space<hbm>>) target_semaphore(%arg9 : memref<!tpu.dma_semaphore, #tpu.memory_space<semaphore_mem>>)
      %dma_wait3A_293 = arith.constant 0 : i32
      %dma_wait3A_294 = arith.constant 0 : i32
      %dma_wait3A_295 = tpu.memref_slice %arg5[%select_n3A, %dma_wait3A_293, %dma_wait3A_294] : memref<504x117x300xf32, #tpu.memory_space<hbm>> -> memref<1x117x300xf32, #tpu.memory_space<hbm>>
      %dma_wait3A_296 = tpu.memref_squeeze %dma_wait3A_295 : memref<1x117x300xf32, #tpu.memory_space<hbm>> -> memref<117x300xf32, #tpu.memory_space<hbm>>
      %dma_wait3A_297 = arith.constant 0 : i32
      %dma_wait3A_298 = arith.constant 0 : i32
      %dma_wait3A_299 = tpu.memref_slice %arg5[%select_n3A, %dma_wait3A_297, %dma_wait3A_298] : memref<504x117x300xf32, #tpu.memory_space<hbm>> -> memref<1x117x300xf32, #tpu.memory_space<hbm>>
      %dma_wait3A_300 = tpu.memref_squeeze %dma_wait3A_299 : memref<1x117x300xf32, #tpu.memory_space<hbm>> -> memref<117x300xf32, #tpu.memory_space<hbm>>
      tpu.wait_dma2 semaphore(%arg9 : memref<!tpu.dma_semaphore, #tpu.memory_space<semaphore_mem>>) src(%arg8 : memref<117x300xf32, #tpu.memory_space<vmem>>) dst(%dma_wait3A_300 : memref<117x300xf32, #tpu.memory_space<hbm>>)
      %add3A_301 = arith.constant 13 : i32
      %add3A_302 = arith.addi %select_n3A, %add3A_301 : i32
      %sub3A_303 = arith.constant 1 : i32
      %sub3A_304 = arith.subi %select_n3A_62, %sub3A_303 : i32
      %min3A_305 = arith.minsi %add3A_302, %sub3A_304 : i32
      %dma_start3A_306 = arith.constant 0 : i32
      %dma_start3A_307 = arith.constant 0 : i32
      %dma_start3A_308 = tpu.memref_slice %arg5[%min3A_305, %dma_start3A_306, %dma_start3A_307] : memref<504x117x300xf32, #tpu.memory_space<hbm>> -> memref<1x117x300xf32, #tpu.memory_space<hbm>>
      %dma_start3A_309 = tpu.memref_squeeze %dma_start3A_308 : memref<1x117x300xf32, #tpu.memory_space<hbm>> -> memref<117x300xf32, #tpu.memory_space<hbm>>
      %dma_start3A_310 = arith.constant 0 : i32
      %dma_start3A_311 = arith.constant 0 : i32
      %dma_start3A_312 = tpu.memref_slice %arg5[%min3A_305, %dma_start3A_310, %dma_start3A_311] : memref<504x117x300xf32, #tpu.memory_space<hbm>> -> memref<1x117x300xf32, #tpu.memory_space<hbm>>
      %dma_start3A_313 = tpu.memref_squeeze %dma_start3A_312 : memref<1x117x300xf32, #tpu.memory_space<hbm>> -> memref<117x300xf32, #tpu.memory_space<hbm>>
      tpu.enqueue_dma source(%arg8 : memref<117x300xf32, #tpu.memory_space<vmem>>) target(%dma_start3A_313 : memref<117x300xf32, #tpu.memory_space<hbm>>) target_semaphore(%arg9 : memref<!tpu.dma_semaphore, #tpu.memory_space<semaphore_mem>>)
      %dma_wait3A_314 = arith.constant 0 : i32
      %dma_wait3A_315 = arith.constant 0 : i32
      %dma_wait3A_316 = tpu.memref_slice %arg5[%select_n3A, %dma_wait3A_314, %dma_wait3A_315] : memref<504x117x300xf32, #tpu.memory_space<hbm>> -> memref<1x117x300xf32, #tpu.memory_space<hbm>>
      %dma_wait3A_317 = tpu.memref_squeeze %dma_wait3A_316 : memref<1x117x300xf32, #tpu.memory_space<hbm>> -> memref<117x300xf32, #tpu.memory_space<hbm>>
      %dma_wait3A_318 = arith.constant 0 : i32
      %dma_wait3A_319 = arith.constant 0 : i32
      %dma_wait3A_320 = tpu.memref_slice %arg5[%select_n3A, %dma_wait3A_318, %dma_wait3A_319] : memref<504x117x300xf32, #tpu.memory_space<hbm>> -> memref<1x117x300xf32, #tpu.memory_space<hbm>>
      %dma_wait3A_321 = tpu.memref_squeeze %dma_wait3A_320 : memref<1x117x300xf32, #tpu.memory_space<hbm>> -> memref<117x300xf32, #tpu.memory_space<hbm>>
      tpu.wait_dma2 semaphore(%arg9 : memref<!tpu.dma_semaphore, #tpu.memory_space<semaphore_mem>>) src(%arg8 : memref<117x300xf32, #tpu.memory_space<vmem>>) dst(%dma_wait3A_321 : memref<117x300xf32, #tpu.memory_space<hbm>>)
      %add3A_322 = arith.constant 14 : i32
      %add3A_323 = arith.addi %select_n3A, %add3A_322 : i32
      %sub3A_324 = arith.constant 1 : i32
      %sub3A_325 = arith.subi %select_n3A_62, %sub3A_324 : i32
      %min3A_326 = arith.minsi %add3A_323, %sub3A_325 : i32
      %dma_start3A_327 = arith.constant 0 : i32
      %dma_start3A_328 = arith.constant 0 : i32
      %dma_start3A_329 = tpu.memref_slice %arg5[%min3A_326, %dma_start3A_327, %dma_start3A_328] : memref<504x117x300xf32, #tpu.memory_space<hbm>> -> memref<1x117x300xf32, #tpu.memory_space<hbm>>
      %dma_start3A_330 = tpu.memref_squeeze %dma_start3A_329 : memref<1x117x300xf32, #tpu.memory_space<hbm>> -> memref<117x300xf32, #tpu.memory_space<hbm>>
      %dma_start3A_331 = arith.constant 0 : i32
      %dma_start3A_332 = arith.constant 0 : i32
      %dma_start3A_333 = tpu.memref_slice %arg5[%min3A_326, %dma_start3A_331, %dma_start3A_332] : memref<504x117x300xf32, #tpu.memory_space<hbm>> -> memref<1x117x300xf32, #tpu.memory_space<hbm>>
      %dma_start3A_334 = tpu.memref_squeeze %dma_start3A_333 : memref<1x117x300xf32, #tpu.memory_space<hbm>> -> memref<117x300xf32, #tpu.memory_space<hbm>>
      tpu.enqueue_dma source(%arg8 : memref<117x300xf32, #tpu.memory_space<vmem>>) target(%dma_start3A_334 : memref<117x300xf32, #tpu.memory_space<hbm>>) target_semaphore(%arg9 : memref<!tpu.dma_semaphore, #tpu.memory_space<semaphore_mem>>)
      %dma_wait3A_335 = arith.constant 0 : i32
      %dma_wait3A_336 = arith.constant 0 : i32
      %dma_wait3A_337 = tpu.memref_slice %arg5[%select_n3A, %dma_wait3A_335, %dma_wait3A_336] : memref<504x117x300xf32, #tpu.memory_space<hbm>> -> memref<1x117x300xf32, #tpu.memory_space<hbm>>
      %dma_wait3A_338 = tpu.memref_squeeze %dma_wait3A_337 : memref<1x117x300xf32, #tpu.memory_space<hbm>> -> memref<117x300xf32, #tpu.memory_space<hbm>>
      %dma_wait3A_339 = arith.constant 0 : i32
      %dma_wait3A_340 = arith.constant 0 : i32
      %dma_wait3A_341 = tpu.memref_slice %arg5[%select_n3A, %dma_wait3A_339, %dma_wait3A_340] : memref<504x117x300xf32, #tpu.memory_space<hbm>> -> memref<1x117x300xf32, #tpu.memory_space<hbm>>
      %dma_wait3A_342 = tpu.memref_squeeze %dma_wait3A_341 : memref<1x117x300xf32, #tpu.memory_space<hbm>> -> memref<117x300xf32, #tpu.memory_space<hbm>>
      tpu.wait_dma2 semaphore(%arg9 : memref<!tpu.dma_semaphore, #tpu.memory_space<semaphore_mem>>) src(%arg8 : memref<117x300xf32, #tpu.memory_space<vmem>>) dst(%dma_wait3A_342 : memref<117x300xf32, #tpu.memory_space<hbm>>)
      %add3A_343 = arith.constant 15 : i32
      %add3A_344 = arith.addi %select_n3A, %add3A_343 : i32
      %sub3A_345 = arith.constant 1 : i32
      %sub3A_346 = arith.subi %select_n3A_62, %sub3A_345 : i32
      %min3A_347 = arith.minsi %add3A_344, %sub3A_346 : i32
      %dma_start3A_348 = arith.constant 0 : i32
      %dma_start3A_349 = arith.constant 0 : i32
      %dma_start3A_350 = tpu.memref_slice %arg5[%min3A_347, %dma_start3A_348, %dma_start3A_349] : memref<504x117x300xf32, #tpu.memory_space<hbm>> -> memref<1x117x300xf32, #tpu.memory_space<hbm>>
      %dma_start3A_351 = tpu.memref_squeeze %dma_start3A_350 : memref<1x117x300xf32, #tpu.memory_space<hbm>> -> memref<117x300xf32, #tpu.memory_space<hbm>>
      %dma_start3A_352 = arith.constant 0 : i32
      %dma_start3A_353 = arith.constant 0 : i32
      %dma_start3A_354 = tpu.memref_slice %arg5[%min3A_347, %dma_start3A_352, %dma_start3A_353] : memref<504x117x300xf32, #tpu.memory_space<hbm>> -> memref<1x117x300xf32, #tpu.memory_space<hbm>>
      %dma_start3A_355 = tpu.memref_squeeze %dma_start3A_354 : memref<1x117x300xf32, #tpu.memory_space<hbm>> -> memref<117x300xf32, #tpu.memory_space<hbm>>
      tpu.enqueue_dma source(%arg8 : memref<117x300xf32, #tpu.memory_space<vmem>>) target(%dma_start3A_355 : memref<117x300xf32, #tpu.memory_space<hbm>>) target_semaphore(%arg9 : memref<!tpu.dma_semaphore, #tpu.memory_space<semaphore_mem>>)
      %dma_wait3A_356 = arith.constant 0 : i32
      %dma_wait3A_357 = arith.constant 0 : i32
      %dma_wait3A_358 = tpu.memref_slice %arg5[%select_n3A, %dma_wait3A_356, %dma_wait3A_357] : memref<504x117x300xf32, #tpu.memory_space<hbm>> -> memref<1x117x300xf32, #tpu.memory_space<hbm>>
      %dma_wait3A_359 = tpu.memref_squeeze %dma_wait3A_358 : memref<1x117x300xf32, #tpu.memory_space<hbm>> -> memref<117x300xf32, #tpu.memory_space<hbm>>
      %dma_wait3A_360 = arith.constant 0 : i32
      %dma_wait3A_361 = arith.constant 0 : i32
      %dma_wait3A_362 = tpu.memref_slice %arg5[%select_n3A, %dma_wait3A_360, %dma_wait3A_361] : memref<504x117x300xf32, #tpu.memory_space<hbm>> -> memref<1x117x300xf32, #tpu.memory_space<hbm>>
      %dma_wait3A_363 = tpu.memref_squeeze %dma_wait3A_362 : memref<1x117x300xf32, #tpu.memory_space<hbm>> -> memref<117x300xf32, #tpu.memory_space<hbm>>
      tpu.wait_dma2 semaphore(%arg9 : memref<!tpu.dma_semaphore, #tpu.memory_space<semaphore_mem>>) src(%arg8 : memref<117x300xf32, #tpu.memory_space<vmem>>) dst(%dma_wait3A_363 : memref<117x300xf32, #tpu.memory_space<hbm>>)
      %add3A_364 = arith.constant 16 : i32
      %add3A_365 = arith.addi %select_n3A, %add3A_364 : i32
      %sub3A_366 = arith.constant 1 : i32
      %sub3A_367 = arith.subi %select_n3A_62, %sub3A_366 : i32
      %min3A_368 = arith.minsi %add3A_365, %sub3A_367 : i32
      %dma_start3A_369 = arith.constant 0 : i32
      %dma_start3A_370 = arith.constant 0 : i32
      %dma_start3A_371 = tpu.memref_slice %arg5[%min3A_368, %dma_start3A_369, %dma_start3A_370] : memref<504x117x300xf32, #tpu.memory_space<hbm>> -> memref<1x117x300xf32, #tpu.memory_space<hbm>>
      %dma_start3A_372 = tpu.memref_squeeze %dma_start3A_371 : memref<1x117x300xf32, #tpu.memory_space<hbm>> -> memref<117x300xf32, #tpu.memory_space<hbm>>
      %dma_start3A_373 = arith.constant 0 : i32
      %dma_start3A_374 = arith.constant 0 : i32
      %dma_start3A_375 = tpu.memref_slice %arg5[%min3A_368, %dma_start3A_373, %dma_start3A_374] : memref<504x117x300xf32, #tpu.memory_space<hbm>> -> memref<1x117x300xf32, #tpu.memory_space<hbm>>
      %dma_start3A_376 = tpu.memref_squeeze %dma_start3A_375 : memref<1x117x300xf32, #tpu.memory_space<hbm>> -> memref<117x300xf32, #tpu.memory_space<hbm>>
      tpu.enqueue_dma source(%arg8 : memref<117x300xf32, #tpu.memory_space<vmem>>) target(%dma_start3A_376 : memref<117x300xf32, #tpu.memory_space<hbm>>) target_semaphore(%arg9 : memref<!tpu.dma_semaphore, #tpu.memory_space<semaphore_mem>>)
      %dma_wait3A_377 = arith.constant 0 : i32
      %dma_wait3A_378 = arith.constant 0 : i32
      %dma_wait3A_379 = tpu.memref_slice %arg5[%select_n3A, %dma_wait3A_377, %dma_wait3A_378] : memref<504x117x300xf32, #tpu.memory_space<hbm>> -> memref<1x117x300xf32, #tpu.memory_space<hbm>>
      %dma_wait3A_380 = tpu.memref_squeeze %dma_wait3A_379 : memref<1x117x300xf32, #tpu.memory_space<hbm>> -> memref<117x300xf32, #tpu.memory_space<hbm>>
      %dma_wait3A_381 = arith.constant 0 : i32
      %dma_wait3A_382 = arith.constant 0 : i32
      %dma_wait3A_383 = tpu.memref_slice %arg5[%select_n3A, %dma_wait3A_381, %dma_wait3A_382] : memref<504x117x300xf32, #tpu.memory_space<hbm>> -> memref<1x117x300xf32, #tpu.memory_space<hbm>>
      %dma_wait3A_384 = tpu.memref_squeeze %dma_wait3A_383 : memref<1x117x300xf32, #tpu.memory_space<hbm>> -> memref<117x300xf32, #tpu.memory_space<hbm>>
      tpu.wait_dma2 semaphore(%arg9 : memref<!tpu.dma_semaphore, #tpu.memory_space<semaphore_mem>>) src(%arg8 : memref<117x300xf32, #tpu.memory_space<vmem>>) dst(%dma_wait3A_384 : memref<117x300xf32, #tpu.memory_space<hbm>>)
      %add3A_385 = arith.constant 17 : i32
      %add3A_386 = arith.addi %select_n3A, %add3A_385 : i32
      %sub3A_387 = arith.constant 1 : i32
      %sub3A_388 = arith.subi %select_n3A_62, %sub3A_387 : i32
      %min3A_389 = arith.minsi %add3A_386, %sub3A_388 : i32
      %dma_start3A_390 = arith.constant 0 : i32
      %dma_start3A_391 = arith.constant 0 : i32
      %dma_start3A_392 = tpu.memref_slice %arg5[%min3A_389, %dma_start3A_390, %dma_start3A_391] : memref<504x117x300xf32, #tpu.memory_space<hbm>> -> memref<1x117x300xf32, #tpu.memory_space<hbm>>
      %dma_start3A_393 = tpu.memref_squeeze %dma_start3A_392 : memref<1x117x300xf32, #tpu.memory_space<hbm>> -> memref<117x300xf32, #tpu.memory_space<hbm>>
      %dma_start3A_394 = arith.constant 0 : i32
      %dma_start3A_395 = arith.constant 0 : i32
      %dma_start3A_396 = tpu.memref_slice %arg5[%min3A_389, %dma_start3A_394, %dma_start3A_395] : memref<504x117x300xf32, #tpu.memory_space<hbm>> -> memref<1x117x300xf32, #tpu.memory_space<hbm>>
      %dma_start3A_397 = tpu.memref_squeeze %dma_start3A_396 : memref<1x117x300xf32, #tpu.memory_space<hbm>> -> memref<117x300xf32, #tpu.memory_space<hbm>>
      tpu.enqueue_dma source(%arg8 : memref<117x300xf32, #tpu.memory_space<vmem>>) target(%dma_start3A_397 : memref<117x300xf32, #tpu.memory_space<hbm>>) target_semaphore(%arg9 : memref<!tpu.dma_semaphore, #tpu.memory_space<semaphore_mem>>)
      %dma_wait3A_398 = arith.constant 0 : i32
      %dma_wait3A_399 = arith.constant 0 : i32
      %dma_wait3A_400 = tpu.memref_slice %arg5[%select_n3A, %dma_wait3A_398, %dma_wait3A_399] : memref<504x117x300xf32, #tpu.memory_space<hbm>> -> memref<1x117x300xf32, #tpu.memory_space<hbm>>
      %dma_wait3A_401 = tpu.memref_squeeze %dma_wait3A_400 : memref<1x117x300xf32, #tpu.memory_space<hbm>> -> memref<117x300xf32, #tpu.memory_space<hbm>>
      %dma_wait3A_402 = arith.constant 0 : i32
      %dma_wait3A_403 = arith.constant 0 : i32
      %dma_wait3A_404 = tpu.memref_slice %arg5[%select_n3A, %dma_wait3A_402, %dma_wait3A_403] : memref<504x117x300xf32, #tpu.memory_space<hbm>> -> memref<1x117x300xf32, #tpu.memory_space<hbm>>
      %dma_wait3A_405 = tpu.memref_squeeze %dma_wait3A_404 : memref<1x117x300xf32, #tpu.memory_space<hbm>> -> memref<117x300xf32, #tpu.memory_space<hbm>>
      tpu.wait_dma2 semaphore(%arg9 : memref<!tpu.dma_semaphore, #tpu.memory_space<semaphore_mem>>) src(%arg8 : memref<117x300xf32, #tpu.memory_space<vmem>>) dst(%dma_wait3A_405 : memref<117x300xf32, #tpu.memory_space<hbm>>)
      %add3A_406 = arith.constant 18 : i32
      %add3A_407 = arith.addi %select_n3A, %add3A_406 : i32
      %sub3A_408 = arith.constant 1 : i32
      %sub3A_409 = arith.subi %select_n3A_62, %sub3A_408 : i32
      %min3A_410 = arith.minsi %add3A_407, %sub3A_409 : i32
      %dma_start3A_411 = arith.constant 0 : i32
      %dma_start3A_412 = arith.constant 0 : i32
      %dma_start3A_413 = tpu.memref_slice %arg5[%min3A_410, %dma_start3A_411, %dma_start3A_412] : memref<504x117x300xf32, #tpu.memory_space<hbm>> -> memref<1x117x300xf32, #tpu.memory_space<hbm>>
      %dma_start3A_414 = tpu.memref_squeeze %dma_start3A_413 : memref<1x117x300xf32, #tpu.memory_space<hbm>> -> memref<117x300xf32, #tpu.memory_space<hbm>>
      %dma_start3A_415 = arith.constant 0 : i32
      %dma_start3A_416 = arith.constant 0 : i32
      %dma_start3A_417 = tpu.memref_slice %arg5[%min3A_410, %dma_start3A_415, %dma_start3A_416] : memref<504x117x300xf32, #tpu.memory_space<hbm>> -> memref<1x117x300xf32, #tpu.memory_space<hbm>>
      %dma_start3A_418 = tpu.memref_squeeze %dma_start3A_417 : memref<1x117x300xf32, #tpu.memory_space<hbm>> -> memref<117x300xf32, #tpu.memory_space<hbm>>
      tpu.enqueue_dma source(%arg8 : memref<117x300xf32, #tpu.memory_space<vmem>>) target(%dma_start3A_418 : memref<117x300xf32, #tpu.memory_space<hbm>>) target_semaphore(%arg9 : memref<!tpu.dma_semaphore, #tpu.memory_space<semaphore_mem>>)
      %dma_wait3A_419 = arith.constant 0 : i32
      %dma_wait3A_420 = arith.constant 0 : i32
      %dma_wait3A_421 = tpu.memref_slice %arg5[%select_n3A, %dma_wait3A_419, %dma_wait3A_420] : memref<504x117x300xf32, #tpu.memory_space<hbm>> -> memref<1x117x300xf32, #tpu.memory_space<hbm>>
      %dma_wait3A_422 = tpu.memref_squeeze %dma_wait3A_421 : memref<1x117x300xf32, #tpu.memory_space<hbm>> -> memref<117x300xf32, #tpu.memory_space<hbm>>
      %dma_wait3A_423 = arith.constant 0 : i32
      %dma_wait3A_424 = arith.constant 0 : i32
      %dma_wait3A_425 = tpu.memref_slice %arg5[%select_n3A, %dma_wait3A_423, %dma_wait3A_424] : memref<504x117x300xf32, #tpu.memory_space<hbm>> -> memref<1x117x300xf32, #tpu.memory_space<hbm>>
      %dma_wait3A_426 = tpu.memref_squeeze %dma_wait3A_425 : memref<1x117x300xf32, #tpu.memory_space<hbm>> -> memref<117x300xf32, #tpu.memory_space<hbm>>
      tpu.wait_dma2 semaphore(%arg9 : memref<!tpu.dma_semaphore, #tpu.memory_space<semaphore_mem>>) src(%arg8 : memref<117x300xf32, #tpu.memory_space<vmem>>) dst(%dma_wait3A_426 : memref<117x300xf32, #tpu.memory_space<hbm>>)
      %add3A_427 = arith.constant 19 : i32
      %add3A_428 = arith.addi %select_n3A, %add3A_427 : i32
      %sub3A_429 = arith.constant 1 : i32
      %sub3A_430 = arith.subi %select_n3A_62, %sub3A_429 : i32
      %min3A_431 = arith.minsi %add3A_428, %sub3A_430 : i32
      %dma_start3A_432 = arith.constant 0 : i32
      %dma_start3A_433 = arith.constant 0 : i32
      %dma_start3A_434 = tpu.memref_slice %arg5[%min3A_431, %dma_start3A_432, %dma_start3A_433] : memref<504x117x300xf32, #tpu.memory_space<hbm>> -> memref<1x117x300xf32, #tpu.memory_space<hbm>>
      %dma_start3A_435 = tpu.memref_squeeze %dma_start3A_434 : memref<1x117x300xf32, #tpu.memory_space<hbm>> -> memref<117x300xf32, #tpu.memory_space<hbm>>
      %dma_start3A_436 = arith.constant 0 : i32
      %dma_start3A_437 = arith.constant 0 : i32
      %dma_start3A_438 = tpu.memref_slice %arg5[%min3A_431, %dma_start3A_436, %dma_start3A_437] : memref<504x117x300xf32, #tpu.memory_space<hbm>> -> memref<1x117x300xf32, #tpu.memory_space<hbm>>
      %dma_start3A_439 = tpu.memref_squeeze %dma_start3A_438 : memref<1x117x300xf32, #tpu.memory_space<hbm>> -> memref<117x300xf32, #tpu.memory_space<hbm>>
      tpu.enqueue_dma source(%arg8 : memref<117x300xf32, #tpu.memory_space<vmem>>) target(%dma_start3A_439 : memref<117x300xf32, #tpu.memory_space<hbm>>) target_semaphore(%arg9 : memref<!tpu.dma_semaphore, #tpu.memory_space<semaphore_mem>>)
      %dma_wait3A_440 = arith.constant 0 : i32
      %dma_wait3A_441 = arith.constant 0 : i32
      %dma_wait3A_442 = tpu.memref_slice %arg5[%select_n3A, %dma_wait3A_440, %dma_wait3A_441] : memref<504x117x300xf32, #tpu.memory_space<hbm>> -> memref<1x117x300xf32, #tpu.memory_space<hbm>>
      %dma_wait3A_443 = tpu.memref_squeeze %dma_wait3A_442 : memref<1x117x300xf32, #tpu.memory_space<hbm>> -> memref<117x300xf32, #tpu.memory_space<hbm>>
      %dma_wait3A_444 = arith.constant 0 : i32
      %dma_wait3A_445 = arith.constant 0 : i32
      %dma_wait3A_446 = tpu.memref_slice %arg5[%select_n3A, %dma_wait3A_444, %dma_wait3A_445] : memref<504x117x300xf32, #tpu.memory_space<hbm>> -> memref<1x117x300xf32, #tpu.memory_space<hbm>>
      %dma_wait3A_447 = tpu.memref_squeeze %dma_wait3A_446 : memref<1x117x300xf32, #tpu.memory_space<hbm>> -> memref<117x300xf32, #tpu.memory_space<hbm>>
      tpu.wait_dma2 semaphore(%arg9 : memref<!tpu.dma_semaphore, #tpu.memory_space<semaphore_mem>>) src(%arg8 : memref<117x300xf32, #tpu.memory_space<vmem>>) dst(%dma_wait3A_447 : memref<117x300xf32, #tpu.memory_space<hbm>>)
      %add3A_448 = arith.constant 20 : i32
      %add3A_449 = arith.addi %select_n3A, %add3A_448 : i32
      %sub3A_450 = arith.constant 1 : i32
      %sub3A_451 = arith.subi %select_n3A_62, %sub3A_450 : i32
      %min3A_452 = arith.minsi %add3A_449, %sub3A_451 : i32
      %dma_start3A_453 = arith.constant 0 : i32
      %dma_start3A_454 = arith.constant 0 : i32
      %dma_start3A_455 = tpu.memref_slice %arg5[%min3A_452, %dma_start3A_453, %dma_start3A_454] : memref<504x117x300xf32, #tpu.memory_space<hbm>> -> memref<1x117x300xf32, #tpu.memory_space<hbm>>
      %dma_start3A_456 = tpu.memref_squeeze %dma_start3A_455 : memref<1x117x300xf32, #tpu.memory_space<hbm>> -> memref<117x300xf32, #tpu.memory_space<hbm>>
      %dma_start3A_457 = arith.constant 0 : i32
      %dma_start3A_458 = arith.constant 0 : i32
      %dma_start3A_459 = tpu.memref_slice %arg5[%min3A_452, %dma_start3A_457, %dma_start3A_458] : memref<504x117x300xf32, #tpu.memory_space<hbm>> -> memref<1x117x300xf32, #tpu.memory_space<hbm>>
      %dma_start3A_460 = tpu.memref_squeeze %dma_start3A_459 : memref<1x117x300xf32, #tpu.memory_space<hbm>> -> memref<117x300xf32, #tpu.memory_space<hbm>>
      tpu.enqueue_dma source(%arg8 : memref<117x300xf32, #tpu.memory_space<vmem>>) target(%dma_start3A_460 : memref<117x300xf32, #tpu.memory_space<hbm>>) target_semaphore(%arg9 : memref<!tpu.dma_semaphore, #tpu.memory_space<semaphore_mem>>)
      %dma_wait3A_461 = arith.constant 0 : i32
      %dma_wait3A_462 = arith.constant 0 : i32
      %dma_wait3A_463 = tpu.memref_slice %arg5[%select_n3A, %dma_wait3A_461, %dma_wait3A_462] : memref<504x117x300xf32, #tpu.memory_space<hbm>> -> memref<1x117x300xf32, #tpu.memory_space<hbm>>
      %dma_wait3A_464 = tpu.memref_squeeze %dma_wait3A_463 : memref<1x117x300xf32, #tpu.memory_space<hbm>> -> memref<117x300xf32, #tpu.memory_space<hbm>>
      %dma_wait3A_465 = arith.constant 0 : i32
      %dma_wait3A_466 = arith.constant 0 : i32
      %dma_wait3A_467 = tpu.memref_slice %arg5[%select_n3A, %dma_wait3A_465, %dma_wait3A_466] : memref<504x117x300xf32, #tpu.memory_space<hbm>> -> memref<1x117x300xf32, #tpu.memory_space<hbm>>
      %dma_wait3A_468 = tpu.memref_squeeze %dma_wait3A_467 : memref<1x117x300xf32, #tpu.memory_space<hbm>> -> memref<117x300xf32, #tpu.memory_space<hbm>>
      tpu.wait_dma2 semaphore(%arg9 : memref<!tpu.dma_semaphore, #tpu.memory_space<semaphore_mem>>) src(%arg8 : memref<117x300xf32, #tpu.memory_space<vmem>>) dst(%dma_wait3A_468 : memref<117x300xf32, #tpu.memory_space<hbm>>)
      %add3A_469 = arith.constant 21 : i32
      %add3A_470 = arith.addi %select_n3A, %add3A_469 : i32
      %sub3A_471 = arith.constant 1 : i32
      %sub3A_472 = arith.subi %select_n3A_62, %sub3A_471 : i32
      %min3A_473 = arith.minsi %add3A_470, %sub3A_472 : i32
      %dma_start3A_474 = arith.constant 0 : i32
      %dma_start3A_475 = arith.constant 0 : i32
      %dma_start3A_476 = tpu.memref_slice %arg5[%min3A_473, %dma_start3A_474, %dma_start3A_475] : memref<504x117x300xf32, #tpu.memory_space<hbm>> -> memref<1x117x300xf32, #tpu.memory_space<hbm>>
      %dma_start3A_477 = tpu.memref_squeeze %dma_start3A_476 : memref<1x117x300xf32, #tpu.memory_space<hbm>> -> memref<117x300xf32, #tpu.memory_space<hbm>>
      %dma_start3A_478 = arith.constant 0 : i32
      %dma_start3A_479 = arith.constant 0 : i32
      %dma_start3A_480 = tpu.memref_slice %arg5[%min3A_473, %dma_start3A_478, %dma_start3A_479] : memref<504x117x300xf32, #tpu.memory_space<hbm>> -> memref<1x117x300xf32, #tpu.memory_space<hbm>>
      %dma_start3A_481 = tpu.memref_squeeze %dma_start3A_480 : memref<1x117x300xf32, #tpu.memory_space<hbm>> -> memref<117x300xf32, #tpu.memory_space<hbm>>
      tpu.enqueue_dma source(%arg8 : memref<117x300xf32, #tpu.memory_space<vmem>>) target(%dma_start3A_481 : memref<117x300xf32, #tpu.memory_space<hbm>>) target_semaphore(%arg9 : memref<!tpu.dma_semaphore, #tpu.memory_space<semaphore_mem>>)
      %dma_wait3A_482 = arith.constant 0 : i32
      %dma_wait3A_483 = arith.constant 0 : i32
      %dma_wait3A_484 = tpu.memref_slice %arg5[%select_n3A, %dma_wait3A_482, %dma_wait3A_483] : memref<504x117x300xf32, #tpu.memory_space<hbm>> -> memref<1x117x300xf32, #tpu.memory_space<hbm>>
      %dma_wait3A_485 = tpu.memref_squeeze %dma_wait3A_484 : memref<1x117x300xf32, #tpu.memory_space<hbm>> -> memref<117x300xf32, #tpu.memory_space<hbm>>
      %dma_wait3A_486 = arith.constant 0 : i32
      %dma_wait3A_487 = arith.constant 0 : i32
      %dma_wait3A_488 = tpu.memref_slice %arg5[%select_n3A, %dma_wait3A_486, %dma_wait3A_487] : memref<504x117x300xf32, #tpu.memory_space<hbm>> -> memref<1x117x300xf32, #tpu.memory_space<hbm>>
      %dma_wait3A_489 = tpu.memref_squeeze %dma_wait3A_488 : memref<1x117x300xf32, #tpu.memory_space<hbm>> -> memref<117x300xf32, #tpu.memory_space<hbm>>
      tpu.wait_dma2 semaphore(%arg9 : memref<!tpu.dma_semaphore, #tpu.memory_space<semaphore_mem>>) src(%arg8 : memref<117x300xf32, #tpu.memory_space<vmem>>) dst(%dma_wait3A_489 : memref<117x300xf32, #tpu.memory_space<hbm>>)
      %add3A_490 = arith.constant 22 : i32
      %add3A_491 = arith.addi %select_n3A, %add3A_490 : i32
      %sub3A_492 = arith.constant 1 : i32
      %sub3A_493 = arith.subi %select_n3A_62, %sub3A_492 : i32
      %min3A_494 = arith.minsi %add3A_491, %sub3A_493 : i32
      %dma_start3A_495 = arith.constant 0 : i32
      %dma_start3A_496 = arith.constant 0 : i32
      %dma_start3A_497 = tpu.memref_slice %arg5[%min3A_494, %dma_start3A_495, %dma_start3A_496] : memref<504x117x300xf32, #tpu.memory_space<hbm>> -> memref<1x117x300xf32, #tpu.memory_space<hbm>>
      %dma_start3A_498 = tpu.memref_squeeze %dma_start3A_497 : memref<1x117x300xf32, #tpu.memory_space<hbm>> -> memref<117x300xf32, #tpu.memory_space<hbm>>
      %dma_start3A_499 = arith.constant 0 : i32
      %dma_start3A_500 = arith.constant 0 : i32
      %dma_start3A_501 = tpu.memref_slice %arg5[%min3A_494, %dma_start3A_499, %dma_start3A_500] : memref<504x117x300xf32, #tpu.memory_space<hbm>> -> memref<1x117x300xf32, #tpu.memory_space<hbm>>
      %dma_start3A_502 = tpu.memref_squeeze %dma_start3A_501 : memref<1x117x300xf32, #tpu.memory_space<hbm>> -> memref<117x300xf32, #tpu.memory_space<hbm>>
      tpu.enqueue_dma source(%arg8 : memref<117x300xf32, #tpu.memory_space<vmem>>) target(%dma_start3A_502 : memref<117x300xf32, #tpu.memory_space<hbm>>) target_semaphore(%arg9 : memref<!tpu.dma_semaphore, #tpu.memory_space<semaphore_mem>>)
      %dma_wait3A_503 = arith.constant 0 : i32
      %dma_wait3A_504 = arith.constant 0 : i32
      %dma_wait3A_505 = tpu.memref_slice %arg5[%select_n3A, %dma_wait3A_503, %dma_wait3A_504] : memref<504x117x300xf32, #tpu.memory_space<hbm>> -> memref<1x117x300xf32, #tpu.memory_space<hbm>>
      %dma_wait3A_506 = tpu.memref_squeeze %dma_wait3A_505 : memref<1x117x300xf32, #tpu.memory_space<hbm>> -> memref<117x300xf32, #tpu.memory_space<hbm>>
      %dma_wait3A_507 = arith.constant 0 : i32
      %dma_wait3A_508 = arith.constant 0 : i32
      %dma_wait3A_509 = tpu.memref_slice %arg5[%select_n3A, %dma_wait3A_507, %dma_wait3A_508] : memref<504x117x300xf32, #tpu.memory_space<hbm>> -> memref<1x117x300xf32, #tpu.memory_space<hbm>>
      %dma_wait3A_510 = tpu.memref_squeeze %dma_wait3A_509 : memref<1x117x300xf32, #tpu.memory_space<hbm>> -> memref<117x300xf32, #tpu.memory_space<hbm>>
      tpu.wait_dma2 semaphore(%arg9 : memref<!tpu.dma_semaphore, #tpu.memory_space<semaphore_mem>>) src(%arg8 : memref<117x300xf32, #tpu.memory_space<vmem>>) dst(%dma_wait3A_510 : memref<117x300xf32, #tpu.memory_space<hbm>>)
      %add3A_511 = arith.constant 23 : i32
      %add3A_512 = arith.addi %select_n3A, %add3A_511 : i32
      %sub3A_513 = arith.constant 1 : i32
      %sub3A_514 = arith.subi %select_n3A_62, %sub3A_513 : i32
      %min3A_515 = arith.minsi %add3A_512, %sub3A_514 : i32
      %dma_start3A_516 = arith.constant 0 : i32
      %dma_start3A_517 = arith.constant 0 : i32
      %dma_start3A_518 = tpu.memref_slice %arg5[%min3A_515, %dma_start3A_516, %dma_start3A_517] : memref<504x117x300xf32, #tpu.memory_space<hbm>> -> memref<1x117x300xf32, #tpu.memory_space<hbm>>
      %dma_start3A_519 = tpu.memref_squeeze %dma_start3A_518 : memref<1x117x300xf32, #tpu.memory_space<hbm>> -> memref<117x300xf32, #tpu.memory_space<hbm>>
      %dma_start3A_520 = arith.constant 0 : i32
      %dma_start3A_521 = arith.constant 0 : i32
      %dma_start3A_522 = tpu.memref_slice %arg5[%min3A_515, %dma_start3A_520, %dma_start3A_521] : memref<504x117x300xf32, #tpu.memory_space<hbm>> -> memref<1x117x300xf32, #tpu.memory_space<hbm>>
      %dma_start3A_523 = tpu.memref_squeeze %dma_start3A_522 : memref<1x117x300xf32, #tpu.memory_space<hbm>> -> memref<117x300xf32, #tpu.memory_space<hbm>>
      tpu.enqueue_dma source(%arg8 : memref<117x300xf32, #tpu.memory_space<vmem>>) target(%dma_start3A_523 : memref<117x300xf32, #tpu.memory_space<hbm>>) target_semaphore(%arg9 : memref<!tpu.dma_semaphore, #tpu.memory_space<semaphore_mem>>)
      %dma_wait3A_524 = arith.constant 0 : i32
      %dma_wait3A_525 = arith.constant 0 : i32
      %dma_wait3A_526 = tpu.memref_slice %arg5[%select_n3A, %dma_wait3A_524, %dma_wait3A_525] : memref<504x117x300xf32, #tpu.memory_space<hbm>> -> memref<1x117x300xf32, #tpu.memory_space<hbm>>
      %dma_wait3A_527 = tpu.memref_squeeze %dma_wait3A_526 : memref<1x117x300xf32, #tpu.memory_space<hbm>> -> memref<117x300xf32, #tpu.memory_space<hbm>>
      %dma_wait3A_528 = arith.constant 0 : i32
      %dma_wait3A_529 = arith.constant 0 : i32
      %dma_wait3A_530 = tpu.memref_slice %arg5[%select_n3A, %dma_wait3A_528, %dma_wait3A_529] : memref<504x117x300xf32, #tpu.memory_space<hbm>> -> memref<1x117x300xf32, #tpu.memory_space<hbm>>
      %dma_wait3A_531 = tpu.memref_squeeze %dma_wait3A_530 : memref<1x117x300xf32, #tpu.memory_space<hbm>> -> memref<117x300xf32, #tpu.memory_space<hbm>>
      tpu.wait_dma2 semaphore(%arg9 : memref<!tpu.dma_semaphore, #tpu.memory_space<semaphore_mem>>) src(%arg8 : memref<117x300xf32, #tpu.memory_space<vmem>>) dst(%dma_wait3A_531 : memref<117x300xf32, #tpu.memory_space<hbm>>)
      %add3A_532 = arith.constant 24 : i32
      %add3A_533 = arith.addi %select_n3A, %add3A_532 : i32
      %sub3A_534 = arith.constant 1 : i32
      %sub3A_535 = arith.subi %select_n3A_62, %sub3A_534 : i32
      %min3A_536 = arith.minsi %add3A_533, %sub3A_535 : i32
      %dma_start3A_537 = arith.constant 0 : i32
      %dma_start3A_538 = arith.constant 0 : i32
      %dma_start3A_539 = tpu.memref_slice %arg5[%min3A_536, %dma_start3A_537, %dma_start3A_538] : memref<504x117x300xf32, #tpu.memory_space<hbm>> -> memref<1x117x300xf32, #tpu.memory_space<hbm>>
      %dma_start3A_540 = tpu.memref_squeeze %dma_start3A_539 : memref<1x117x300xf32, #tpu.memory_space<hbm>> -> memref<117x300xf32, #tpu.memory_space<hbm>>
      %dma_start3A_541 = arith.constant 0 : i32
      %dma_start3A_542 = arith.constant 0 : i32
      %dma_start3A_543 = tpu.memref_slice %arg5[%min3A_536, %dma_start3A_541, %dma_start3A_542] : memref<504x117x300xf32, #tpu.memory_space<hbm>> -> memref<1x117x300xf32, #tpu.memory_space<hbm>>
      %dma_start3A_544 = tpu.memref_squeeze %dma_start3A_543 : memref<1x117x300xf32, #tpu.memory_space<hbm>> -> memref<117x300xf32, #tpu.memory_space<hbm>>
      tpu.enqueue_dma source(%arg8 : memref<117x300xf32, #tpu.memory_space<vmem>>) target(%dma_start3A_544 : memref<117x300xf32, #tpu.memory_space<hbm>>) target_semaphore(%arg9 : memref<!tpu.dma_semaphore, #tpu.memory_space<semaphore_mem>>)
      %dma_wait3A_545 = arith.constant 0 : i32
      %dma_wait3A_546 = arith.constant 0 : i32
      %dma_wait3A_547 = tpu.memref_slice %arg5[%select_n3A, %dma_wait3A_545, %dma_wait3A_546] : memref<504x117x300xf32, #tpu.memory_space<hbm>> -> memref<1x117x300xf32, #tpu.memory_space<hbm>>
      %dma_wait3A_548 = tpu.memref_squeeze %dma_wait3A_547 : memref<1x117x300xf32, #tpu.memory_space<hbm>> -> memref<117x300xf32, #tpu.memory_space<hbm>>
      %dma_wait3A_549 = arith.constant 0 : i32
      %dma_wait3A_550 = arith.constant 0 : i32
      %dma_wait3A_551 = tpu.memref_slice %arg5[%select_n3A, %dma_wait3A_549, %dma_wait3A_550] : memref<504x117x300xf32, #tpu.memory_space<hbm>> -> memref<1x117x300xf32, #tpu.memory_space<hbm>>
      %dma_wait3A_552 = tpu.memref_squeeze %dma_wait3A_551 : memref<1x117x300xf32, #tpu.memory_space<hbm>> -> memref<117x300xf32, #tpu.memory_space<hbm>>
      tpu.wait_dma2 semaphore(%arg9 : memref<!tpu.dma_semaphore, #tpu.memory_space<semaphore_mem>>) src(%arg8 : memref<117x300xf32, #tpu.memory_space<vmem>>) dst(%dma_wait3A_552 : memref<117x300xf32, #tpu.memory_space<hbm>>)
      %add3A_553 = arith.constant 25 : i32
      %add3A_554 = arith.addi %select_n3A, %add3A_553 : i32
      %sub3A_555 = arith.constant 1 : i32
      %sub3A_556 = arith.subi %select_n3A_62, %sub3A_555 : i32
      %min3A_557 = arith.minsi %add3A_554, %sub3A_556 : i32
      %dma_start3A_558 = arith.constant 0 : i32
      %dma_start3A_559 = arith.constant 0 : i32
      %dma_start3A_560 = tpu.memref_slice %arg5[%min3A_557, %dma_start3A_558, %dma_start3A_559] : memref<504x117x300xf32, #tpu.memory_space<hbm>> -> memref<1x117x300xf32, #tpu.memory_space<hbm>>
      %dma_start3A_561 = tpu.memref_squeeze %dma_start3A_560 : memref<1x117x300xf32, #tpu.memory_space<hbm>> -> memref<117x300xf32, #tpu.memory_space<hbm>>
      %dma_start3A_562 = arith.constant 0 : i32
      %dma_start3A_563 = arith.constant 0 : i32
      %dma_start3A_564 = tpu.memref_slice %arg5[%min3A_557, %dma_start3A_562, %dma_start3A_563] : memref<504x117x300xf32, #tpu.memory_space<hbm>> -> memref<1x117x300xf32, #tpu.memory_space<hbm>>
      %dma_start3A_565 = tpu.memref_squeeze %dma_start3A_564 : memref<1x117x300xf32, #tpu.memory_space<hbm>> -> memref<117x300xf32, #tpu.memory_space<hbm>>
      tpu.enqueue_dma source(%arg8 : memref<117x300xf32, #tpu.memory_space<vmem>>) target(%dma_start3A_565 : memref<117x300xf32, #tpu.memory_space<hbm>>) target_semaphore(%arg9 : memref<!tpu.dma_semaphore, #tpu.memory_space<semaphore_mem>>)
      %dma_wait3A_566 = arith.constant 0 : i32
      %dma_wait3A_567 = arith.constant 0 : i32
      %dma_wait3A_568 = tpu.memref_slice %arg5[%select_n3A, %dma_wait3A_566, %dma_wait3A_567] : memref<504x117x300xf32, #tpu.memory_space<hbm>> -> memref<1x117x300xf32, #tpu.memory_space<hbm>>
      %dma_wait3A_569 = tpu.memref_squeeze %dma_wait3A_568 : memref<1x117x300xf32, #tpu.memory_space<hbm>> -> memref<117x300xf32, #tpu.memory_space<hbm>>
      %dma_wait3A_570 = arith.constant 0 : i32
      %dma_wait3A_571 = arith.constant 0 : i32
      %dma_wait3A_572 = tpu.memref_slice %arg5[%select_n3A, %dma_wait3A_570, %dma_wait3A_571] : memref<504x117x300xf32, #tpu.memory_space<hbm>> -> memref<1x117x300xf32, #tpu.memory_space<hbm>>
      %dma_wait3A_573 = tpu.memref_squeeze %dma_wait3A_572 : memref<1x117x300xf32, #tpu.memory_space<hbm>> -> memref<117x300xf32, #tpu.memory_space<hbm>>
      tpu.wait_dma2 semaphore(%arg9 : memref<!tpu.dma_semaphore, #tpu.memory_space<semaphore_mem>>) src(%arg8 : memref<117x300xf32, #tpu.memory_space<vmem>>) dst(%dma_wait3A_573 : memref<117x300xf32, #tpu.memory_space<hbm>>)
      %add3A_574 = arith.constant 26 : i32
      %add3A_575 = arith.addi %select_n3A, %add3A_574 : i32
      %sub3A_576 = arith.constant 1 : i32
      %sub3A_577 = arith.subi %select_n3A_62, %sub3A_576 : i32
      %min3A_578 = arith.minsi %add3A_575, %sub3A_577 : i32
      %dma_start3A_579 = arith.constant 0 : i32
      %dma_start3A_580 = arith.constant 0 : i32
      %dma_start3A_581 = tpu.memref_slice %arg5[%min3A_578, %dma_start3A_579, %dma_start3A_580] : memref<504x117x300xf32, #tpu.memory_space<hbm>> -> memref<1x117x300xf32, #tpu.memory_space<hbm>>
      %dma_start3A_582 = tpu.memref_squeeze %dma_start3A_581 : memref<1x117x300xf32, #tpu.memory_space<hbm>> -> memref<117x300xf32, #tpu.memory_space<hbm>>
      %dma_start3A_583 = arith.constant 0 : i32
      %dma_start3A_584 = arith.constant 0 : i32
      %dma_start3A_585 = tpu.memref_slice %arg5[%min3A_578, %dma_start3A_583, %dma_start3A_584] : memref<504x117x300xf32, #tpu.memory_space<hbm>> -> memref<1x117x300xf32, #tpu.memory_space<hbm>>
      %dma_start3A_586 = tpu.memref_squeeze %dma_start3A_585 : memref<1x117x300xf32, #tpu.memory_space<hbm>> -> memref<117x300xf32, #tpu.memory_space<hbm>>
      tpu.enqueue_dma source(%arg8 : memref<117x300xf32, #tpu.memory_space<vmem>>) target(%dma_start3A_586 : memref<117x300xf32, #tpu.memory_space<hbm>>) target_semaphore(%arg9 : memref<!tpu.dma_semaphore, #tpu.memory_space<semaphore_mem>>)
      %dma_wait3A_587 = arith.constant 0 : i32
      %dma_wait3A_588 = arith.constant 0 : i32
      %dma_wait3A_589 = tpu.memref_slice %arg5[%select_n3A, %dma_wait3A_587, %dma_wait3A_588] : memref<504x117x300xf32, #tpu.memory_space<hbm>> -> memref<1x117x300xf32, #tpu.memory_space<hbm>>
      %dma_wait3A_590 = tpu.memref_squeeze %dma_wait3A_589 : memref<1x117x300xf32, #tpu.memory_space<hbm>> -> memref<117x300xf32, #tpu.memory_space<hbm>>
      %dma_wait3A_591 = arith.constant 0 : i32
      %dma_wait3A_592 = arith.constant 0 : i32
      %dma_wait3A_593 = tpu.memref_slice %arg5[%select_n3A, %dma_wait3A_591, %dma_wait3A_592] : memref<504x117x300xf32, #tpu.memory_space<hbm>> -> memref<1x117x300xf32, #tpu.memory_space<hbm>>
      %dma_wait3A_594 = tpu.memref_squeeze %dma_wait3A_593 : memref<1x117x300xf32, #tpu.memory_space<hbm>> -> memref<117x300xf32, #tpu.memory_space<hbm>>
      tpu.wait_dma2 semaphore(%arg9 : memref<!tpu.dma_semaphore, #tpu.memory_space<semaphore_mem>>) src(%arg8 : memref<117x300xf32, #tpu.memory_space<vmem>>) dst(%dma_wait3A_594 : memref<117x300xf32, #tpu.memory_space<hbm>>)
      %add3A_595 = arith.constant 27 : i32
      %add3A_596 = arith.addi %select_n3A, %add3A_595 : i32
      %sub3A_597 = arith.constant 1 : i32
      %sub3A_598 = arith.subi %select_n3A_62, %sub3A_597 : i32
      %min3A_599 = arith.minsi %add3A_596, %sub3A_598 : i32
      %dma_start3A_600 = arith.constant 0 : i32
      %dma_start3A_601 = arith.constant 0 : i32
      %dma_start3A_602 = tpu.memref_slice %arg5[%min3A_599, %dma_start3A_600, %dma_start3A_601] : memref<504x117x300xf32, #tpu.memory_space<hbm>> -> memref<1x117x300xf32, #tpu.memory_space<hbm>>
      %dma_start3A_603 = tpu.memref_squeeze %dma_start3A_602 : memref<1x117x300xf32, #tpu.memory_space<hbm>> -> memref<117x300xf32, #tpu.memory_space<hbm>>
      %dma_start3A_604 = arith.constant 0 : i32
      %dma_start3A_605 = arith.constant 0 : i32
      %dma_start3A_606 = tpu.memref_slice %arg5[%min3A_599, %dma_start3A_604, %dma_start3A_605] : memref<504x117x300xf32, #tpu.memory_space<hbm>> -> memref<1x117x300xf32, #tpu.memory_space<hbm>>
      %dma_start3A_607 = tpu.memref_squeeze %dma_start3A_606 : memref<1x117x300xf32, #tpu.memory_space<hbm>> -> memref<117x300xf32, #tpu.memory_space<hbm>>
      tpu.enqueue_dma source(%arg8 : memref<117x300xf32, #tpu.memory_space<vmem>>) target(%dma_start3A_607 : memref<117x300xf32, #tpu.memory_space<hbm>>) target_semaphore(%arg9 : memref<!tpu.dma_semaphore, #tpu.memory_space<semaphore_mem>>)
      %dma_wait3A_608 = arith.constant 0 : i32
      %dma_wait3A_609 = arith.constant 0 : i32
      %dma_wait3A_610 = tpu.memref_slice %arg5[%select_n3A, %dma_wait3A_608, %dma_wait3A_609] : memref<504x117x300xf32, #tpu.memory_space<hbm>> -> memref<1x117x300xf32, #tpu.memory_space<hbm>>
      %dma_wait3A_611 = tpu.memref_squeeze %dma_wait3A_610 : memref<1x117x300xf32, #tpu.memory_space<hbm>> -> memref<117x300xf32, #tpu.memory_space<hbm>>
      %dma_wait3A_612 = arith.constant 0 : i32
      %dma_wait3A_613 = arith.constant 0 : i32
      %dma_wait3A_614 = tpu.memref_slice %arg5[%select_n3A, %dma_wait3A_612, %dma_wait3A_613] : memref<504x117x300xf32, #tpu.memory_space<hbm>> -> memref<1x117x300xf32, #tpu.memory_space<hbm>>
      %dma_wait3A_615 = tpu.memref_squeeze %dma_wait3A_614 : memref<1x117x300xf32, #tpu.memory_space<hbm>> -> memref<117x300xf32, #tpu.memory_space<hbm>>
      tpu.wait_dma2 semaphore(%arg9 : memref<!tpu.dma_semaphore, #tpu.memory_space<semaphore_mem>>) src(%arg8 : memref<117x300xf32, #tpu.memory_space<vmem>>) dst(%dma_wait3A_615 : memref<117x300xf32, #tpu.memory_space<hbm>>)
      %add3A_616 = arith.constant 28 : i32
      %add3A_617 = arith.addi %select_n3A, %add3A_616 : i32
      %sub3A_618 = arith.constant 1 : i32
      %sub3A_619 = arith.subi %select_n3A_62, %sub3A_618 : i32
      %min3A_620 = arith.minsi %add3A_617, %sub3A_619 : i32
      %dma_start3A_621 = arith.constant 0 : i32
      %dma_start3A_622 = arith.constant 0 : i32
      %dma_start3A_623 = tpu.memref_slice %arg5[%min3A_620, %dma_start3A_621, %dma_start3A_622] : memref<504x117x300xf32, #tpu.memory_space<hbm>> -> memref<1x117x300xf32, #tpu.memory_space<hbm>>
      %dma_start3A_624 = tpu.memref_squeeze %dma_start3A_623 : memref<1x117x300xf32, #tpu.memory_space<hbm>> -> memref<117x300xf32, #tpu.memory_space<hbm>>
      %dma_start3A_625 = arith.constant 0 : i32
      %dma_start3A_626 = arith.constant 0 : i32
      %dma_start3A_627 = tpu.memref_slice %arg5[%min3A_620, %dma_start3A_625, %dma_start3A_626] : memref<504x117x300xf32, #tpu.memory_space<hbm>> -> memref<1x117x300xf32, #tpu.memory_space<hbm>>
      %dma_start3A_628 = tpu.memref_squeeze %dma_start3A_627 : memref<1x117x300xf32, #tpu.memory_space<hbm>> -> memref<117x300xf32, #tpu.memory_space<hbm>>
      tpu.enqueue_dma source(%arg8 : memref<117x300xf32, #tpu.memory_space<vmem>>) target(%dma_start3A_628 : memref<117x300xf32, #tpu.memory_space<hbm>>) target_semaphore(%arg9 : memref<!tpu.dma_semaphore, #tpu.memory_space<semaphore_mem>>)
      %dma_wait3A_629 = arith.constant 0 : i32
      %dma_wait3A_630 = arith.constant 0 : i32
      %dma_wait3A_631 = tpu.memref_slice %arg5[%select_n3A, %dma_wait3A_629, %dma_wait3A_630] : memref<504x117x300xf32, #tpu.memory_space<hbm>> -> memref<1x117x300xf32, #tpu.memory_space<hbm>>
      %dma_wait3A_632 = tpu.memref_squeeze %dma_wait3A_631 : memref<1x117x300xf32, #tpu.memory_space<hbm>> -> memref<117x300xf32, #tpu.memory_space<hbm>>
      %dma_wait3A_633 = arith.constant 0 : i32
      %dma_wait3A_634 = arith.constant 0 : i32
      %dma_wait3A_635 = tpu.memref_slice %arg5[%select_n3A, %dma_wait3A_633, %dma_wait3A_634] : memref<504x117x300xf32, #tpu.memory_space<hbm>> -> memref<1x117x300xf32, #tpu.memory_space<hbm>>
      %dma_wait3A_636 = tpu.memref_squeeze %dma_wait3A_635 : memref<1x117x300xf32, #tpu.memory_space<hbm>> -> memref<117x300xf32, #tpu.memory_space<hbm>>
      tpu.wait_dma2 semaphore(%arg9 : memref<!tpu.dma_semaphore, #tpu.memory_space<semaphore_mem>>) src(%arg8 : memref<117x300xf32, #tpu.memory_space<vmem>>) dst(%dma_wait3A_636 : memref<117x300xf32, #tpu.memory_space<hbm>>)
      %add3A_637 = arith.constant 29 : i32
      %add3A_638 = arith.addi %select_n3A, %add3A_637 : i32
      %sub3A_639 = arith.constant 1 : i32
      %sub3A_640 = arith.subi %select_n3A_62, %sub3A_639 : i32
      %min3A_641 = arith.minsi %add3A_638, %sub3A_640 : i32
      %dma_start3A_642 = arith.constant 0 : i32
      %dma_start3A_643 = arith.constant 0 : i32
      %dma_start3A_644 = tpu.memref_slice %arg5[%min3A_641, %dma_start3A_642, %dma_start3A_643] : memref<504x117x300xf32, #tpu.memory_space<hbm>> -> memref<1x117x300xf32, #tpu.memory_space<hbm>>
      %dma_start3A_645 = tpu.memref_squeeze %dma_start3A_644 : memref<1x117x300xf32, #tpu.memory_space<hbm>> -> memref<117x300xf32, #tpu.memory_space<hbm>>
      %dma_start3A_646 = arith.constant 0 : i32
      %dma_start3A_647 = arith.constant 0 : i32
      %dma_start3A_648 = tpu.memref_slice %arg5[%min3A_641, %dma_start3A_646, %dma_start3A_647] : memref<504x117x300xf32, #tpu.memory_space<hbm>> -> memref<1x117x300xf32, #tpu.memory_space<hbm>>
      %dma_start3A_649 = tpu.memref_squeeze %dma_start3A_648 : memref<1x117x300xf32, #tpu.memory_space<hbm>> -> memref<117x300xf32, #tpu.memory_space<hbm>>
      tpu.enqueue_dma source(%arg8 : memref<117x300xf32, #tpu.memory_space<vmem>>) target(%dma_start3A_649 : memref<117x300xf32, #tpu.memory_space<hbm>>) target_semaphore(%arg9 : memref<!tpu.dma_semaphore, #tpu.memory_space<semaphore_mem>>)
      %dma_wait3A_650 = arith.constant 0 : i32
      %dma_wait3A_651 = arith.constant 0 : i32
      %dma_wait3A_652 = tpu.memref_slice %arg5[%select_n3A, %dma_wait3A_650, %dma_wait3A_651] : memref<504x117x300xf32, #tpu.memory_space<hbm>> -> memref<1x117x300xf32, #tpu.memory_space<hbm>>
      %dma_wait3A_653 = tpu.memref_squeeze %dma_wait3A_652 : memref<1x117x300xf32, #tpu.memory_space<hbm>> -> memref<117x300xf32, #tpu.memory_space<hbm>>
      %dma_wait3A_654 = arith.constant 0 : i32
      %dma_wait3A_655 = arith.constant 0 : i32
      %dma_wait3A_656 = tpu.memref_slice %arg5[%select_n3A, %dma_wait3A_654, %dma_wait3A_655] : memref<504x117x300xf32, #tpu.memory_space<hbm>> -> memref<1x117x300xf32, #tpu.memory_space<hbm>>
      %dma_wait3A_657 = tpu.memref_squeeze %dma_wait3A_656 : memref<1x117x300xf32, #tpu.memory_space<hbm>> -> memref<117x300xf32, #tpu.memory_space<hbm>>
      tpu.wait_dma2 semaphore(%arg9 : memref<!tpu.dma_semaphore, #tpu.memory_space<semaphore_mem>>) src(%arg8 : memref<117x300xf32, #tpu.memory_space<vmem>>) dst(%dma_wait3A_657 : memref<117x300xf32, #tpu.memory_space<hbm>>)
      %add3A_658 = arith.constant 30 : i32
      %add3A_659 = arith.addi %select_n3A, %add3A_658 : i32
      %sub3A_660 = arith.constant 1 : i32
      %sub3A_661 = arith.subi %select_n3A_62, %sub3A_660 : i32
      %min3A_662 = arith.minsi %add3A_659, %sub3A_661 : i32
      %dma_start3A_663 = arith.constant 0 : i32
      %dma_start3A_664 = arith.constant 0 : i32
      %dma_start3A_665 = tpu.memref_slice %arg5[%min3A_662, %dma_start3A_663, %dma_start3A_664] : memref<504x117x300xf32, #tpu.memory_space<hbm>> -> memref<1x117x300xf32, #tpu.memory_space<hbm>>
      %dma_start3A_666 = tpu.memref_squeeze %dma_start3A_665 : memref<1x117x300xf32, #tpu.memory_space<hbm>> -> memref<117x300xf32, #tpu.memory_space<hbm>>
      %dma_start3A_667 = arith.constant 0 : i32
      %dma_start3A_668 = arith.constant 0 : i32
      %dma_start3A_669 = tpu.memref_slice %arg5[%min3A_662, %dma_start3A_667, %dma_start3A_668] : memref<504x117x300xf32, #tpu.memory_space<hbm>> -> memref<1x117x300xf32, #tpu.memory_space<hbm>>
      %dma_start3A_670 = tpu.memref_squeeze %dma_start3A_669 : memref<1x117x300xf32, #tpu.memory_space<hbm>> -> memref<117x300xf32, #tpu.memory_space<hbm>>
      tpu.enqueue_dma source(%arg8 : memref<117x300xf32, #tpu.memory_space<vmem>>) target(%dma_start3A_670 : memref<117x300xf32, #tpu.memory_space<hbm>>) target_semaphore(%arg9 : memref<!tpu.dma_semaphore, #tpu.memory_space<semaphore_mem>>)
      %dma_wait3A_671 = arith.constant 0 : i32
      %dma_wait3A_672 = arith.constant 0 : i32
      %dma_wait3A_673 = tpu.memref_slice %arg5[%select_n3A, %dma_wait3A_671, %dma_wait3A_672] : memref<504x117x300xf32, #tpu.memory_space<hbm>> -> memref<1x117x300xf32, #tpu.memory_space<hbm>>
      %dma_wait3A_674 = tpu.memref_squeeze %dma_wait3A_673 : memref<1x117x300xf32, #tpu.memory_space<hbm>> -> memref<117x300xf32, #tpu.memory_space<hbm>>
      %dma_wait3A_675 = arith.constant 0 : i32
      %dma_wait3A_676 = arith.constant 0 : i32
      %dma_wait3A_677 = tpu.memref_slice %arg5[%select_n3A, %dma_wait3A_675, %dma_wait3A_676] : memref<504x117x300xf32, #tpu.memory_space<hbm>> -> memref<1x117x300xf32, #tpu.memory_space<hbm>>
      %dma_wait3A_678 = tpu.memref_squeeze %dma_wait3A_677 : memref<1x117x300xf32, #tpu.memory_space<hbm>> -> memref<117x300xf32, #tpu.memory_space<hbm>>
      tpu.wait_dma2 semaphore(%arg9 : memref<!tpu.dma_semaphore, #tpu.memory_space<semaphore_mem>>) src(%arg8 : memref<117x300xf32, #tpu.memory_space<vmem>>) dst(%dma_wait3A_678 : memref<117x300xf32, #tpu.memory_space<hbm>>)
      %add3A_679 = arith.constant 31 : i32
      %add3A_680 = arith.addi %select_n3A, %add3A_679 : i32
      %sub3A_681 = arith.constant 1 : i32
      %sub3A_682 = arith.subi %select_n3A_62, %sub3A_681 : i32
      %min3A_683 = arith.minsi %add3A_680, %sub3A_682 : i32
      %dma_start3A_684 = arith.constant 0 : i32
      %dma_start3A_685 = arith.constant 0 : i32
      %dma_start3A_686 = tpu.memref_slice %arg5[%min3A_683, %dma_start3A_684, %dma_start3A_685] : memref<504x117x300xf32, #tpu.memory_space<hbm>> -> memref<1x117x300xf32, #tpu.memory_space<hbm>>
      %dma_start3A_687 = tpu.memref_squeeze %dma_start3A_686 : memref<1x117x300xf32, #tpu.memory_space<hbm>> -> memref<117x300xf32, #tpu.memory_space<hbm>>
      %dma_start3A_688 = arith.constant 0 : i32
      %dma_start3A_689 = arith.constant 0 : i32
      %dma_start3A_690 = tpu.memref_slice %arg5[%min3A_683, %dma_start3A_688, %dma_start3A_689] : memref<504x117x300xf32, #tpu.memory_space<hbm>> -> memref<1x117x300xf32, #tpu.memory_space<hbm>>
      %dma_start3A_691 = tpu.memref_squeeze %dma_start3A_690 : memref<1x117x300xf32, #tpu.memory_space<hbm>> -> memref<117x300xf32, #tpu.memory_space<hbm>>
      tpu.enqueue_dma source(%arg8 : memref<117x300xf32, #tpu.memory_space<vmem>>) target(%dma_start3A_691 : memref<117x300xf32, #tpu.memory_space<hbm>>) target_semaphore(%arg9 : memref<!tpu.dma_semaphore, #tpu.memory_space<semaphore_mem>>)
      %dma_wait3A_692 = arith.constant 0 : i32
      %dma_wait3A_693 = arith.constant 0 : i32
      %dma_wait3A_694 = tpu.memref_slice %arg5[%select_n3A, %dma_wait3A_692, %dma_wait3A_693] : memref<504x117x300xf32, #tpu.memory_space<hbm>> -> memref<1x117x300xf32, #tpu.memory_space<hbm>>
      %dma_wait3A_695 = tpu.memref_squeeze %dma_wait3A_694 : memref<1x117x300xf32, #tpu.memory_space<hbm>> -> memref<117x300xf32, #tpu.memory_space<hbm>>
      %dma_wait3A_696 = arith.constant 0 : i32
      %dma_wait3A_697 = arith.constant 0 : i32
      %dma_wait3A_698 = tpu.memref_slice %arg5[%select_n3A, %dma_wait3A_696, %dma_wait3A_697] : memref<504x117x300xf32, #tpu.memory_space<hbm>> -> memref<1x117x300xf32, #tpu.memory_space<hbm>>
      %dma_wait3A_699 = tpu.memref_squeeze %dma_wait3A_698 : memref<1x117x300xf32, #tpu.memory_space<hbm>> -> memref<117x300xf32, #tpu.memory_space<hbm>>
      tpu.wait_dma2 semaphore(%arg9 : memref<!tpu.dma_semaphore, #tpu.memory_space<semaphore_mem>>) src(%arg8 : memref<117x300xf32, #tpu.memory_space<vmem>>) dst(%dma_wait3A_699 : memref<117x300xf32, #tpu.memory_space<hbm>>)
      %add3A_700 = arith.constant 32 : i32
      %add3A_701 = arith.addi %select_n3A, %add3A_700 : i32
      %sub3A_702 = arith.constant 1 : i32
      %sub3A_703 = arith.subi %select_n3A_62, %sub3A_702 : i32
      %min3A_704 = arith.minsi %add3A_701, %sub3A_703 : i32
      %dma_start3A_705 = arith.constant 0 : i32
      %dma_start3A_706 = arith.constant 0 : i32
      %dma_start3A_707 = tpu.memref_slice %arg5[%min3A_704, %dma_start3A_705, %dma_start3A_706] : memref<504x117x300xf32, #tpu.memory_space<hbm>> -> memref<1x117x300xf32, #tpu.memory_space<hbm>>
      %dma_start3A_708 = tpu.memref_squeeze %dma_start3A_707 : memref<1x117x300xf32, #tpu.memory_space<hbm>> -> memref<117x300xf32, #tpu.memory_space<hbm>>
      %dma_start3A_709 = arith.constant 0 : i32
      %dma_start3A_710 = arith.constant 0 : i32
      %dma_start3A_711 = tpu.memref_slice %arg5[%min3A_704, %dma_start3A_709, %dma_start3A_710] : memref<504x117x300xf32, #tpu.memory_space<hbm>> -> memref<1x117x300xf32, #tpu.memory_space<hbm>>
      %dma_start3A_712 = tpu.memref_squeeze %dma_start3A_711 : memref<1x117x300xf32, #tpu.memory_space<hbm>> -> memref<117x300xf32, #tpu.memory_space<hbm>>
      tpu.enqueue_dma source(%arg8 : memref<117x300xf32, #tpu.memory_space<vmem>>) target(%dma_start3A_712 : memref<117x300xf32, #tpu.memory_space<hbm>>) target_semaphore(%arg9 : memref<!tpu.dma_semaphore, #tpu.memory_space<semaphore_mem>>)
      %dma_wait3A_713 = arith.constant 0 : i32
      %dma_wait3A_714 = arith.constant 0 : i32
      %dma_wait3A_715 = tpu.memref_slice %arg5[%select_n3A, %dma_wait3A_713, %dma_wait3A_714] : memref<504x117x300xf32, #tpu.memory_space<hbm>> -> memref<1x117x300xf32, #tpu.memory_space<hbm>>
      %dma_wait3A_716 = tpu.memref_squeeze %dma_wait3A_715 : memref<1x117x300xf32, #tpu.memory_space<hbm>> -> memref<117x300xf32, #tpu.memory_space<hbm>>
      %dma_wait3A_717 = arith.constant 0 : i32
      %dma_wait3A_718 = arith.constant 0 : i32
      %dma_wait3A_719 = tpu.memref_slice %arg5[%select_n3A, %dma_wait3A_717, %dma_wait3A_718] : memref<504x117x300xf32, #tpu.memory_space<hbm>> -> memref<1x117x300xf32, #tpu.memory_space<hbm>>
      %dma_wait3A_720 = tpu.memref_squeeze %dma_wait3A_719 : memref<1x117x300xf32, #tpu.memory_space<hbm>> -> memref<117x300xf32, #tpu.memory_space<hbm>>
      tpu.wait_dma2 semaphore(%arg9 : memref<!tpu.dma_semaphore, #tpu.memory_space<semaphore_mem>>) src(%arg8 : memref<117x300xf32, #tpu.memory_space<vmem>>) dst(%dma_wait3A_720 : memref<117x300xf32, #tpu.memory_space<hbm>>)
      %add3A_721 = arith.constant 33 : i32
      %add3A_722 = arith.addi %select_n3A, %add3A_721 : i32
      %sub3A_723 = arith.constant 1 : i32
      %sub3A_724 = arith.subi %select_n3A_62, %sub3A_723 : i32
      %min3A_725 = arith.minsi %add3A_722, %sub3A_724 : i32
      %dma_start3A_726 = arith.constant 0 : i32
      %dma_start3A_727 = arith.constant 0 : i32
      %dma_start3A_728 = tpu.memref_slice %arg5[%min3A_725, %dma_start3A_726, %dma_start3A_727] : memref<504x117x300xf32, #tpu.memory_space<hbm>> -> memref<1x117x300xf32, #tpu.memory_space<hbm>>
      %dma_start3A_729 = tpu.memref_squeeze %dma_start3A_728 : memref<1x117x300xf32, #tpu.memory_space<hbm>> -> memref<117x300xf32, #tpu.memory_space<hbm>>
      %dma_start3A_730 = arith.constant 0 : i32
      %dma_start3A_731 = arith.constant 0 : i32
      %dma_start3A_732 = tpu.memref_slice %arg5[%min3A_725, %dma_start3A_730, %dma_start3A_731] : memref<504x117x300xf32, #tpu.memory_space<hbm>> -> memref<1x117x300xf32, #tpu.memory_space<hbm>>
      %dma_start3A_733 = tpu.memref_squeeze %dma_start3A_732 : memref<1x117x300xf32, #tpu.memory_space<hbm>> -> memref<117x300xf32, #tpu.memory_space<hbm>>
      tpu.enqueue_dma source(%arg8 : memref<117x300xf32, #tpu.memory_space<vmem>>) target(%dma_start3A_733 : memref<117x300xf32, #tpu.memory_space<hbm>>) target_semaphore(%arg9 : memref<!tpu.dma_semaphore, #tpu.memory_space<semaphore_mem>>)
      %dma_wait3A_734 = arith.constant 0 : i32
      %dma_wait3A_735 = arith.constant 0 : i32
      %dma_wait3A_736 = tpu.memref_slice %arg5[%select_n3A, %dma_wait3A_734, %dma_wait3A_735] : memref<504x117x300xf32, #tpu.memory_space<hbm>> -> memref<1x117x300xf32, #tpu.memory_space<hbm>>
      %dma_wait3A_737 = tpu.memref_squeeze %dma_wait3A_736 : memref<1x117x300xf32, #tpu.memory_space<hbm>> -> memref<117x300xf32, #tpu.memory_space<hbm>>
      %dma_wait3A_738 = arith.constant 0 : i32
      %dma_wait3A_739 = arith.constant 0 : i32
      %dma_wait3A_740 = tpu.memref_slice %arg5[%select_n3A, %dma_wait3A_738, %dma_wait3A_739] : memref<504x117x300xf32, #tpu.memory_space<hbm>> -> memref<1x117x300xf32, #tpu.memory_space<hbm>>
      %dma_wait3A_741 = tpu.memref_squeeze %dma_wait3A_740 : memref<1x117x300xf32, #tpu.memory_space<hbm>> -> memref<117x300xf32, #tpu.memory_space<hbm>>
      tpu.wait_dma2 semaphore(%arg9 : memref<!tpu.dma_semaphore, #tpu.memory_space<semaphore_mem>>) src(%arg8 : memref<117x300xf32, #tpu.memory_space<vmem>>) dst(%dma_wait3A_741 : memref<117x300xf32, #tpu.memory_space<hbm>>)
      %add3A_742 = arith.constant 34 : i32
      %add3A_743 = arith.addi %select_n3A, %add3A_742 : i32
      %sub3A_744 = arith.constant 1 : i32
      %sub3A_745 = arith.subi %select_n3A_62, %sub3A_744 : i32
      %min3A_746 = arith.minsi %add3A_743, %sub3A_745 : i32
      %dma_start3A_747 = arith.constant 0 : i32
      %dma_start3A_748 = arith.constant 0 : i32
      %dma_start3A_749 = tpu.memref_slice %arg5[%min3A_746, %dma_start3A_747, %dma_start3A_748] : memref<504x117x300xf32, #tpu.memory_space<hbm>> -> memref<1x117x300xf32, #tpu.memory_space<hbm>>
      %dma_start3A_750 = tpu.memref_squeeze %dma_start3A_749 : memref<1x117x300xf32, #tpu.memory_space<hbm>> -> memref<117x300xf32, #tpu.memory_space<hbm>>
      %dma_start3A_751 = arith.constant 0 : i32
      %dma_start3A_752 = arith.constant 0 : i32
      %dma_start3A_753 = tpu.memref_slice %arg5[%min3A_746, %dma_start3A_751, %dma_start3A_752] : memref<504x117x300xf32, #tpu.memory_space<hbm>> -> memref<1x117x300xf32, #tpu.memory_space<hbm>>
      %dma_start3A_754 = tpu.memref_squeeze %dma_start3A_753 : memref<1x117x300xf32, #tpu.memory_space<hbm>> -> memref<117x300xf32, #tpu.memory_space<hbm>>
      tpu.enqueue_dma source(%arg8 : memref<117x300xf32, #tpu.memory_space<vmem>>) target(%dma_start3A_754 : memref<117x300xf32, #tpu.memory_space<hbm>>) target_semaphore(%arg9 : memref<!tpu.dma_semaphore, #tpu.memory_space<semaphore_mem>>)
      %dma_wait3A_755 = arith.constant 0 : i32
      %dma_wait3A_756 = arith.constant 0 : i32
      %dma_wait3A_757 = tpu.memref_slice %arg5[%select_n3A, %dma_wait3A_755, %dma_wait3A_756] : memref<504x117x300xf32, #tpu.memory_space<hbm>> -> memref<1x117x300xf32, #tpu.memory_space<hbm>>
      %dma_wait3A_758 = tpu.memref_squeeze %dma_wait3A_757 : memref<1x117x300xf32, #tpu.memory_space<hbm>> -> memref<117x300xf32, #tpu.memory_space<hbm>>
      %dma_wait3A_759 = arith.constant 0 : i32
      %dma_wait3A_760 = arith.constant 0 : i32
      %dma_wait3A_761 = tpu.memref_slice %arg5[%select_n3A, %dma_wait3A_759, %dma_wait3A_760] : memref<504x117x300xf32, #tpu.memory_space<hbm>> -> memref<1x117x300xf32, #tpu.memory_space<hbm>>
      %dma_wait3A_762 = tpu.memref_squeeze %dma_wait3A_761 : memref<1x117x300xf32, #tpu.memory_space<hbm>> -> memref<117x300xf32, #tpu.memory_space<hbm>>
      tpu.wait_dma2 semaphore(%arg9 : memref<!tpu.dma_semaphore, #tpu.memory_space<semaphore_mem>>) src(%arg8 : memref<117x300xf32, #tpu.memory_space<vmem>>) dst(%dma_wait3A_762 : memref<117x300xf32, #tpu.memory_space<hbm>>)
      %add3A_763 = arith.constant 35 : i32
      %add3A_764 = arith.addi %select_n3A, %add3A_763 : i32
      %sub3A_765 = arith.constant 1 : i32
      %sub3A_766 = arith.subi %select_n3A_62, %sub3A_765 : i32
      %min3A_767 = arith.minsi %add3A_764, %sub3A_766 : i32
      %dma_start3A_768 = arith.constant 0 : i32
      %dma_start3A_769 = arith.constant 0 : i32
      %dma_start3A_770 = tpu.memref_slice %arg5[%min3A_767, %dma_start3A_768, %dma_start3A_769] : memref<504x117x300xf32, #tpu.memory_space<hbm>> -> memref<1x117x300xf32, #tpu.memory_space<hbm>>
      %dma_start3A_771 = tpu.memref_squeeze %dma_start3A_770 : memref<1x117x300xf32, #tpu.memory_space<hbm>> -> memref<117x300xf32, #tpu.memory_space<hbm>>
      %dma_start3A_772 = arith.constant 0 : i32
      %dma_start3A_773 = arith.constant 0 : i32
      %dma_start3A_774 = tpu.memref_slice %arg5[%min3A_767, %dma_start3A_772, %dma_start3A_773] : memref<504x117x300xf32, #tpu.memory_space<hbm>> -> memref<1x117x300xf32, #tpu.memory_space<hbm>>
      %dma_start3A_775 = tpu.memref_squeeze %dma_start3A_774 : memref<1x117x300xf32, #tpu.memory_space<hbm>> -> memref<117x300xf32, #tpu.memory_space<hbm>>
      tpu.enqueue_dma source(%arg8 : memref<117x300xf32, #tpu.memory_space<vmem>>) target(%dma_start3A_775 : memref<117x300xf32, #tpu.memory_space<hbm>>) target_semaphore(%arg9 : memref<!tpu.dma_semaphore, #tpu.memory_space<semaphore_mem>>)
      %dma_wait3A_776 = arith.constant 0 : i32
      %dma_wait3A_777 = arith.constant 0 : i32
      %dma_wait3A_778 = tpu.memref_slice %arg5[%select_n3A, %dma_wait3A_776, %dma_wait3A_777] : memref<504x117x300xf32, #tpu.memory_space<hbm>> -> memref<1x117x300xf32, #tpu.memory_space<hbm>>
      %dma_wait3A_779 = tpu.memref_squeeze %dma_wait3A_778 : memref<1x117x300xf32, #tpu.memory_space<hbm>> -> memref<117x300xf32, #tpu.memory_space<hbm>>
      %dma_wait3A_780 = arith.constant 0 : i32
      %dma_wait3A_781 = arith.constant 0 : i32
      %dma_wait3A_782 = tpu.memref_slice %arg5[%select_n3A, %dma_wait3A_780, %dma_wait3A_781] : memref<504x117x300xf32, #tpu.memory_space<hbm>> -> memref<1x117x300xf32, #tpu.memory_space<hbm>>
      %dma_wait3A_783 = tpu.memref_squeeze %dma_wait3A_782 : memref<1x117x300xf32, #tpu.memory_space<hbm>> -> memref<117x300xf32, #tpu.memory_space<hbm>>
      tpu.wait_dma2 semaphore(%arg9 : memref<!tpu.dma_semaphore, #tpu.memory_space<semaphore_mem>>) src(%arg8 : memref<117x300xf32, #tpu.memory_space<vmem>>) dst(%dma_wait3A_783 : memref<117x300xf32, #tpu.memory_space<hbm>>)
      %add3A_784 = arith.constant 36 : i32
      %add3A_785 = arith.addi %select_n3A, %add3A_784 : i32
      %sub3A_786 = arith.constant 1 : i32
      %sub3A_787 = arith.subi %select_n3A_62, %sub3A_786 : i32
      %min3A_788 = arith.minsi %add3A_785, %sub3A_787 : i32
      %dma_start3A_789 = arith.constant 0 : i32
      %dma_start3A_790 = arith.constant 0 : i32
      %dma_start3A_791 = tpu.memref_slice %arg5[%min3A_788, %dma_start3A_789, %dma_start3A_790] : memref<504x117x300xf32, #tpu.memory_space<hbm>> -> memref<1x117x300xf32, #tpu.memory_space<hbm>>
      %dma_start3A_792 = tpu.memref_squeeze %dma_start3A_791 : memref<1x117x300xf32, #tpu.memory_space<hbm>> -> memref<117x300xf32, #tpu.memory_space<hbm>>
      %dma_start3A_793 = arith.constant 0 : i32
      %dma_start3A_794 = arith.constant 0 : i32
      %dma_start3A_795 = tpu.memref_slice %arg5[%min3A_788, %dma_start3A_793, %dma_start3A_794] : memref<504x117x300xf32, #tpu.memory_space<hbm>> -> memref<1x117x300xf32, #tpu.memory_space<hbm>>
      %dma_start3A_796 = tpu.memref_squeeze %dma_start3A_795 : memref<1x117x300xf32, #tpu.memory_space<hbm>> -> memref<117x300xf32, #tpu.memory_space<hbm>>
      tpu.enqueue_dma source(%arg8 : memref<117x300xf32, #tpu.memory_space<vmem>>) target(%dma_start3A_796 : memref<117x300xf32, #tpu.memory_space<hbm>>) target_semaphore(%arg9 : memref<!tpu.dma_semaphore, #tpu.memory_space<semaphore_mem>>)
      %dma_wait3A_797 = arith.constant 0 : i32
      %dma_wait3A_798 = arith.constant 0 : i32
      %dma_wait3A_799 = tpu.memref_slice %arg5[%select_n3A, %dma_wait3A_797, %dma_wait3A_798] : memref<504x117x300xf32, #tpu.memory_space<hbm>> -> memref<1x117x300xf32, #tpu.memory_space<hbm>>
      %dma_wait3A_800 = tpu.memref_squeeze %dma_wait3A_799 : memref<1x117x300xf32, #tpu.memory_space<hbm>> -> memref<117x300xf32, #tpu.memory_space<hbm>>
      %dma_wait3A_801 = arith.constant 0 : i32
      %dma_wait3A_802 = arith.constant 0 : i32
      %dma_wait3A_803 = tpu.memref_slice %arg5[%select_n3A, %dma_wait3A_801, %dma_wait3A_802] : memref<504x117x300xf32, #tpu.memory_space<hbm>> -> memref<1x117x300xf32, #tpu.memory_space<hbm>>
      %dma_wait3A_804 = tpu.memref_squeeze %dma_wait3A_803 : memref<1x117x300xf32, #tpu.memory_space<hbm>> -> memref<117x300xf32, #tpu.memory_space<hbm>>
      tpu.wait_dma2 semaphore(%arg9 : memref<!tpu.dma_semaphore, #tpu.memory_space<semaphore_mem>>) src(%arg8 : memref<117x300xf32, #tpu.memory_space<vmem>>) dst(%dma_wait3A_804 : memref<117x300xf32, #tpu.memory_space<hbm>>)
      %add3A_805 = arith.constant 37 : i32
      %add3A_806 = arith.addi %select_n3A, %add3A_805 : i32
      %sub3A_807 = arith.constant 1 : i32
      %sub3A_808 = arith.subi %select_n3A_62, %sub3A_807 : i32
      %min3A_809 = arith.minsi %add3A_806, %sub3A_808 : i32
      %dma_start3A_810 = arith.constant 0 : i32
      %dma_start3A_811 = arith.constant 0 : i32
      %dma_start3A_812 = tpu.memref_slice %arg5[%min3A_809, %dma_start3A_810, %dma_start3A_811] : memref<504x117x300xf32, #tpu.memory_space<hbm>> -> memref<1x117x300xf32, #tpu.memory_space<hbm>>
      %dma_start3A_813 = tpu.memref_squeeze %dma_start3A_812 : memref<1x117x300xf32, #tpu.memory_space<hbm>> -> memref<117x300xf32, #tpu.memory_space<hbm>>
      %dma_start3A_814 = arith.constant 0 : i32
      %dma_start3A_815 = arith.constant 0 : i32
      %dma_start3A_816 = tpu.memref_slice %arg5[%min3A_809, %dma_start3A_814, %dma_start3A_815] : memref<504x117x300xf32, #tpu.memory_space<hbm>> -> memref<1x117x300xf32, #tpu.memory_space<hbm>>
      %dma_start3A_817 = tpu.memref_squeeze %dma_start3A_816 : memref<1x117x300xf32, #tpu.memory_space<hbm>> -> memref<117x300xf32, #tpu.memory_space<hbm>>
      tpu.enqueue_dma source(%arg8 : memref<117x300xf32, #tpu.memory_space<vmem>>) target(%dma_start3A_817 : memref<117x300xf32, #tpu.memory_space<hbm>>) target_semaphore(%arg9 : memref<!tpu.dma_semaphore, #tpu.memory_space<semaphore_mem>>)
      %dma_wait3A_818 = arith.constant 0 : i32
      %dma_wait3A_819 = arith.constant 0 : i32
      %dma_wait3A_820 = tpu.memref_slice %arg5[%select_n3A, %dma_wait3A_818, %dma_wait3A_819] : memref<504x117x300xf32, #tpu.memory_space<hbm>> -> memref<1x117x300xf32, #tpu.memory_space<hbm>>
      %dma_wait3A_821 = tpu.memref_squeeze %dma_wait3A_820 : memref<1x117x300xf32, #tpu.memory_space<hbm>> -> memref<117x300xf32, #tpu.memory_space<hbm>>
      %dma_wait3A_822 = arith.constant 0 : i32
      %dma_wait3A_823 = arith.constant 0 : i32
      %dma_wait3A_824 = tpu.memref_slice %arg5[%select_n3A, %dma_wait3A_822, %dma_wait3A_823] : memref<504x117x300xf32, #tpu.memory_space<hbm>> -> memref<1x117x300xf32, #tpu.memory_space<hbm>>
      %dma_wait3A_825 = tpu.memref_squeeze %dma_wait3A_824 : memref<1x117x300xf32, #tpu.memory_space<hbm>> -> memref<117x300xf32, #tpu.memory_space<hbm>>
      tpu.wait_dma2 semaphore(%arg9 : memref<!tpu.dma_semaphore, #tpu.memory_space<semaphore_mem>>) src(%arg8 : memref<117x300xf32, #tpu.memory_space<vmem>>) dst(%dma_wait3A_825 : memref<117x300xf32, #tpu.memory_space<hbm>>)
      %add3A_826 = arith.constant 38 : i32
      %add3A_827 = arith.addi %select_n3A, %add3A_826 : i32
      %sub3A_828 = arith.constant 1 : i32
      %sub3A_829 = arith.subi %select_n3A_62, %sub3A_828 : i32
      %min3A_830 = arith.minsi %add3A_827, %sub3A_829 : i32
      %dma_start3A_831 = arith.constant 0 : i32
      %dma_start3A_832 = arith.constant 0 : i32
      %dma_start3A_833 = tpu.memref_slice %arg5[%min3A_830, %dma_start3A_831, %dma_start3A_832] : memref<504x117x300xf32, #tpu.memory_space<hbm>> -> memref<1x117x300xf32, #tpu.memory_space<hbm>>
      %dma_start3A_834 = tpu.memref_squeeze %dma_start3A_833 : memref<1x117x300xf32, #tpu.memory_space<hbm>> -> memref<117x300xf32, #tpu.memory_space<hbm>>
      %dma_start3A_835 = arith.constant 0 : i32
      %dma_start3A_836 = arith.constant 0 : i32
      %dma_start3A_837 = tpu.memref_slice %arg5[%min3A_830, %dma_start3A_835, %dma_start3A_836] : memref<504x117x300xf32, #tpu.memory_space<hbm>> -> memref<1x117x300xf32, #tpu.memory_space<hbm>>
      %dma_start3A_838 = tpu.memref_squeeze %dma_start3A_837 : memref<1x117x300xf32, #tpu.memory_space<hbm>> -> memref<117x300xf32, #tpu.memory_space<hbm>>
      tpu.enqueue_dma source(%arg8 : memref<117x300xf32, #tpu.memory_space<vmem>>) target(%dma_start3A_838 : memref<117x300xf32, #tpu.memory_space<hbm>>) target_semaphore(%arg9 : memref<!tpu.dma_semaphore, #tpu.memory_space<semaphore_mem>>)
      %dma_wait3A_839 = arith.constant 0 : i32
      %dma_wait3A_840 = arith.constant 0 : i32
      %dma_wait3A_841 = tpu.memref_slice %arg5[%select_n3A, %dma_wait3A_839, %dma_wait3A_840] : memref<504x117x300xf32, #tpu.memory_space<hbm>> -> memref<1x117x300xf32, #tpu.memory_space<hbm>>
      %dma_wait3A_842 = tpu.memref_squeeze %dma_wait3A_841 : memref<1x117x300xf32, #tpu.memory_space<hbm>> -> memref<117x300xf32, #tpu.memory_space<hbm>>
      %dma_wait3A_843 = arith.constant 0 : i32
      %dma_wait3A_844 = arith.constant 0 : i32
      %dma_wait3A_845 = tpu.memref_slice %arg5[%select_n3A, %dma_wait3A_843, %dma_wait3A_844] : memref<504x117x300xf32, #tpu.memory_space<hbm>> -> memref<1x117x300xf32, #tpu.memory_space<hbm>>
      %dma_wait3A_846 = tpu.memref_squeeze %dma_wait3A_845 : memref<1x117x300xf32, #tpu.memory_space<hbm>> -> memref<117x300xf32, #tpu.memory_space<hbm>>
      tpu.wait_dma2 semaphore(%arg9 : memref<!tpu.dma_semaphore, #tpu.memory_space<semaphore_mem>>) src(%arg8 : memref<117x300xf32, #tpu.memory_space<vmem>>) dst(%dma_wait3A_846 : memref<117x300xf32, #tpu.memory_space<hbm>>)
      %add3A_847 = arith.constant 39 : i32
      %add3A_848 = arith.addi %select_n3A, %add3A_847 : i32
      %sub3A_849 = arith.constant 1 : i32
      %sub3A_850 = arith.subi %select_n3A_62, %sub3A_849 : i32
      %min3A_851 = arith.minsi %add3A_848, %sub3A_850 : i32
      %dma_start3A_852 = arith.constant 0 : i32
      %dma_start3A_853 = arith.constant 0 : i32
      %dma_start3A_854 = tpu.memref_slice %arg5[%min3A_851, %dma_start3A_852, %dma_start3A_853] : memref<504x117x300xf32, #tpu.memory_space<hbm>> -> memref<1x117x300xf32, #tpu.memory_space<hbm>>
      %dma_start3A_855 = tpu.memref_squeeze %dma_start3A_854 : memref<1x117x300xf32, #tpu.memory_space<hbm>> -> memref<117x300xf32, #tpu.memory_space<hbm>>
      %dma_start3A_856 = arith.constant 0 : i32
      %dma_start3A_857 = arith.constant 0 : i32
      %dma_start3A_858 = tpu.memref_slice %arg5[%min3A_851, %dma_start3A_856, %dma_start3A_857] : memref<504x117x300xf32, #tpu.memory_space<hbm>> -> memref<1x117x300xf32, #tpu.memory_space<hbm>>
      %dma_start3A_859 = tpu.memref_squeeze %dma_start3A_858 : memref<1x117x300xf32, #tpu.memory_space<hbm>> -> memref<117x300xf32, #tpu.memory_space<hbm>>
      tpu.enqueue_dma source(%arg8 : memref<117x300xf32, #tpu.memory_space<vmem>>) target(%dma_start3A_859 : memref<117x300xf32, #tpu.memory_space<hbm>>) target_semaphore(%arg9 : memref<!tpu.dma_semaphore, #tpu.memory_space<semaphore_mem>>)
      %dma_wait3A_860 = arith.constant 0 : i32
      %dma_wait3A_861 = arith.constant 0 : i32
      %dma_wait3A_862 = tpu.memref_slice %arg5[%select_n3A, %dma_wait3A_860, %dma_wait3A_861] : memref<504x117x300xf32, #tpu.memory_space<hbm>> -> memref<1x117x300xf32, #tpu.memory_space<hbm>>
      %dma_wait3A_863 = tpu.memref_squeeze %dma_wait3A_862 : memref<1x117x300xf32, #tpu.memory_space<hbm>> -> memref<117x300xf32, #tpu.memory_space<hbm>>
      %dma_wait3A_864 = arith.constant 0 : i32
      %dma_wait3A_865 = arith.constant 0 : i32
      %dma_wait3A_866 = tpu.memref_slice %arg5[%select_n3A, %dma_wait3A_864, %dma_wait3A_865] : memref<504x117x300xf32, #tpu.memory_space<hbm>> -> memref<1x117x300xf32, #tpu.memory_space<hbm>>
      %dma_wait3A_867 = tpu.memref_squeeze %dma_wait3A_866 : memref<1x117x300xf32, #tpu.memory_space<hbm>> -> memref<117x300xf32, #tpu.memory_space<hbm>>
      tpu.wait_dma2 semaphore(%arg9 : memref<!tpu.dma_semaphore, #tpu.memory_space<semaphore_mem>>) src(%arg8 : memref<117x300xf32, #tpu.memory_space<vmem>>) dst(%dma_wait3A_867 : memref<117x300xf32, #tpu.memory_space<hbm>>)
      %add3A_868 = arith.constant 40 : i32
      %add3A_869 = arith.addi %select_n3A, %add3A_868 : i32
      %sub3A_870 = arith.constant 1 : i32
      %sub3A_871 = arith.subi %select_n3A_62, %sub3A_870 : i32
      %min3A_872 = arith.minsi %add3A_869, %sub3A_871 : i32
      %dma_start3A_873 = arith.constant 0 : i32
      %dma_start3A_874 = arith.constant 0 : i32
      %dma_start3A_875 = tpu.memref_slice %arg5[%min3A_872, %dma_start3A_873, %dma_start3A_874] : memref<504x117x300xf32, #tpu.memory_space<hbm>> -> memref<1x117x300xf32, #tpu.memory_space<hbm>>
      %dma_start3A_876 = tpu.memref_squeeze %dma_start3A_875 : memref<1x117x300xf32, #tpu.memory_space<hbm>> -> memref<117x300xf32, #tpu.memory_space<hbm>>
      %dma_start3A_877 = arith.constant 0 : i32
      %dma_start3A_878 = arith.constant 0 : i32
      %dma_start3A_879 = tpu.memref_slice %arg5[%min3A_872, %dma_start3A_877, %dma_start3A_878] : memref<504x117x300xf32, #tpu.memory_space<hbm>> -> memref<1x117x300xf32, #tpu.memory_space<hbm>>
      %dma_start3A_880 = tpu.memref_squeeze %dma_start3A_879 : memref<1x117x300xf32, #tpu.memory_space<hbm>> -> memref<117x300xf32, #tpu.memory_space<hbm>>
      tpu.enqueue_dma source(%arg8 : memref<117x300xf32, #tpu.memory_space<vmem>>) target(%dma_start3A_880 : memref<117x300xf32, #tpu.memory_space<hbm>>) target_semaphore(%arg9 : memref<!tpu.dma_semaphore, #tpu.memory_space<semaphore_mem>>)
      %dma_wait3A_881 = arith.constant 0 : i32
      %dma_wait3A_882 = arith.constant 0 : i32
      %dma_wait3A_883 = tpu.memref_slice %arg5[%select_n3A, %dma_wait3A_881, %dma_wait3A_882] : memref<504x117x300xf32, #tpu.memory_space<hbm>> -> memref<1x117x300xf32, #tpu.memory_space<hbm>>
      %dma_wait3A_884 = tpu.memref_squeeze %dma_wait3A_883 : memref<1x117x300xf32, #tpu.memory_space<hbm>> -> memref<117x300xf32, #tpu.memory_space<hbm>>
      %dma_wait3A_885 = arith.constant 0 : i32
      %dma_wait3A_886 = arith.constant 0 : i32
      %dma_wait3A_887 = tpu.memref_slice %arg5[%select_n3A, %dma_wait3A_885, %dma_wait3A_886] : memref<504x117x300xf32, #tpu.memory_space<hbm>> -> memref<1x117x300xf32, #tpu.memory_space<hbm>>
      %dma_wait3A_888 = tpu.memref_squeeze %dma_wait3A_887 : memref<1x117x300xf32, #tpu.memory_space<hbm>> -> memref<117x300xf32, #tpu.memory_space<hbm>>
      tpu.wait_dma2 semaphore(%arg9 : memref<!tpu.dma_semaphore, #tpu.memory_space<semaphore_mem>>) src(%arg8 : memref<117x300xf32, #tpu.memory_space<vmem>>) dst(%dma_wait3A_888 : memref<117x300xf32, #tpu.memory_space<hbm>>)
      %add3A_889 = arith.constant 41 : i32
      %add3A_890 = arith.addi %select_n3A, %add3A_889 : i32
      %sub3A_891 = arith.constant 1 : i32
      %sub3A_892 = arith.subi %select_n3A_62, %sub3A_891 : i32
      %min3A_893 = arith.minsi %add3A_890, %sub3A_892 : i32
      %dma_start3A_894 = arith.constant 0 : i32
      %dma_start3A_895 = arith.constant 0 : i32
      %dma_start3A_896 = tpu.memref_slice %arg5[%min3A_893, %dma_start3A_894, %dma_start3A_895] : memref<504x117x300xf32, #tpu.memory_space<hbm>> -> memref<1x117x300xf32, #tpu.memory_space<hbm>>
      %dma_start3A_897 = tpu.memref_squeeze %dma_start3A_896 : memref<1x117x300xf32, #tpu.memory_space<hbm>> -> memref<117x300xf32, #tpu.memory_space<hbm>>
      %dma_start3A_898 = arith.constant 0 : i32
      %dma_start3A_899 = arith.constant 0 : i32
      %dma_start3A_900 = tpu.memref_slice %arg5[%min3A_893, %dma_start3A_898, %dma_start3A_899] : memref<504x117x300xf32, #tpu.memory_space<hbm>> -> memref<1x117x300xf32, #tpu.memory_space<hbm>>
      %dma_start3A_901 = tpu.memref_squeeze %dma_start3A_900 : memref<1x117x300xf32, #tpu.memory_space<hbm>> -> memref<117x300xf32, #tpu.memory_space<hbm>>
      tpu.enqueue_dma source(%arg8 : memref<117x300xf32, #tpu.memory_space<vmem>>) target(%dma_start3A_901 : memref<117x300xf32, #tpu.memory_space<hbm>>) target_semaphore(%arg9 : memref<!tpu.dma_semaphore, #tpu.memory_space<semaphore_mem>>)
      %dma_wait3A_902 = arith.constant 0 : i32
      %dma_wait3A_903 = arith.constant 0 : i32
      %dma_wait3A_904 = tpu.memref_slice %arg5[%select_n3A, %dma_wait3A_902, %dma_wait3A_903] : memref<504x117x300xf32, #tpu.memory_space<hbm>> -> memref<1x117x300xf32, #tpu.memory_space<hbm>>
      %dma_wait3A_905 = tpu.memref_squeeze %dma_wait3A_904 : memref<1x117x300xf32, #tpu.memory_space<hbm>> -> memref<117x300xf32, #tpu.memory_space<hbm>>
      %dma_wait3A_906 = arith.constant 0 : i32
      %dma_wait3A_907 = arith.constant 0 : i32
      %dma_wait3A_908 = tpu.memref_slice %arg5[%select_n3A, %dma_wait3A_906, %dma_wait3A_907] : memref<504x117x300xf32, #tpu.memory_space<hbm>> -> memref<1x117x300xf32, #tpu.memory_space<hbm>>
      %dma_wait3A_909 = tpu.memref_squeeze %dma_wait3A_908 : memref<1x117x300xf32, #tpu.memory_space<hbm>> -> memref<117x300xf32, #tpu.memory_space<hbm>>
      tpu.wait_dma2 semaphore(%arg9 : memref<!tpu.dma_semaphore, #tpu.memory_space<semaphore_mem>>) src(%arg8 : memref<117x300xf32, #tpu.memory_space<vmem>>) dst(%dma_wait3A_909 : memref<117x300xf32, #tpu.memory_space<hbm>>)
      %add3A_910 = arith.constant 42 : i32
      %add3A_911 = arith.addi %select_n3A, %add3A_910 : i32
      %sub3A_912 = arith.constant 1 : i32
      %sub3A_913 = arith.subi %select_n3A_62, %sub3A_912 : i32
      %min3A_914 = arith.minsi %add3A_911, %sub3A_913 : i32
      %dma_start3A_915 = arith.constant 0 : i32
      %dma_start3A_916 = arith.constant 0 : i32
      %dma_start3A_917 = tpu.memref_slice %arg5[%min3A_914, %dma_start3A_915, %dma_start3A_916] : memref<504x117x300xf32, #tpu.memory_space<hbm>> -> memref<1x117x300xf32, #tpu.memory_space<hbm>>
      %dma_start3A_918 = tpu.memref_squeeze %dma_start3A_917 : memref<1x117x300xf32, #tpu.memory_space<hbm>> -> memref<117x300xf32, #tpu.memory_space<hbm>>
      %dma_start3A_919 = arith.constant 0 : i32
      %dma_start3A_920 = arith.constant 0 : i32
      %dma_start3A_921 = tpu.memref_slice %arg5[%min3A_914, %dma_start3A_919, %dma_start3A_920] : memref<504x117x300xf32, #tpu.memory_space<hbm>> -> memref<1x117x300xf32, #tpu.memory_space<hbm>>
      %dma_start3A_922 = tpu.memref_squeeze %dma_start3A_921 : memref<1x117x300xf32, #tpu.memory_space<hbm>> -> memref<117x300xf32, #tpu.memory_space<hbm>>
      tpu.enqueue_dma source(%arg8 : memref<117x300xf32, #tpu.memory_space<vmem>>) target(%dma_start3A_922 : memref<117x300xf32, #tpu.memory_space<hbm>>) target_semaphore(%arg9 : memref<!tpu.dma_semaphore, #tpu.memory_space<semaphore_mem>>)
      %dma_wait3A_923 = arith.constant 0 : i32
      %dma_wait3A_924 = arith.constant 0 : i32
      %dma_wait3A_925 = tpu.memref_slice %arg5[%select_n3A, %dma_wait3A_923, %dma_wait3A_924] : memref<504x117x300xf32, #tpu.memory_space<hbm>> -> memref<1x117x300xf32, #tpu.memory_space<hbm>>
      %dma_wait3A_926 = tpu.memref_squeeze %dma_wait3A_925 : memref<1x117x300xf32, #tpu.memory_space<hbm>> -> memref<117x300xf32, #tpu.memory_space<hbm>>
      %dma_wait3A_927 = arith.constant 0 : i32
      %dma_wait3A_928 = arith.constant 0 : i32
      %dma_wait3A_929 = tpu.memref_slice %arg5[%select_n3A, %dma_wait3A_927, %dma_wait3A_928] : memref<504x117x300xf32, #tpu.memory_space<hbm>> -> memref<1x117x300xf32, #tpu.memory_space<hbm>>
      %dma_wait3A_930 = tpu.memref_squeeze %dma_wait3A_929 : memref<1x117x300xf32, #tpu.memory_space<hbm>> -> memref<117x300xf32, #tpu.memory_space<hbm>>
      tpu.wait_dma2 semaphore(%arg9 : memref<!tpu.dma_semaphore, #tpu.memory_space<semaphore_mem>>) src(%arg8 : memref<117x300xf32, #tpu.memory_space<vmem>>) dst(%dma_wait3A_930 : memref<117x300xf32, #tpu.memory_space<hbm>>)
      %add3A_931 = arith.constant 43 : i32
      %add3A_932 = arith.addi %select_n3A, %add3A_931 : i32
      %sub3A_933 = arith.constant 1 : i32
      %sub3A_934 = arith.subi %select_n3A_62, %sub3A_933 : i32
      %min3A_935 = arith.minsi %add3A_932, %sub3A_934 : i32
      %dma_start3A_936 = arith.constant 0 : i32
      %dma_start3A_937 = arith.constant 0 : i32
      %dma_start3A_938 = tpu.memref_slice %arg5[%min3A_935, %dma_start3A_936, %dma_start3A_937] : memref<504x117x300xf32, #tpu.memory_space<hbm>> -> memref<1x117x300xf32, #tpu.memory_space<hbm>>
      %dma_start3A_939 = tpu.memref_squeeze %dma_start3A_938 : memref<1x117x300xf32, #tpu.memory_space<hbm>> -> memref<117x300xf32, #tpu.memory_space<hbm>>
      %dma_start3A_940 = arith.constant 0 : i32
      %dma_start3A_941 = arith.constant 0 : i32
      %dma_start3A_942 = tpu.memref_slice %arg5[%min3A_935, %dma_start3A_940, %dma_start3A_941] : memref<504x117x300xf32, #tpu.memory_space<hbm>> -> memref<1x117x300xf32, #tpu.memory_space<hbm>>
      %dma_start3A_943 = tpu.memref_squeeze %dma_start3A_942 : memref<1x117x300xf32, #tpu.memory_space<hbm>> -> memref<117x300xf32, #tpu.memory_space<hbm>>
      tpu.enqueue_dma source(%arg8 : memref<117x300xf32, #tpu.memory_space<vmem>>) target(%dma_start3A_943 : memref<117x300xf32, #tpu.memory_space<hbm>>) target_semaphore(%arg9 : memref<!tpu.dma_semaphore, #tpu.memory_space<semaphore_mem>>)
      %dma_wait3A_944 = arith.constant 0 : i32
      %dma_wait3A_945 = arith.constant 0 : i32
      %dma_wait3A_946 = tpu.memref_slice %arg5[%select_n3A, %dma_wait3A_944, %dma_wait3A_945] : memref<504x117x300xf32, #tpu.memory_space<hbm>> -> memref<1x117x300xf32, #tpu.memory_space<hbm>>
      %dma_wait3A_947 = tpu.memref_squeeze %dma_wait3A_946 : memref<1x117x300xf32, #tpu.memory_space<hbm>> -> memref<117x300xf32, #tpu.memory_space<hbm>>
      %dma_wait3A_948 = arith.constant 0 : i32
      %dma_wait3A_949 = arith.constant 0 : i32
      %dma_wait3A_950 = tpu.memref_slice %arg5[%select_n3A, %dma_wait3A_948, %dma_wait3A_949] : memref<504x117x300xf32, #tpu.memory_space<hbm>> -> memref<1x117x300xf32, #tpu.memory_space<hbm>>
      %dma_wait3A_951 = tpu.memref_squeeze %dma_wait3A_950 : memref<1x117x300xf32, #tpu.memory_space<hbm>> -> memref<117x300xf32, #tpu.memory_space<hbm>>
      tpu.wait_dma2 semaphore(%arg9 : memref<!tpu.dma_semaphore, #tpu.memory_space<semaphore_mem>>) src(%arg8 : memref<117x300xf32, #tpu.memory_space<vmem>>) dst(%dma_wait3A_951 : memref<117x300xf32, #tpu.memory_space<hbm>>)
      %add3A_952 = arith.constant 44 : i32
      %add3A_953 = arith.addi %select_n3A, %add3A_952 : i32
      %sub3A_954 = arith.constant 1 : i32
      %sub3A_955 = arith.subi %select_n3A_62, %sub3A_954 : i32
      %min3A_956 = arith.minsi %add3A_953, %sub3A_955 : i32
      %dma_start3A_957 = arith.constant 0 : i32
      %dma_start3A_958 = arith.constant 0 : i32
      %dma_start3A_959 = tpu.memref_slice %arg5[%min3A_956, %dma_start3A_957, %dma_start3A_958] : memref<504x117x300xf32, #tpu.memory_space<hbm>> -> memref<1x117x300xf32, #tpu.memory_space<hbm>>
      %dma_start3A_960 = tpu.memref_squeeze %dma_start3A_959 : memref<1x117x300xf32, #tpu.memory_space<hbm>> -> memref<117x300xf32, #tpu.memory_space<hbm>>
      %dma_start3A_961 = arith.constant 0 : i32
      %dma_start3A_962 = arith.constant 0 : i32
      %dma_start3A_963 = tpu.memref_slice %arg5[%min3A_956, %dma_start3A_961, %dma_start3A_962] : memref<504x117x300xf32, #tpu.memory_space<hbm>> -> memref<1x117x300xf32, #tpu.memory_space<hbm>>
      %dma_start3A_964 = tpu.memref_squeeze %dma_start3A_963 : memref<1x117x300xf32, #tpu.memory_space<hbm>> -> memref<117x300xf32, #tpu.memory_space<hbm>>
      tpu.enqueue_dma source(%arg8 : memref<117x300xf32, #tpu.memory_space<vmem>>) target(%dma_start3A_964 : memref<117x300xf32, #tpu.memory_space<hbm>>) target_semaphore(%arg9 : memref<!tpu.dma_semaphore, #tpu.memory_space<semaphore_mem>>)
      %dma_wait3A_965 = arith.constant 0 : i32
      %dma_wait3A_966 = arith.constant 0 : i32
      %dma_wait3A_967 = tpu.memref_slice %arg5[%select_n3A, %dma_wait3A_965, %dma_wait3A_966] : memref<504x117x300xf32, #tpu.memory_space<hbm>> -> memref<1x117x300xf32, #tpu.memory_space<hbm>>
      %dma_wait3A_968 = tpu.memref_squeeze %dma_wait3A_967 : memref<1x117x300xf32, #tpu.memory_space<hbm>> -> memref<117x300xf32, #tpu.memory_space<hbm>>
      %dma_wait3A_969 = arith.constant 0 : i32
      %dma_wait3A_970 = arith.constant 0 : i32
      %dma_wait3A_971 = tpu.memref_slice %arg5[%select_n3A, %dma_wait3A_969, %dma_wait3A_970] : memref<504x117x300xf32, #tpu.memory_space<hbm>> -> memref<1x117x300xf32, #tpu.memory_space<hbm>>
      %dma_wait3A_972 = tpu.memref_squeeze %dma_wait3A_971 : memref<1x117x300xf32, #tpu.memory_space<hbm>> -> memref<117x300xf32, #tpu.memory_space<hbm>>
      tpu.wait_dma2 semaphore(%arg9 : memref<!tpu.dma_semaphore, #tpu.memory_space<semaphore_mem>>) src(%arg8 : memref<117x300xf32, #tpu.memory_space<vmem>>) dst(%dma_wait3A_972 : memref<117x300xf32, #tpu.memory_space<hbm>>)
      %add3A_973 = arith.constant 45 : i32
      %add3A_974 = arith.addi %select_n3A, %add3A_973 : i32
      %sub3A_975 = arith.constant 1 : i32
      %sub3A_976 = arith.subi %select_n3A_62, %sub3A_975 : i32
      %min3A_977 = arith.minsi %add3A_974, %sub3A_976 : i32
      %dma_start3A_978 = arith.constant 0 : i32
      %dma_start3A_979 = arith.constant 0 : i32
      %dma_start3A_980 = tpu.memref_slice %arg5[%min3A_977, %dma_start3A_978, %dma_start3A_979] : memref<504x117x300xf32, #tpu.memory_space<hbm>> -> memref<1x117x300xf32, #tpu.memory_space<hbm>>
      %dma_start3A_981 = tpu.memref_squeeze %dma_start3A_980 : memref<1x117x300xf32, #tpu.memory_space<hbm>> -> memref<117x300xf32, #tpu.memory_space<hbm>>
      %dma_start3A_982 = arith.constant 0 : i32
      %dma_start3A_983 = arith.constant 0 : i32
      %dma_start3A_984 = tpu.memref_slice %arg5[%min3A_977, %dma_start3A_982, %dma_start3A_983] : memref<504x117x300xf32, #tpu.memory_space<hbm>> -> memref<1x117x300xf32, #tpu.memory_space<hbm>>
      %dma_start3A_985 = tpu.memref_squeeze %dma_start3A_984 : memref<1x117x300xf32, #tpu.memory_space<hbm>> -> memref<117x300xf32, #tpu.memory_space<hbm>>
      tpu.enqueue_dma source(%arg8 : memref<117x300xf32, #tpu.memory_space<vmem>>) target(%dma_start3A_985 : memref<117x300xf32, #tpu.memory_space<hbm>>) target_semaphore(%arg9 : memref<!tpu.dma_semaphore, #tpu.memory_space<semaphore_mem>>)
      %dma_wait3A_986 = arith.constant 0 : i32
      %dma_wait3A_987 = arith.constant 0 : i32
      %dma_wait3A_988 = tpu.memref_slice %arg5[%select_n3A, %dma_wait3A_986, %dma_wait3A_987] : memref<504x117x300xf32, #tpu.memory_space<hbm>> -> memref<1x117x300xf32, #tpu.memory_space<hbm>>
      %dma_wait3A_989 = tpu.memref_squeeze %dma_wait3A_988 : memref<1x117x300xf32, #tpu.memory_space<hbm>> -> memref<117x300xf32, #tpu.memory_space<hbm>>
      %dma_wait3A_990 = arith.constant 0 : i32
      %dma_wait3A_991 = arith.constant 0 : i32
      %dma_wait3A_992 = tpu.memref_slice %arg5[%select_n3A, %dma_wait3A_990, %dma_wait3A_991] : memref<504x117x300xf32, #tpu.memory_space<hbm>> -> memref<1x117x300xf32, #tpu.memory_space<hbm>>
      %dma_wait3A_993 = tpu.memref_squeeze %dma_wait3A_992 : memref<1x117x300xf32, #tpu.memory_space<hbm>> -> memref<117x300xf32, #tpu.memory_space<hbm>>
      tpu.wait_dma2 semaphore(%arg9 : memref<!tpu.dma_semaphore, #tpu.memory_space<semaphore_mem>>) src(%arg8 : memref<117x300xf32, #tpu.memory_space<vmem>>) dst(%dma_wait3A_993 : memref<117x300xf32, #tpu.memory_space<hbm>>)
      %dma_wait3A_994 = arith.constant 0 : i32
      %dma_wait3A_995 = arith.constant 0 : i32
      %dma_wait3A_996 = tpu.memref_slice %arg5[%select_n3A, %dma_wait3A_994, %dma_wait3A_995] : memref<504x117x300xf32, #tpu.memory_space<hbm>> -> memref<1x117x300xf32, #tpu.memory_space<hbm>>
      %dma_wait3A_997 = tpu.memref_squeeze %dma_wait3A_996 : memref<1x117x300xf32, #tpu.memory_space<hbm>> -> memref<117x300xf32, #tpu.memory_space<hbm>>
      %dma_wait3A_998 = arith.constant 0 : i32
      %dma_wait3A_999 = arith.constant 0 : i32
      %dma_wait3A_1000 = tpu.memref_slice %arg5[%select_n3A, %dma_wait3A_998, %dma_wait3A_999] : memref<504x117x300xf32, #tpu.memory_space<hbm>> -> memref<1x117x300xf32, #tpu.memory_space<hbm>>
      %dma_wait3A_1001 = tpu.memref_squeeze %dma_wait3A_1000 : memref<1x117x300xf32, #tpu.memory_space<hbm>> -> memref<117x300xf32, #tpu.memory_space<hbm>>
      tpu.wait_dma2 semaphore(%arg9 : memref<!tpu.dma_semaphore, #tpu.memory_space<semaphore_mem>>) src(%arg8 : memref<117x300xf32, #tpu.memory_space<vmem>>) dst(%dma_wait3A_1001 : memref<117x300xf32, #tpu.memory_space<hbm>>)
      %dma_wait3A_1002 = arith.constant 0 : i32
      %dma_wait3A_1003 = arith.constant 0 : i32
      %dma_wait3A_1004 = tpu.memref_slice %arg5[%select_n3A, %dma_wait3A_1002, %dma_wait3A_1003] : memref<504x117x300xf32, #tpu.memory_space<hbm>> -> memref<1x117x300xf32, #tpu.memory_space<hbm>>
      %dma_wait3A_1005 = tpu.memref_squeeze %dma_wait3A_1004 : memref<1x117x300xf32, #tpu.memory_space<hbm>> -> memref<117x300xf32, #tpu.memory_space<hbm>>
      %dma_wait3A_1006 = arith.constant 0 : i32
      %dma_wait3A_1007 = arith.constant 0 : i32
      %dma_wait3A_1008 = tpu.memref_slice %arg5[%select_n3A, %dma_wait3A_1006, %dma_wait3A_1007] : memref<504x117x300xf32, #tpu.memory_space<hbm>> -> memref<1x117x300xf32, #tpu.memory_space<hbm>>
      %dma_wait3A_1009 = tpu.memref_squeeze %dma_wait3A_1008 : memref<1x117x300xf32, #tpu.memory_space<hbm>> -> memref<117x300xf32, #tpu.memory_space<hbm>>
      tpu.wait_dma2 semaphore(%arg9 : memref<!tpu.dma_semaphore, #tpu.memory_space<semaphore_mem>>) src(%arg8 : memref<117x300xf32, #tpu.memory_space<vmem>>) dst(%dma_wait3A_1009 : memref<117x300xf32, #tpu.memory_space<hbm>>)
      %dma_wait3A_1010 = arith.constant 0 : i32
      %dma_wait3A_1011 = arith.constant 0 : i32
      %dma_wait3A_1012 = tpu.memref_slice %arg5[%select_n3A, %dma_wait3A_1010, %dma_wait3A_1011] : memref<504x117x300xf32, #tpu.memory_space<hbm>> -> memref<1x117x300xf32, #tpu.memory_space<hbm>>
      %dma_wait3A_1013 = tpu.memref_squeeze %dma_wait3A_1012 : memref<1x117x300xf32, #tpu.memory_space<hbm>> -> memref<117x300xf32, #tpu.memory_space<hbm>>
      %dma_wait3A_1014 = arith.constant 0 : i32
      %dma_wait3A_1015 = arith.constant 0 : i32
      %dma_wait3A_1016 = tpu.memref_slice %arg5[%select_n3A, %dma_wait3A_1014, %dma_wait3A_1015] : memref<504x117x300xf32, #tpu.memory_space<hbm>> -> memref<1x117x300xf32, #tpu.memory_space<hbm>>
      %dma_wait3A_1017 = tpu.memref_squeeze %dma_wait3A_1016 : memref<1x117x300xf32, #tpu.memory_space<hbm>> -> memref<117x300xf32, #tpu.memory_space<hbm>>
      tpu.wait_dma2 semaphore(%arg9 : memref<!tpu.dma_semaphore, #tpu.memory_space<semaphore_mem>>) src(%arg8 : memref<117x300xf32, #tpu.memory_space<vmem>>) dst(%dma_wait3A_1017 : memref<117x300xf32, #tpu.memory_space<hbm>>)
      %dma_wait3A_1018 = arith.constant 0 : i32
      %dma_wait3A_1019 = arith.constant 0 : i32
      %dma_wait3A_1020 = tpu.memref_slice %arg5[%select_n3A, %dma_wait3A_1018, %dma_wait3A_1019] : memref<504x117x300xf32, #tpu.memory_space<hbm>> -> memref<1x117x300xf32, #tpu.memory_space<hbm>>
      %dma_wait3A_1021 = tpu.memref_squeeze %dma_wait3A_1020 : memref<1x117x300xf32, #tpu.memory_space<hbm>> -> memref<117x300xf32, #tpu.memory_space<hbm>>
      %dma_wait3A_1022 = arith.constant 0 : i32
      %dma_wait3A_1023 = arith.constant 0 : i32
      %dma_wait3A_1024 = tpu.memref_slice %arg5[%select_n3A, %dma_wait3A_1022, %dma_wait3A_1023] : memref<504x117x300xf32, #tpu.memory_space<hbm>> -> memref<1x117x300xf32, #tpu.memory_space<hbm>>
      %dma_wait3A_1025 = tpu.memref_squeeze %dma_wait3A_1024 : memref<1x117x300xf32, #tpu.memory_space<hbm>> -> memref<117x300xf32, #tpu.memory_space<hbm>>
      tpu.wait_dma2 semaphore(%arg9 : memref<!tpu.dma_semaphore, #tpu.memory_space<semaphore_mem>>) src(%arg8 : memref<117x300xf32, #tpu.memory_space<vmem>>) dst(%dma_wait3A_1025 : memref<117x300xf32, #tpu.memory_space<hbm>>)
    } else {
    }
    %eq3A_5 = arith.constant 1 : i32
    %eq3A_6 = arith.cmpi eq, %rem3A_1, %eq3A_5 : i32
    %convert_element_type3A_7 = arith.extui %eq3A_6 : i1 to i32
    %cond3A_8 = arith.constant 0 : i32
    %cond3A_9 = arith.cmpi ne, %convert_element_type3A_7, %cond3A_8 : i32
    scf.if %cond3A_9 {
      %mul3A_15 = arith.constant 504 : i32
      %mul3A_16 = arith.muli %mul3A_15, %div3A_2 : i32
      %jit3A = arith.constant 11 : i32
      %div3A_17 = arith.divsi %mul3A_16, %jit3A : i32
      %sign3A = arith.constant 0 : i32
      %sign3A_18 = arith.cmpi sgt, %mul3A_16, %sign3A : i32
      %sign3A_19 = arith.extui %sign3A_18 : i1 to i32
      %sign3A_20 = arith.constant 0 : i32
      %sign3A_21 = arith.cmpi slt, %mul3A_16, %sign3A_20 : i32
      %sign3A_22 = arith.extui %sign3A_21 : i1 to i32
      %sign3A_23 = arith.subi %sign3A_19, %sign3A_22 : i32
      %sign3A_24 = arith.constant 0 : i32
      %sign3A_25 = arith.cmpi sgt, %jit3A, %sign3A_24 : i32
      %sign3A_26 = arith.extui %sign3A_25 : i1 to i32
      %sign3A_27 = arith.constant 0 : i32
      %sign3A_28 = arith.cmpi slt, %jit3A, %sign3A_27 : i32
      %sign3A_29 = arith.extui %sign3A_28 : i1 to i32
      %sign3A_30 = arith.subi %sign3A_26, %sign3A_29 : i32
      %ne3A = arith.cmpi ne, %sign3A_23, %sign3A_30 : i32
      %rem3A_31 = arith.remsi %mul3A_16, %jit3A : i32
      %ne3A_32 = arith.constant 0 : i32
      %ne3A_33 = arith.cmpi ne, %rem3A_31, %ne3A_32 : i32
      %and3A = arith.andi %ne3A, %ne3A_33 : i1
      %sub3A = arith.constant 1 : i32
      %sub3A_34 = arith.subi %div3A_17, %sub3A : i32
      %select_n3A = arith.select %and3A, %sub3A_34, %div3A_17 : i32
      %add3A_35 = arith.constant 1 : i32
      %add3A_36 = arith.addi %div3A_2, %add3A_35 : i32
      %mul3A_37 = arith.constant 504 : i32
      %mul3A_38 = arith.muli %mul3A_37, %add3A_36 : i32
      %jit3A_39 = arith.constant 11 : i32
      %div3A_40 = arith.divsi %mul3A_38, %jit3A_39 : i32
      %sign3A_41 = arith.constant 0 : i32
      %sign3A_42 = arith.cmpi sgt, %mul3A_38, %sign3A_41 : i32
      %sign3A_43 = arith.extui %sign3A_42 : i1 to i32
      %sign3A_44 = arith.constant 0 : i32
      %sign3A_45 = arith.cmpi slt, %mul3A_38, %sign3A_44 : i32
      %sign3A_46 = arith.extui %sign3A_45 : i1 to i32
      %sign3A_47 = arith.subi %sign3A_43, %sign3A_46 : i32
      %sign3A_48 = arith.constant 0 : i32
      %sign3A_49 = arith.cmpi sgt, %jit3A_39, %sign3A_48 : i32
      %sign3A_50 = arith.extui %sign3A_49 : i1 to i32
      %sign3A_51 = arith.constant 0 : i32
      %sign3A_52 = arith.cmpi slt, %jit3A_39, %sign3A_51 : i32
      %sign3A_53 = arith.extui %sign3A_52 : i1 to i32
      %sign3A_54 = arith.subi %sign3A_50, %sign3A_53 : i32
      %ne3A_55 = arith.cmpi ne, %sign3A_47, %sign3A_54 : i32
      %rem3A_56 = arith.remsi %mul3A_38, %jit3A_39 : i32
      %ne3A_57 = arith.constant 0 : i32
      %ne3A_58 = arith.cmpi ne, %rem3A_56, %ne3A_57 : i32
      %and3A_59 = arith.andi %ne3A_55, %ne3A_58 : i1
      %sub3A_60 = arith.constant 1 : i32
      %sub3A_61 = arith.subi %div3A_40, %sub3A_60 : i32
      %select_n3A_62 = arith.select %and3A_59, %sub3A_61, %div3A_40 : i32
      "tpu.region"() ({
        %run_scoped3A = tpu.sem_alloc : memref<!tpu.dma_semaphore, #tpu.memory_space<semaphore_mem>>
        tpu.enqueue_dma source(%arg3 : memref<117x300xf32, #tpu.memory_space<hbm>>) target(%arg8 : memref<117x300xf32, #tpu.memory_space<vmem>>) target_semaphore(%run_scoped3A : memref<!tpu.dma_semaphore, #tpu.memory_space<semaphore_mem>>)
        tpu.wait_dma2 semaphore(%run_scoped3A : memref<!tpu.dma_semaphore, #tpu.memory_space<semaphore_mem>>) src(%arg3 : memref<117x300xf32, #tpu.memory_space<hbm>>) dst(%arg8 : memref<117x300xf32, #tpu.memory_space<vmem>>)
        tpu.yield
      }) : () -> ()
      %add3A_63 = arith.constant 0 : i32
      %add3A_64 = arith.addi %select_n3A, %add3A_63 : i32
      %sub3A_65 = arith.constant 1 : i32
      %sub3A_66 = arith.subi %select_n3A_62, %sub3A_65 : i32
      %min3A = arith.minsi %add3A_64, %sub3A_66 : i32
      %dma_start3A = arith.constant 0 : i32
      %dma_start3A_67 = arith.constant 0 : i32
      %dma_start3A_68 = tpu.memref_slice %arg6[%min3A, %dma_start3A, %dma_start3A_67] : memref<504x117x300xf32, #tpu.memory_space<hbm>> -> memref<1x117x300xf32, #tpu.memory_space<hbm>>
      %dma_start3A_69 = tpu.memref_squeeze %dma_start3A_68 : memref<1x117x300xf32, #tpu.memory_space<hbm>> -> memref<117x300xf32, #tpu.memory_space<hbm>>
      %dma_start3A_70 = arith.constant 0 : i32
      %dma_start3A_71 = arith.constant 0 : i32
      %dma_start3A_72 = tpu.memref_slice %arg6[%min3A, %dma_start3A_70, %dma_start3A_71] : memref<504x117x300xf32, #tpu.memory_space<hbm>> -> memref<1x117x300xf32, #tpu.memory_space<hbm>>
      %dma_start3A_73 = tpu.memref_squeeze %dma_start3A_72 : memref<1x117x300xf32, #tpu.memory_space<hbm>> -> memref<117x300xf32, #tpu.memory_space<hbm>>
      tpu.enqueue_dma source(%arg8 : memref<117x300xf32, #tpu.memory_space<vmem>>) target(%dma_start3A_73 : memref<117x300xf32, #tpu.memory_space<hbm>>) target_semaphore(%arg9 : memref<!tpu.dma_semaphore, #tpu.memory_space<semaphore_mem>>)
      %add3A_74 = arith.constant 1 : i32
      %add3A_75 = arith.addi %select_n3A, %add3A_74 : i32
      %sub3A_76 = arith.constant 1 : i32
      %sub3A_77 = arith.subi %select_n3A_62, %sub3A_76 : i32
      %min3A_78 = arith.minsi %add3A_75, %sub3A_77 : i32
      %dma_start3A_79 = arith.constant 0 : i32
      %dma_start3A_80 = arith.constant 0 : i32
      %dma_start3A_81 = tpu.memref_slice %arg6[%min3A_78, %dma_start3A_79, %dma_start3A_80] : memref<504x117x300xf32, #tpu.memory_space<hbm>> -> memref<1x117x300xf32, #tpu.memory_space<hbm>>
      %dma_start3A_82 = tpu.memref_squeeze %dma_start3A_81 : memref<1x117x300xf32, #tpu.memory_space<hbm>> -> memref<117x300xf32, #tpu.memory_space<hbm>>
      %dma_start3A_83 = arith.constant 0 : i32
      %dma_start3A_84 = arith.constant 0 : i32
      %dma_start3A_85 = tpu.memref_slice %arg6[%min3A_78, %dma_start3A_83, %dma_start3A_84] : memref<504x117x300xf32, #tpu.memory_space<hbm>> -> memref<1x117x300xf32, #tpu.memory_space<hbm>>
      %dma_start3A_86 = tpu.memref_squeeze %dma_start3A_85 : memref<1x117x300xf32, #tpu.memory_space<hbm>> -> memref<117x300xf32, #tpu.memory_space<hbm>>
      tpu.enqueue_dma source(%arg8 : memref<117x300xf32, #tpu.memory_space<vmem>>) target(%dma_start3A_86 : memref<117x300xf32, #tpu.memory_space<hbm>>) target_semaphore(%arg9 : memref<!tpu.dma_semaphore, #tpu.memory_space<semaphore_mem>>)
      %add3A_87 = arith.constant 2 : i32
      %add3A_88 = arith.addi %select_n3A, %add3A_87 : i32
      %sub3A_89 = arith.constant 1 : i32
      %sub3A_90 = arith.subi %select_n3A_62, %sub3A_89 : i32
      %min3A_91 = arith.minsi %add3A_88, %sub3A_90 : i32
      %dma_start3A_92 = arith.constant 0 : i32
      %dma_start3A_93 = arith.constant 0 : i32
      %dma_start3A_94 = tpu.memref_slice %arg6[%min3A_91, %dma_start3A_92, %dma_start3A_93] : memref<504x117x300xf32, #tpu.memory_space<hbm>> -> memref<1x117x300xf32, #tpu.memory_space<hbm>>
      %dma_start3A_95 = tpu.memref_squeeze %dma_start3A_94 : memref<1x117x300xf32, #tpu.memory_space<hbm>> -> memref<117x300xf32, #tpu.memory_space<hbm>>
      %dma_start3A_96 = arith.constant 0 : i32
      %dma_start3A_97 = arith.constant 0 : i32
      %dma_start3A_98 = tpu.memref_slice %arg6[%min3A_91, %dma_start3A_96, %dma_start3A_97] : memref<504x117x300xf32, #tpu.memory_space<hbm>> -> memref<1x117x300xf32, #tpu.memory_space<hbm>>
      %dma_start3A_99 = tpu.memref_squeeze %dma_start3A_98 : memref<1x117x300xf32, #tpu.memory_space<hbm>> -> memref<117x300xf32, #tpu.memory_space<hbm>>
      tpu.enqueue_dma source(%arg8 : memref<117x300xf32, #tpu.memory_space<vmem>>) target(%dma_start3A_99 : memref<117x300xf32, #tpu.memory_space<hbm>>) target_semaphore(%arg9 : memref<!tpu.dma_semaphore, #tpu.memory_space<semaphore_mem>>)
      %add3A_100 = arith.constant 3 : i32
      %add3A_101 = arith.addi %select_n3A, %add3A_100 : i32
      %sub3A_102 = arith.constant 1 : i32
      %sub3A_103 = arith.subi %select_n3A_62, %sub3A_102 : i32
      %min3A_104 = arith.minsi %add3A_101, %sub3A_103 : i32
      %dma_start3A_105 = arith.constant 0 : i32
      %dma_start3A_106 = arith.constant 0 : i32
      %dma_start3A_107 = tpu.memref_slice %arg6[%min3A_104, %dma_start3A_105, %dma_start3A_106] : memref<504x117x300xf32, #tpu.memory_space<hbm>> -> memref<1x117x300xf32, #tpu.memory_space<hbm>>
      %dma_start3A_108 = tpu.memref_squeeze %dma_start3A_107 : memref<1x117x300xf32, #tpu.memory_space<hbm>> -> memref<117x300xf32, #tpu.memory_space<hbm>>
      %dma_start3A_109 = arith.constant 0 : i32
      %dma_start3A_110 = arith.constant 0 : i32
      %dma_start3A_111 = tpu.memref_slice %arg6[%min3A_104, %dma_start3A_109, %dma_start3A_110] : memref<504x117x300xf32, #tpu.memory_space<hbm>> -> memref<1x117x300xf32, #tpu.memory_space<hbm>>
      %dma_start3A_112 = tpu.memref_squeeze %dma_start3A_111 : memref<1x117x300xf32, #tpu.memory_space<hbm>> -> memref<117x300xf32, #tpu.memory_space<hbm>>
      tpu.enqueue_dma source(%arg8 : memref<117x300xf32, #tpu.memory_space<vmem>>) target(%dma_start3A_112 : memref<117x300xf32, #tpu.memory_space<hbm>>) target_semaphore(%arg9 : memref<!tpu.dma_semaphore, #tpu.memory_space<semaphore_mem>>)
      %add3A_113 = arith.constant 4 : i32
      %add3A_114 = arith.addi %select_n3A, %add3A_113 : i32
      %sub3A_115 = arith.constant 1 : i32
      %sub3A_116 = arith.subi %select_n3A_62, %sub3A_115 : i32
      %min3A_117 = arith.minsi %add3A_114, %sub3A_116 : i32
      %dma_start3A_118 = arith.constant 0 : i32
      %dma_start3A_119 = arith.constant 0 : i32
      %dma_start3A_120 = tpu.memref_slice %arg6[%min3A_117, %dma_start3A_118, %dma_start3A_119] : memref<504x117x300xf32, #tpu.memory_space<hbm>> -> memref<1x117x300xf32, #tpu.memory_space<hbm>>
      %dma_start3A_121 = tpu.memref_squeeze %dma_start3A_120 : memref<1x117x300xf32, #tpu.memory_space<hbm>> -> memref<117x300xf32, #tpu.memory_space<hbm>>
      %dma_start3A_122 = arith.constant 0 : i32
      %dma_start3A_123 = arith.constant 0 : i32
      %dma_start3A_124 = tpu.memref_slice %arg6[%min3A_117, %dma_start3A_122, %dma_start3A_123] : memref<504x117x300xf32, #tpu.memory_space<hbm>> -> memref<1x117x300xf32, #tpu.memory_space<hbm>>
      %dma_start3A_125 = tpu.memref_squeeze %dma_start3A_124 : memref<1x117x300xf32, #tpu.memory_space<hbm>> -> memref<117x300xf32, #tpu.memory_space<hbm>>
      tpu.enqueue_dma source(%arg8 : memref<117x300xf32, #tpu.memory_space<vmem>>) target(%dma_start3A_125 : memref<117x300xf32, #tpu.memory_space<hbm>>) target_semaphore(%arg9 : memref<!tpu.dma_semaphore, #tpu.memory_space<semaphore_mem>>)
      %dma_wait3A = arith.constant 0 : i32
      %dma_wait3A_126 = arith.constant 0 : i32
      %dma_wait3A_127 = tpu.memref_slice %arg6[%select_n3A, %dma_wait3A, %dma_wait3A_126] : memref<504x117x300xf32, #tpu.memory_space<hbm>> -> memref<1x117x300xf32, #tpu.memory_space<hbm>>
      %dma_wait3A_128 = tpu.memref_squeeze %dma_wait3A_127 : memref<1x117x300xf32, #tpu.memory_space<hbm>> -> memref<117x300xf32, #tpu.memory_space<hbm>>
      %dma_wait3A_129 = arith.constant 0 : i32
      %dma_wait3A_130 = arith.constant 0 : i32
      %dma_wait3A_131 = tpu.memref_slice %arg6[%select_n3A, %dma_wait3A_129, %dma_wait3A_130] : memref<504x117x300xf32, #tpu.memory_space<hbm>> -> memref<1x117x300xf32, #tpu.memory_space<hbm>>
      %dma_wait3A_132 = tpu.memref_squeeze %dma_wait3A_131 : memref<1x117x300xf32, #tpu.memory_space<hbm>> -> memref<117x300xf32, #tpu.memory_space<hbm>>
      tpu.wait_dma2 semaphore(%arg9 : memref<!tpu.dma_semaphore, #tpu.memory_space<semaphore_mem>>) src(%arg8 : memref<117x300xf32, #tpu.memory_space<vmem>>) dst(%dma_wait3A_132 : memref<117x300xf32, #tpu.memory_space<hbm>>)
      %add3A_133 = arith.constant 5 : i32
      %add3A_134 = arith.addi %select_n3A, %add3A_133 : i32
      %sub3A_135 = arith.constant 1 : i32
      %sub3A_136 = arith.subi %select_n3A_62, %sub3A_135 : i32
      %min3A_137 = arith.minsi %add3A_134, %sub3A_136 : i32
      %dma_start3A_138 = arith.constant 0 : i32
      %dma_start3A_139 = arith.constant 0 : i32
      %dma_start3A_140 = tpu.memref_slice %arg6[%min3A_137, %dma_start3A_138, %dma_start3A_139] : memref<504x117x300xf32, #tpu.memory_space<hbm>> -> memref<1x117x300xf32, #tpu.memory_space<hbm>>
      %dma_start3A_141 = tpu.memref_squeeze %dma_start3A_140 : memref<1x117x300xf32, #tpu.memory_space<hbm>> -> memref<117x300xf32, #tpu.memory_space<hbm>>
      %dma_start3A_142 = arith.constant 0 : i32
      %dma_start3A_143 = arith.constant 0 : i32
      %dma_start3A_144 = tpu.memref_slice %arg6[%min3A_137, %dma_start3A_142, %dma_start3A_143] : memref<504x117x300xf32, #tpu.memory_space<hbm>> -> memref<1x117x300xf32, #tpu.memory_space<hbm>>
      %dma_start3A_145 = tpu.memref_squeeze %dma_start3A_144 : memref<1x117x300xf32, #tpu.memory_space<hbm>> -> memref<117x300xf32, #tpu.memory_space<hbm>>
      tpu.enqueue_dma source(%arg8 : memref<117x300xf32, #tpu.memory_space<vmem>>) target(%dma_start3A_145 : memref<117x300xf32, #tpu.memory_space<hbm>>) target_semaphore(%arg9 : memref<!tpu.dma_semaphore, #tpu.memory_space<semaphore_mem>>)
      %dma_wait3A_146 = arith.constant 0 : i32
      %dma_wait3A_147 = arith.constant 0 : i32
      %dma_wait3A_148 = tpu.memref_slice %arg6[%select_n3A, %dma_wait3A_146, %dma_wait3A_147] : memref<504x117x300xf32, #tpu.memory_space<hbm>> -> memref<1x117x300xf32, #tpu.memory_space<hbm>>
      %dma_wait3A_149 = tpu.memref_squeeze %dma_wait3A_148 : memref<1x117x300xf32, #tpu.memory_space<hbm>> -> memref<117x300xf32, #tpu.memory_space<hbm>>
      %dma_wait3A_150 = arith.constant 0 : i32
      %dma_wait3A_151 = arith.constant 0 : i32
      %dma_wait3A_152 = tpu.memref_slice %arg6[%select_n3A, %dma_wait3A_150, %dma_wait3A_151] : memref<504x117x300xf32, #tpu.memory_space<hbm>> -> memref<1x117x300xf32, #tpu.memory_space<hbm>>
      %dma_wait3A_153 = tpu.memref_squeeze %dma_wait3A_152 : memref<1x117x300xf32, #tpu.memory_space<hbm>> -> memref<117x300xf32, #tpu.memory_space<hbm>>
      tpu.wait_dma2 semaphore(%arg9 : memref<!tpu.dma_semaphore, #tpu.memory_space<semaphore_mem>>) src(%arg8 : memref<117x300xf32, #tpu.memory_space<vmem>>) dst(%dma_wait3A_153 : memref<117x300xf32, #tpu.memory_space<hbm>>)
      %add3A_154 = arith.constant 6 : i32
      %add3A_155 = arith.addi %select_n3A, %add3A_154 : i32
      %sub3A_156 = arith.constant 1 : i32
      %sub3A_157 = arith.subi %select_n3A_62, %sub3A_156 : i32
      %min3A_158 = arith.minsi %add3A_155, %sub3A_157 : i32
      %dma_start3A_159 = arith.constant 0 : i32
      %dma_start3A_160 = arith.constant 0 : i32
      %dma_start3A_161 = tpu.memref_slice %arg6[%min3A_158, %dma_start3A_159, %dma_start3A_160] : memref<504x117x300xf32, #tpu.memory_space<hbm>> -> memref<1x117x300xf32, #tpu.memory_space<hbm>>
      %dma_start3A_162 = tpu.memref_squeeze %dma_start3A_161 : memref<1x117x300xf32, #tpu.memory_space<hbm>> -> memref<117x300xf32, #tpu.memory_space<hbm>>
      %dma_start3A_163 = arith.constant 0 : i32
      %dma_start3A_164 = arith.constant 0 : i32
      %dma_start3A_165 = tpu.memref_slice %arg6[%min3A_158, %dma_start3A_163, %dma_start3A_164] : memref<504x117x300xf32, #tpu.memory_space<hbm>> -> memref<1x117x300xf32, #tpu.memory_space<hbm>>
      %dma_start3A_166 = tpu.memref_squeeze %dma_start3A_165 : memref<1x117x300xf32, #tpu.memory_space<hbm>> -> memref<117x300xf32, #tpu.memory_space<hbm>>
      tpu.enqueue_dma source(%arg8 : memref<117x300xf32, #tpu.memory_space<vmem>>) target(%dma_start3A_166 : memref<117x300xf32, #tpu.memory_space<hbm>>) target_semaphore(%arg9 : memref<!tpu.dma_semaphore, #tpu.memory_space<semaphore_mem>>)
      %dma_wait3A_167 = arith.constant 0 : i32
      %dma_wait3A_168 = arith.constant 0 : i32
      %dma_wait3A_169 = tpu.memref_slice %arg6[%select_n3A, %dma_wait3A_167, %dma_wait3A_168] : memref<504x117x300xf32, #tpu.memory_space<hbm>> -> memref<1x117x300xf32, #tpu.memory_space<hbm>>
      %dma_wait3A_170 = tpu.memref_squeeze %dma_wait3A_169 : memref<1x117x300xf32, #tpu.memory_space<hbm>> -> memref<117x300xf32, #tpu.memory_space<hbm>>
      %dma_wait3A_171 = arith.constant 0 : i32
      %dma_wait3A_172 = arith.constant 0 : i32
      %dma_wait3A_173 = tpu.memref_slice %arg6[%select_n3A, %dma_wait3A_171, %dma_wait3A_172] : memref<504x117x300xf32, #tpu.memory_space<hbm>> -> memref<1x117x300xf32, #tpu.memory_space<hbm>>
      %dma_wait3A_174 = tpu.memref_squeeze %dma_wait3A_173 : memref<1x117x300xf32, #tpu.memory_space<hbm>> -> memref<117x300xf32, #tpu.memory_space<hbm>>
      tpu.wait_dma2 semaphore(%arg9 : memref<!tpu.dma_semaphore, #tpu.memory_space<semaphore_mem>>) src(%arg8 : memref<117x300xf32, #tpu.memory_space<vmem>>) dst(%dma_wait3A_174 : memref<117x300xf32, #tpu.memory_space<hbm>>)
      %add3A_175 = arith.constant 7 : i32
      %add3A_176 = arith.addi %select_n3A, %add3A_175 : i32
      %sub3A_177 = arith.constant 1 : i32
      %sub3A_178 = arith.subi %select_n3A_62, %sub3A_177 : i32
      %min3A_179 = arith.minsi %add3A_176, %sub3A_178 : i32
      %dma_start3A_180 = arith.constant 0 : i32
      %dma_start3A_181 = arith.constant 0 : i32
      %dma_start3A_182 = tpu.memref_slice %arg6[%min3A_179, %dma_start3A_180, %dma_start3A_181] : memref<504x117x300xf32, #tpu.memory_space<hbm>> -> memref<1x117x300xf32, #tpu.memory_space<hbm>>
      %dma_start3A_183 = tpu.memref_squeeze %dma_start3A_182 : memref<1x117x300xf32, #tpu.memory_space<hbm>> -> memref<117x300xf32, #tpu.memory_space<hbm>>
      %dma_start3A_184 = arith.constant 0 : i32
      %dma_start3A_185 = arith.constant 0 : i32
      %dma_start3A_186 = tpu.memref_slice %arg6[%min3A_179, %dma_start3A_184, %dma_start3A_185] : memref<504x117x300xf32, #tpu.memory_space<hbm>> -> memref<1x117x300xf32, #tpu.memory_space<hbm>>
      %dma_start3A_187 = tpu.memref_squeeze %dma_start3A_186 : memref<1x117x300xf32, #tpu.memory_space<hbm>> -> memref<117x300xf32, #tpu.memory_space<hbm>>
      tpu.enqueue_dma source(%arg8 : memref<117x300xf32, #tpu.memory_space<vmem>>) target(%dma_start3A_187 : memref<117x300xf32, #tpu.memory_space<hbm>>) target_semaphore(%arg9 : memref<!tpu.dma_semaphore, #tpu.memory_space<semaphore_mem>>)
      %dma_wait3A_188 = arith.constant 0 : i32
      %dma_wait3A_189 = arith.constant 0 : i32
      %dma_wait3A_190 = tpu.memref_slice %arg6[%select_n3A, %dma_wait3A_188, %dma_wait3A_189] : memref<504x117x300xf32, #tpu.memory_space<hbm>> -> memref<1x117x300xf32, #tpu.memory_space<hbm>>
      %dma_wait3A_191 = tpu.memref_squeeze %dma_wait3A_190 : memref<1x117x300xf32, #tpu.memory_space<hbm>> -> memref<117x300xf32, #tpu.memory_space<hbm>>
      %dma_wait3A_192 = arith.constant 0 : i32
      %dma_wait3A_193 = arith.constant 0 : i32
      %dma_wait3A_194 = tpu.memref_slice %arg6[%select_n3A, %dma_wait3A_192, %dma_wait3A_193] : memref<504x117x300xf32, #tpu.memory_space<hbm>> -> memref<1x117x300xf32, #tpu.memory_space<hbm>>
      %dma_wait3A_195 = tpu.memref_squeeze %dma_wait3A_194 : memref<1x117x300xf32, #tpu.memory_space<hbm>> -> memref<117x300xf32, #tpu.memory_space<hbm>>
      tpu.wait_dma2 semaphore(%arg9 : memref<!tpu.dma_semaphore, #tpu.memory_space<semaphore_mem>>) src(%arg8 : memref<117x300xf32, #tpu.memory_space<vmem>>) dst(%dma_wait3A_195 : memref<117x300xf32, #tpu.memory_space<hbm>>)
      %add3A_196 = arith.constant 8 : i32
      %add3A_197 = arith.addi %select_n3A, %add3A_196 : i32
      %sub3A_198 = arith.constant 1 : i32
      %sub3A_199 = arith.subi %select_n3A_62, %sub3A_198 : i32
      %min3A_200 = arith.minsi %add3A_197, %sub3A_199 : i32
      %dma_start3A_201 = arith.constant 0 : i32
      %dma_start3A_202 = arith.constant 0 : i32
      %dma_start3A_203 = tpu.memref_slice %arg6[%min3A_200, %dma_start3A_201, %dma_start3A_202] : memref<504x117x300xf32, #tpu.memory_space<hbm>> -> memref<1x117x300xf32, #tpu.memory_space<hbm>>
      %dma_start3A_204 = tpu.memref_squeeze %dma_start3A_203 : memref<1x117x300xf32, #tpu.memory_space<hbm>> -> memref<117x300xf32, #tpu.memory_space<hbm>>
      %dma_start3A_205 = arith.constant 0 : i32
      %dma_start3A_206 = arith.constant 0 : i32
      %dma_start3A_207 = tpu.memref_slice %arg6[%min3A_200, %dma_start3A_205, %dma_start3A_206] : memref<504x117x300xf32, #tpu.memory_space<hbm>> -> memref<1x117x300xf32, #tpu.memory_space<hbm>>
      %dma_start3A_208 = tpu.memref_squeeze %dma_start3A_207 : memref<1x117x300xf32, #tpu.memory_space<hbm>> -> memref<117x300xf32, #tpu.memory_space<hbm>>
      tpu.enqueue_dma source(%arg8 : memref<117x300xf32, #tpu.memory_space<vmem>>) target(%dma_start3A_208 : memref<117x300xf32, #tpu.memory_space<hbm>>) target_semaphore(%arg9 : memref<!tpu.dma_semaphore, #tpu.memory_space<semaphore_mem>>)
      %dma_wait3A_209 = arith.constant 0 : i32
      %dma_wait3A_210 = arith.constant 0 : i32
      %dma_wait3A_211 = tpu.memref_slice %arg6[%select_n3A, %dma_wait3A_209, %dma_wait3A_210] : memref<504x117x300xf32, #tpu.memory_space<hbm>> -> memref<1x117x300xf32, #tpu.memory_space<hbm>>
      %dma_wait3A_212 = tpu.memref_squeeze %dma_wait3A_211 : memref<1x117x300xf32, #tpu.memory_space<hbm>> -> memref<117x300xf32, #tpu.memory_space<hbm>>
      %dma_wait3A_213 = arith.constant 0 : i32
      %dma_wait3A_214 = arith.constant 0 : i32
      %dma_wait3A_215 = tpu.memref_slice %arg6[%select_n3A, %dma_wait3A_213, %dma_wait3A_214] : memref<504x117x300xf32, #tpu.memory_space<hbm>> -> memref<1x117x300xf32, #tpu.memory_space<hbm>>
      %dma_wait3A_216 = tpu.memref_squeeze %dma_wait3A_215 : memref<1x117x300xf32, #tpu.memory_space<hbm>> -> memref<117x300xf32, #tpu.memory_space<hbm>>
      tpu.wait_dma2 semaphore(%arg9 : memref<!tpu.dma_semaphore, #tpu.memory_space<semaphore_mem>>) src(%arg8 : memref<117x300xf32, #tpu.memory_space<vmem>>) dst(%dma_wait3A_216 : memref<117x300xf32, #tpu.memory_space<hbm>>)
      %add3A_217 = arith.constant 9 : i32
      %add3A_218 = arith.addi %select_n3A, %add3A_217 : i32
      %sub3A_219 = arith.constant 1 : i32
      %sub3A_220 = arith.subi %select_n3A_62, %sub3A_219 : i32
      %min3A_221 = arith.minsi %add3A_218, %sub3A_220 : i32
      %dma_start3A_222 = arith.constant 0 : i32
      %dma_start3A_223 = arith.constant 0 : i32
      %dma_start3A_224 = tpu.memref_slice %arg6[%min3A_221, %dma_start3A_222, %dma_start3A_223] : memref<504x117x300xf32, #tpu.memory_space<hbm>> -> memref<1x117x300xf32, #tpu.memory_space<hbm>>
      %dma_start3A_225 = tpu.memref_squeeze %dma_start3A_224 : memref<1x117x300xf32, #tpu.memory_space<hbm>> -> memref<117x300xf32, #tpu.memory_space<hbm>>
      %dma_start3A_226 = arith.constant 0 : i32
      %dma_start3A_227 = arith.constant 0 : i32
      %dma_start3A_228 = tpu.memref_slice %arg6[%min3A_221, %dma_start3A_226, %dma_start3A_227] : memref<504x117x300xf32, #tpu.memory_space<hbm>> -> memref<1x117x300xf32, #tpu.memory_space<hbm>>
      %dma_start3A_229 = tpu.memref_squeeze %dma_start3A_228 : memref<1x117x300xf32, #tpu.memory_space<hbm>> -> memref<117x300xf32, #tpu.memory_space<hbm>>
      tpu.enqueue_dma source(%arg8 : memref<117x300xf32, #tpu.memory_space<vmem>>) target(%dma_start3A_229 : memref<117x300xf32, #tpu.memory_space<hbm>>) target_semaphore(%arg9 : memref<!tpu.dma_semaphore, #tpu.memory_space<semaphore_mem>>)
      %dma_wait3A_230 = arith.constant 0 : i32
      %dma_wait3A_231 = arith.constant 0 : i32
      %dma_wait3A_232 = tpu.memref_slice %arg6[%select_n3A, %dma_wait3A_230, %dma_wait3A_231] : memref<504x117x300xf32, #tpu.memory_space<hbm>> -> memref<1x117x300xf32, #tpu.memory_space<hbm>>
      %dma_wait3A_233 = tpu.memref_squeeze %dma_wait3A_232 : memref<1x117x300xf32, #tpu.memory_space<hbm>> -> memref<117x300xf32, #tpu.memory_space<hbm>>
      %dma_wait3A_234 = arith.constant 0 : i32
      %dma_wait3A_235 = arith.constant 0 : i32
      %dma_wait3A_236 = tpu.memref_slice %arg6[%select_n3A, %dma_wait3A_234, %dma_wait3A_235] : memref<504x117x300xf32, #tpu.memory_space<hbm>> -> memref<1x117x300xf32, #tpu.memory_space<hbm>>
      %dma_wait3A_237 = tpu.memref_squeeze %dma_wait3A_236 : memref<1x117x300xf32, #tpu.memory_space<hbm>> -> memref<117x300xf32, #tpu.memory_space<hbm>>
      tpu.wait_dma2 semaphore(%arg9 : memref<!tpu.dma_semaphore, #tpu.memory_space<semaphore_mem>>) src(%arg8 : memref<117x300xf32, #tpu.memory_space<vmem>>) dst(%dma_wait3A_237 : memref<117x300xf32, #tpu.memory_space<hbm>>)
      %add3A_238 = arith.constant 10 : i32
      %add3A_239 = arith.addi %select_n3A, %add3A_238 : i32
      %sub3A_240 = arith.constant 1 : i32
      %sub3A_241 = arith.subi %select_n3A_62, %sub3A_240 : i32
      %min3A_242 = arith.minsi %add3A_239, %sub3A_241 : i32
      %dma_start3A_243 = arith.constant 0 : i32
      %dma_start3A_244 = arith.constant 0 : i32
      %dma_start3A_245 = tpu.memref_slice %arg6[%min3A_242, %dma_start3A_243, %dma_start3A_244] : memref<504x117x300xf32, #tpu.memory_space<hbm>> -> memref<1x117x300xf32, #tpu.memory_space<hbm>>
      %dma_start3A_246 = tpu.memref_squeeze %dma_start3A_245 : memref<1x117x300xf32, #tpu.memory_space<hbm>> -> memref<117x300xf32, #tpu.memory_space<hbm>>
      %dma_start3A_247 = arith.constant 0 : i32
      %dma_start3A_248 = arith.constant 0 : i32
      %dma_start3A_249 = tpu.memref_slice %arg6[%min3A_242, %dma_start3A_247, %dma_start3A_248] : memref<504x117x300xf32, #tpu.memory_space<hbm>> -> memref<1x117x300xf32, #tpu.memory_space<hbm>>
      %dma_start3A_250 = tpu.memref_squeeze %dma_start3A_249 : memref<1x117x300xf32, #tpu.memory_space<hbm>> -> memref<117x300xf32, #tpu.memory_space<hbm>>
      tpu.enqueue_dma source(%arg8 : memref<117x300xf32, #tpu.memory_space<vmem>>) target(%dma_start3A_250 : memref<117x300xf32, #tpu.memory_space<hbm>>) target_semaphore(%arg9 : memref<!tpu.dma_semaphore, #tpu.memory_space<semaphore_mem>>)
      %dma_wait3A_251 = arith.constant 0 : i32
      %dma_wait3A_252 = arith.constant 0 : i32
      %dma_wait3A_253 = tpu.memref_slice %arg6[%select_n3A, %dma_wait3A_251, %dma_wait3A_252] : memref<504x117x300xf32, #tpu.memory_space<hbm>> -> memref<1x117x300xf32, #tpu.memory_space<hbm>>
      %dma_wait3A_254 = tpu.memref_squeeze %dma_wait3A_253 : memref<1x117x300xf32, #tpu.memory_space<hbm>> -> memref<117x300xf32, #tpu.memory_space<hbm>>
      %dma_wait3A_255 = arith.constant 0 : i32
      %dma_wait3A_256 = arith.constant 0 : i32
      %dma_wait3A_257 = tpu.memref_slice %arg6[%select_n3A, %dma_wait3A_255, %dma_wait3A_256] : memref<504x117x300xf32, #tpu.memory_space<hbm>> -> memref<1x117x300xf32, #tpu.memory_space<hbm>>
      %dma_wait3A_258 = tpu.memref_squeeze %dma_wait3A_257 : memref<1x117x300xf32, #tpu.memory_space<hbm>> -> memref<117x300xf32, #tpu.memory_space<hbm>>
      tpu.wait_dma2 semaphore(%arg9 : memref<!tpu.dma_semaphore, #tpu.memory_space<semaphore_mem>>) src(%arg8 : memref<117x300xf32, #tpu.memory_space<vmem>>) dst(%dma_wait3A_258 : memref<117x300xf32, #tpu.memory_space<hbm>>)
      %add3A_259 = arith.constant 11 : i32
      %add3A_260 = arith.addi %select_n3A, %add3A_259 : i32
      %sub3A_261 = arith.constant 1 : i32
      %sub3A_262 = arith.subi %select_n3A_62, %sub3A_261 : i32
      %min3A_263 = arith.minsi %add3A_260, %sub3A_262 : i32
      %dma_start3A_264 = arith.constant 0 : i32
      %dma_start3A_265 = arith.constant 0 : i32
      %dma_start3A_266 = tpu.memref_slice %arg6[%min3A_263, %dma_start3A_264, %dma_start3A_265] : memref<504x117x300xf32, #tpu.memory_space<hbm>> -> memref<1x117x300xf32, #tpu.memory_space<hbm>>
      %dma_start3A_267 = tpu.memref_squeeze %dma_start3A_266 : memref<1x117x300xf32, #tpu.memory_space<hbm>> -> memref<117x300xf32, #tpu.memory_space<hbm>>
      %dma_start3A_268 = arith.constant 0 : i32
      %dma_start3A_269 = arith.constant 0 : i32
      %dma_start3A_270 = tpu.memref_slice %arg6[%min3A_263, %dma_start3A_268, %dma_start3A_269] : memref<504x117x300xf32, #tpu.memory_space<hbm>> -> memref<1x117x300xf32, #tpu.memory_space<hbm>>
      %dma_start3A_271 = tpu.memref_squeeze %dma_start3A_270 : memref<1x117x300xf32, #tpu.memory_space<hbm>> -> memref<117x300xf32, #tpu.memory_space<hbm>>
      tpu.enqueue_dma source(%arg8 : memref<117x300xf32, #tpu.memory_space<vmem>>) target(%dma_start3A_271 : memref<117x300xf32, #tpu.memory_space<hbm>>) target_semaphore(%arg9 : memref<!tpu.dma_semaphore, #tpu.memory_space<semaphore_mem>>)
      %dma_wait3A_272 = arith.constant 0 : i32
      %dma_wait3A_273 = arith.constant 0 : i32
      %dma_wait3A_274 = tpu.memref_slice %arg6[%select_n3A, %dma_wait3A_272, %dma_wait3A_273] : memref<504x117x300xf32, #tpu.memory_space<hbm>> -> memref<1x117x300xf32, #tpu.memory_space<hbm>>
      %dma_wait3A_275 = tpu.memref_squeeze %dma_wait3A_274 : memref<1x117x300xf32, #tpu.memory_space<hbm>> -> memref<117x300xf32, #tpu.memory_space<hbm>>
      %dma_wait3A_276 = arith.constant 0 : i32
      %dma_wait3A_277 = arith.constant 0 : i32
      %dma_wait3A_278 = tpu.memref_slice %arg6[%select_n3A, %dma_wait3A_276, %dma_wait3A_277] : memref<504x117x300xf32, #tpu.memory_space<hbm>> -> memref<1x117x300xf32, #tpu.memory_space<hbm>>
      %dma_wait3A_279 = tpu.memref_squeeze %dma_wait3A_278 : memref<1x117x300xf32, #tpu.memory_space<hbm>> -> memref<117x300xf32, #tpu.memory_space<hbm>>
      tpu.wait_dma2 semaphore(%arg9 : memref<!tpu.dma_semaphore, #tpu.memory_space<semaphore_mem>>) src(%arg8 : memref<117x300xf32, #tpu.memory_space<vmem>>) dst(%dma_wait3A_279 : memref<117x300xf32, #tpu.memory_space<hbm>>)
      %add3A_280 = arith.constant 12 : i32
      %add3A_281 = arith.addi %select_n3A, %add3A_280 : i32
      %sub3A_282 = arith.constant 1 : i32
      %sub3A_283 = arith.subi %select_n3A_62, %sub3A_282 : i32
      %min3A_284 = arith.minsi %add3A_281, %sub3A_283 : i32
      %dma_start3A_285 = arith.constant 0 : i32
      %dma_start3A_286 = arith.constant 0 : i32
      %dma_start3A_287 = tpu.memref_slice %arg6[%min3A_284, %dma_start3A_285, %dma_start3A_286] : memref<504x117x300xf32, #tpu.memory_space<hbm>> -> memref<1x117x300xf32, #tpu.memory_space<hbm>>
      %dma_start3A_288 = tpu.memref_squeeze %dma_start3A_287 : memref<1x117x300xf32, #tpu.memory_space<hbm>> -> memref<117x300xf32, #tpu.memory_space<hbm>>
      %dma_start3A_289 = arith.constant 0 : i32
      %dma_start3A_290 = arith.constant 0 : i32
      %dma_start3A_291 = tpu.memref_slice %arg6[%min3A_284, %dma_start3A_289, %dma_start3A_290] : memref<504x117x300xf32, #tpu.memory_space<hbm>> -> memref<1x117x300xf32, #tpu.memory_space<hbm>>
      %dma_start3A_292 = tpu.memref_squeeze %dma_start3A_291 : memref<1x117x300xf32, #tpu.memory_space<hbm>> -> memref<117x300xf32, #tpu.memory_space<hbm>>
      tpu.enqueue_dma source(%arg8 : memref<117x300xf32, #tpu.memory_space<vmem>>) target(%dma_start3A_292 : memref<117x300xf32, #tpu.memory_space<hbm>>) target_semaphore(%arg9 : memref<!tpu.dma_semaphore, #tpu.memory_space<semaphore_mem>>)
      %dma_wait3A_293 = arith.constant 0 : i32
      %dma_wait3A_294 = arith.constant 0 : i32
      %dma_wait3A_295 = tpu.memref_slice %arg6[%select_n3A, %dma_wait3A_293, %dma_wait3A_294] : memref<504x117x300xf32, #tpu.memory_space<hbm>> -> memref<1x117x300xf32, #tpu.memory_space<hbm>>
      %dma_wait3A_296 = tpu.memref_squeeze %dma_wait3A_295 : memref<1x117x300xf32, #tpu.memory_space<hbm>> -> memref<117x300xf32, #tpu.memory_space<hbm>>
      %dma_wait3A_297 = arith.constant 0 : i32
      %dma_wait3A_298 = arith.constant 0 : i32
      %dma_wait3A_299 = tpu.memref_slice %arg6[%select_n3A, %dma_wait3A_297, %dma_wait3A_298] : memref<504x117x300xf32, #tpu.memory_space<hbm>> -> memref<1x117x300xf32, #tpu.memory_space<hbm>>
      %dma_wait3A_300 = tpu.memref_squeeze %dma_wait3A_299 : memref<1x117x300xf32, #tpu.memory_space<hbm>> -> memref<117x300xf32, #tpu.memory_space<hbm>>
      tpu.wait_dma2 semaphore(%arg9 : memref<!tpu.dma_semaphore, #tpu.memory_space<semaphore_mem>>) src(%arg8 : memref<117x300xf32, #tpu.memory_space<vmem>>) dst(%dma_wait3A_300 : memref<117x300xf32, #tpu.memory_space<hbm>>)
      %add3A_301 = arith.constant 13 : i32
      %add3A_302 = arith.addi %select_n3A, %add3A_301 : i32
      %sub3A_303 = arith.constant 1 : i32
      %sub3A_304 = arith.subi %select_n3A_62, %sub3A_303 : i32
      %min3A_305 = arith.minsi %add3A_302, %sub3A_304 : i32
      %dma_start3A_306 = arith.constant 0 : i32
      %dma_start3A_307 = arith.constant 0 : i32
      %dma_start3A_308 = tpu.memref_slice %arg6[%min3A_305, %dma_start3A_306, %dma_start3A_307] : memref<504x117x300xf32, #tpu.memory_space<hbm>> -> memref<1x117x300xf32, #tpu.memory_space<hbm>>
      %dma_start3A_309 = tpu.memref_squeeze %dma_start3A_308 : memref<1x117x300xf32, #tpu.memory_space<hbm>> -> memref<117x300xf32, #tpu.memory_space<hbm>>
      %dma_start3A_310 = arith.constant 0 : i32
      %dma_start3A_311 = arith.constant 0 : i32
      %dma_start3A_312 = tpu.memref_slice %arg6[%min3A_305, %dma_start3A_310, %dma_start3A_311] : memref<504x117x300xf32, #tpu.memory_space<hbm>> -> memref<1x117x300xf32, #tpu.memory_space<hbm>>
      %dma_start3A_313 = tpu.memref_squeeze %dma_start3A_312 : memref<1x117x300xf32, #tpu.memory_space<hbm>> -> memref<117x300xf32, #tpu.memory_space<hbm>>
      tpu.enqueue_dma source(%arg8 : memref<117x300xf32, #tpu.memory_space<vmem>>) target(%dma_start3A_313 : memref<117x300xf32, #tpu.memory_space<hbm>>) target_semaphore(%arg9 : memref<!tpu.dma_semaphore, #tpu.memory_space<semaphore_mem>>)
      %dma_wait3A_314 = arith.constant 0 : i32
      %dma_wait3A_315 = arith.constant 0 : i32
      %dma_wait3A_316 = tpu.memref_slice %arg6[%select_n3A, %dma_wait3A_314, %dma_wait3A_315] : memref<504x117x300xf32, #tpu.memory_space<hbm>> -> memref<1x117x300xf32, #tpu.memory_space<hbm>>
      %dma_wait3A_317 = tpu.memref_squeeze %dma_wait3A_316 : memref<1x117x300xf32, #tpu.memory_space<hbm>> -> memref<117x300xf32, #tpu.memory_space<hbm>>
      %dma_wait3A_318 = arith.constant 0 : i32
      %dma_wait3A_319 = arith.constant 0 : i32
      %dma_wait3A_320 = tpu.memref_slice %arg6[%select_n3A, %dma_wait3A_318, %dma_wait3A_319] : memref<504x117x300xf32, #tpu.memory_space<hbm>> -> memref<1x117x300xf32, #tpu.memory_space<hbm>>
      %dma_wait3A_321 = tpu.memref_squeeze %dma_wait3A_320 : memref<1x117x300xf32, #tpu.memory_space<hbm>> -> memref<117x300xf32, #tpu.memory_space<hbm>>
      tpu.wait_dma2 semaphore(%arg9 : memref<!tpu.dma_semaphore, #tpu.memory_space<semaphore_mem>>) src(%arg8 : memref<117x300xf32, #tpu.memory_space<vmem>>) dst(%dma_wait3A_321 : memref<117x300xf32, #tpu.memory_space<hbm>>)
      %add3A_322 = arith.constant 14 : i32
      %add3A_323 = arith.addi %select_n3A, %add3A_322 : i32
      %sub3A_324 = arith.constant 1 : i32
      %sub3A_325 = arith.subi %select_n3A_62, %sub3A_324 : i32
      %min3A_326 = arith.minsi %add3A_323, %sub3A_325 : i32
      %dma_start3A_327 = arith.constant 0 : i32
      %dma_start3A_328 = arith.constant 0 : i32
      %dma_start3A_329 = tpu.memref_slice %arg6[%min3A_326, %dma_start3A_327, %dma_start3A_328] : memref<504x117x300xf32, #tpu.memory_space<hbm>> -> memref<1x117x300xf32, #tpu.memory_space<hbm>>
      %dma_start3A_330 = tpu.memref_squeeze %dma_start3A_329 : memref<1x117x300xf32, #tpu.memory_space<hbm>> -> memref<117x300xf32, #tpu.memory_space<hbm>>
      %dma_start3A_331 = arith.constant 0 : i32
      %dma_start3A_332 = arith.constant 0 : i32
      %dma_start3A_333 = tpu.memref_slice %arg6[%min3A_326, %dma_start3A_331, %dma_start3A_332] : memref<504x117x300xf32, #tpu.memory_space<hbm>> -> memref<1x117x300xf32, #tpu.memory_space<hbm>>
      %dma_start3A_334 = tpu.memref_squeeze %dma_start3A_333 : memref<1x117x300xf32, #tpu.memory_space<hbm>> -> memref<117x300xf32, #tpu.memory_space<hbm>>
      tpu.enqueue_dma source(%arg8 : memref<117x300xf32, #tpu.memory_space<vmem>>) target(%dma_start3A_334 : memref<117x300xf32, #tpu.memory_space<hbm>>) target_semaphore(%arg9 : memref<!tpu.dma_semaphore, #tpu.memory_space<semaphore_mem>>)
      %dma_wait3A_335 = arith.constant 0 : i32
      %dma_wait3A_336 = arith.constant 0 : i32
      %dma_wait3A_337 = tpu.memref_slice %arg6[%select_n3A, %dma_wait3A_335, %dma_wait3A_336] : memref<504x117x300xf32, #tpu.memory_space<hbm>> -> memref<1x117x300xf32, #tpu.memory_space<hbm>>
      %dma_wait3A_338 = tpu.memref_squeeze %dma_wait3A_337 : memref<1x117x300xf32, #tpu.memory_space<hbm>> -> memref<117x300xf32, #tpu.memory_space<hbm>>
      %dma_wait3A_339 = arith.constant 0 : i32
      %dma_wait3A_340 = arith.constant 0 : i32
      %dma_wait3A_341 = tpu.memref_slice %arg6[%select_n3A, %dma_wait3A_339, %dma_wait3A_340] : memref<504x117x300xf32, #tpu.memory_space<hbm>> -> memref<1x117x300xf32, #tpu.memory_space<hbm>>
      %dma_wait3A_342 = tpu.memref_squeeze %dma_wait3A_341 : memref<1x117x300xf32, #tpu.memory_space<hbm>> -> memref<117x300xf32, #tpu.memory_space<hbm>>
      tpu.wait_dma2 semaphore(%arg9 : memref<!tpu.dma_semaphore, #tpu.memory_space<semaphore_mem>>) src(%arg8 : memref<117x300xf32, #tpu.memory_space<vmem>>) dst(%dma_wait3A_342 : memref<117x300xf32, #tpu.memory_space<hbm>>)
      %add3A_343 = arith.constant 15 : i32
      %add3A_344 = arith.addi %select_n3A, %add3A_343 : i32
      %sub3A_345 = arith.constant 1 : i32
      %sub3A_346 = arith.subi %select_n3A_62, %sub3A_345 : i32
      %min3A_347 = arith.minsi %add3A_344, %sub3A_346 : i32
      %dma_start3A_348 = arith.constant 0 : i32
      %dma_start3A_349 = arith.constant 0 : i32
      %dma_start3A_350 = tpu.memref_slice %arg6[%min3A_347, %dma_start3A_348, %dma_start3A_349] : memref<504x117x300xf32, #tpu.memory_space<hbm>> -> memref<1x117x300xf32, #tpu.memory_space<hbm>>
      %dma_start3A_351 = tpu.memref_squeeze %dma_start3A_350 : memref<1x117x300xf32, #tpu.memory_space<hbm>> -> memref<117x300xf32, #tpu.memory_space<hbm>>
      %dma_start3A_352 = arith.constant 0 : i32
      %dma_start3A_353 = arith.constant 0 : i32
      %dma_start3A_354 = tpu.memref_slice %arg6[%min3A_347, %dma_start3A_352, %dma_start3A_353] : memref<504x117x300xf32, #tpu.memory_space<hbm>> -> memref<1x117x300xf32, #tpu.memory_space<hbm>>
      %dma_start3A_355 = tpu.memref_squeeze %dma_start3A_354 : memref<1x117x300xf32, #tpu.memory_space<hbm>> -> memref<117x300xf32, #tpu.memory_space<hbm>>
      tpu.enqueue_dma source(%arg8 : memref<117x300xf32, #tpu.memory_space<vmem>>) target(%dma_start3A_355 : memref<117x300xf32, #tpu.memory_space<hbm>>) target_semaphore(%arg9 : memref<!tpu.dma_semaphore, #tpu.memory_space<semaphore_mem>>)
      %dma_wait3A_356 = arith.constant 0 : i32
      %dma_wait3A_357 = arith.constant 0 : i32
      %dma_wait3A_358 = tpu.memref_slice %arg6[%select_n3A, %dma_wait3A_356, %dma_wait3A_357] : memref<504x117x300xf32, #tpu.memory_space<hbm>> -> memref<1x117x300xf32, #tpu.memory_space<hbm>>
      %dma_wait3A_359 = tpu.memref_squeeze %dma_wait3A_358 : memref<1x117x300xf32, #tpu.memory_space<hbm>> -> memref<117x300xf32, #tpu.memory_space<hbm>>
      %dma_wait3A_360 = arith.constant 0 : i32
      %dma_wait3A_361 = arith.constant 0 : i32
      %dma_wait3A_362 = tpu.memref_slice %arg6[%select_n3A, %dma_wait3A_360, %dma_wait3A_361] : memref<504x117x300xf32, #tpu.memory_space<hbm>> -> memref<1x117x300xf32, #tpu.memory_space<hbm>>
      %dma_wait3A_363 = tpu.memref_squeeze %dma_wait3A_362 : memref<1x117x300xf32, #tpu.memory_space<hbm>> -> memref<117x300xf32, #tpu.memory_space<hbm>>
      tpu.wait_dma2 semaphore(%arg9 : memref<!tpu.dma_semaphore, #tpu.memory_space<semaphore_mem>>) src(%arg8 : memref<117x300xf32, #tpu.memory_space<vmem>>) dst(%dma_wait3A_363 : memref<117x300xf32, #tpu.memory_space<hbm>>)
      %add3A_364 = arith.constant 16 : i32
      %add3A_365 = arith.addi %select_n3A, %add3A_364 : i32
      %sub3A_366 = arith.constant 1 : i32
      %sub3A_367 = arith.subi %select_n3A_62, %sub3A_366 : i32
      %min3A_368 = arith.minsi %add3A_365, %sub3A_367 : i32
      %dma_start3A_369 = arith.constant 0 : i32
      %dma_start3A_370 = arith.constant 0 : i32
      %dma_start3A_371 = tpu.memref_slice %arg6[%min3A_368, %dma_start3A_369, %dma_start3A_370] : memref<504x117x300xf32, #tpu.memory_space<hbm>> -> memref<1x117x300xf32, #tpu.memory_space<hbm>>
      %dma_start3A_372 = tpu.memref_squeeze %dma_start3A_371 : memref<1x117x300xf32, #tpu.memory_space<hbm>> -> memref<117x300xf32, #tpu.memory_space<hbm>>
      %dma_start3A_373 = arith.constant 0 : i32
      %dma_start3A_374 = arith.constant 0 : i32
      %dma_start3A_375 = tpu.memref_slice %arg6[%min3A_368, %dma_start3A_373, %dma_start3A_374] : memref<504x117x300xf32, #tpu.memory_space<hbm>> -> memref<1x117x300xf32, #tpu.memory_space<hbm>>
      %dma_start3A_376 = tpu.memref_squeeze %dma_start3A_375 : memref<1x117x300xf32, #tpu.memory_space<hbm>> -> memref<117x300xf32, #tpu.memory_space<hbm>>
      tpu.enqueue_dma source(%arg8 : memref<117x300xf32, #tpu.memory_space<vmem>>) target(%dma_start3A_376 : memref<117x300xf32, #tpu.memory_space<hbm>>) target_semaphore(%arg9 : memref<!tpu.dma_semaphore, #tpu.memory_space<semaphore_mem>>)
      %dma_wait3A_377 = arith.constant 0 : i32
      %dma_wait3A_378 = arith.constant 0 : i32
      %dma_wait3A_379 = tpu.memref_slice %arg6[%select_n3A, %dma_wait3A_377, %dma_wait3A_378] : memref<504x117x300xf32, #tpu.memory_space<hbm>> -> memref<1x117x300xf32, #tpu.memory_space<hbm>>
      %dma_wait3A_380 = tpu.memref_squeeze %dma_wait3A_379 : memref<1x117x300xf32, #tpu.memory_space<hbm>> -> memref<117x300xf32, #tpu.memory_space<hbm>>
      %dma_wait3A_381 = arith.constant 0 : i32
      %dma_wait3A_382 = arith.constant 0 : i32
      %dma_wait3A_383 = tpu.memref_slice %arg6[%select_n3A, %dma_wait3A_381, %dma_wait3A_382] : memref<504x117x300xf32, #tpu.memory_space<hbm>> -> memref<1x117x300xf32, #tpu.memory_space<hbm>>
      %dma_wait3A_384 = tpu.memref_squeeze %dma_wait3A_383 : memref<1x117x300xf32, #tpu.memory_space<hbm>> -> memref<117x300xf32, #tpu.memory_space<hbm>>
      tpu.wait_dma2 semaphore(%arg9 : memref<!tpu.dma_semaphore, #tpu.memory_space<semaphore_mem>>) src(%arg8 : memref<117x300xf32, #tpu.memory_space<vmem>>) dst(%dma_wait3A_384 : memref<117x300xf32, #tpu.memory_space<hbm>>)
      %add3A_385 = arith.constant 17 : i32
      %add3A_386 = arith.addi %select_n3A, %add3A_385 : i32
      %sub3A_387 = arith.constant 1 : i32
      %sub3A_388 = arith.subi %select_n3A_62, %sub3A_387 : i32
      %min3A_389 = arith.minsi %add3A_386, %sub3A_388 : i32
      %dma_start3A_390 = arith.constant 0 : i32
      %dma_start3A_391 = arith.constant 0 : i32
      %dma_start3A_392 = tpu.memref_slice %arg6[%min3A_389, %dma_start3A_390, %dma_start3A_391] : memref<504x117x300xf32, #tpu.memory_space<hbm>> -> memref<1x117x300xf32, #tpu.memory_space<hbm>>
      %dma_start3A_393 = tpu.memref_squeeze %dma_start3A_392 : memref<1x117x300xf32, #tpu.memory_space<hbm>> -> memref<117x300xf32, #tpu.memory_space<hbm>>
      %dma_start3A_394 = arith.constant 0 : i32
      %dma_start3A_395 = arith.constant 0 : i32
      %dma_start3A_396 = tpu.memref_slice %arg6[%min3A_389, %dma_start3A_394, %dma_start3A_395] : memref<504x117x300xf32, #tpu.memory_space<hbm>> -> memref<1x117x300xf32, #tpu.memory_space<hbm>>
      %dma_start3A_397 = tpu.memref_squeeze %dma_start3A_396 : memref<1x117x300xf32, #tpu.memory_space<hbm>> -> memref<117x300xf32, #tpu.memory_space<hbm>>
      tpu.enqueue_dma source(%arg8 : memref<117x300xf32, #tpu.memory_space<vmem>>) target(%dma_start3A_397 : memref<117x300xf32, #tpu.memory_space<hbm>>) target_semaphore(%arg9 : memref<!tpu.dma_semaphore, #tpu.memory_space<semaphore_mem>>)
      %dma_wait3A_398 = arith.constant 0 : i32
      %dma_wait3A_399 = arith.constant 0 : i32
      %dma_wait3A_400 = tpu.memref_slice %arg6[%select_n3A, %dma_wait3A_398, %dma_wait3A_399] : memref<504x117x300xf32, #tpu.memory_space<hbm>> -> memref<1x117x300xf32, #tpu.memory_space<hbm>>
      %dma_wait3A_401 = tpu.memref_squeeze %dma_wait3A_400 : memref<1x117x300xf32, #tpu.memory_space<hbm>> -> memref<117x300xf32, #tpu.memory_space<hbm>>
      %dma_wait3A_402 = arith.constant 0 : i32
      %dma_wait3A_403 = arith.constant 0 : i32
      %dma_wait3A_404 = tpu.memref_slice %arg6[%select_n3A, %dma_wait3A_402, %dma_wait3A_403] : memref<504x117x300xf32, #tpu.memory_space<hbm>> -> memref<1x117x300xf32, #tpu.memory_space<hbm>>
      %dma_wait3A_405 = tpu.memref_squeeze %dma_wait3A_404 : memref<1x117x300xf32, #tpu.memory_space<hbm>> -> memref<117x300xf32, #tpu.memory_space<hbm>>
      tpu.wait_dma2 semaphore(%arg9 : memref<!tpu.dma_semaphore, #tpu.memory_space<semaphore_mem>>) src(%arg8 : memref<117x300xf32, #tpu.memory_space<vmem>>) dst(%dma_wait3A_405 : memref<117x300xf32, #tpu.memory_space<hbm>>)
      %add3A_406 = arith.constant 18 : i32
      %add3A_407 = arith.addi %select_n3A, %add3A_406 : i32
      %sub3A_408 = arith.constant 1 : i32
      %sub3A_409 = arith.subi %select_n3A_62, %sub3A_408 : i32
      %min3A_410 = arith.minsi %add3A_407, %sub3A_409 : i32
      %dma_start3A_411 = arith.constant 0 : i32
      %dma_start3A_412 = arith.constant 0 : i32
      %dma_start3A_413 = tpu.memref_slice %arg6[%min3A_410, %dma_start3A_411, %dma_start3A_412] : memref<504x117x300xf32, #tpu.memory_space<hbm>> -> memref<1x117x300xf32, #tpu.memory_space<hbm>>
      %dma_start3A_414 = tpu.memref_squeeze %dma_start3A_413 : memref<1x117x300xf32, #tpu.memory_space<hbm>> -> memref<117x300xf32, #tpu.memory_space<hbm>>
      %dma_start3A_415 = arith.constant 0 : i32
      %dma_start3A_416 = arith.constant 0 : i32
      %dma_start3A_417 = tpu.memref_slice %arg6[%min3A_410, %dma_start3A_415, %dma_start3A_416] : memref<504x117x300xf32, #tpu.memory_space<hbm>> -> memref<1x117x300xf32, #tpu.memory_space<hbm>>
      %dma_start3A_418 = tpu.memref_squeeze %dma_start3A_417 : memref<1x117x300xf32, #tpu.memory_space<hbm>> -> memref<117x300xf32, #tpu.memory_space<hbm>>
      tpu.enqueue_dma source(%arg8 : memref<117x300xf32, #tpu.memory_space<vmem>>) target(%dma_start3A_418 : memref<117x300xf32, #tpu.memory_space<hbm>>) target_semaphore(%arg9 : memref<!tpu.dma_semaphore, #tpu.memory_space<semaphore_mem>>)
      %dma_wait3A_419 = arith.constant 0 : i32
      %dma_wait3A_420 = arith.constant 0 : i32
      %dma_wait3A_421 = tpu.memref_slice %arg6[%select_n3A, %dma_wait3A_419, %dma_wait3A_420] : memref<504x117x300xf32, #tpu.memory_space<hbm>> -> memref<1x117x300xf32, #tpu.memory_space<hbm>>
      %dma_wait3A_422 = tpu.memref_squeeze %dma_wait3A_421 : memref<1x117x300xf32, #tpu.memory_space<hbm>> -> memref<117x300xf32, #tpu.memory_space<hbm>>
      %dma_wait3A_423 = arith.constant 0 : i32
      %dma_wait3A_424 = arith.constant 0 : i32
      %dma_wait3A_425 = tpu.memref_slice %arg6[%select_n3A, %dma_wait3A_423, %dma_wait3A_424] : memref<504x117x300xf32, #tpu.memory_space<hbm>> -> memref<1x117x300xf32, #tpu.memory_space<hbm>>
      %dma_wait3A_426 = tpu.memref_squeeze %dma_wait3A_425 : memref<1x117x300xf32, #tpu.memory_space<hbm>> -> memref<117x300xf32, #tpu.memory_space<hbm>>
      tpu.wait_dma2 semaphore(%arg9 : memref<!tpu.dma_semaphore, #tpu.memory_space<semaphore_mem>>) src(%arg8 : memref<117x300xf32, #tpu.memory_space<vmem>>) dst(%dma_wait3A_426 : memref<117x300xf32, #tpu.memory_space<hbm>>)
      %add3A_427 = arith.constant 19 : i32
      %add3A_428 = arith.addi %select_n3A, %add3A_427 : i32
      %sub3A_429 = arith.constant 1 : i32
      %sub3A_430 = arith.subi %select_n3A_62, %sub3A_429 : i32
      %min3A_431 = arith.minsi %add3A_428, %sub3A_430 : i32
      %dma_start3A_432 = arith.constant 0 : i32
      %dma_start3A_433 = arith.constant 0 : i32
      %dma_start3A_434 = tpu.memref_slice %arg6[%min3A_431, %dma_start3A_432, %dma_start3A_433] : memref<504x117x300xf32, #tpu.memory_space<hbm>> -> memref<1x117x300xf32, #tpu.memory_space<hbm>>
      %dma_start3A_435 = tpu.memref_squeeze %dma_start3A_434 : memref<1x117x300xf32, #tpu.memory_space<hbm>> -> memref<117x300xf32, #tpu.memory_space<hbm>>
      %dma_start3A_436 = arith.constant 0 : i32
      %dma_start3A_437 = arith.constant 0 : i32
      %dma_start3A_438 = tpu.memref_slice %arg6[%min3A_431, %dma_start3A_436, %dma_start3A_437] : memref<504x117x300xf32, #tpu.memory_space<hbm>> -> memref<1x117x300xf32, #tpu.memory_space<hbm>>
      %dma_start3A_439 = tpu.memref_squeeze %dma_start3A_438 : memref<1x117x300xf32, #tpu.memory_space<hbm>> -> memref<117x300xf32, #tpu.memory_space<hbm>>
      tpu.enqueue_dma source(%arg8 : memref<117x300xf32, #tpu.memory_space<vmem>>) target(%dma_start3A_439 : memref<117x300xf32, #tpu.memory_space<hbm>>) target_semaphore(%arg9 : memref<!tpu.dma_semaphore, #tpu.memory_space<semaphore_mem>>)
      %dma_wait3A_440 = arith.constant 0 : i32
      %dma_wait3A_441 = arith.constant 0 : i32
      %dma_wait3A_442 = tpu.memref_slice %arg6[%select_n3A, %dma_wait3A_440, %dma_wait3A_441] : memref<504x117x300xf32, #tpu.memory_space<hbm>> -> memref<1x117x300xf32, #tpu.memory_space<hbm>>
      %dma_wait3A_443 = tpu.memref_squeeze %dma_wait3A_442 : memref<1x117x300xf32, #tpu.memory_space<hbm>> -> memref<117x300xf32, #tpu.memory_space<hbm>>
      %dma_wait3A_444 = arith.constant 0 : i32
      %dma_wait3A_445 = arith.constant 0 : i32
      %dma_wait3A_446 = tpu.memref_slice %arg6[%select_n3A, %dma_wait3A_444, %dma_wait3A_445] : memref<504x117x300xf32, #tpu.memory_space<hbm>> -> memref<1x117x300xf32, #tpu.memory_space<hbm>>
      %dma_wait3A_447 = tpu.memref_squeeze %dma_wait3A_446 : memref<1x117x300xf32, #tpu.memory_space<hbm>> -> memref<117x300xf32, #tpu.memory_space<hbm>>
      tpu.wait_dma2 semaphore(%arg9 : memref<!tpu.dma_semaphore, #tpu.memory_space<semaphore_mem>>) src(%arg8 : memref<117x300xf32, #tpu.memory_space<vmem>>) dst(%dma_wait3A_447 : memref<117x300xf32, #tpu.memory_space<hbm>>)
      %add3A_448 = arith.constant 20 : i32
      %add3A_449 = arith.addi %select_n3A, %add3A_448 : i32
      %sub3A_450 = arith.constant 1 : i32
      %sub3A_451 = arith.subi %select_n3A_62, %sub3A_450 : i32
      %min3A_452 = arith.minsi %add3A_449, %sub3A_451 : i32
      %dma_start3A_453 = arith.constant 0 : i32
      %dma_start3A_454 = arith.constant 0 : i32
      %dma_start3A_455 = tpu.memref_slice %arg6[%min3A_452, %dma_start3A_453, %dma_start3A_454] : memref<504x117x300xf32, #tpu.memory_space<hbm>> -> memref<1x117x300xf32, #tpu.memory_space<hbm>>
      %dma_start3A_456 = tpu.memref_squeeze %dma_start3A_455 : memref<1x117x300xf32, #tpu.memory_space<hbm>> -> memref<117x300xf32, #tpu.memory_space<hbm>>
      %dma_start3A_457 = arith.constant 0 : i32
      %dma_start3A_458 = arith.constant 0 : i32
      %dma_start3A_459 = tpu.memref_slice %arg6[%min3A_452, %dma_start3A_457, %dma_start3A_458] : memref<504x117x300xf32, #tpu.memory_space<hbm>> -> memref<1x117x300xf32, #tpu.memory_space<hbm>>
      %dma_start3A_460 = tpu.memref_squeeze %dma_start3A_459 : memref<1x117x300xf32, #tpu.memory_space<hbm>> -> memref<117x300xf32, #tpu.memory_space<hbm>>
      tpu.enqueue_dma source(%arg8 : memref<117x300xf32, #tpu.memory_space<vmem>>) target(%dma_start3A_460 : memref<117x300xf32, #tpu.memory_space<hbm>>) target_semaphore(%arg9 : memref<!tpu.dma_semaphore, #tpu.memory_space<semaphore_mem>>)
      %dma_wait3A_461 = arith.constant 0 : i32
      %dma_wait3A_462 = arith.constant 0 : i32
      %dma_wait3A_463 = tpu.memref_slice %arg6[%select_n3A, %dma_wait3A_461, %dma_wait3A_462] : memref<504x117x300xf32, #tpu.memory_space<hbm>> -> memref<1x117x300xf32, #tpu.memory_space<hbm>>
      %dma_wait3A_464 = tpu.memref_squeeze %dma_wait3A_463 : memref<1x117x300xf32, #tpu.memory_space<hbm>> -> memref<117x300xf32, #tpu.memory_space<hbm>>
      %dma_wait3A_465 = arith.constant 0 : i32
      %dma_wait3A_466 = arith.constant 0 : i32
      %dma_wait3A_467 = tpu.memref_slice %arg6[%select_n3A, %dma_wait3A_465, %dma_wait3A_466] : memref<504x117x300xf32, #tpu.memory_space<hbm>> -> memref<1x117x300xf32, #tpu.memory_space<hbm>>
      %dma_wait3A_468 = tpu.memref_squeeze %dma_wait3A_467 : memref<1x117x300xf32, #tpu.memory_space<hbm>> -> memref<117x300xf32, #tpu.memory_space<hbm>>
      tpu.wait_dma2 semaphore(%arg9 : memref<!tpu.dma_semaphore, #tpu.memory_space<semaphore_mem>>) src(%arg8 : memref<117x300xf32, #tpu.memory_space<vmem>>) dst(%dma_wait3A_468 : memref<117x300xf32, #tpu.memory_space<hbm>>)
      %add3A_469 = arith.constant 21 : i32
      %add3A_470 = arith.addi %select_n3A, %add3A_469 : i32
      %sub3A_471 = arith.constant 1 : i32
      %sub3A_472 = arith.subi %select_n3A_62, %sub3A_471 : i32
      %min3A_473 = arith.minsi %add3A_470, %sub3A_472 : i32
      %dma_start3A_474 = arith.constant 0 : i32
      %dma_start3A_475 = arith.constant 0 : i32
      %dma_start3A_476 = tpu.memref_slice %arg6[%min3A_473, %dma_start3A_474, %dma_start3A_475] : memref<504x117x300xf32, #tpu.memory_space<hbm>> -> memref<1x117x300xf32, #tpu.memory_space<hbm>>
      %dma_start3A_477 = tpu.memref_squeeze %dma_start3A_476 : memref<1x117x300xf32, #tpu.memory_space<hbm>> -> memref<117x300xf32, #tpu.memory_space<hbm>>
      %dma_start3A_478 = arith.constant 0 : i32
      %dma_start3A_479 = arith.constant 0 : i32
      %dma_start3A_480 = tpu.memref_slice %arg6[%min3A_473, %dma_start3A_478, %dma_start3A_479] : memref<504x117x300xf32, #tpu.memory_space<hbm>> -> memref<1x117x300xf32, #tpu.memory_space<hbm>>
      %dma_start3A_481 = tpu.memref_squeeze %dma_start3A_480 : memref<1x117x300xf32, #tpu.memory_space<hbm>> -> memref<117x300xf32, #tpu.memory_space<hbm>>
      tpu.enqueue_dma source(%arg8 : memref<117x300xf32, #tpu.memory_space<vmem>>) target(%dma_start3A_481 : memref<117x300xf32, #tpu.memory_space<hbm>>) target_semaphore(%arg9 : memref<!tpu.dma_semaphore, #tpu.memory_space<semaphore_mem>>)
      %dma_wait3A_482 = arith.constant 0 : i32
      %dma_wait3A_483 = arith.constant 0 : i32
      %dma_wait3A_484 = tpu.memref_slice %arg6[%select_n3A, %dma_wait3A_482, %dma_wait3A_483] : memref<504x117x300xf32, #tpu.memory_space<hbm>> -> memref<1x117x300xf32, #tpu.memory_space<hbm>>
      %dma_wait3A_485 = tpu.memref_squeeze %dma_wait3A_484 : memref<1x117x300xf32, #tpu.memory_space<hbm>> -> memref<117x300xf32, #tpu.memory_space<hbm>>
      %dma_wait3A_486 = arith.constant 0 : i32
      %dma_wait3A_487 = arith.constant 0 : i32
      %dma_wait3A_488 = tpu.memref_slice %arg6[%select_n3A, %dma_wait3A_486, %dma_wait3A_487] : memref<504x117x300xf32, #tpu.memory_space<hbm>> -> memref<1x117x300xf32, #tpu.memory_space<hbm>>
      %dma_wait3A_489 = tpu.memref_squeeze %dma_wait3A_488 : memref<1x117x300xf32, #tpu.memory_space<hbm>> -> memref<117x300xf32, #tpu.memory_space<hbm>>
      tpu.wait_dma2 semaphore(%arg9 : memref<!tpu.dma_semaphore, #tpu.memory_space<semaphore_mem>>) src(%arg8 : memref<117x300xf32, #tpu.memory_space<vmem>>) dst(%dma_wait3A_489 : memref<117x300xf32, #tpu.memory_space<hbm>>)
      %add3A_490 = arith.constant 22 : i32
      %add3A_491 = arith.addi %select_n3A, %add3A_490 : i32
      %sub3A_492 = arith.constant 1 : i32
      %sub3A_493 = arith.subi %select_n3A_62, %sub3A_492 : i32
      %min3A_494 = arith.minsi %add3A_491, %sub3A_493 : i32
      %dma_start3A_495 = arith.constant 0 : i32
      %dma_start3A_496 = arith.constant 0 : i32
      %dma_start3A_497 = tpu.memref_slice %arg6[%min3A_494, %dma_start3A_495, %dma_start3A_496] : memref<504x117x300xf32, #tpu.memory_space<hbm>> -> memref<1x117x300xf32, #tpu.memory_space<hbm>>
      %dma_start3A_498 = tpu.memref_squeeze %dma_start3A_497 : memref<1x117x300xf32, #tpu.memory_space<hbm>> -> memref<117x300xf32, #tpu.memory_space<hbm>>
      %dma_start3A_499 = arith.constant 0 : i32
      %dma_start3A_500 = arith.constant 0 : i32
      %dma_start3A_501 = tpu.memref_slice %arg6[%min3A_494, %dma_start3A_499, %dma_start3A_500] : memref<504x117x300xf32, #tpu.memory_space<hbm>> -> memref<1x117x300xf32, #tpu.memory_space<hbm>>
      %dma_start3A_502 = tpu.memref_squeeze %dma_start3A_501 : memref<1x117x300xf32, #tpu.memory_space<hbm>> -> memref<117x300xf32, #tpu.memory_space<hbm>>
      tpu.enqueue_dma source(%arg8 : memref<117x300xf32, #tpu.memory_space<vmem>>) target(%dma_start3A_502 : memref<117x300xf32, #tpu.memory_space<hbm>>) target_semaphore(%arg9 : memref<!tpu.dma_semaphore, #tpu.memory_space<semaphore_mem>>)
      %dma_wait3A_503 = arith.constant 0 : i32
      %dma_wait3A_504 = arith.constant 0 : i32
      %dma_wait3A_505 = tpu.memref_slice %arg6[%select_n3A, %dma_wait3A_503, %dma_wait3A_504] : memref<504x117x300xf32, #tpu.memory_space<hbm>> -> memref<1x117x300xf32, #tpu.memory_space<hbm>>
      %dma_wait3A_506 = tpu.memref_squeeze %dma_wait3A_505 : memref<1x117x300xf32, #tpu.memory_space<hbm>> -> memref<117x300xf32, #tpu.memory_space<hbm>>
      %dma_wait3A_507 = arith.constant 0 : i32
      %dma_wait3A_508 = arith.constant 0 : i32
      %dma_wait3A_509 = tpu.memref_slice %arg6[%select_n3A, %dma_wait3A_507, %dma_wait3A_508] : memref<504x117x300xf32, #tpu.memory_space<hbm>> -> memref<1x117x300xf32, #tpu.memory_space<hbm>>
      %dma_wait3A_510 = tpu.memref_squeeze %dma_wait3A_509 : memref<1x117x300xf32, #tpu.memory_space<hbm>> -> memref<117x300xf32, #tpu.memory_space<hbm>>
      tpu.wait_dma2 semaphore(%arg9 : memref<!tpu.dma_semaphore, #tpu.memory_space<semaphore_mem>>) src(%arg8 : memref<117x300xf32, #tpu.memory_space<vmem>>) dst(%dma_wait3A_510 : memref<117x300xf32, #tpu.memory_space<hbm>>)
      %add3A_511 = arith.constant 23 : i32
      %add3A_512 = arith.addi %select_n3A, %add3A_511 : i32
      %sub3A_513 = arith.constant 1 : i32
      %sub3A_514 = arith.subi %select_n3A_62, %sub3A_513 : i32
      %min3A_515 = arith.minsi %add3A_512, %sub3A_514 : i32
      %dma_start3A_516 = arith.constant 0 : i32
      %dma_start3A_517 = arith.constant 0 : i32
      %dma_start3A_518 = tpu.memref_slice %arg6[%min3A_515, %dma_start3A_516, %dma_start3A_517] : memref<504x117x300xf32, #tpu.memory_space<hbm>> -> memref<1x117x300xf32, #tpu.memory_space<hbm>>
      %dma_start3A_519 = tpu.memref_squeeze %dma_start3A_518 : memref<1x117x300xf32, #tpu.memory_space<hbm>> -> memref<117x300xf32, #tpu.memory_space<hbm>>
      %dma_start3A_520 = arith.constant 0 : i32
      %dma_start3A_521 = arith.constant 0 : i32
      %dma_start3A_522 = tpu.memref_slice %arg6[%min3A_515, %dma_start3A_520, %dma_start3A_521] : memref<504x117x300xf32, #tpu.memory_space<hbm>> -> memref<1x117x300xf32, #tpu.memory_space<hbm>>
      %dma_start3A_523 = tpu.memref_squeeze %dma_start3A_522 : memref<1x117x300xf32, #tpu.memory_space<hbm>> -> memref<117x300xf32, #tpu.memory_space<hbm>>
      tpu.enqueue_dma source(%arg8 : memref<117x300xf32, #tpu.memory_space<vmem>>) target(%dma_start3A_523 : memref<117x300xf32, #tpu.memory_space<hbm>>) target_semaphore(%arg9 : memref<!tpu.dma_semaphore, #tpu.memory_space<semaphore_mem>>)
      %dma_wait3A_524 = arith.constant 0 : i32
      %dma_wait3A_525 = arith.constant 0 : i32
      %dma_wait3A_526 = tpu.memref_slice %arg6[%select_n3A, %dma_wait3A_524, %dma_wait3A_525] : memref<504x117x300xf32, #tpu.memory_space<hbm>> -> memref<1x117x300xf32, #tpu.memory_space<hbm>>
      %dma_wait3A_527 = tpu.memref_squeeze %dma_wait3A_526 : memref<1x117x300xf32, #tpu.memory_space<hbm>> -> memref<117x300xf32, #tpu.memory_space<hbm>>
      %dma_wait3A_528 = arith.constant 0 : i32
      %dma_wait3A_529 = arith.constant 0 : i32
      %dma_wait3A_530 = tpu.memref_slice %arg6[%select_n3A, %dma_wait3A_528, %dma_wait3A_529] : memref<504x117x300xf32, #tpu.memory_space<hbm>> -> memref<1x117x300xf32, #tpu.memory_space<hbm>>
      %dma_wait3A_531 = tpu.memref_squeeze %dma_wait3A_530 : memref<1x117x300xf32, #tpu.memory_space<hbm>> -> memref<117x300xf32, #tpu.memory_space<hbm>>
      tpu.wait_dma2 semaphore(%arg9 : memref<!tpu.dma_semaphore, #tpu.memory_space<semaphore_mem>>) src(%arg8 : memref<117x300xf32, #tpu.memory_space<vmem>>) dst(%dma_wait3A_531 : memref<117x300xf32, #tpu.memory_space<hbm>>)
      %add3A_532 = arith.constant 24 : i32
      %add3A_533 = arith.addi %select_n3A, %add3A_532 : i32
      %sub3A_534 = arith.constant 1 : i32
      %sub3A_535 = arith.subi %select_n3A_62, %sub3A_534 : i32
      %min3A_536 = arith.minsi %add3A_533, %sub3A_535 : i32
      %dma_start3A_537 = arith.constant 0 : i32
      %dma_start3A_538 = arith.constant 0 : i32
      %dma_start3A_539 = tpu.memref_slice %arg6[%min3A_536, %dma_start3A_537, %dma_start3A_538] : memref<504x117x300xf32, #tpu.memory_space<hbm>> -> memref<1x117x300xf32, #tpu.memory_space<hbm>>
      %dma_start3A_540 = tpu.memref_squeeze %dma_start3A_539 : memref<1x117x300xf32, #tpu.memory_space<hbm>> -> memref<117x300xf32, #tpu.memory_space<hbm>>
      %dma_start3A_541 = arith.constant 0 : i32
      %dma_start3A_542 = arith.constant 0 : i32
      %dma_start3A_543 = tpu.memref_slice %arg6[%min3A_536, %dma_start3A_541, %dma_start3A_542] : memref<504x117x300xf32, #tpu.memory_space<hbm>> -> memref<1x117x300xf32, #tpu.memory_space<hbm>>
      %dma_start3A_544 = tpu.memref_squeeze %dma_start3A_543 : memref<1x117x300xf32, #tpu.memory_space<hbm>> -> memref<117x300xf32, #tpu.memory_space<hbm>>
      tpu.enqueue_dma source(%arg8 : memref<117x300xf32, #tpu.memory_space<vmem>>) target(%dma_start3A_544 : memref<117x300xf32, #tpu.memory_space<hbm>>) target_semaphore(%arg9 : memref<!tpu.dma_semaphore, #tpu.memory_space<semaphore_mem>>)
      %dma_wait3A_545 = arith.constant 0 : i32
      %dma_wait3A_546 = arith.constant 0 : i32
      %dma_wait3A_547 = tpu.memref_slice %arg6[%select_n3A, %dma_wait3A_545, %dma_wait3A_546] : memref<504x117x300xf32, #tpu.memory_space<hbm>> -> memref<1x117x300xf32, #tpu.memory_space<hbm>>
      %dma_wait3A_548 = tpu.memref_squeeze %dma_wait3A_547 : memref<1x117x300xf32, #tpu.memory_space<hbm>> -> memref<117x300xf32, #tpu.memory_space<hbm>>
      %dma_wait3A_549 = arith.constant 0 : i32
      %dma_wait3A_550 = arith.constant 0 : i32
      %dma_wait3A_551 = tpu.memref_slice %arg6[%select_n3A, %dma_wait3A_549, %dma_wait3A_550] : memref<504x117x300xf32, #tpu.memory_space<hbm>> -> memref<1x117x300xf32, #tpu.memory_space<hbm>>
      %dma_wait3A_552 = tpu.memref_squeeze %dma_wait3A_551 : memref<1x117x300xf32, #tpu.memory_space<hbm>> -> memref<117x300xf32, #tpu.memory_space<hbm>>
      tpu.wait_dma2 semaphore(%arg9 : memref<!tpu.dma_semaphore, #tpu.memory_space<semaphore_mem>>) src(%arg8 : memref<117x300xf32, #tpu.memory_space<vmem>>) dst(%dma_wait3A_552 : memref<117x300xf32, #tpu.memory_space<hbm>>)
      %add3A_553 = arith.constant 25 : i32
      %add3A_554 = arith.addi %select_n3A, %add3A_553 : i32
      %sub3A_555 = arith.constant 1 : i32
      %sub3A_556 = arith.subi %select_n3A_62, %sub3A_555 : i32
      %min3A_557 = arith.minsi %add3A_554, %sub3A_556 : i32
      %dma_start3A_558 = arith.constant 0 : i32
      %dma_start3A_559 = arith.constant 0 : i32
      %dma_start3A_560 = tpu.memref_slice %arg6[%min3A_557, %dma_start3A_558, %dma_start3A_559] : memref<504x117x300xf32, #tpu.memory_space<hbm>> -> memref<1x117x300xf32, #tpu.memory_space<hbm>>
      %dma_start3A_561 = tpu.memref_squeeze %dma_start3A_560 : memref<1x117x300xf32, #tpu.memory_space<hbm>> -> memref<117x300xf32, #tpu.memory_space<hbm>>
      %dma_start3A_562 = arith.constant 0 : i32
      %dma_start3A_563 = arith.constant 0 : i32
      %dma_start3A_564 = tpu.memref_slice %arg6[%min3A_557, %dma_start3A_562, %dma_start3A_563] : memref<504x117x300xf32, #tpu.memory_space<hbm>> -> memref<1x117x300xf32, #tpu.memory_space<hbm>>
      %dma_start3A_565 = tpu.memref_squeeze %dma_start3A_564 : memref<1x117x300xf32, #tpu.memory_space<hbm>> -> memref<117x300xf32, #tpu.memory_space<hbm>>
      tpu.enqueue_dma source(%arg8 : memref<117x300xf32, #tpu.memory_space<vmem>>) target(%dma_start3A_565 : memref<117x300xf32, #tpu.memory_space<hbm>>) target_semaphore(%arg9 : memref<!tpu.dma_semaphore, #tpu.memory_space<semaphore_mem>>)
      %dma_wait3A_566 = arith.constant 0 : i32
      %dma_wait3A_567 = arith.constant 0 : i32
      %dma_wait3A_568 = tpu.memref_slice %arg6[%select_n3A, %dma_wait3A_566, %dma_wait3A_567] : memref<504x117x300xf32, #tpu.memory_space<hbm>> -> memref<1x117x300xf32, #tpu.memory_space<hbm>>
      %dma_wait3A_569 = tpu.memref_squeeze %dma_wait3A_568 : memref<1x117x300xf32, #tpu.memory_space<hbm>> -> memref<117x300xf32, #tpu.memory_space<hbm>>
      %dma_wait3A_570 = arith.constant 0 : i32
      %dma_wait3A_571 = arith.constant 0 : i32
      %dma_wait3A_572 = tpu.memref_slice %arg6[%select_n3A, %dma_wait3A_570, %dma_wait3A_571] : memref<504x117x300xf32, #tpu.memory_space<hbm>> -> memref<1x117x300xf32, #tpu.memory_space<hbm>>
      %dma_wait3A_573 = tpu.memref_squeeze %dma_wait3A_572 : memref<1x117x300xf32, #tpu.memory_space<hbm>> -> memref<117x300xf32, #tpu.memory_space<hbm>>
      tpu.wait_dma2 semaphore(%arg9 : memref<!tpu.dma_semaphore, #tpu.memory_space<semaphore_mem>>) src(%arg8 : memref<117x300xf32, #tpu.memory_space<vmem>>) dst(%dma_wait3A_573 : memref<117x300xf32, #tpu.memory_space<hbm>>)
      %add3A_574 = arith.constant 26 : i32
      %add3A_575 = arith.addi %select_n3A, %add3A_574 : i32
      %sub3A_576 = arith.constant 1 : i32
      %sub3A_577 = arith.subi %select_n3A_62, %sub3A_576 : i32
      %min3A_578 = arith.minsi %add3A_575, %sub3A_577 : i32
      %dma_start3A_579 = arith.constant 0 : i32
      %dma_start3A_580 = arith.constant 0 : i32
      %dma_start3A_581 = tpu.memref_slice %arg6[%min3A_578, %dma_start3A_579, %dma_start3A_580] : memref<504x117x300xf32, #tpu.memory_space<hbm>> -> memref<1x117x300xf32, #tpu.memory_space<hbm>>
      %dma_start3A_582 = tpu.memref_squeeze %dma_start3A_581 : memref<1x117x300xf32, #tpu.memory_space<hbm>> -> memref<117x300xf32, #tpu.memory_space<hbm>>
      %dma_start3A_583 = arith.constant 0 : i32
      %dma_start3A_584 = arith.constant 0 : i32
      %dma_start3A_585 = tpu.memref_slice %arg6[%min3A_578, %dma_start3A_583, %dma_start3A_584] : memref<504x117x300xf32, #tpu.memory_space<hbm>> -> memref<1x117x300xf32, #tpu.memory_space<hbm>>
      %dma_start3A_586 = tpu.memref_squeeze %dma_start3A_585 : memref<1x117x300xf32, #tpu.memory_space<hbm>> -> memref<117x300xf32, #tpu.memory_space<hbm>>
      tpu.enqueue_dma source(%arg8 : memref<117x300xf32, #tpu.memory_space<vmem>>) target(%dma_start3A_586 : memref<117x300xf32, #tpu.memory_space<hbm>>) target_semaphore(%arg9 : memref<!tpu.dma_semaphore, #tpu.memory_space<semaphore_mem>>)
      %dma_wait3A_587 = arith.constant 0 : i32
      %dma_wait3A_588 = arith.constant 0 : i32
      %dma_wait3A_589 = tpu.memref_slice %arg6[%select_n3A, %dma_wait3A_587, %dma_wait3A_588] : memref<504x117x300xf32, #tpu.memory_space<hbm>> -> memref<1x117x300xf32, #tpu.memory_space<hbm>>
      %dma_wait3A_590 = tpu.memref_squeeze %dma_wait3A_589 : memref<1x117x300xf32, #tpu.memory_space<hbm>> -> memref<117x300xf32, #tpu.memory_space<hbm>>
      %dma_wait3A_591 = arith.constant 0 : i32
      %dma_wait3A_592 = arith.constant 0 : i32
      %dma_wait3A_593 = tpu.memref_slice %arg6[%select_n3A, %dma_wait3A_591, %dma_wait3A_592] : memref<504x117x300xf32, #tpu.memory_space<hbm>> -> memref<1x117x300xf32, #tpu.memory_space<hbm>>
      %dma_wait3A_594 = tpu.memref_squeeze %dma_wait3A_593 : memref<1x117x300xf32, #tpu.memory_space<hbm>> -> memref<117x300xf32, #tpu.memory_space<hbm>>
      tpu.wait_dma2 semaphore(%arg9 : memref<!tpu.dma_semaphore, #tpu.memory_space<semaphore_mem>>) src(%arg8 : memref<117x300xf32, #tpu.memory_space<vmem>>) dst(%dma_wait3A_594 : memref<117x300xf32, #tpu.memory_space<hbm>>)
      %add3A_595 = arith.constant 27 : i32
      %add3A_596 = arith.addi %select_n3A, %add3A_595 : i32
      %sub3A_597 = arith.constant 1 : i32
      %sub3A_598 = arith.subi %select_n3A_62, %sub3A_597 : i32
      %min3A_599 = arith.minsi %add3A_596, %sub3A_598 : i32
      %dma_start3A_600 = arith.constant 0 : i32
      %dma_start3A_601 = arith.constant 0 : i32
      %dma_start3A_602 = tpu.memref_slice %arg6[%min3A_599, %dma_start3A_600, %dma_start3A_601] : memref<504x117x300xf32, #tpu.memory_space<hbm>> -> memref<1x117x300xf32, #tpu.memory_space<hbm>>
      %dma_start3A_603 = tpu.memref_squeeze %dma_start3A_602 : memref<1x117x300xf32, #tpu.memory_space<hbm>> -> memref<117x300xf32, #tpu.memory_space<hbm>>
      %dma_start3A_604 = arith.constant 0 : i32
      %dma_start3A_605 = arith.constant 0 : i32
      %dma_start3A_606 = tpu.memref_slice %arg6[%min3A_599, %dma_start3A_604, %dma_start3A_605] : memref<504x117x300xf32, #tpu.memory_space<hbm>> -> memref<1x117x300xf32, #tpu.memory_space<hbm>>
      %dma_start3A_607 = tpu.memref_squeeze %dma_start3A_606 : memref<1x117x300xf32, #tpu.memory_space<hbm>> -> memref<117x300xf32, #tpu.memory_space<hbm>>
      tpu.enqueue_dma source(%arg8 : memref<117x300xf32, #tpu.memory_space<vmem>>) target(%dma_start3A_607 : memref<117x300xf32, #tpu.memory_space<hbm>>) target_semaphore(%arg9 : memref<!tpu.dma_semaphore, #tpu.memory_space<semaphore_mem>>)
      %dma_wait3A_608 = arith.constant 0 : i32
      %dma_wait3A_609 = arith.constant 0 : i32
      %dma_wait3A_610 = tpu.memref_slice %arg6[%select_n3A, %dma_wait3A_608, %dma_wait3A_609] : memref<504x117x300xf32, #tpu.memory_space<hbm>> -> memref<1x117x300xf32, #tpu.memory_space<hbm>>
      %dma_wait3A_611 = tpu.memref_squeeze %dma_wait3A_610 : memref<1x117x300xf32, #tpu.memory_space<hbm>> -> memref<117x300xf32, #tpu.memory_space<hbm>>
      %dma_wait3A_612 = arith.constant 0 : i32
      %dma_wait3A_613 = arith.constant 0 : i32
      %dma_wait3A_614 = tpu.memref_slice %arg6[%select_n3A, %dma_wait3A_612, %dma_wait3A_613] : memref<504x117x300xf32, #tpu.memory_space<hbm>> -> memref<1x117x300xf32, #tpu.memory_space<hbm>>
      %dma_wait3A_615 = tpu.memref_squeeze %dma_wait3A_614 : memref<1x117x300xf32, #tpu.memory_space<hbm>> -> memref<117x300xf32, #tpu.memory_space<hbm>>
      tpu.wait_dma2 semaphore(%arg9 : memref<!tpu.dma_semaphore, #tpu.memory_space<semaphore_mem>>) src(%arg8 : memref<117x300xf32, #tpu.memory_space<vmem>>) dst(%dma_wait3A_615 : memref<117x300xf32, #tpu.memory_space<hbm>>)
      %add3A_616 = arith.constant 28 : i32
      %add3A_617 = arith.addi %select_n3A, %add3A_616 : i32
      %sub3A_618 = arith.constant 1 : i32
      %sub3A_619 = arith.subi %select_n3A_62, %sub3A_618 : i32
      %min3A_620 = arith.minsi %add3A_617, %sub3A_619 : i32
      %dma_start3A_621 = arith.constant 0 : i32
      %dma_start3A_622 = arith.constant 0 : i32
      %dma_start3A_623 = tpu.memref_slice %arg6[%min3A_620, %dma_start3A_621, %dma_start3A_622] : memref<504x117x300xf32, #tpu.memory_space<hbm>> -> memref<1x117x300xf32, #tpu.memory_space<hbm>>
      %dma_start3A_624 = tpu.memref_squeeze %dma_start3A_623 : memref<1x117x300xf32, #tpu.memory_space<hbm>> -> memref<117x300xf32, #tpu.memory_space<hbm>>
      %dma_start3A_625 = arith.constant 0 : i32
      %dma_start3A_626 = arith.constant 0 : i32
      %dma_start3A_627 = tpu.memref_slice %arg6[%min3A_620, %dma_start3A_625, %dma_start3A_626] : memref<504x117x300xf32, #tpu.memory_space<hbm>> -> memref<1x117x300xf32, #tpu.memory_space<hbm>>
      %dma_start3A_628 = tpu.memref_squeeze %dma_start3A_627 : memref<1x117x300xf32, #tpu.memory_space<hbm>> -> memref<117x300xf32, #tpu.memory_space<hbm>>
      tpu.enqueue_dma source(%arg8 : memref<117x300xf32, #tpu.memory_space<vmem>>) target(%dma_start3A_628 : memref<117x300xf32, #tpu.memory_space<hbm>>) target_semaphore(%arg9 : memref<!tpu.dma_semaphore, #tpu.memory_space<semaphore_mem>>)
      %dma_wait3A_629 = arith.constant 0 : i32
      %dma_wait3A_630 = arith.constant 0 : i32
      %dma_wait3A_631 = tpu.memref_slice %arg6[%select_n3A, %dma_wait3A_629, %dma_wait3A_630] : memref<504x117x300xf32, #tpu.memory_space<hbm>> -> memref<1x117x300xf32, #tpu.memory_space<hbm>>
      %dma_wait3A_632 = tpu.memref_squeeze %dma_wait3A_631 : memref<1x117x300xf32, #tpu.memory_space<hbm>> -> memref<117x300xf32, #tpu.memory_space<hbm>>
      %dma_wait3A_633 = arith.constant 0 : i32
      %dma_wait3A_634 = arith.constant 0 : i32
      %dma_wait3A_635 = tpu.memref_slice %arg6[%select_n3A, %dma_wait3A_633, %dma_wait3A_634] : memref<504x117x300xf32, #tpu.memory_space<hbm>> -> memref<1x117x300xf32, #tpu.memory_space<hbm>>
      %dma_wait3A_636 = tpu.memref_squeeze %dma_wait3A_635 : memref<1x117x300xf32, #tpu.memory_space<hbm>> -> memref<117x300xf32, #tpu.memory_space<hbm>>
      tpu.wait_dma2 semaphore(%arg9 : memref<!tpu.dma_semaphore, #tpu.memory_space<semaphore_mem>>) src(%arg8 : memref<117x300xf32, #tpu.memory_space<vmem>>) dst(%dma_wait3A_636 : memref<117x300xf32, #tpu.memory_space<hbm>>)
      %add3A_637 = arith.constant 29 : i32
      %add3A_638 = arith.addi %select_n3A, %add3A_637 : i32
      %sub3A_639 = arith.constant 1 : i32
      %sub3A_640 = arith.subi %select_n3A_62, %sub3A_639 : i32
      %min3A_641 = arith.minsi %add3A_638, %sub3A_640 : i32
      %dma_start3A_642 = arith.constant 0 : i32
      %dma_start3A_643 = arith.constant 0 : i32
      %dma_start3A_644 = tpu.memref_slice %arg6[%min3A_641, %dma_start3A_642, %dma_start3A_643] : memref<504x117x300xf32, #tpu.memory_space<hbm>> -> memref<1x117x300xf32, #tpu.memory_space<hbm>>
      %dma_start3A_645 = tpu.memref_squeeze %dma_start3A_644 : memref<1x117x300xf32, #tpu.memory_space<hbm>> -> memref<117x300xf32, #tpu.memory_space<hbm>>
      %dma_start3A_646 = arith.constant 0 : i32
      %dma_start3A_647 = arith.constant 0 : i32
      %dma_start3A_648 = tpu.memref_slice %arg6[%min3A_641, %dma_start3A_646, %dma_start3A_647] : memref<504x117x300xf32, #tpu.memory_space<hbm>> -> memref<1x117x300xf32, #tpu.memory_space<hbm>>
      %dma_start3A_649 = tpu.memref_squeeze %dma_start3A_648 : memref<1x117x300xf32, #tpu.memory_space<hbm>> -> memref<117x300xf32, #tpu.memory_space<hbm>>
      tpu.enqueue_dma source(%arg8 : memref<117x300xf32, #tpu.memory_space<vmem>>) target(%dma_start3A_649 : memref<117x300xf32, #tpu.memory_space<hbm>>) target_semaphore(%arg9 : memref<!tpu.dma_semaphore, #tpu.memory_space<semaphore_mem>>)
      %dma_wait3A_650 = arith.constant 0 : i32
      %dma_wait3A_651 = arith.constant 0 : i32
      %dma_wait3A_652 = tpu.memref_slice %arg6[%select_n3A, %dma_wait3A_650, %dma_wait3A_651] : memref<504x117x300xf32, #tpu.memory_space<hbm>> -> memref<1x117x300xf32, #tpu.memory_space<hbm>>
      %dma_wait3A_653 = tpu.memref_squeeze %dma_wait3A_652 : memref<1x117x300xf32, #tpu.memory_space<hbm>> -> memref<117x300xf32, #tpu.memory_space<hbm>>
      %dma_wait3A_654 = arith.constant 0 : i32
      %dma_wait3A_655 = arith.constant 0 : i32
      %dma_wait3A_656 = tpu.memref_slice %arg6[%select_n3A, %dma_wait3A_654, %dma_wait3A_655] : memref<504x117x300xf32, #tpu.memory_space<hbm>> -> memref<1x117x300xf32, #tpu.memory_space<hbm>>
      %dma_wait3A_657 = tpu.memref_squeeze %dma_wait3A_656 : memref<1x117x300xf32, #tpu.memory_space<hbm>> -> memref<117x300xf32, #tpu.memory_space<hbm>>
      tpu.wait_dma2 semaphore(%arg9 : memref<!tpu.dma_semaphore, #tpu.memory_space<semaphore_mem>>) src(%arg8 : memref<117x300xf32, #tpu.memory_space<vmem>>) dst(%dma_wait3A_657 : memref<117x300xf32, #tpu.memory_space<hbm>>)
      %add3A_658 = arith.constant 30 : i32
      %add3A_659 = arith.addi %select_n3A, %add3A_658 : i32
      %sub3A_660 = arith.constant 1 : i32
      %sub3A_661 = arith.subi %select_n3A_62, %sub3A_660 : i32
      %min3A_662 = arith.minsi %add3A_659, %sub3A_661 : i32
      %dma_start3A_663 = arith.constant 0 : i32
      %dma_start3A_664 = arith.constant 0 : i32
      %dma_start3A_665 = tpu.memref_slice %arg6[%min3A_662, %dma_start3A_663, %dma_start3A_664] : memref<504x117x300xf32, #tpu.memory_space<hbm>> -> memref<1x117x300xf32, #tpu.memory_space<hbm>>
      %dma_start3A_666 = tpu.memref_squeeze %dma_start3A_665 : memref<1x117x300xf32, #tpu.memory_space<hbm>> -> memref<117x300xf32, #tpu.memory_space<hbm>>
      %dma_start3A_667 = arith.constant 0 : i32
      %dma_start3A_668 = arith.constant 0 : i32
      %dma_start3A_669 = tpu.memref_slice %arg6[%min3A_662, %dma_start3A_667, %dma_start3A_668] : memref<504x117x300xf32, #tpu.memory_space<hbm>> -> memref<1x117x300xf32, #tpu.memory_space<hbm>>
      %dma_start3A_670 = tpu.memref_squeeze %dma_start3A_669 : memref<1x117x300xf32, #tpu.memory_space<hbm>> -> memref<117x300xf32, #tpu.memory_space<hbm>>
      tpu.enqueue_dma source(%arg8 : memref<117x300xf32, #tpu.memory_space<vmem>>) target(%dma_start3A_670 : memref<117x300xf32, #tpu.memory_space<hbm>>) target_semaphore(%arg9 : memref<!tpu.dma_semaphore, #tpu.memory_space<semaphore_mem>>)
      %dma_wait3A_671 = arith.constant 0 : i32
      %dma_wait3A_672 = arith.constant 0 : i32
      %dma_wait3A_673 = tpu.memref_slice %arg6[%select_n3A, %dma_wait3A_671, %dma_wait3A_672] : memref<504x117x300xf32, #tpu.memory_space<hbm>> -> memref<1x117x300xf32, #tpu.memory_space<hbm>>
      %dma_wait3A_674 = tpu.memref_squeeze %dma_wait3A_673 : memref<1x117x300xf32, #tpu.memory_space<hbm>> -> memref<117x300xf32, #tpu.memory_space<hbm>>
      %dma_wait3A_675 = arith.constant 0 : i32
      %dma_wait3A_676 = arith.constant 0 : i32
      %dma_wait3A_677 = tpu.memref_slice %arg6[%select_n3A, %dma_wait3A_675, %dma_wait3A_676] : memref<504x117x300xf32, #tpu.memory_space<hbm>> -> memref<1x117x300xf32, #tpu.memory_space<hbm>>
      %dma_wait3A_678 = tpu.memref_squeeze %dma_wait3A_677 : memref<1x117x300xf32, #tpu.memory_space<hbm>> -> memref<117x300xf32, #tpu.memory_space<hbm>>
      tpu.wait_dma2 semaphore(%arg9 : memref<!tpu.dma_semaphore, #tpu.memory_space<semaphore_mem>>) src(%arg8 : memref<117x300xf32, #tpu.memory_space<vmem>>) dst(%dma_wait3A_678 : memref<117x300xf32, #tpu.memory_space<hbm>>)
      %add3A_679 = arith.constant 31 : i32
      %add3A_680 = arith.addi %select_n3A, %add3A_679 : i32
      %sub3A_681 = arith.constant 1 : i32
      %sub3A_682 = arith.subi %select_n3A_62, %sub3A_681 : i32
      %min3A_683 = arith.minsi %add3A_680, %sub3A_682 : i32
      %dma_start3A_684 = arith.constant 0 : i32
      %dma_start3A_685 = arith.constant 0 : i32
      %dma_start3A_686 = tpu.memref_slice %arg6[%min3A_683, %dma_start3A_684, %dma_start3A_685] : memref<504x117x300xf32, #tpu.memory_space<hbm>> -> memref<1x117x300xf32, #tpu.memory_space<hbm>>
      %dma_start3A_687 = tpu.memref_squeeze %dma_start3A_686 : memref<1x117x300xf32, #tpu.memory_space<hbm>> -> memref<117x300xf32, #tpu.memory_space<hbm>>
      %dma_start3A_688 = arith.constant 0 : i32
      %dma_start3A_689 = arith.constant 0 : i32
      %dma_start3A_690 = tpu.memref_slice %arg6[%min3A_683, %dma_start3A_688, %dma_start3A_689] : memref<504x117x300xf32, #tpu.memory_space<hbm>> -> memref<1x117x300xf32, #tpu.memory_space<hbm>>
      %dma_start3A_691 = tpu.memref_squeeze %dma_start3A_690 : memref<1x117x300xf32, #tpu.memory_space<hbm>> -> memref<117x300xf32, #tpu.memory_space<hbm>>
      tpu.enqueue_dma source(%arg8 : memref<117x300xf32, #tpu.memory_space<vmem>>) target(%dma_start3A_691 : memref<117x300xf32, #tpu.memory_space<hbm>>) target_semaphore(%arg9 : memref<!tpu.dma_semaphore, #tpu.memory_space<semaphore_mem>>)
      %dma_wait3A_692 = arith.constant 0 : i32
      %dma_wait3A_693 = arith.constant 0 : i32
      %dma_wait3A_694 = tpu.memref_slice %arg6[%select_n3A, %dma_wait3A_692, %dma_wait3A_693] : memref<504x117x300xf32, #tpu.memory_space<hbm>> -> memref<1x117x300xf32, #tpu.memory_space<hbm>>
      %dma_wait3A_695 = tpu.memref_squeeze %dma_wait3A_694 : memref<1x117x300xf32, #tpu.memory_space<hbm>> -> memref<117x300xf32, #tpu.memory_space<hbm>>
      %dma_wait3A_696 = arith.constant 0 : i32
      %dma_wait3A_697 = arith.constant 0 : i32
      %dma_wait3A_698 = tpu.memref_slice %arg6[%select_n3A, %dma_wait3A_696, %dma_wait3A_697] : memref<504x117x300xf32, #tpu.memory_space<hbm>> -> memref<1x117x300xf32, #tpu.memory_space<hbm>>
      %dma_wait3A_699 = tpu.memref_squeeze %dma_wait3A_698 : memref<1x117x300xf32, #tpu.memory_space<hbm>> -> memref<117x300xf32, #tpu.memory_space<hbm>>
      tpu.wait_dma2 semaphore(%arg9 : memref<!tpu.dma_semaphore, #tpu.memory_space<semaphore_mem>>) src(%arg8 : memref<117x300xf32, #tpu.memory_space<vmem>>) dst(%dma_wait3A_699 : memref<117x300xf32, #tpu.memory_space<hbm>>)
      %add3A_700 = arith.constant 32 : i32
      %add3A_701 = arith.addi %select_n3A, %add3A_700 : i32
      %sub3A_702 = arith.constant 1 : i32
      %sub3A_703 = arith.subi %select_n3A_62, %sub3A_702 : i32
      %min3A_704 = arith.minsi %add3A_701, %sub3A_703 : i32
      %dma_start3A_705 = arith.constant 0 : i32
      %dma_start3A_706 = arith.constant 0 : i32
      %dma_start3A_707 = tpu.memref_slice %arg6[%min3A_704, %dma_start3A_705, %dma_start3A_706] : memref<504x117x300xf32, #tpu.memory_space<hbm>> -> memref<1x117x300xf32, #tpu.memory_space<hbm>>
      %dma_start3A_708 = tpu.memref_squeeze %dma_start3A_707 : memref<1x117x300xf32, #tpu.memory_space<hbm>> -> memref<117x300xf32, #tpu.memory_space<hbm>>
      %dma_start3A_709 = arith.constant 0 : i32
      %dma_start3A_710 = arith.constant 0 : i32
      %dma_start3A_711 = tpu.memref_slice %arg6[%min3A_704, %dma_start3A_709, %dma_start3A_710] : memref<504x117x300xf32, #tpu.memory_space<hbm>> -> memref<1x117x300xf32, #tpu.memory_space<hbm>>
      %dma_start3A_712 = tpu.memref_squeeze %dma_start3A_711 : memref<1x117x300xf32, #tpu.memory_space<hbm>> -> memref<117x300xf32, #tpu.memory_space<hbm>>
      tpu.enqueue_dma source(%arg8 : memref<117x300xf32, #tpu.memory_space<vmem>>) target(%dma_start3A_712 : memref<117x300xf32, #tpu.memory_space<hbm>>) target_semaphore(%arg9 : memref<!tpu.dma_semaphore, #tpu.memory_space<semaphore_mem>>)
      %dma_wait3A_713 = arith.constant 0 : i32
      %dma_wait3A_714 = arith.constant 0 : i32
      %dma_wait3A_715 = tpu.memref_slice %arg6[%select_n3A, %dma_wait3A_713, %dma_wait3A_714] : memref<504x117x300xf32, #tpu.memory_space<hbm>> -> memref<1x117x300xf32, #tpu.memory_space<hbm>>
      %dma_wait3A_716 = tpu.memref_squeeze %dma_wait3A_715 : memref<1x117x300xf32, #tpu.memory_space<hbm>> -> memref<117x300xf32, #tpu.memory_space<hbm>>
      %dma_wait3A_717 = arith.constant 0 : i32
      %dma_wait3A_718 = arith.constant 0 : i32
      %dma_wait3A_719 = tpu.memref_slice %arg6[%select_n3A, %dma_wait3A_717, %dma_wait3A_718] : memref<504x117x300xf32, #tpu.memory_space<hbm>> -> memref<1x117x300xf32, #tpu.memory_space<hbm>>
      %dma_wait3A_720 = tpu.memref_squeeze %dma_wait3A_719 : memref<1x117x300xf32, #tpu.memory_space<hbm>> -> memref<117x300xf32, #tpu.memory_space<hbm>>
      tpu.wait_dma2 semaphore(%arg9 : memref<!tpu.dma_semaphore, #tpu.memory_space<semaphore_mem>>) src(%arg8 : memref<117x300xf32, #tpu.memory_space<vmem>>) dst(%dma_wait3A_720 : memref<117x300xf32, #tpu.memory_space<hbm>>)
      %add3A_721 = arith.constant 33 : i32
      %add3A_722 = arith.addi %select_n3A, %add3A_721 : i32
      %sub3A_723 = arith.constant 1 : i32
      %sub3A_724 = arith.subi %select_n3A_62, %sub3A_723 : i32
      %min3A_725 = arith.minsi %add3A_722, %sub3A_724 : i32
      %dma_start3A_726 = arith.constant 0 : i32
      %dma_start3A_727 = arith.constant 0 : i32
      %dma_start3A_728 = tpu.memref_slice %arg6[%min3A_725, %dma_start3A_726, %dma_start3A_727] : memref<504x117x300xf32, #tpu.memory_space<hbm>> -> memref<1x117x300xf32, #tpu.memory_space<hbm>>
      %dma_start3A_729 = tpu.memref_squeeze %dma_start3A_728 : memref<1x117x300xf32, #tpu.memory_space<hbm>> -> memref<117x300xf32, #tpu.memory_space<hbm>>
      %dma_start3A_730 = arith.constant 0 : i32
      %dma_start3A_731 = arith.constant 0 : i32
      %dma_start3A_732 = tpu.memref_slice %arg6[%min3A_725, %dma_start3A_730, %dma_start3A_731] : memref<504x117x300xf32, #tpu.memory_space<hbm>> -> memref<1x117x300xf32, #tpu.memory_space<hbm>>
      %dma_start3A_733 = tpu.memref_squeeze %dma_start3A_732 : memref<1x117x300xf32, #tpu.memory_space<hbm>> -> memref<117x300xf32, #tpu.memory_space<hbm>>
      tpu.enqueue_dma source(%arg8 : memref<117x300xf32, #tpu.memory_space<vmem>>) target(%dma_start3A_733 : memref<117x300xf32, #tpu.memory_space<hbm>>) target_semaphore(%arg9 : memref<!tpu.dma_semaphore, #tpu.memory_space<semaphore_mem>>)
      %dma_wait3A_734 = arith.constant 0 : i32
      %dma_wait3A_735 = arith.constant 0 : i32
      %dma_wait3A_736 = tpu.memref_slice %arg6[%select_n3A, %dma_wait3A_734, %dma_wait3A_735] : memref<504x117x300xf32, #tpu.memory_space<hbm>> -> memref<1x117x300xf32, #tpu.memory_space<hbm>>
      %dma_wait3A_737 = tpu.memref_squeeze %dma_wait3A_736 : memref<1x117x300xf32, #tpu.memory_space<hbm>> -> memref<117x300xf32, #tpu.memory_space<hbm>>
      %dma_wait3A_738 = arith.constant 0 : i32
      %dma_wait3A_739 = arith.constant 0 : i32
      %dma_wait3A_740 = tpu.memref_slice %arg6[%select_n3A, %dma_wait3A_738, %dma_wait3A_739] : memref<504x117x300xf32, #tpu.memory_space<hbm>> -> memref<1x117x300xf32, #tpu.memory_space<hbm>>
      %dma_wait3A_741 = tpu.memref_squeeze %dma_wait3A_740 : memref<1x117x300xf32, #tpu.memory_space<hbm>> -> memref<117x300xf32, #tpu.memory_space<hbm>>
      tpu.wait_dma2 semaphore(%arg9 : memref<!tpu.dma_semaphore, #tpu.memory_space<semaphore_mem>>) src(%arg8 : memref<117x300xf32, #tpu.memory_space<vmem>>) dst(%dma_wait3A_741 : memref<117x300xf32, #tpu.memory_space<hbm>>)
      %add3A_742 = arith.constant 34 : i32
      %add3A_743 = arith.addi %select_n3A, %add3A_742 : i32
      %sub3A_744 = arith.constant 1 : i32
      %sub3A_745 = arith.subi %select_n3A_62, %sub3A_744 : i32
      %min3A_746 = arith.minsi %add3A_743, %sub3A_745 : i32
      %dma_start3A_747 = arith.constant 0 : i32
      %dma_start3A_748 = arith.constant 0 : i32
      %dma_start3A_749 = tpu.memref_slice %arg6[%min3A_746, %dma_start3A_747, %dma_start3A_748] : memref<504x117x300xf32, #tpu.memory_space<hbm>> -> memref<1x117x300xf32, #tpu.memory_space<hbm>>
      %dma_start3A_750 = tpu.memref_squeeze %dma_start3A_749 : memref<1x117x300xf32, #tpu.memory_space<hbm>> -> memref<117x300xf32, #tpu.memory_space<hbm>>
      %dma_start3A_751 = arith.constant 0 : i32
      %dma_start3A_752 = arith.constant 0 : i32
      %dma_start3A_753 = tpu.memref_slice %arg6[%min3A_746, %dma_start3A_751, %dma_start3A_752] : memref<504x117x300xf32, #tpu.memory_space<hbm>> -> memref<1x117x300xf32, #tpu.memory_space<hbm>>
      %dma_start3A_754 = tpu.memref_squeeze %dma_start3A_753 : memref<1x117x300xf32, #tpu.memory_space<hbm>> -> memref<117x300xf32, #tpu.memory_space<hbm>>
      tpu.enqueue_dma source(%arg8 : memref<117x300xf32, #tpu.memory_space<vmem>>) target(%dma_start3A_754 : memref<117x300xf32, #tpu.memory_space<hbm>>) target_semaphore(%arg9 : memref<!tpu.dma_semaphore, #tpu.memory_space<semaphore_mem>>)
      %dma_wait3A_755 = arith.constant 0 : i32
      %dma_wait3A_756 = arith.constant 0 : i32
      %dma_wait3A_757 = tpu.memref_slice %arg6[%select_n3A, %dma_wait3A_755, %dma_wait3A_756] : memref<504x117x300xf32, #tpu.memory_space<hbm>> -> memref<1x117x300xf32, #tpu.memory_space<hbm>>
      %dma_wait3A_758 = tpu.memref_squeeze %dma_wait3A_757 : memref<1x117x300xf32, #tpu.memory_space<hbm>> -> memref<117x300xf32, #tpu.memory_space<hbm>>
      %dma_wait3A_759 = arith.constant 0 : i32
      %dma_wait3A_760 = arith.constant 0 : i32
      %dma_wait3A_761 = tpu.memref_slice %arg6[%select_n3A, %dma_wait3A_759, %dma_wait3A_760] : memref<504x117x300xf32, #tpu.memory_space<hbm>> -> memref<1x117x300xf32, #tpu.memory_space<hbm>>
      %dma_wait3A_762 = tpu.memref_squeeze %dma_wait3A_761 : memref<1x117x300xf32, #tpu.memory_space<hbm>> -> memref<117x300xf32, #tpu.memory_space<hbm>>
      tpu.wait_dma2 semaphore(%arg9 : memref<!tpu.dma_semaphore, #tpu.memory_space<semaphore_mem>>) src(%arg8 : memref<117x300xf32, #tpu.memory_space<vmem>>) dst(%dma_wait3A_762 : memref<117x300xf32, #tpu.memory_space<hbm>>)
      %add3A_763 = arith.constant 35 : i32
      %add3A_764 = arith.addi %select_n3A, %add3A_763 : i32
      %sub3A_765 = arith.constant 1 : i32
      %sub3A_766 = arith.subi %select_n3A_62, %sub3A_765 : i32
      %min3A_767 = arith.minsi %add3A_764, %sub3A_766 : i32
      %dma_start3A_768 = arith.constant 0 : i32
      %dma_start3A_769 = arith.constant 0 : i32
      %dma_start3A_770 = tpu.memref_slice %arg6[%min3A_767, %dma_start3A_768, %dma_start3A_769] : memref<504x117x300xf32, #tpu.memory_space<hbm>> -> memref<1x117x300xf32, #tpu.memory_space<hbm>>
      %dma_start3A_771 = tpu.memref_squeeze %dma_start3A_770 : memref<1x117x300xf32, #tpu.memory_space<hbm>> -> memref<117x300xf32, #tpu.memory_space<hbm>>
      %dma_start3A_772 = arith.constant 0 : i32
      %dma_start3A_773 = arith.constant 0 : i32
      %dma_start3A_774 = tpu.memref_slice %arg6[%min3A_767, %dma_start3A_772, %dma_start3A_773] : memref<504x117x300xf32, #tpu.memory_space<hbm>> -> memref<1x117x300xf32, #tpu.memory_space<hbm>>
      %dma_start3A_775 = tpu.memref_squeeze %dma_start3A_774 : memref<1x117x300xf32, #tpu.memory_space<hbm>> -> memref<117x300xf32, #tpu.memory_space<hbm>>
      tpu.enqueue_dma source(%arg8 : memref<117x300xf32, #tpu.memory_space<vmem>>) target(%dma_start3A_775 : memref<117x300xf32, #tpu.memory_space<hbm>>) target_semaphore(%arg9 : memref<!tpu.dma_semaphore, #tpu.memory_space<semaphore_mem>>)
      %dma_wait3A_776 = arith.constant 0 : i32
      %dma_wait3A_777 = arith.constant 0 : i32
      %dma_wait3A_778 = tpu.memref_slice %arg6[%select_n3A, %dma_wait3A_776, %dma_wait3A_777] : memref<504x117x300xf32, #tpu.memory_space<hbm>> -> memref<1x117x300xf32, #tpu.memory_space<hbm>>
      %dma_wait3A_779 = tpu.memref_squeeze %dma_wait3A_778 : memref<1x117x300xf32, #tpu.memory_space<hbm>> -> memref<117x300xf32, #tpu.memory_space<hbm>>
      %dma_wait3A_780 = arith.constant 0 : i32
      %dma_wait3A_781 = arith.constant 0 : i32
      %dma_wait3A_782 = tpu.memref_slice %arg6[%select_n3A, %dma_wait3A_780, %dma_wait3A_781] : memref<504x117x300xf32, #tpu.memory_space<hbm>> -> memref<1x117x300xf32, #tpu.memory_space<hbm>>
      %dma_wait3A_783 = tpu.memref_squeeze %dma_wait3A_782 : memref<1x117x300xf32, #tpu.memory_space<hbm>> -> memref<117x300xf32, #tpu.memory_space<hbm>>
      tpu.wait_dma2 semaphore(%arg9 : memref<!tpu.dma_semaphore, #tpu.memory_space<semaphore_mem>>) src(%arg8 : memref<117x300xf32, #tpu.memory_space<vmem>>) dst(%dma_wait3A_783 : memref<117x300xf32, #tpu.memory_space<hbm>>)
      %add3A_784 = arith.constant 36 : i32
      %add3A_785 = arith.addi %select_n3A, %add3A_784 : i32
      %sub3A_786 = arith.constant 1 : i32
      %sub3A_787 = arith.subi %select_n3A_62, %sub3A_786 : i32
      %min3A_788 = arith.minsi %add3A_785, %sub3A_787 : i32
      %dma_start3A_789 = arith.constant 0 : i32
      %dma_start3A_790 = arith.constant 0 : i32
      %dma_start3A_791 = tpu.memref_slice %arg6[%min3A_788, %dma_start3A_789, %dma_start3A_790] : memref<504x117x300xf32, #tpu.memory_space<hbm>> -> memref<1x117x300xf32, #tpu.memory_space<hbm>>
      %dma_start3A_792 = tpu.memref_squeeze %dma_start3A_791 : memref<1x117x300xf32, #tpu.memory_space<hbm>> -> memref<117x300xf32, #tpu.memory_space<hbm>>
      %dma_start3A_793 = arith.constant 0 : i32
      %dma_start3A_794 = arith.constant 0 : i32
      %dma_start3A_795 = tpu.memref_slice %arg6[%min3A_788, %dma_start3A_793, %dma_start3A_794] : memref<504x117x300xf32, #tpu.memory_space<hbm>> -> memref<1x117x300xf32, #tpu.memory_space<hbm>>
      %dma_start3A_796 = tpu.memref_squeeze %dma_start3A_795 : memref<1x117x300xf32, #tpu.memory_space<hbm>> -> memref<117x300xf32, #tpu.memory_space<hbm>>
      tpu.enqueue_dma source(%arg8 : memref<117x300xf32, #tpu.memory_space<vmem>>) target(%dma_start3A_796 : memref<117x300xf32, #tpu.memory_space<hbm>>) target_semaphore(%arg9 : memref<!tpu.dma_semaphore, #tpu.memory_space<semaphore_mem>>)
      %dma_wait3A_797 = arith.constant 0 : i32
      %dma_wait3A_798 = arith.constant 0 : i32
      %dma_wait3A_799 = tpu.memref_slice %arg6[%select_n3A, %dma_wait3A_797, %dma_wait3A_798] : memref<504x117x300xf32, #tpu.memory_space<hbm>> -> memref<1x117x300xf32, #tpu.memory_space<hbm>>
      %dma_wait3A_800 = tpu.memref_squeeze %dma_wait3A_799 : memref<1x117x300xf32, #tpu.memory_space<hbm>> -> memref<117x300xf32, #tpu.memory_space<hbm>>
      %dma_wait3A_801 = arith.constant 0 : i32
      %dma_wait3A_802 = arith.constant 0 : i32
      %dma_wait3A_803 = tpu.memref_slice %arg6[%select_n3A, %dma_wait3A_801, %dma_wait3A_802] : memref<504x117x300xf32, #tpu.memory_space<hbm>> -> memref<1x117x300xf32, #tpu.memory_space<hbm>>
      %dma_wait3A_804 = tpu.memref_squeeze %dma_wait3A_803 : memref<1x117x300xf32, #tpu.memory_space<hbm>> -> memref<117x300xf32, #tpu.memory_space<hbm>>
      tpu.wait_dma2 semaphore(%arg9 : memref<!tpu.dma_semaphore, #tpu.memory_space<semaphore_mem>>) src(%arg8 : memref<117x300xf32, #tpu.memory_space<vmem>>) dst(%dma_wait3A_804 : memref<117x300xf32, #tpu.memory_space<hbm>>)
      %add3A_805 = arith.constant 37 : i32
      %add3A_806 = arith.addi %select_n3A, %add3A_805 : i32
      %sub3A_807 = arith.constant 1 : i32
      %sub3A_808 = arith.subi %select_n3A_62, %sub3A_807 : i32
      %min3A_809 = arith.minsi %add3A_806, %sub3A_808 : i32
      %dma_start3A_810 = arith.constant 0 : i32
      %dma_start3A_811 = arith.constant 0 : i32
      %dma_start3A_812 = tpu.memref_slice %arg6[%min3A_809, %dma_start3A_810, %dma_start3A_811] : memref<504x117x300xf32, #tpu.memory_space<hbm>> -> memref<1x117x300xf32, #tpu.memory_space<hbm>>
      %dma_start3A_813 = tpu.memref_squeeze %dma_start3A_812 : memref<1x117x300xf32, #tpu.memory_space<hbm>> -> memref<117x300xf32, #tpu.memory_space<hbm>>
      %dma_start3A_814 = arith.constant 0 : i32
      %dma_start3A_815 = arith.constant 0 : i32
      %dma_start3A_816 = tpu.memref_slice %arg6[%min3A_809, %dma_start3A_814, %dma_start3A_815] : memref<504x117x300xf32, #tpu.memory_space<hbm>> -> memref<1x117x300xf32, #tpu.memory_space<hbm>>
      %dma_start3A_817 = tpu.memref_squeeze %dma_start3A_816 : memref<1x117x300xf32, #tpu.memory_space<hbm>> -> memref<117x300xf32, #tpu.memory_space<hbm>>
      tpu.enqueue_dma source(%arg8 : memref<117x300xf32, #tpu.memory_space<vmem>>) target(%dma_start3A_817 : memref<117x300xf32, #tpu.memory_space<hbm>>) target_semaphore(%arg9 : memref<!tpu.dma_semaphore, #tpu.memory_space<semaphore_mem>>)
      %dma_wait3A_818 = arith.constant 0 : i32
      %dma_wait3A_819 = arith.constant 0 : i32
      %dma_wait3A_820 = tpu.memref_slice %arg6[%select_n3A, %dma_wait3A_818, %dma_wait3A_819] : memref<504x117x300xf32, #tpu.memory_space<hbm>> -> memref<1x117x300xf32, #tpu.memory_space<hbm>>
      %dma_wait3A_821 = tpu.memref_squeeze %dma_wait3A_820 : memref<1x117x300xf32, #tpu.memory_space<hbm>> -> memref<117x300xf32, #tpu.memory_space<hbm>>
      %dma_wait3A_822 = arith.constant 0 : i32
      %dma_wait3A_823 = arith.constant 0 : i32
      %dma_wait3A_824 = tpu.memref_slice %arg6[%select_n3A, %dma_wait3A_822, %dma_wait3A_823] : memref<504x117x300xf32, #tpu.memory_space<hbm>> -> memref<1x117x300xf32, #tpu.memory_space<hbm>>
      %dma_wait3A_825 = tpu.memref_squeeze %dma_wait3A_824 : memref<1x117x300xf32, #tpu.memory_space<hbm>> -> memref<117x300xf32, #tpu.memory_space<hbm>>
      tpu.wait_dma2 semaphore(%arg9 : memref<!tpu.dma_semaphore, #tpu.memory_space<semaphore_mem>>) src(%arg8 : memref<117x300xf32, #tpu.memory_space<vmem>>) dst(%dma_wait3A_825 : memref<117x300xf32, #tpu.memory_space<hbm>>)
      %add3A_826 = arith.constant 38 : i32
      %add3A_827 = arith.addi %select_n3A, %add3A_826 : i32
      %sub3A_828 = arith.constant 1 : i32
      %sub3A_829 = arith.subi %select_n3A_62, %sub3A_828 : i32
      %min3A_830 = arith.minsi %add3A_827, %sub3A_829 : i32
      %dma_start3A_831 = arith.constant 0 : i32
      %dma_start3A_832 = arith.constant 0 : i32
      %dma_start3A_833 = tpu.memref_slice %arg6[%min3A_830, %dma_start3A_831, %dma_start3A_832] : memref<504x117x300xf32, #tpu.memory_space<hbm>> -> memref<1x117x300xf32, #tpu.memory_space<hbm>>
      %dma_start3A_834 = tpu.memref_squeeze %dma_start3A_833 : memref<1x117x300xf32, #tpu.memory_space<hbm>> -> memref<117x300xf32, #tpu.memory_space<hbm>>
      %dma_start3A_835 = arith.constant 0 : i32
      %dma_start3A_836 = arith.constant 0 : i32
      %dma_start3A_837 = tpu.memref_slice %arg6[%min3A_830, %dma_start3A_835, %dma_start3A_836] : memref<504x117x300xf32, #tpu.memory_space<hbm>> -> memref<1x117x300xf32, #tpu.memory_space<hbm>>
      %dma_start3A_838 = tpu.memref_squeeze %dma_start3A_837 : memref<1x117x300xf32, #tpu.memory_space<hbm>> -> memref<117x300xf32, #tpu.memory_space<hbm>>
      tpu.enqueue_dma source(%arg8 : memref<117x300xf32, #tpu.memory_space<vmem>>) target(%dma_start3A_838 : memref<117x300xf32, #tpu.memory_space<hbm>>) target_semaphore(%arg9 : memref<!tpu.dma_semaphore, #tpu.memory_space<semaphore_mem>>)
      %dma_wait3A_839 = arith.constant 0 : i32
      %dma_wait3A_840 = arith.constant 0 : i32
      %dma_wait3A_841 = tpu.memref_slice %arg6[%select_n3A, %dma_wait3A_839, %dma_wait3A_840] : memref<504x117x300xf32, #tpu.memory_space<hbm>> -> memref<1x117x300xf32, #tpu.memory_space<hbm>>
      %dma_wait3A_842 = tpu.memref_squeeze %dma_wait3A_841 : memref<1x117x300xf32, #tpu.memory_space<hbm>> -> memref<117x300xf32, #tpu.memory_space<hbm>>
      %dma_wait3A_843 = arith.constant 0 : i32
      %dma_wait3A_844 = arith.constant 0 : i32
      %dma_wait3A_845 = tpu.memref_slice %arg6[%select_n3A, %dma_wait3A_843, %dma_wait3A_844] : memref<504x117x300xf32, #tpu.memory_space<hbm>> -> memref<1x117x300xf32, #tpu.memory_space<hbm>>
      %dma_wait3A_846 = tpu.memref_squeeze %dma_wait3A_845 : memref<1x117x300xf32, #tpu.memory_space<hbm>> -> memref<117x300xf32, #tpu.memory_space<hbm>>
      tpu.wait_dma2 semaphore(%arg9 : memref<!tpu.dma_semaphore, #tpu.memory_space<semaphore_mem>>) src(%arg8 : memref<117x300xf32, #tpu.memory_space<vmem>>) dst(%dma_wait3A_846 : memref<117x300xf32, #tpu.memory_space<hbm>>)
      %add3A_847 = arith.constant 39 : i32
      %add3A_848 = arith.addi %select_n3A, %add3A_847 : i32
      %sub3A_849 = arith.constant 1 : i32
      %sub3A_850 = arith.subi %select_n3A_62, %sub3A_849 : i32
      %min3A_851 = arith.minsi %add3A_848, %sub3A_850 : i32
      %dma_start3A_852 = arith.constant 0 : i32
      %dma_start3A_853 = arith.constant 0 : i32
      %dma_start3A_854 = tpu.memref_slice %arg6[%min3A_851, %dma_start3A_852, %dma_start3A_853] : memref<504x117x300xf32, #tpu.memory_space<hbm>> -> memref<1x117x300xf32, #tpu.memory_space<hbm>>
      %dma_start3A_855 = tpu.memref_squeeze %dma_start3A_854 : memref<1x117x300xf32, #tpu.memory_space<hbm>> -> memref<117x300xf32, #tpu.memory_space<hbm>>
      %dma_start3A_856 = arith.constant 0 : i32
      %dma_start3A_857 = arith.constant 0 : i32
      %dma_start3A_858 = tpu.memref_slice %arg6[%min3A_851, %dma_start3A_856, %dma_start3A_857] : memref<504x117x300xf32, #tpu.memory_space<hbm>> -> memref<1x117x300xf32, #tpu.memory_space<hbm>>
      %dma_start3A_859 = tpu.memref_squeeze %dma_start3A_858 : memref<1x117x300xf32, #tpu.memory_space<hbm>> -> memref<117x300xf32, #tpu.memory_space<hbm>>
      tpu.enqueue_dma source(%arg8 : memref<117x300xf32, #tpu.memory_space<vmem>>) target(%dma_start3A_859 : memref<117x300xf32, #tpu.memory_space<hbm>>) target_semaphore(%arg9 : memref<!tpu.dma_semaphore, #tpu.memory_space<semaphore_mem>>)
      %dma_wait3A_860 = arith.constant 0 : i32
      %dma_wait3A_861 = arith.constant 0 : i32
      %dma_wait3A_862 = tpu.memref_slice %arg6[%select_n3A, %dma_wait3A_860, %dma_wait3A_861] : memref<504x117x300xf32, #tpu.memory_space<hbm>> -> memref<1x117x300xf32, #tpu.memory_space<hbm>>
      %dma_wait3A_863 = tpu.memref_squeeze %dma_wait3A_862 : memref<1x117x300xf32, #tpu.memory_space<hbm>> -> memref<117x300xf32, #tpu.memory_space<hbm>>
      %dma_wait3A_864 = arith.constant 0 : i32
      %dma_wait3A_865 = arith.constant 0 : i32
      %dma_wait3A_866 = tpu.memref_slice %arg6[%select_n3A, %dma_wait3A_864, %dma_wait3A_865] : memref<504x117x300xf32, #tpu.memory_space<hbm>> -> memref<1x117x300xf32, #tpu.memory_space<hbm>>
      %dma_wait3A_867 = tpu.memref_squeeze %dma_wait3A_866 : memref<1x117x300xf32, #tpu.memory_space<hbm>> -> memref<117x300xf32, #tpu.memory_space<hbm>>
      tpu.wait_dma2 semaphore(%arg9 : memref<!tpu.dma_semaphore, #tpu.memory_space<semaphore_mem>>) src(%arg8 : memref<117x300xf32, #tpu.memory_space<vmem>>) dst(%dma_wait3A_867 : memref<117x300xf32, #tpu.memory_space<hbm>>)
      %add3A_868 = arith.constant 40 : i32
      %add3A_869 = arith.addi %select_n3A, %add3A_868 : i32
      %sub3A_870 = arith.constant 1 : i32
      %sub3A_871 = arith.subi %select_n3A_62, %sub3A_870 : i32
      %min3A_872 = arith.minsi %add3A_869, %sub3A_871 : i32
      %dma_start3A_873 = arith.constant 0 : i32
      %dma_start3A_874 = arith.constant 0 : i32
      %dma_start3A_875 = tpu.memref_slice %arg6[%min3A_872, %dma_start3A_873, %dma_start3A_874] : memref<504x117x300xf32, #tpu.memory_space<hbm>> -> memref<1x117x300xf32, #tpu.memory_space<hbm>>
      %dma_start3A_876 = tpu.memref_squeeze %dma_start3A_875 : memref<1x117x300xf32, #tpu.memory_space<hbm>> -> memref<117x300xf32, #tpu.memory_space<hbm>>
      %dma_start3A_877 = arith.constant 0 : i32
      %dma_start3A_878 = arith.constant 0 : i32
      %dma_start3A_879 = tpu.memref_slice %arg6[%min3A_872, %dma_start3A_877, %dma_start3A_878] : memref<504x117x300xf32, #tpu.memory_space<hbm>> -> memref<1x117x300xf32, #tpu.memory_space<hbm>>
      %dma_start3A_880 = tpu.memref_squeeze %dma_start3A_879 : memref<1x117x300xf32, #tpu.memory_space<hbm>> -> memref<117x300xf32, #tpu.memory_space<hbm>>
      tpu.enqueue_dma source(%arg8 : memref<117x300xf32, #tpu.memory_space<vmem>>) target(%dma_start3A_880 : memref<117x300xf32, #tpu.memory_space<hbm>>) target_semaphore(%arg9 : memref<!tpu.dma_semaphore, #tpu.memory_space<semaphore_mem>>)
      %dma_wait3A_881 = arith.constant 0 : i32
      %dma_wait3A_882 = arith.constant 0 : i32
      %dma_wait3A_883 = tpu.memref_slice %arg6[%select_n3A, %dma_wait3A_881, %dma_wait3A_882] : memref<504x117x300xf32, #tpu.memory_space<hbm>> -> memref<1x117x300xf32, #tpu.memory_space<hbm>>
      %dma_wait3A_884 = tpu.memref_squeeze %dma_wait3A_883 : memref<1x117x300xf32, #tpu.memory_space<hbm>> -> memref<117x300xf32, #tpu.memory_space<hbm>>
      %dma_wait3A_885 = arith.constant 0 : i32
      %dma_wait3A_886 = arith.constant 0 : i32
      %dma_wait3A_887 = tpu.memref_slice %arg6[%select_n3A, %dma_wait3A_885, %dma_wait3A_886] : memref<504x117x300xf32, #tpu.memory_space<hbm>> -> memref<1x117x300xf32, #tpu.memory_space<hbm>>
      %dma_wait3A_888 = tpu.memref_squeeze %dma_wait3A_887 : memref<1x117x300xf32, #tpu.memory_space<hbm>> -> memref<117x300xf32, #tpu.memory_space<hbm>>
      tpu.wait_dma2 semaphore(%arg9 : memref<!tpu.dma_semaphore, #tpu.memory_space<semaphore_mem>>) src(%arg8 : memref<117x300xf32, #tpu.memory_space<vmem>>) dst(%dma_wait3A_888 : memref<117x300xf32, #tpu.memory_space<hbm>>)
      %add3A_889 = arith.constant 41 : i32
      %add3A_890 = arith.addi %select_n3A, %add3A_889 : i32
      %sub3A_891 = arith.constant 1 : i32
      %sub3A_892 = arith.subi %select_n3A_62, %sub3A_891 : i32
      %min3A_893 = arith.minsi %add3A_890, %sub3A_892 : i32
      %dma_start3A_894 = arith.constant 0 : i32
      %dma_start3A_895 = arith.constant 0 : i32
      %dma_start3A_896 = tpu.memref_slice %arg6[%min3A_893, %dma_start3A_894, %dma_start3A_895] : memref<504x117x300xf32, #tpu.memory_space<hbm>> -> memref<1x117x300xf32, #tpu.memory_space<hbm>>
      %dma_start3A_897 = tpu.memref_squeeze %dma_start3A_896 : memref<1x117x300xf32, #tpu.memory_space<hbm>> -> memref<117x300xf32, #tpu.memory_space<hbm>>
      %dma_start3A_898 = arith.constant 0 : i32
      %dma_start3A_899 = arith.constant 0 : i32
      %dma_start3A_900 = tpu.memref_slice %arg6[%min3A_893, %dma_start3A_898, %dma_start3A_899] : memref<504x117x300xf32, #tpu.memory_space<hbm>> -> memref<1x117x300xf32, #tpu.memory_space<hbm>>
      %dma_start3A_901 = tpu.memref_squeeze %dma_start3A_900 : memref<1x117x300xf32, #tpu.memory_space<hbm>> -> memref<117x300xf32, #tpu.memory_space<hbm>>
      tpu.enqueue_dma source(%arg8 : memref<117x300xf32, #tpu.memory_space<vmem>>) target(%dma_start3A_901 : memref<117x300xf32, #tpu.memory_space<hbm>>) target_semaphore(%arg9 : memref<!tpu.dma_semaphore, #tpu.memory_space<semaphore_mem>>)
      %dma_wait3A_902 = arith.constant 0 : i32
      %dma_wait3A_903 = arith.constant 0 : i32
      %dma_wait3A_904 = tpu.memref_slice %arg6[%select_n3A, %dma_wait3A_902, %dma_wait3A_903] : memref<504x117x300xf32, #tpu.memory_space<hbm>> -> memref<1x117x300xf32, #tpu.memory_space<hbm>>
      %dma_wait3A_905 = tpu.memref_squeeze %dma_wait3A_904 : memref<1x117x300xf32, #tpu.memory_space<hbm>> -> memref<117x300xf32, #tpu.memory_space<hbm>>
      %dma_wait3A_906 = arith.constant 0 : i32
      %dma_wait3A_907 = arith.constant 0 : i32
      %dma_wait3A_908 = tpu.memref_slice %arg6[%select_n3A, %dma_wait3A_906, %dma_wait3A_907] : memref<504x117x300xf32, #tpu.memory_space<hbm>> -> memref<1x117x300xf32, #tpu.memory_space<hbm>>
      %dma_wait3A_909 = tpu.memref_squeeze %dma_wait3A_908 : memref<1x117x300xf32, #tpu.memory_space<hbm>> -> memref<117x300xf32, #tpu.memory_space<hbm>>
      tpu.wait_dma2 semaphore(%arg9 : memref<!tpu.dma_semaphore, #tpu.memory_space<semaphore_mem>>) src(%arg8 : memref<117x300xf32, #tpu.memory_space<vmem>>) dst(%dma_wait3A_909 : memref<117x300xf32, #tpu.memory_space<hbm>>)
      %add3A_910 = arith.constant 42 : i32
      %add3A_911 = arith.addi %select_n3A, %add3A_910 : i32
      %sub3A_912 = arith.constant 1 : i32
      %sub3A_913 = arith.subi %select_n3A_62, %sub3A_912 : i32
      %min3A_914 = arith.minsi %add3A_911, %sub3A_913 : i32
      %dma_start3A_915 = arith.constant 0 : i32
      %dma_start3A_916 = arith.constant 0 : i32
      %dma_start3A_917 = tpu.memref_slice %arg6[%min3A_914, %dma_start3A_915, %dma_start3A_916] : memref<504x117x300xf32, #tpu.memory_space<hbm>> -> memref<1x117x300xf32, #tpu.memory_space<hbm>>
      %dma_start3A_918 = tpu.memref_squeeze %dma_start3A_917 : memref<1x117x300xf32, #tpu.memory_space<hbm>> -> memref<117x300xf32, #tpu.memory_space<hbm>>
      %dma_start3A_919 = arith.constant 0 : i32
      %dma_start3A_920 = arith.constant 0 : i32
      %dma_start3A_921 = tpu.memref_slice %arg6[%min3A_914, %dma_start3A_919, %dma_start3A_920] : memref<504x117x300xf32, #tpu.memory_space<hbm>> -> memref<1x117x300xf32, #tpu.memory_space<hbm>>
      %dma_start3A_922 = tpu.memref_squeeze %dma_start3A_921 : memref<1x117x300xf32, #tpu.memory_space<hbm>> -> memref<117x300xf32, #tpu.memory_space<hbm>>
      tpu.enqueue_dma source(%arg8 : memref<117x300xf32, #tpu.memory_space<vmem>>) target(%dma_start3A_922 : memref<117x300xf32, #tpu.memory_space<hbm>>) target_semaphore(%arg9 : memref<!tpu.dma_semaphore, #tpu.memory_space<semaphore_mem>>)
      %dma_wait3A_923 = arith.constant 0 : i32
      %dma_wait3A_924 = arith.constant 0 : i32
      %dma_wait3A_925 = tpu.memref_slice %arg6[%select_n3A, %dma_wait3A_923, %dma_wait3A_924] : memref<504x117x300xf32, #tpu.memory_space<hbm>> -> memref<1x117x300xf32, #tpu.memory_space<hbm>>
      %dma_wait3A_926 = tpu.memref_squeeze %dma_wait3A_925 : memref<1x117x300xf32, #tpu.memory_space<hbm>> -> memref<117x300xf32, #tpu.memory_space<hbm>>
      %dma_wait3A_927 = arith.constant 0 : i32
      %dma_wait3A_928 = arith.constant 0 : i32
      %dma_wait3A_929 = tpu.memref_slice %arg6[%select_n3A, %dma_wait3A_927, %dma_wait3A_928] : memref<504x117x300xf32, #tpu.memory_space<hbm>> -> memref<1x117x300xf32, #tpu.memory_space<hbm>>
      %dma_wait3A_930 = tpu.memref_squeeze %dma_wait3A_929 : memref<1x117x300xf32, #tpu.memory_space<hbm>> -> memref<117x300xf32, #tpu.memory_space<hbm>>
      tpu.wait_dma2 semaphore(%arg9 : memref<!tpu.dma_semaphore, #tpu.memory_space<semaphore_mem>>) src(%arg8 : memref<117x300xf32, #tpu.memory_space<vmem>>) dst(%dma_wait3A_930 : memref<117x300xf32, #tpu.memory_space<hbm>>)
      %add3A_931 = arith.constant 43 : i32
      %add3A_932 = arith.addi %select_n3A, %add3A_931 : i32
      %sub3A_933 = arith.constant 1 : i32
      %sub3A_934 = arith.subi %select_n3A_62, %sub3A_933 : i32
      %min3A_935 = arith.minsi %add3A_932, %sub3A_934 : i32
      %dma_start3A_936 = arith.constant 0 : i32
      %dma_start3A_937 = arith.constant 0 : i32
      %dma_start3A_938 = tpu.memref_slice %arg6[%min3A_935, %dma_start3A_936, %dma_start3A_937] : memref<504x117x300xf32, #tpu.memory_space<hbm>> -> memref<1x117x300xf32, #tpu.memory_space<hbm>>
      %dma_start3A_939 = tpu.memref_squeeze %dma_start3A_938 : memref<1x117x300xf32, #tpu.memory_space<hbm>> -> memref<117x300xf32, #tpu.memory_space<hbm>>
      %dma_start3A_940 = arith.constant 0 : i32
      %dma_start3A_941 = arith.constant 0 : i32
      %dma_start3A_942 = tpu.memref_slice %arg6[%min3A_935, %dma_start3A_940, %dma_start3A_941] : memref<504x117x300xf32, #tpu.memory_space<hbm>> -> memref<1x117x300xf32, #tpu.memory_space<hbm>>
      %dma_start3A_943 = tpu.memref_squeeze %dma_start3A_942 : memref<1x117x300xf32, #tpu.memory_space<hbm>> -> memref<117x300xf32, #tpu.memory_space<hbm>>
      tpu.enqueue_dma source(%arg8 : memref<117x300xf32, #tpu.memory_space<vmem>>) target(%dma_start3A_943 : memref<117x300xf32, #tpu.memory_space<hbm>>) target_semaphore(%arg9 : memref<!tpu.dma_semaphore, #tpu.memory_space<semaphore_mem>>)
      %dma_wait3A_944 = arith.constant 0 : i32
      %dma_wait3A_945 = arith.constant 0 : i32
      %dma_wait3A_946 = tpu.memref_slice %arg6[%select_n3A, %dma_wait3A_944, %dma_wait3A_945] : memref<504x117x300xf32, #tpu.memory_space<hbm>> -> memref<1x117x300xf32, #tpu.memory_space<hbm>>
      %dma_wait3A_947 = tpu.memref_squeeze %dma_wait3A_946 : memref<1x117x300xf32, #tpu.memory_space<hbm>> -> memref<117x300xf32, #tpu.memory_space<hbm>>
      %dma_wait3A_948 = arith.constant 0 : i32
      %dma_wait3A_949 = arith.constant 0 : i32
      %dma_wait3A_950 = tpu.memref_slice %arg6[%select_n3A, %dma_wait3A_948, %dma_wait3A_949] : memref<504x117x300xf32, #tpu.memory_space<hbm>> -> memref<1x117x300xf32, #tpu.memory_space<hbm>>
      %dma_wait3A_951 = tpu.memref_squeeze %dma_wait3A_950 : memref<1x117x300xf32, #tpu.memory_space<hbm>> -> memref<117x300xf32, #tpu.memory_space<hbm>>
      tpu.wait_dma2 semaphore(%arg9 : memref<!tpu.dma_semaphore, #tpu.memory_space<semaphore_mem>>) src(%arg8 : memref<117x300xf32, #tpu.memory_space<vmem>>) dst(%dma_wait3A_951 : memref<117x300xf32, #tpu.memory_space<hbm>>)
      %add3A_952 = arith.constant 44 : i32
      %add3A_953 = arith.addi %select_n3A, %add3A_952 : i32
      %sub3A_954 = arith.constant 1 : i32
      %sub3A_955 = arith.subi %select_n3A_62, %sub3A_954 : i32
      %min3A_956 = arith.minsi %add3A_953, %sub3A_955 : i32
      %dma_start3A_957 = arith.constant 0 : i32
      %dma_start3A_958 = arith.constant 0 : i32
      %dma_start3A_959 = tpu.memref_slice %arg6[%min3A_956, %dma_start3A_957, %dma_start3A_958] : memref<504x117x300xf32, #tpu.memory_space<hbm>> -> memref<1x117x300xf32, #tpu.memory_space<hbm>>
      %dma_start3A_960 = tpu.memref_squeeze %dma_start3A_959 : memref<1x117x300xf32, #tpu.memory_space<hbm>> -> memref<117x300xf32, #tpu.memory_space<hbm>>
      %dma_start3A_961 = arith.constant 0 : i32
      %dma_start3A_962 = arith.constant 0 : i32
      %dma_start3A_963 = tpu.memref_slice %arg6[%min3A_956, %dma_start3A_961, %dma_start3A_962] : memref<504x117x300xf32, #tpu.memory_space<hbm>> -> memref<1x117x300xf32, #tpu.memory_space<hbm>>
      %dma_start3A_964 = tpu.memref_squeeze %dma_start3A_963 : memref<1x117x300xf32, #tpu.memory_space<hbm>> -> memref<117x300xf32, #tpu.memory_space<hbm>>
      tpu.enqueue_dma source(%arg8 : memref<117x300xf32, #tpu.memory_space<vmem>>) target(%dma_start3A_964 : memref<117x300xf32, #tpu.memory_space<hbm>>) target_semaphore(%arg9 : memref<!tpu.dma_semaphore, #tpu.memory_space<semaphore_mem>>)
      %dma_wait3A_965 = arith.constant 0 : i32
      %dma_wait3A_966 = arith.constant 0 : i32
      %dma_wait3A_967 = tpu.memref_slice %arg6[%select_n3A, %dma_wait3A_965, %dma_wait3A_966] : memref<504x117x300xf32, #tpu.memory_space<hbm>> -> memref<1x117x300xf32, #tpu.memory_space<hbm>>
      %dma_wait3A_968 = tpu.memref_squeeze %dma_wait3A_967 : memref<1x117x300xf32, #tpu.memory_space<hbm>> -> memref<117x300xf32, #tpu.memory_space<hbm>>
      %dma_wait3A_969 = arith.constant 0 : i32
      %dma_wait3A_970 = arith.constant 0 : i32
      %dma_wait3A_971 = tpu.memref_slice %arg6[%select_n3A, %dma_wait3A_969, %dma_wait3A_970] : memref<504x117x300xf32, #tpu.memory_space<hbm>> -> memref<1x117x300xf32, #tpu.memory_space<hbm>>
      %dma_wait3A_972 = tpu.memref_squeeze %dma_wait3A_971 : memref<1x117x300xf32, #tpu.memory_space<hbm>> -> memref<117x300xf32, #tpu.memory_space<hbm>>
      tpu.wait_dma2 semaphore(%arg9 : memref<!tpu.dma_semaphore, #tpu.memory_space<semaphore_mem>>) src(%arg8 : memref<117x300xf32, #tpu.memory_space<vmem>>) dst(%dma_wait3A_972 : memref<117x300xf32, #tpu.memory_space<hbm>>)
      %add3A_973 = arith.constant 45 : i32
      %add3A_974 = arith.addi %select_n3A, %add3A_973 : i32
      %sub3A_975 = arith.constant 1 : i32
      %sub3A_976 = arith.subi %select_n3A_62, %sub3A_975 : i32
      %min3A_977 = arith.minsi %add3A_974, %sub3A_976 : i32
      %dma_start3A_978 = arith.constant 0 : i32
      %dma_start3A_979 = arith.constant 0 : i32
      %dma_start3A_980 = tpu.memref_slice %arg6[%min3A_977, %dma_start3A_978, %dma_start3A_979] : memref<504x117x300xf32, #tpu.memory_space<hbm>> -> memref<1x117x300xf32, #tpu.memory_space<hbm>>
      %dma_start3A_981 = tpu.memref_squeeze %dma_start3A_980 : memref<1x117x300xf32, #tpu.memory_space<hbm>> -> memref<117x300xf32, #tpu.memory_space<hbm>>
      %dma_start3A_982 = arith.constant 0 : i32
      %dma_start3A_983 = arith.constant 0 : i32
      %dma_start3A_984 = tpu.memref_slice %arg6[%min3A_977, %dma_start3A_982, %dma_start3A_983] : memref<504x117x300xf32, #tpu.memory_space<hbm>> -> memref<1x117x300xf32, #tpu.memory_space<hbm>>
      %dma_start3A_985 = tpu.memref_squeeze %dma_start3A_984 : memref<1x117x300xf32, #tpu.memory_space<hbm>> -> memref<117x300xf32, #tpu.memory_space<hbm>>
      tpu.enqueue_dma source(%arg8 : memref<117x300xf32, #tpu.memory_space<vmem>>) target(%dma_start3A_985 : memref<117x300xf32, #tpu.memory_space<hbm>>) target_semaphore(%arg9 : memref<!tpu.dma_semaphore, #tpu.memory_space<semaphore_mem>>)
      %dma_wait3A_986 = arith.constant 0 : i32
      %dma_wait3A_987 = arith.constant 0 : i32
      %dma_wait3A_988 = tpu.memref_slice %arg6[%select_n3A, %dma_wait3A_986, %dma_wait3A_987] : memref<504x117x300xf32, #tpu.memory_space<hbm>> -> memref<1x117x300xf32, #tpu.memory_space<hbm>>
      %dma_wait3A_989 = tpu.memref_squeeze %dma_wait3A_988 : memref<1x117x300xf32, #tpu.memory_space<hbm>> -> memref<117x300xf32, #tpu.memory_space<hbm>>
      %dma_wait3A_990 = arith.constant 0 : i32
      %dma_wait3A_991 = arith.constant 0 : i32
      %dma_wait3A_992 = tpu.memref_slice %arg6[%select_n3A, %dma_wait3A_990, %dma_wait3A_991] : memref<504x117x300xf32, #tpu.memory_space<hbm>> -> memref<1x117x300xf32, #tpu.memory_space<hbm>>
      %dma_wait3A_993 = tpu.memref_squeeze %dma_wait3A_992 : memref<1x117x300xf32, #tpu.memory_space<hbm>> -> memref<117x300xf32, #tpu.memory_space<hbm>>
      tpu.wait_dma2 semaphore(%arg9 : memref<!tpu.dma_semaphore, #tpu.memory_space<semaphore_mem>>) src(%arg8 : memref<117x300xf32, #tpu.memory_space<vmem>>) dst(%dma_wait3A_993 : memref<117x300xf32, #tpu.memory_space<hbm>>)
      %dma_wait3A_994 = arith.constant 0 : i32
      %dma_wait3A_995 = arith.constant 0 : i32
      %dma_wait3A_996 = tpu.memref_slice %arg6[%select_n3A, %dma_wait3A_994, %dma_wait3A_995] : memref<504x117x300xf32, #tpu.memory_space<hbm>> -> memref<1x117x300xf32, #tpu.memory_space<hbm>>
      %dma_wait3A_997 = tpu.memref_squeeze %dma_wait3A_996 : memref<1x117x300xf32, #tpu.memory_space<hbm>> -> memref<117x300xf32, #tpu.memory_space<hbm>>
      %dma_wait3A_998 = arith.constant 0 : i32
      %dma_wait3A_999 = arith.constant 0 : i32
      %dma_wait3A_1000 = tpu.memref_slice %arg6[%select_n3A, %dma_wait3A_998, %dma_wait3A_999] : memref<504x117x300xf32, #tpu.memory_space<hbm>> -> memref<1x117x300xf32, #tpu.memory_space<hbm>>
      %dma_wait3A_1001 = tpu.memref_squeeze %dma_wait3A_1000 : memref<1x117x300xf32, #tpu.memory_space<hbm>> -> memref<117x300xf32, #tpu.memory_space<hbm>>
      tpu.wait_dma2 semaphore(%arg9 : memref<!tpu.dma_semaphore, #tpu.memory_space<semaphore_mem>>) src(%arg8 : memref<117x300xf32, #tpu.memory_space<vmem>>) dst(%dma_wait3A_1001 : memref<117x300xf32, #tpu.memory_space<hbm>>)
      %dma_wait3A_1002 = arith.constant 0 : i32
      %dma_wait3A_1003 = arith.constant 0 : i32
      %dma_wait3A_1004 = tpu.memref_slice %arg6[%select_n3A, %dma_wait3A_1002, %dma_wait3A_1003] : memref<504x117x300xf32, #tpu.memory_space<hbm>> -> memref<1x117x300xf32, #tpu.memory_space<hbm>>
      %dma_wait3A_1005 = tpu.memref_squeeze %dma_wait3A_1004 : memref<1x117x300xf32, #tpu.memory_space<hbm>> -> memref<117x300xf32, #tpu.memory_space<hbm>>
      %dma_wait3A_1006 = arith.constant 0 : i32
      %dma_wait3A_1007 = arith.constant 0 : i32
      %dma_wait3A_1008 = tpu.memref_slice %arg6[%select_n3A, %dma_wait3A_1006, %dma_wait3A_1007] : memref<504x117x300xf32, #tpu.memory_space<hbm>> -> memref<1x117x300xf32, #tpu.memory_space<hbm>>
      %dma_wait3A_1009 = tpu.memref_squeeze %dma_wait3A_1008 : memref<1x117x300xf32, #tpu.memory_space<hbm>> -> memref<117x300xf32, #tpu.memory_space<hbm>>
      tpu.wait_dma2 semaphore(%arg9 : memref<!tpu.dma_semaphore, #tpu.memory_space<semaphore_mem>>) src(%arg8 : memref<117x300xf32, #tpu.memory_space<vmem>>) dst(%dma_wait3A_1009 : memref<117x300xf32, #tpu.memory_space<hbm>>)
      %dma_wait3A_1010 = arith.constant 0 : i32
      %dma_wait3A_1011 = arith.constant 0 : i32
      %dma_wait3A_1012 = tpu.memref_slice %arg6[%select_n3A, %dma_wait3A_1010, %dma_wait3A_1011] : memref<504x117x300xf32, #tpu.memory_space<hbm>> -> memref<1x117x300xf32, #tpu.memory_space<hbm>>
      %dma_wait3A_1013 = tpu.memref_squeeze %dma_wait3A_1012 : memref<1x117x300xf32, #tpu.memory_space<hbm>> -> memref<117x300xf32, #tpu.memory_space<hbm>>
      %dma_wait3A_1014 = arith.constant 0 : i32
      %dma_wait3A_1015 = arith.constant 0 : i32
      %dma_wait3A_1016 = tpu.memref_slice %arg6[%select_n3A, %dma_wait3A_1014, %dma_wait3A_1015] : memref<504x117x300xf32, #tpu.memory_space<hbm>> -> memref<1x117x300xf32, #tpu.memory_space<hbm>>
      %dma_wait3A_1017 = tpu.memref_squeeze %dma_wait3A_1016 : memref<1x117x300xf32, #tpu.memory_space<hbm>> -> memref<117x300xf32, #tpu.memory_space<hbm>>
      tpu.wait_dma2 semaphore(%arg9 : memref<!tpu.dma_semaphore, #tpu.memory_space<semaphore_mem>>) src(%arg8 : memref<117x300xf32, #tpu.memory_space<vmem>>) dst(%dma_wait3A_1017 : memref<117x300xf32, #tpu.memory_space<hbm>>)
      %dma_wait3A_1018 = arith.constant 0 : i32
      %dma_wait3A_1019 = arith.constant 0 : i32
      %dma_wait3A_1020 = tpu.memref_slice %arg6[%select_n3A, %dma_wait3A_1018, %dma_wait3A_1019] : memref<504x117x300xf32, #tpu.memory_space<hbm>> -> memref<1x117x300xf32, #tpu.memory_space<hbm>>
      %dma_wait3A_1021 = tpu.memref_squeeze %dma_wait3A_1020 : memref<1x117x300xf32, #tpu.memory_space<hbm>> -> memref<117x300xf32, #tpu.memory_space<hbm>>
      %dma_wait3A_1022 = arith.constant 0 : i32
      %dma_wait3A_1023 = arith.constant 0 : i32
      %dma_wait3A_1024 = tpu.memref_slice %arg6[%select_n3A, %dma_wait3A_1022, %dma_wait3A_1023] : memref<504x117x300xf32, #tpu.memory_space<hbm>> -> memref<1x117x300xf32, #tpu.memory_space<hbm>>
      %dma_wait3A_1025 = tpu.memref_squeeze %dma_wait3A_1024 : memref<1x117x300xf32, #tpu.memory_space<hbm>> -> memref<117x300xf32, #tpu.memory_space<hbm>>
      tpu.wait_dma2 semaphore(%arg9 : memref<!tpu.dma_semaphore, #tpu.memory_space<semaphore_mem>>) src(%arg8 : memref<117x300xf32, #tpu.memory_space<vmem>>) dst(%dma_wait3A_1025 : memref<117x300xf32, #tpu.memory_space<hbm>>)
    } else {
    }
    %eq3A_10 = arith.constant 2 : i32
    %eq3A_11 = arith.cmpi eq, %rem3A_1, %eq3A_10 : i32
    %convert_element_type3A_12 = arith.extui %eq3A_11 : i1 to i32
    %cond3A_13 = arith.constant 0 : i32
    %cond3A_14 = arith.cmpi ne, %convert_element_type3A_12, %cond3A_13 : i32
    scf.if %cond3A_14 {
      %mul3A_15 = arith.constant 504 : i32
      %mul3A_16 = arith.muli %mul3A_15, %div3A_2 : i32
      %jit3A = arith.constant 10 : i32
      %div3A_17 = arith.divsi %mul3A_16, %jit3A : i32
      %sign3A = arith.constant 0 : i32
      %sign3A_18 = arith.cmpi sgt, %mul3A_16, %sign3A : i32
      %sign3A_19 = arith.extui %sign3A_18 : i1 to i32
      %sign3A_20 = arith.constant 0 : i32
      %sign3A_21 = arith.cmpi slt, %mul3A_16, %sign3A_20 : i32
      %sign3A_22 = arith.extui %sign3A_21 : i1 to i32
      %sign3A_23 = arith.subi %sign3A_19, %sign3A_22 : i32
      %sign3A_24 = arith.constant 0 : i32
      %sign3A_25 = arith.cmpi sgt, %jit3A, %sign3A_24 : i32
      %sign3A_26 = arith.extui %sign3A_25 : i1 to i32
      %sign3A_27 = arith.constant 0 : i32
      %sign3A_28 = arith.cmpi slt, %jit3A, %sign3A_27 : i32
      %sign3A_29 = arith.extui %sign3A_28 : i1 to i32
      %sign3A_30 = arith.subi %sign3A_26, %sign3A_29 : i32
      %ne3A = arith.cmpi ne, %sign3A_23, %sign3A_30 : i32
      %rem3A_31 = arith.remsi %mul3A_16, %jit3A : i32
      %ne3A_32 = arith.constant 0 : i32
      %ne3A_33 = arith.cmpi ne, %rem3A_31, %ne3A_32 : i32
      %and3A = arith.andi %ne3A, %ne3A_33 : i1
      %sub3A = arith.constant 1 : i32
      %sub3A_34 = arith.subi %div3A_17, %sub3A : i32
      %select_n3A = arith.select %and3A, %sub3A_34, %div3A_17 : i32
      %add3A_35 = arith.constant 1 : i32
      %add3A_36 = arith.addi %div3A_2, %add3A_35 : i32
      %mul3A_37 = arith.constant 504 : i32
      %mul3A_38 = arith.muli %mul3A_37, %add3A_36 : i32
      %jit3A_39 = arith.constant 10 : i32
      %div3A_40 = arith.divsi %mul3A_38, %jit3A_39 : i32
      %sign3A_41 = arith.constant 0 : i32
      %sign3A_42 = arith.cmpi sgt, %mul3A_38, %sign3A_41 : i32
      %sign3A_43 = arith.extui %sign3A_42 : i1 to i32
      %sign3A_44 = arith.constant 0 : i32
      %sign3A_45 = arith.cmpi slt, %mul3A_38, %sign3A_44 : i32
      %sign3A_46 = arith.extui %sign3A_45 : i1 to i32
      %sign3A_47 = arith.subi %sign3A_43, %sign3A_46 : i32
      %sign3A_48 = arith.constant 0 : i32
      %sign3A_49 = arith.cmpi sgt, %jit3A_39, %sign3A_48 : i32
      %sign3A_50 = arith.extui %sign3A_49 : i1 to i32
      %sign3A_51 = arith.constant 0 : i32
      %sign3A_52 = arith.cmpi slt, %jit3A_39, %sign3A_51 : i32
      %sign3A_53 = arith.extui %sign3A_52 : i1 to i32
      %sign3A_54 = arith.subi %sign3A_50, %sign3A_53 : i32
      %ne3A_55 = arith.cmpi ne, %sign3A_47, %sign3A_54 : i32
      %rem3A_56 = arith.remsi %mul3A_38, %jit3A_39 : i32
      %ne3A_57 = arith.constant 0 : i32
      %ne3A_58 = arith.cmpi ne, %rem3A_56, %ne3A_57 : i32
      %and3A_59 = arith.andi %ne3A_55, %ne3A_58 : i1
      %sub3A_60 = arith.constant 1 : i32
      %sub3A_61 = arith.subi %div3A_40, %sub3A_60 : i32
      %select_n3A_62 = arith.select %and3A_59, %sub3A_61, %div3A_40 : i32
      "tpu.region"() ({
        %run_scoped3A = tpu.sem_alloc : memref<!tpu.dma_semaphore, #tpu.memory_space<semaphore_mem>>
        tpu.enqueue_dma source(%arg4 : memref<117x300xf32, #tpu.memory_space<hbm>>) target(%arg8 : memref<117x300xf32, #tpu.memory_space<vmem>>) target_semaphore(%run_scoped3A : memref<!tpu.dma_semaphore, #tpu.memory_space<semaphore_mem>>)
        tpu.wait_dma2 semaphore(%run_scoped3A : memref<!tpu.dma_semaphore, #tpu.memory_space<semaphore_mem>>) src(%arg4 : memref<117x300xf32, #tpu.memory_space<hbm>>) dst(%arg8 : memref<117x300xf32, #tpu.memory_space<vmem>>)
        tpu.yield
      }) : () -> ()
      %add3A_63 = arith.constant 0 : i32
      %add3A_64 = arith.addi %select_n3A, %add3A_63 : i32
      %sub3A_65 = arith.constant 1 : i32
      %sub3A_66 = arith.subi %select_n3A_62, %sub3A_65 : i32
      %min3A = arith.minsi %add3A_64, %sub3A_66 : i32
      %dma_start3A = arith.constant 0 : i32
      %dma_start3A_67 = arith.constant 0 : i32
      %dma_start3A_68 = tpu.memref_slice %arg7[%min3A, %dma_start3A, %dma_start3A_67] : memref<504x117x300xf32, #tpu.memory_space<hbm>> -> memref<1x117x300xf32, #tpu.memory_space<hbm>>
      %dma_start3A_69 = tpu.memref_squeeze %dma_start3A_68 : memref<1x117x300xf32, #tpu.memory_space<hbm>> -> memref<117x300xf32, #tpu.memory_space<hbm>>
      %dma_start3A_70 = arith.constant 0 : i32
      %dma_start3A_71 = arith.constant 0 : i32
      %dma_start3A_72 = tpu.memref_slice %arg7[%min3A, %dma_start3A_70, %dma_start3A_71] : memref<504x117x300xf32, #tpu.memory_space<hbm>> -> memref<1x117x300xf32, #tpu.memory_space<hbm>>
      %dma_start3A_73 = tpu.memref_squeeze %dma_start3A_72 : memref<1x117x300xf32, #tpu.memory_space<hbm>> -> memref<117x300xf32, #tpu.memory_space<hbm>>
      tpu.enqueue_dma source(%arg8 : memref<117x300xf32, #tpu.memory_space<vmem>>) target(%dma_start3A_73 : memref<117x300xf32, #tpu.memory_space<hbm>>) target_semaphore(%arg9 : memref<!tpu.dma_semaphore, #tpu.memory_space<semaphore_mem>>)
      %add3A_74 = arith.constant 1 : i32
      %add3A_75 = arith.addi %select_n3A, %add3A_74 : i32
      %sub3A_76 = arith.constant 1 : i32
      %sub3A_77 = arith.subi %select_n3A_62, %sub3A_76 : i32
      %min3A_78 = arith.minsi %add3A_75, %sub3A_77 : i32
      %dma_start3A_79 = arith.constant 0 : i32
      %dma_start3A_80 = arith.constant 0 : i32
      %dma_start3A_81 = tpu.memref_slice %arg7[%min3A_78, %dma_start3A_79, %dma_start3A_80] : memref<504x117x300xf32, #tpu.memory_space<hbm>> -> memref<1x117x300xf32, #tpu.memory_space<hbm>>
      %dma_start3A_82 = tpu.memref_squeeze %dma_start3A_81 : memref<1x117x300xf32, #tpu.memory_space<hbm>> -> memref<117x300xf32, #tpu.memory_space<hbm>>
      %dma_start3A_83 = arith.constant 0 : i32
      %dma_start3A_84 = arith.constant 0 : i32
      %dma_start3A_85 = tpu.memref_slice %arg7[%min3A_78, %dma_start3A_83, %dma_start3A_84] : memref<504x117x300xf32, #tpu.memory_space<hbm>> -> memref<1x117x300xf32, #tpu.memory_space<hbm>>
      %dma_start3A_86 = tpu.memref_squeeze %dma_start3A_85 : memref<1x117x300xf32, #tpu.memory_space<hbm>> -> memref<117x300xf32, #tpu.memory_space<hbm>>
      tpu.enqueue_dma source(%arg8 : memref<117x300xf32, #tpu.memory_space<vmem>>) target(%dma_start3A_86 : memref<117x300xf32, #tpu.memory_space<hbm>>) target_semaphore(%arg9 : memref<!tpu.dma_semaphore, #tpu.memory_space<semaphore_mem>>)
      %add3A_87 = arith.constant 2 : i32
      %add3A_88 = arith.addi %select_n3A, %add3A_87 : i32
      %sub3A_89 = arith.constant 1 : i32
      %sub3A_90 = arith.subi %select_n3A_62, %sub3A_89 : i32
      %min3A_91 = arith.minsi %add3A_88, %sub3A_90 : i32
      %dma_start3A_92 = arith.constant 0 : i32
      %dma_start3A_93 = arith.constant 0 : i32
      %dma_start3A_94 = tpu.memref_slice %arg7[%min3A_91, %dma_start3A_92, %dma_start3A_93] : memref<504x117x300xf32, #tpu.memory_space<hbm>> -> memref<1x117x300xf32, #tpu.memory_space<hbm>>
      %dma_start3A_95 = tpu.memref_squeeze %dma_start3A_94 : memref<1x117x300xf32, #tpu.memory_space<hbm>> -> memref<117x300xf32, #tpu.memory_space<hbm>>
      %dma_start3A_96 = arith.constant 0 : i32
      %dma_start3A_97 = arith.constant 0 : i32
      %dma_start3A_98 = tpu.memref_slice %arg7[%min3A_91, %dma_start3A_96, %dma_start3A_97] : memref<504x117x300xf32, #tpu.memory_space<hbm>> -> memref<1x117x300xf32, #tpu.memory_space<hbm>>
      %dma_start3A_99 = tpu.memref_squeeze %dma_start3A_98 : memref<1x117x300xf32, #tpu.memory_space<hbm>> -> memref<117x300xf32, #tpu.memory_space<hbm>>
      tpu.enqueue_dma source(%arg8 : memref<117x300xf32, #tpu.memory_space<vmem>>) target(%dma_start3A_99 : memref<117x300xf32, #tpu.memory_space<hbm>>) target_semaphore(%arg9 : memref<!tpu.dma_semaphore, #tpu.memory_space<semaphore_mem>>)
      %add3A_100 = arith.constant 3 : i32
      %add3A_101 = arith.addi %select_n3A, %add3A_100 : i32
      %sub3A_102 = arith.constant 1 : i32
      %sub3A_103 = arith.subi %select_n3A_62, %sub3A_102 : i32
      %min3A_104 = arith.minsi %add3A_101, %sub3A_103 : i32
      %dma_start3A_105 = arith.constant 0 : i32
      %dma_start3A_106 = arith.constant 0 : i32
      %dma_start3A_107 = tpu.memref_slice %arg7[%min3A_104, %dma_start3A_105, %dma_start3A_106] : memref<504x117x300xf32, #tpu.memory_space<hbm>> -> memref<1x117x300xf32, #tpu.memory_space<hbm>>
      %dma_start3A_108 = tpu.memref_squeeze %dma_start3A_107 : memref<1x117x300xf32, #tpu.memory_space<hbm>> -> memref<117x300xf32, #tpu.memory_space<hbm>>
      %dma_start3A_109 = arith.constant 0 : i32
      %dma_start3A_110 = arith.constant 0 : i32
      %dma_start3A_111 = tpu.memref_slice %arg7[%min3A_104, %dma_start3A_109, %dma_start3A_110] : memref<504x117x300xf32, #tpu.memory_space<hbm>> -> memref<1x117x300xf32, #tpu.memory_space<hbm>>
      %dma_start3A_112 = tpu.memref_squeeze %dma_start3A_111 : memref<1x117x300xf32, #tpu.memory_space<hbm>> -> memref<117x300xf32, #tpu.memory_space<hbm>>
      tpu.enqueue_dma source(%arg8 : memref<117x300xf32, #tpu.memory_space<vmem>>) target(%dma_start3A_112 : memref<117x300xf32, #tpu.memory_space<hbm>>) target_semaphore(%arg9 : memref<!tpu.dma_semaphore, #tpu.memory_space<semaphore_mem>>)
      %add3A_113 = arith.constant 4 : i32
      %add3A_114 = arith.addi %select_n3A, %add3A_113 : i32
      %sub3A_115 = arith.constant 1 : i32
      %sub3A_116 = arith.subi %select_n3A_62, %sub3A_115 : i32
      %min3A_117 = arith.minsi %add3A_114, %sub3A_116 : i32
      %dma_start3A_118 = arith.constant 0 : i32
      %dma_start3A_119 = arith.constant 0 : i32
      %dma_start3A_120 = tpu.memref_slice %arg7[%min3A_117, %dma_start3A_118, %dma_start3A_119] : memref<504x117x300xf32, #tpu.memory_space<hbm>> -> memref<1x117x300xf32, #tpu.memory_space<hbm>>
      %dma_start3A_121 = tpu.memref_squeeze %dma_start3A_120 : memref<1x117x300xf32, #tpu.memory_space<hbm>> -> memref<117x300xf32, #tpu.memory_space<hbm>>
      %dma_start3A_122 = arith.constant 0 : i32
      %dma_start3A_123 = arith.constant 0 : i32
      %dma_start3A_124 = tpu.memref_slice %arg7[%min3A_117, %dma_start3A_122, %dma_start3A_123] : memref<504x117x300xf32, #tpu.memory_space<hbm>> -> memref<1x117x300xf32, #tpu.memory_space<hbm>>
      %dma_start3A_125 = tpu.memref_squeeze %dma_start3A_124 : memref<1x117x300xf32, #tpu.memory_space<hbm>> -> memref<117x300xf32, #tpu.memory_space<hbm>>
      tpu.enqueue_dma source(%arg8 : memref<117x300xf32, #tpu.memory_space<vmem>>) target(%dma_start3A_125 : memref<117x300xf32, #tpu.memory_space<hbm>>) target_semaphore(%arg9 : memref<!tpu.dma_semaphore, #tpu.memory_space<semaphore_mem>>)
      %dma_wait3A = arith.constant 0 : i32
      %dma_wait3A_126 = arith.constant 0 : i32
      %dma_wait3A_127 = tpu.memref_slice %arg7[%select_n3A, %dma_wait3A, %dma_wait3A_126] : memref<504x117x300xf32, #tpu.memory_space<hbm>> -> memref<1x117x300xf32, #tpu.memory_space<hbm>>
      %dma_wait3A_128 = tpu.memref_squeeze %dma_wait3A_127 : memref<1x117x300xf32, #tpu.memory_space<hbm>> -> memref<117x300xf32, #tpu.memory_space<hbm>>
      %dma_wait3A_129 = arith.constant 0 : i32
      %dma_wait3A_130 = arith.constant 0 : i32
      %dma_wait3A_131 = tpu.memref_slice %arg7[%select_n3A, %dma_wait3A_129, %dma_wait3A_130] : memref<504x117x300xf32, #tpu.memory_space<hbm>> -> memref<1x117x300xf32, #tpu.memory_space<hbm>>
      %dma_wait3A_132 = tpu.memref_squeeze %dma_wait3A_131 : memref<1x117x300xf32, #tpu.memory_space<hbm>> -> memref<117x300xf32, #tpu.memory_space<hbm>>
      tpu.wait_dma2 semaphore(%arg9 : memref<!tpu.dma_semaphore, #tpu.memory_space<semaphore_mem>>) src(%arg8 : memref<117x300xf32, #tpu.memory_space<vmem>>) dst(%dma_wait3A_132 : memref<117x300xf32, #tpu.memory_space<hbm>>)
      %add3A_133 = arith.constant 5 : i32
      %add3A_134 = arith.addi %select_n3A, %add3A_133 : i32
      %sub3A_135 = arith.constant 1 : i32
      %sub3A_136 = arith.subi %select_n3A_62, %sub3A_135 : i32
      %min3A_137 = arith.minsi %add3A_134, %sub3A_136 : i32
      %dma_start3A_138 = arith.constant 0 : i32
      %dma_start3A_139 = arith.constant 0 : i32
      %dma_start3A_140 = tpu.memref_slice %arg7[%min3A_137, %dma_start3A_138, %dma_start3A_139] : memref<504x117x300xf32, #tpu.memory_space<hbm>> -> memref<1x117x300xf32, #tpu.memory_space<hbm>>
      %dma_start3A_141 = tpu.memref_squeeze %dma_start3A_140 : memref<1x117x300xf32, #tpu.memory_space<hbm>> -> memref<117x300xf32, #tpu.memory_space<hbm>>
      %dma_start3A_142 = arith.constant 0 : i32
      %dma_start3A_143 = arith.constant 0 : i32
      %dma_start3A_144 = tpu.memref_slice %arg7[%min3A_137, %dma_start3A_142, %dma_start3A_143] : memref<504x117x300xf32, #tpu.memory_space<hbm>> -> memref<1x117x300xf32, #tpu.memory_space<hbm>>
      %dma_start3A_145 = tpu.memref_squeeze %dma_start3A_144 : memref<1x117x300xf32, #tpu.memory_space<hbm>> -> memref<117x300xf32, #tpu.memory_space<hbm>>
      tpu.enqueue_dma source(%arg8 : memref<117x300xf32, #tpu.memory_space<vmem>>) target(%dma_start3A_145 : memref<117x300xf32, #tpu.memory_space<hbm>>) target_semaphore(%arg9 : memref<!tpu.dma_semaphore, #tpu.memory_space<semaphore_mem>>)
      %dma_wait3A_146 = arith.constant 0 : i32
      %dma_wait3A_147 = arith.constant 0 : i32
      %dma_wait3A_148 = tpu.memref_slice %arg7[%select_n3A, %dma_wait3A_146, %dma_wait3A_147] : memref<504x117x300xf32, #tpu.memory_space<hbm>> -> memref<1x117x300xf32, #tpu.memory_space<hbm>>
      %dma_wait3A_149 = tpu.memref_squeeze %dma_wait3A_148 : memref<1x117x300xf32, #tpu.memory_space<hbm>> -> memref<117x300xf32, #tpu.memory_space<hbm>>
      %dma_wait3A_150 = arith.constant 0 : i32
      %dma_wait3A_151 = arith.constant 0 : i32
      %dma_wait3A_152 = tpu.memref_slice %arg7[%select_n3A, %dma_wait3A_150, %dma_wait3A_151] : memref<504x117x300xf32, #tpu.memory_space<hbm>> -> memref<1x117x300xf32, #tpu.memory_space<hbm>>
      %dma_wait3A_153 = tpu.memref_squeeze %dma_wait3A_152 : memref<1x117x300xf32, #tpu.memory_space<hbm>> -> memref<117x300xf32, #tpu.memory_space<hbm>>
      tpu.wait_dma2 semaphore(%arg9 : memref<!tpu.dma_semaphore, #tpu.memory_space<semaphore_mem>>) src(%arg8 : memref<117x300xf32, #tpu.memory_space<vmem>>) dst(%dma_wait3A_153 : memref<117x300xf32, #tpu.memory_space<hbm>>)
      %add3A_154 = arith.constant 6 : i32
      %add3A_155 = arith.addi %select_n3A, %add3A_154 : i32
      %sub3A_156 = arith.constant 1 : i32
      %sub3A_157 = arith.subi %select_n3A_62, %sub3A_156 : i32
      %min3A_158 = arith.minsi %add3A_155, %sub3A_157 : i32
      %dma_start3A_159 = arith.constant 0 : i32
      %dma_start3A_160 = arith.constant 0 : i32
      %dma_start3A_161 = tpu.memref_slice %arg7[%min3A_158, %dma_start3A_159, %dma_start3A_160] : memref<504x117x300xf32, #tpu.memory_space<hbm>> -> memref<1x117x300xf32, #tpu.memory_space<hbm>>
      %dma_start3A_162 = tpu.memref_squeeze %dma_start3A_161 : memref<1x117x300xf32, #tpu.memory_space<hbm>> -> memref<117x300xf32, #tpu.memory_space<hbm>>
      %dma_start3A_163 = arith.constant 0 : i32
      %dma_start3A_164 = arith.constant 0 : i32
      %dma_start3A_165 = tpu.memref_slice %arg7[%min3A_158, %dma_start3A_163, %dma_start3A_164] : memref<504x117x300xf32, #tpu.memory_space<hbm>> -> memref<1x117x300xf32, #tpu.memory_space<hbm>>
      %dma_start3A_166 = tpu.memref_squeeze %dma_start3A_165 : memref<1x117x300xf32, #tpu.memory_space<hbm>> -> memref<117x300xf32, #tpu.memory_space<hbm>>
      tpu.enqueue_dma source(%arg8 : memref<117x300xf32, #tpu.memory_space<vmem>>) target(%dma_start3A_166 : memref<117x300xf32, #tpu.memory_space<hbm>>) target_semaphore(%arg9 : memref<!tpu.dma_semaphore, #tpu.memory_space<semaphore_mem>>)
      %dma_wait3A_167 = arith.constant 0 : i32
      %dma_wait3A_168 = arith.constant 0 : i32
      %dma_wait3A_169 = tpu.memref_slice %arg7[%select_n3A, %dma_wait3A_167, %dma_wait3A_168] : memref<504x117x300xf32, #tpu.memory_space<hbm>> -> memref<1x117x300xf32, #tpu.memory_space<hbm>>
      %dma_wait3A_170 = tpu.memref_squeeze %dma_wait3A_169 : memref<1x117x300xf32, #tpu.memory_space<hbm>> -> memref<117x300xf32, #tpu.memory_space<hbm>>
      %dma_wait3A_171 = arith.constant 0 : i32
      %dma_wait3A_172 = arith.constant 0 : i32
      %dma_wait3A_173 = tpu.memref_slice %arg7[%select_n3A, %dma_wait3A_171, %dma_wait3A_172] : memref<504x117x300xf32, #tpu.memory_space<hbm>> -> memref<1x117x300xf32, #tpu.memory_space<hbm>>
      %dma_wait3A_174 = tpu.memref_squeeze %dma_wait3A_173 : memref<1x117x300xf32, #tpu.memory_space<hbm>> -> memref<117x300xf32, #tpu.memory_space<hbm>>
      tpu.wait_dma2 semaphore(%arg9 : memref<!tpu.dma_semaphore, #tpu.memory_space<semaphore_mem>>) src(%arg8 : memref<117x300xf32, #tpu.memory_space<vmem>>) dst(%dma_wait3A_174 : memref<117x300xf32, #tpu.memory_space<hbm>>)
      %add3A_175 = arith.constant 7 : i32
      %add3A_176 = arith.addi %select_n3A, %add3A_175 : i32
      %sub3A_177 = arith.constant 1 : i32
      %sub3A_178 = arith.subi %select_n3A_62, %sub3A_177 : i32
      %min3A_179 = arith.minsi %add3A_176, %sub3A_178 : i32
      %dma_start3A_180 = arith.constant 0 : i32
      %dma_start3A_181 = arith.constant 0 : i32
      %dma_start3A_182 = tpu.memref_slice %arg7[%min3A_179, %dma_start3A_180, %dma_start3A_181] : memref<504x117x300xf32, #tpu.memory_space<hbm>> -> memref<1x117x300xf32, #tpu.memory_space<hbm>>
      %dma_start3A_183 = tpu.memref_squeeze %dma_start3A_182 : memref<1x117x300xf32, #tpu.memory_space<hbm>> -> memref<117x300xf32, #tpu.memory_space<hbm>>
      %dma_start3A_184 = arith.constant 0 : i32
      %dma_start3A_185 = arith.constant 0 : i32
      %dma_start3A_186 = tpu.memref_slice %arg7[%min3A_179, %dma_start3A_184, %dma_start3A_185] : memref<504x117x300xf32, #tpu.memory_space<hbm>> -> memref<1x117x300xf32, #tpu.memory_space<hbm>>
      %dma_start3A_187 = tpu.memref_squeeze %dma_start3A_186 : memref<1x117x300xf32, #tpu.memory_space<hbm>> -> memref<117x300xf32, #tpu.memory_space<hbm>>
      tpu.enqueue_dma source(%arg8 : memref<117x300xf32, #tpu.memory_space<vmem>>) target(%dma_start3A_187 : memref<117x300xf32, #tpu.memory_space<hbm>>) target_semaphore(%arg9 : memref<!tpu.dma_semaphore, #tpu.memory_space<semaphore_mem>>)
      %dma_wait3A_188 = arith.constant 0 : i32
      %dma_wait3A_189 = arith.constant 0 : i32
      %dma_wait3A_190 = tpu.memref_slice %arg7[%select_n3A, %dma_wait3A_188, %dma_wait3A_189] : memref<504x117x300xf32, #tpu.memory_space<hbm>> -> memref<1x117x300xf32, #tpu.memory_space<hbm>>
      %dma_wait3A_191 = tpu.memref_squeeze %dma_wait3A_190 : memref<1x117x300xf32, #tpu.memory_space<hbm>> -> memref<117x300xf32, #tpu.memory_space<hbm>>
      %dma_wait3A_192 = arith.constant 0 : i32
      %dma_wait3A_193 = arith.constant 0 : i32
      %dma_wait3A_194 = tpu.memref_slice %arg7[%select_n3A, %dma_wait3A_192, %dma_wait3A_193] : memref<504x117x300xf32, #tpu.memory_space<hbm>> -> memref<1x117x300xf32, #tpu.memory_space<hbm>>
      %dma_wait3A_195 = tpu.memref_squeeze %dma_wait3A_194 : memref<1x117x300xf32, #tpu.memory_space<hbm>> -> memref<117x300xf32, #tpu.memory_space<hbm>>
      tpu.wait_dma2 semaphore(%arg9 : memref<!tpu.dma_semaphore, #tpu.memory_space<semaphore_mem>>) src(%arg8 : memref<117x300xf32, #tpu.memory_space<vmem>>) dst(%dma_wait3A_195 : memref<117x300xf32, #tpu.memory_space<hbm>>)
      %add3A_196 = arith.constant 8 : i32
      %add3A_197 = arith.addi %select_n3A, %add3A_196 : i32
      %sub3A_198 = arith.constant 1 : i32
      %sub3A_199 = arith.subi %select_n3A_62, %sub3A_198 : i32
      %min3A_200 = arith.minsi %add3A_197, %sub3A_199 : i32
      %dma_start3A_201 = arith.constant 0 : i32
      %dma_start3A_202 = arith.constant 0 : i32
      %dma_start3A_203 = tpu.memref_slice %arg7[%min3A_200, %dma_start3A_201, %dma_start3A_202] : memref<504x117x300xf32, #tpu.memory_space<hbm>> -> memref<1x117x300xf32, #tpu.memory_space<hbm>>
      %dma_start3A_204 = tpu.memref_squeeze %dma_start3A_203 : memref<1x117x300xf32, #tpu.memory_space<hbm>> -> memref<117x300xf32, #tpu.memory_space<hbm>>
      %dma_start3A_205 = arith.constant 0 : i32
      %dma_start3A_206 = arith.constant 0 : i32
      %dma_start3A_207 = tpu.memref_slice %arg7[%min3A_200, %dma_start3A_205, %dma_start3A_206] : memref<504x117x300xf32, #tpu.memory_space<hbm>> -> memref<1x117x300xf32, #tpu.memory_space<hbm>>
      %dma_start3A_208 = tpu.memref_squeeze %dma_start3A_207 : memref<1x117x300xf32, #tpu.memory_space<hbm>> -> memref<117x300xf32, #tpu.memory_space<hbm>>
      tpu.enqueue_dma source(%arg8 : memref<117x300xf32, #tpu.memory_space<vmem>>) target(%dma_start3A_208 : memref<117x300xf32, #tpu.memory_space<hbm>>) target_semaphore(%arg9 : memref<!tpu.dma_semaphore, #tpu.memory_space<semaphore_mem>>)
      %dma_wait3A_209 = arith.constant 0 : i32
      %dma_wait3A_210 = arith.constant 0 : i32
      %dma_wait3A_211 = tpu.memref_slice %arg7[%select_n3A, %dma_wait3A_209, %dma_wait3A_210] : memref<504x117x300xf32, #tpu.memory_space<hbm>> -> memref<1x117x300xf32, #tpu.memory_space<hbm>>
      %dma_wait3A_212 = tpu.memref_squeeze %dma_wait3A_211 : memref<1x117x300xf32, #tpu.memory_space<hbm>> -> memref<117x300xf32, #tpu.memory_space<hbm>>
      %dma_wait3A_213 = arith.constant 0 : i32
      %dma_wait3A_214 = arith.constant 0 : i32
      %dma_wait3A_215 = tpu.memref_slice %arg7[%select_n3A, %dma_wait3A_213, %dma_wait3A_214] : memref<504x117x300xf32, #tpu.memory_space<hbm>> -> memref<1x117x300xf32, #tpu.memory_space<hbm>>
      %dma_wait3A_216 = tpu.memref_squeeze %dma_wait3A_215 : memref<1x117x300xf32, #tpu.memory_space<hbm>> -> memref<117x300xf32, #tpu.memory_space<hbm>>
      tpu.wait_dma2 semaphore(%arg9 : memref<!tpu.dma_semaphore, #tpu.memory_space<semaphore_mem>>) src(%arg8 : memref<117x300xf32, #tpu.memory_space<vmem>>) dst(%dma_wait3A_216 : memref<117x300xf32, #tpu.memory_space<hbm>>)
      %add3A_217 = arith.constant 9 : i32
      %add3A_218 = arith.addi %select_n3A, %add3A_217 : i32
      %sub3A_219 = arith.constant 1 : i32
      %sub3A_220 = arith.subi %select_n3A_62, %sub3A_219 : i32
      %min3A_221 = arith.minsi %add3A_218, %sub3A_220 : i32
      %dma_start3A_222 = arith.constant 0 : i32
      %dma_start3A_223 = arith.constant 0 : i32
      %dma_start3A_224 = tpu.memref_slice %arg7[%min3A_221, %dma_start3A_222, %dma_start3A_223] : memref<504x117x300xf32, #tpu.memory_space<hbm>> -> memref<1x117x300xf32, #tpu.memory_space<hbm>>
      %dma_start3A_225 = tpu.memref_squeeze %dma_start3A_224 : memref<1x117x300xf32, #tpu.memory_space<hbm>> -> memref<117x300xf32, #tpu.memory_space<hbm>>
      %dma_start3A_226 = arith.constant 0 : i32
      %dma_start3A_227 = arith.constant 0 : i32
      %dma_start3A_228 = tpu.memref_slice %arg7[%min3A_221, %dma_start3A_226, %dma_start3A_227] : memref<504x117x300xf32, #tpu.memory_space<hbm>> -> memref<1x117x300xf32, #tpu.memory_space<hbm>>
      %dma_start3A_229 = tpu.memref_squeeze %dma_start3A_228 : memref<1x117x300xf32, #tpu.memory_space<hbm>> -> memref<117x300xf32, #tpu.memory_space<hbm>>
      tpu.enqueue_dma source(%arg8 : memref<117x300xf32, #tpu.memory_space<vmem>>) target(%dma_start3A_229 : memref<117x300xf32, #tpu.memory_space<hbm>>) target_semaphore(%arg9 : memref<!tpu.dma_semaphore, #tpu.memory_space<semaphore_mem>>)
      %dma_wait3A_230 = arith.constant 0 : i32
      %dma_wait3A_231 = arith.constant 0 : i32
      %dma_wait3A_232 = tpu.memref_slice %arg7[%select_n3A, %dma_wait3A_230, %dma_wait3A_231] : memref<504x117x300xf32, #tpu.memory_space<hbm>> -> memref<1x117x300xf32, #tpu.memory_space<hbm>>
      %dma_wait3A_233 = tpu.memref_squeeze %dma_wait3A_232 : memref<1x117x300xf32, #tpu.memory_space<hbm>> -> memref<117x300xf32, #tpu.memory_space<hbm>>
      %dma_wait3A_234 = arith.constant 0 : i32
      %dma_wait3A_235 = arith.constant 0 : i32
      %dma_wait3A_236 = tpu.memref_slice %arg7[%select_n3A, %dma_wait3A_234, %dma_wait3A_235] : memref<504x117x300xf32, #tpu.memory_space<hbm>> -> memref<1x117x300xf32, #tpu.memory_space<hbm>>
      %dma_wait3A_237 = tpu.memref_squeeze %dma_wait3A_236 : memref<1x117x300xf32, #tpu.memory_space<hbm>> -> memref<117x300xf32, #tpu.memory_space<hbm>>
      tpu.wait_dma2 semaphore(%arg9 : memref<!tpu.dma_semaphore, #tpu.memory_space<semaphore_mem>>) src(%arg8 : memref<117x300xf32, #tpu.memory_space<vmem>>) dst(%dma_wait3A_237 : memref<117x300xf32, #tpu.memory_space<hbm>>)
      %add3A_238 = arith.constant 10 : i32
      %add3A_239 = arith.addi %select_n3A, %add3A_238 : i32
      %sub3A_240 = arith.constant 1 : i32
      %sub3A_241 = arith.subi %select_n3A_62, %sub3A_240 : i32
      %min3A_242 = arith.minsi %add3A_239, %sub3A_241 : i32
      %dma_start3A_243 = arith.constant 0 : i32
      %dma_start3A_244 = arith.constant 0 : i32
      %dma_start3A_245 = tpu.memref_slice %arg7[%min3A_242, %dma_start3A_243, %dma_start3A_244] : memref<504x117x300xf32, #tpu.memory_space<hbm>> -> memref<1x117x300xf32, #tpu.memory_space<hbm>>
      %dma_start3A_246 = tpu.memref_squeeze %dma_start3A_245 : memref<1x117x300xf32, #tpu.memory_space<hbm>> -> memref<117x300xf32, #tpu.memory_space<hbm>>
      %dma_start3A_247 = arith.constant 0 : i32
      %dma_start3A_248 = arith.constant 0 : i32
      %dma_start3A_249 = tpu.memref_slice %arg7[%min3A_242, %dma_start3A_247, %dma_start3A_248] : memref<504x117x300xf32, #tpu.memory_space<hbm>> -> memref<1x117x300xf32, #tpu.memory_space<hbm>>
      %dma_start3A_250 = tpu.memref_squeeze %dma_start3A_249 : memref<1x117x300xf32, #tpu.memory_space<hbm>> -> memref<117x300xf32, #tpu.memory_space<hbm>>
      tpu.enqueue_dma source(%arg8 : memref<117x300xf32, #tpu.memory_space<vmem>>) target(%dma_start3A_250 : memref<117x300xf32, #tpu.memory_space<hbm>>) target_semaphore(%arg9 : memref<!tpu.dma_semaphore, #tpu.memory_space<semaphore_mem>>)
      %dma_wait3A_251 = arith.constant 0 : i32
      %dma_wait3A_252 = arith.constant 0 : i32
      %dma_wait3A_253 = tpu.memref_slice %arg7[%select_n3A, %dma_wait3A_251, %dma_wait3A_252] : memref<504x117x300xf32, #tpu.memory_space<hbm>> -> memref<1x117x300xf32, #tpu.memory_space<hbm>>
      %dma_wait3A_254 = tpu.memref_squeeze %dma_wait3A_253 : memref<1x117x300xf32, #tpu.memory_space<hbm>> -> memref<117x300xf32, #tpu.memory_space<hbm>>
      %dma_wait3A_255 = arith.constant 0 : i32
      %dma_wait3A_256 = arith.constant 0 : i32
      %dma_wait3A_257 = tpu.memref_slice %arg7[%select_n3A, %dma_wait3A_255, %dma_wait3A_256] : memref<504x117x300xf32, #tpu.memory_space<hbm>> -> memref<1x117x300xf32, #tpu.memory_space<hbm>>
      %dma_wait3A_258 = tpu.memref_squeeze %dma_wait3A_257 : memref<1x117x300xf32, #tpu.memory_space<hbm>> -> memref<117x300xf32, #tpu.memory_space<hbm>>
      tpu.wait_dma2 semaphore(%arg9 : memref<!tpu.dma_semaphore, #tpu.memory_space<semaphore_mem>>) src(%arg8 : memref<117x300xf32, #tpu.memory_space<vmem>>) dst(%dma_wait3A_258 : memref<117x300xf32, #tpu.memory_space<hbm>>)
      %add3A_259 = arith.constant 11 : i32
      %add3A_260 = arith.addi %select_n3A, %add3A_259 : i32
      %sub3A_261 = arith.constant 1 : i32
      %sub3A_262 = arith.subi %select_n3A_62, %sub3A_261 : i32
      %min3A_263 = arith.minsi %add3A_260, %sub3A_262 : i32
      %dma_start3A_264 = arith.constant 0 : i32
      %dma_start3A_265 = arith.constant 0 : i32
      %dma_start3A_266 = tpu.memref_slice %arg7[%min3A_263, %dma_start3A_264, %dma_start3A_265] : memref<504x117x300xf32, #tpu.memory_space<hbm>> -> memref<1x117x300xf32, #tpu.memory_space<hbm>>
      %dma_start3A_267 = tpu.memref_squeeze %dma_start3A_266 : memref<1x117x300xf32, #tpu.memory_space<hbm>> -> memref<117x300xf32, #tpu.memory_space<hbm>>
      %dma_start3A_268 = arith.constant 0 : i32
      %dma_start3A_269 = arith.constant 0 : i32
      %dma_start3A_270 = tpu.memref_slice %arg7[%min3A_263, %dma_start3A_268, %dma_start3A_269] : memref<504x117x300xf32, #tpu.memory_space<hbm>> -> memref<1x117x300xf32, #tpu.memory_space<hbm>>
      %dma_start3A_271 = tpu.memref_squeeze %dma_start3A_270 : memref<1x117x300xf32, #tpu.memory_space<hbm>> -> memref<117x300xf32, #tpu.memory_space<hbm>>
      tpu.enqueue_dma source(%arg8 : memref<117x300xf32, #tpu.memory_space<vmem>>) target(%dma_start3A_271 : memref<117x300xf32, #tpu.memory_space<hbm>>) target_semaphore(%arg9 : memref<!tpu.dma_semaphore, #tpu.memory_space<semaphore_mem>>)
      %dma_wait3A_272 = arith.constant 0 : i32
      %dma_wait3A_273 = arith.constant 0 : i32
      %dma_wait3A_274 = tpu.memref_slice %arg7[%select_n3A, %dma_wait3A_272, %dma_wait3A_273] : memref<504x117x300xf32, #tpu.memory_space<hbm>> -> memref<1x117x300xf32, #tpu.memory_space<hbm>>
      %dma_wait3A_275 = tpu.memref_squeeze %dma_wait3A_274 : memref<1x117x300xf32, #tpu.memory_space<hbm>> -> memref<117x300xf32, #tpu.memory_space<hbm>>
      %dma_wait3A_276 = arith.constant 0 : i32
      %dma_wait3A_277 = arith.constant 0 : i32
      %dma_wait3A_278 = tpu.memref_slice %arg7[%select_n3A, %dma_wait3A_276, %dma_wait3A_277] : memref<504x117x300xf32, #tpu.memory_space<hbm>> -> memref<1x117x300xf32, #tpu.memory_space<hbm>>
      %dma_wait3A_279 = tpu.memref_squeeze %dma_wait3A_278 : memref<1x117x300xf32, #tpu.memory_space<hbm>> -> memref<117x300xf32, #tpu.memory_space<hbm>>
      tpu.wait_dma2 semaphore(%arg9 : memref<!tpu.dma_semaphore, #tpu.memory_space<semaphore_mem>>) src(%arg8 : memref<117x300xf32, #tpu.memory_space<vmem>>) dst(%dma_wait3A_279 : memref<117x300xf32, #tpu.memory_space<hbm>>)
      %add3A_280 = arith.constant 12 : i32
      %add3A_281 = arith.addi %select_n3A, %add3A_280 : i32
      %sub3A_282 = arith.constant 1 : i32
      %sub3A_283 = arith.subi %select_n3A_62, %sub3A_282 : i32
      %min3A_284 = arith.minsi %add3A_281, %sub3A_283 : i32
      %dma_start3A_285 = arith.constant 0 : i32
      %dma_start3A_286 = arith.constant 0 : i32
      %dma_start3A_287 = tpu.memref_slice %arg7[%min3A_284, %dma_start3A_285, %dma_start3A_286] : memref<504x117x300xf32, #tpu.memory_space<hbm>> -> memref<1x117x300xf32, #tpu.memory_space<hbm>>
      %dma_start3A_288 = tpu.memref_squeeze %dma_start3A_287 : memref<1x117x300xf32, #tpu.memory_space<hbm>> -> memref<117x300xf32, #tpu.memory_space<hbm>>
      %dma_start3A_289 = arith.constant 0 : i32
      %dma_start3A_290 = arith.constant 0 : i32
      %dma_start3A_291 = tpu.memref_slice %arg7[%min3A_284, %dma_start3A_289, %dma_start3A_290] : memref<504x117x300xf32, #tpu.memory_space<hbm>> -> memref<1x117x300xf32, #tpu.memory_space<hbm>>
      %dma_start3A_292 = tpu.memref_squeeze %dma_start3A_291 : memref<1x117x300xf32, #tpu.memory_space<hbm>> -> memref<117x300xf32, #tpu.memory_space<hbm>>
      tpu.enqueue_dma source(%arg8 : memref<117x300xf32, #tpu.memory_space<vmem>>) target(%dma_start3A_292 : memref<117x300xf32, #tpu.memory_space<hbm>>) target_semaphore(%arg9 : memref<!tpu.dma_semaphore, #tpu.memory_space<semaphore_mem>>)
      %dma_wait3A_293 = arith.constant 0 : i32
      %dma_wait3A_294 = arith.constant 0 : i32
      %dma_wait3A_295 = tpu.memref_slice %arg7[%select_n3A, %dma_wait3A_293, %dma_wait3A_294] : memref<504x117x300xf32, #tpu.memory_space<hbm>> -> memref<1x117x300xf32, #tpu.memory_space<hbm>>
      %dma_wait3A_296 = tpu.memref_squeeze %dma_wait3A_295 : memref<1x117x300xf32, #tpu.memory_space<hbm>> -> memref<117x300xf32, #tpu.memory_space<hbm>>
      %dma_wait3A_297 = arith.constant 0 : i32
      %dma_wait3A_298 = arith.constant 0 : i32
      %dma_wait3A_299 = tpu.memref_slice %arg7[%select_n3A, %dma_wait3A_297, %dma_wait3A_298] : memref<504x117x300xf32, #tpu.memory_space<hbm>> -> memref<1x117x300xf32, #tpu.memory_space<hbm>>
      %dma_wait3A_300 = tpu.memref_squeeze %dma_wait3A_299 : memref<1x117x300xf32, #tpu.memory_space<hbm>> -> memref<117x300xf32, #tpu.memory_space<hbm>>
      tpu.wait_dma2 semaphore(%arg9 : memref<!tpu.dma_semaphore, #tpu.memory_space<semaphore_mem>>) src(%arg8 : memref<117x300xf32, #tpu.memory_space<vmem>>) dst(%dma_wait3A_300 : memref<117x300xf32, #tpu.memory_space<hbm>>)
      %add3A_301 = arith.constant 13 : i32
      %add3A_302 = arith.addi %select_n3A, %add3A_301 : i32
      %sub3A_303 = arith.constant 1 : i32
      %sub3A_304 = arith.subi %select_n3A_62, %sub3A_303 : i32
      %min3A_305 = arith.minsi %add3A_302, %sub3A_304 : i32
      %dma_start3A_306 = arith.constant 0 : i32
      %dma_start3A_307 = arith.constant 0 : i32
      %dma_start3A_308 = tpu.memref_slice %arg7[%min3A_305, %dma_start3A_306, %dma_start3A_307] : memref<504x117x300xf32, #tpu.memory_space<hbm>> -> memref<1x117x300xf32, #tpu.memory_space<hbm>>
      %dma_start3A_309 = tpu.memref_squeeze %dma_start3A_308 : memref<1x117x300xf32, #tpu.memory_space<hbm>> -> memref<117x300xf32, #tpu.memory_space<hbm>>
      %dma_start3A_310 = arith.constant 0 : i32
      %dma_start3A_311 = arith.constant 0 : i32
      %dma_start3A_312 = tpu.memref_slice %arg7[%min3A_305, %dma_start3A_310, %dma_start3A_311] : memref<504x117x300xf32, #tpu.memory_space<hbm>> -> memref<1x117x300xf32, #tpu.memory_space<hbm>>
      %dma_start3A_313 = tpu.memref_squeeze %dma_start3A_312 : memref<1x117x300xf32, #tpu.memory_space<hbm>> -> memref<117x300xf32, #tpu.memory_space<hbm>>
      tpu.enqueue_dma source(%arg8 : memref<117x300xf32, #tpu.memory_space<vmem>>) target(%dma_start3A_313 : memref<117x300xf32, #tpu.memory_space<hbm>>) target_semaphore(%arg9 : memref<!tpu.dma_semaphore, #tpu.memory_space<semaphore_mem>>)
      %dma_wait3A_314 = arith.constant 0 : i32
      %dma_wait3A_315 = arith.constant 0 : i32
      %dma_wait3A_316 = tpu.memref_slice %arg7[%select_n3A, %dma_wait3A_314, %dma_wait3A_315] : memref<504x117x300xf32, #tpu.memory_space<hbm>> -> memref<1x117x300xf32, #tpu.memory_space<hbm>>
      %dma_wait3A_317 = tpu.memref_squeeze %dma_wait3A_316 : memref<1x117x300xf32, #tpu.memory_space<hbm>> -> memref<117x300xf32, #tpu.memory_space<hbm>>
      %dma_wait3A_318 = arith.constant 0 : i32
      %dma_wait3A_319 = arith.constant 0 : i32
      %dma_wait3A_320 = tpu.memref_slice %arg7[%select_n3A, %dma_wait3A_318, %dma_wait3A_319] : memref<504x117x300xf32, #tpu.memory_space<hbm>> -> memref<1x117x300xf32, #tpu.memory_space<hbm>>
      %dma_wait3A_321 = tpu.memref_squeeze %dma_wait3A_320 : memref<1x117x300xf32, #tpu.memory_space<hbm>> -> memref<117x300xf32, #tpu.memory_space<hbm>>
      tpu.wait_dma2 semaphore(%arg9 : memref<!tpu.dma_semaphore, #tpu.memory_space<semaphore_mem>>) src(%arg8 : memref<117x300xf32, #tpu.memory_space<vmem>>) dst(%dma_wait3A_321 : memref<117x300xf32, #tpu.memory_space<hbm>>)
      %add3A_322 = arith.constant 14 : i32
      %add3A_323 = arith.addi %select_n3A, %add3A_322 : i32
      %sub3A_324 = arith.constant 1 : i32
      %sub3A_325 = arith.subi %select_n3A_62, %sub3A_324 : i32
      %min3A_326 = arith.minsi %add3A_323, %sub3A_325 : i32
      %dma_start3A_327 = arith.constant 0 : i32
      %dma_start3A_328 = arith.constant 0 : i32
      %dma_start3A_329 = tpu.memref_slice %arg7[%min3A_326, %dma_start3A_327, %dma_start3A_328] : memref<504x117x300xf32, #tpu.memory_space<hbm>> -> memref<1x117x300xf32, #tpu.memory_space<hbm>>
      %dma_start3A_330 = tpu.memref_squeeze %dma_start3A_329 : memref<1x117x300xf32, #tpu.memory_space<hbm>> -> memref<117x300xf32, #tpu.memory_space<hbm>>
      %dma_start3A_331 = arith.constant 0 : i32
      %dma_start3A_332 = arith.constant 0 : i32
      %dma_start3A_333 = tpu.memref_slice %arg7[%min3A_326, %dma_start3A_331, %dma_start3A_332] : memref<504x117x300xf32, #tpu.memory_space<hbm>> -> memref<1x117x300xf32, #tpu.memory_space<hbm>>
      %dma_start3A_334 = tpu.memref_squeeze %dma_start3A_333 : memref<1x117x300xf32, #tpu.memory_space<hbm>> -> memref<117x300xf32, #tpu.memory_space<hbm>>
      tpu.enqueue_dma source(%arg8 : memref<117x300xf32, #tpu.memory_space<vmem>>) target(%dma_start3A_334 : memref<117x300xf32, #tpu.memory_space<hbm>>) target_semaphore(%arg9 : memref<!tpu.dma_semaphore, #tpu.memory_space<semaphore_mem>>)
      %dma_wait3A_335 = arith.constant 0 : i32
      %dma_wait3A_336 = arith.constant 0 : i32
      %dma_wait3A_337 = tpu.memref_slice %arg7[%select_n3A, %dma_wait3A_335, %dma_wait3A_336] : memref<504x117x300xf32, #tpu.memory_space<hbm>> -> memref<1x117x300xf32, #tpu.memory_space<hbm>>
      %dma_wait3A_338 = tpu.memref_squeeze %dma_wait3A_337 : memref<1x117x300xf32, #tpu.memory_space<hbm>> -> memref<117x300xf32, #tpu.memory_space<hbm>>
      %dma_wait3A_339 = arith.constant 0 : i32
      %dma_wait3A_340 = arith.constant 0 : i32
      %dma_wait3A_341 = tpu.memref_slice %arg7[%select_n3A, %dma_wait3A_339, %dma_wait3A_340] : memref<504x117x300xf32, #tpu.memory_space<hbm>> -> memref<1x117x300xf32, #tpu.memory_space<hbm>>
      %dma_wait3A_342 = tpu.memref_squeeze %dma_wait3A_341 : memref<1x117x300xf32, #tpu.memory_space<hbm>> -> memref<117x300xf32, #tpu.memory_space<hbm>>
      tpu.wait_dma2 semaphore(%arg9 : memref<!tpu.dma_semaphore, #tpu.memory_space<semaphore_mem>>) src(%arg8 : memref<117x300xf32, #tpu.memory_space<vmem>>) dst(%dma_wait3A_342 : memref<117x300xf32, #tpu.memory_space<hbm>>)
      %add3A_343 = arith.constant 15 : i32
      %add3A_344 = arith.addi %select_n3A, %add3A_343 : i32
      %sub3A_345 = arith.constant 1 : i32
      %sub3A_346 = arith.subi %select_n3A_62, %sub3A_345 : i32
      %min3A_347 = arith.minsi %add3A_344, %sub3A_346 : i32
      %dma_start3A_348 = arith.constant 0 : i32
      %dma_start3A_349 = arith.constant 0 : i32
      %dma_start3A_350 = tpu.memref_slice %arg7[%min3A_347, %dma_start3A_348, %dma_start3A_349] : memref<504x117x300xf32, #tpu.memory_space<hbm>> -> memref<1x117x300xf32, #tpu.memory_space<hbm>>
      %dma_start3A_351 = tpu.memref_squeeze %dma_start3A_350 : memref<1x117x300xf32, #tpu.memory_space<hbm>> -> memref<117x300xf32, #tpu.memory_space<hbm>>
      %dma_start3A_352 = arith.constant 0 : i32
      %dma_start3A_353 = arith.constant 0 : i32
      %dma_start3A_354 = tpu.memref_slice %arg7[%min3A_347, %dma_start3A_352, %dma_start3A_353] : memref<504x117x300xf32, #tpu.memory_space<hbm>> -> memref<1x117x300xf32, #tpu.memory_space<hbm>>
      %dma_start3A_355 = tpu.memref_squeeze %dma_start3A_354 : memref<1x117x300xf32, #tpu.memory_space<hbm>> -> memref<117x300xf32, #tpu.memory_space<hbm>>
      tpu.enqueue_dma source(%arg8 : memref<117x300xf32, #tpu.memory_space<vmem>>) target(%dma_start3A_355 : memref<117x300xf32, #tpu.memory_space<hbm>>) target_semaphore(%arg9 : memref<!tpu.dma_semaphore, #tpu.memory_space<semaphore_mem>>)
      %dma_wait3A_356 = arith.constant 0 : i32
      %dma_wait3A_357 = arith.constant 0 : i32
      %dma_wait3A_358 = tpu.memref_slice %arg7[%select_n3A, %dma_wait3A_356, %dma_wait3A_357] : memref<504x117x300xf32, #tpu.memory_space<hbm>> -> memref<1x117x300xf32, #tpu.memory_space<hbm>>
      %dma_wait3A_359 = tpu.memref_squeeze %dma_wait3A_358 : memref<1x117x300xf32, #tpu.memory_space<hbm>> -> memref<117x300xf32, #tpu.memory_space<hbm>>
      %dma_wait3A_360 = arith.constant 0 : i32
      %dma_wait3A_361 = arith.constant 0 : i32
      %dma_wait3A_362 = tpu.memref_slice %arg7[%select_n3A, %dma_wait3A_360, %dma_wait3A_361] : memref<504x117x300xf32, #tpu.memory_space<hbm>> -> memref<1x117x300xf32, #tpu.memory_space<hbm>>
      %dma_wait3A_363 = tpu.memref_squeeze %dma_wait3A_362 : memref<1x117x300xf32, #tpu.memory_space<hbm>> -> memref<117x300xf32, #tpu.memory_space<hbm>>
      tpu.wait_dma2 semaphore(%arg9 : memref<!tpu.dma_semaphore, #tpu.memory_space<semaphore_mem>>) src(%arg8 : memref<117x300xf32, #tpu.memory_space<vmem>>) dst(%dma_wait3A_363 : memref<117x300xf32, #tpu.memory_space<hbm>>)
      %add3A_364 = arith.constant 16 : i32
      %add3A_365 = arith.addi %select_n3A, %add3A_364 : i32
      %sub3A_366 = arith.constant 1 : i32
      %sub3A_367 = arith.subi %select_n3A_62, %sub3A_366 : i32
      %min3A_368 = arith.minsi %add3A_365, %sub3A_367 : i32
      %dma_start3A_369 = arith.constant 0 : i32
      %dma_start3A_370 = arith.constant 0 : i32
      %dma_start3A_371 = tpu.memref_slice %arg7[%min3A_368, %dma_start3A_369, %dma_start3A_370] : memref<504x117x300xf32, #tpu.memory_space<hbm>> -> memref<1x117x300xf32, #tpu.memory_space<hbm>>
      %dma_start3A_372 = tpu.memref_squeeze %dma_start3A_371 : memref<1x117x300xf32, #tpu.memory_space<hbm>> -> memref<117x300xf32, #tpu.memory_space<hbm>>
      %dma_start3A_373 = arith.constant 0 : i32
      %dma_start3A_374 = arith.constant 0 : i32
      %dma_start3A_375 = tpu.memref_slice %arg7[%min3A_368, %dma_start3A_373, %dma_start3A_374] : memref<504x117x300xf32, #tpu.memory_space<hbm>> -> memref<1x117x300xf32, #tpu.memory_space<hbm>>
      %dma_start3A_376 = tpu.memref_squeeze %dma_start3A_375 : memref<1x117x300xf32, #tpu.memory_space<hbm>> -> memref<117x300xf32, #tpu.memory_space<hbm>>
      tpu.enqueue_dma source(%arg8 : memref<117x300xf32, #tpu.memory_space<vmem>>) target(%dma_start3A_376 : memref<117x300xf32, #tpu.memory_space<hbm>>) target_semaphore(%arg9 : memref<!tpu.dma_semaphore, #tpu.memory_space<semaphore_mem>>)
      %dma_wait3A_377 = arith.constant 0 : i32
      %dma_wait3A_378 = arith.constant 0 : i32
      %dma_wait3A_379 = tpu.memref_slice %arg7[%select_n3A, %dma_wait3A_377, %dma_wait3A_378] : memref<504x117x300xf32, #tpu.memory_space<hbm>> -> memref<1x117x300xf32, #tpu.memory_space<hbm>>
      %dma_wait3A_380 = tpu.memref_squeeze %dma_wait3A_379 : memref<1x117x300xf32, #tpu.memory_space<hbm>> -> memref<117x300xf32, #tpu.memory_space<hbm>>
      %dma_wait3A_381 = arith.constant 0 : i32
      %dma_wait3A_382 = arith.constant 0 : i32
      %dma_wait3A_383 = tpu.memref_slice %arg7[%select_n3A, %dma_wait3A_381, %dma_wait3A_382] : memref<504x117x300xf32, #tpu.memory_space<hbm>> -> memref<1x117x300xf32, #tpu.memory_space<hbm>>
      %dma_wait3A_384 = tpu.memref_squeeze %dma_wait3A_383 : memref<1x117x300xf32, #tpu.memory_space<hbm>> -> memref<117x300xf32, #tpu.memory_space<hbm>>
      tpu.wait_dma2 semaphore(%arg9 : memref<!tpu.dma_semaphore, #tpu.memory_space<semaphore_mem>>) src(%arg8 : memref<117x300xf32, #tpu.memory_space<vmem>>) dst(%dma_wait3A_384 : memref<117x300xf32, #tpu.memory_space<hbm>>)
      %add3A_385 = arith.constant 17 : i32
      %add3A_386 = arith.addi %select_n3A, %add3A_385 : i32
      %sub3A_387 = arith.constant 1 : i32
      %sub3A_388 = arith.subi %select_n3A_62, %sub3A_387 : i32
      %min3A_389 = arith.minsi %add3A_386, %sub3A_388 : i32
      %dma_start3A_390 = arith.constant 0 : i32
      %dma_start3A_391 = arith.constant 0 : i32
      %dma_start3A_392 = tpu.memref_slice %arg7[%min3A_389, %dma_start3A_390, %dma_start3A_391] : memref<504x117x300xf32, #tpu.memory_space<hbm>> -> memref<1x117x300xf32, #tpu.memory_space<hbm>>
      %dma_start3A_393 = tpu.memref_squeeze %dma_start3A_392 : memref<1x117x300xf32, #tpu.memory_space<hbm>> -> memref<117x300xf32, #tpu.memory_space<hbm>>
      %dma_start3A_394 = arith.constant 0 : i32
      %dma_start3A_395 = arith.constant 0 : i32
      %dma_start3A_396 = tpu.memref_slice %arg7[%min3A_389, %dma_start3A_394, %dma_start3A_395] : memref<504x117x300xf32, #tpu.memory_space<hbm>> -> memref<1x117x300xf32, #tpu.memory_space<hbm>>
      %dma_start3A_397 = tpu.memref_squeeze %dma_start3A_396 : memref<1x117x300xf32, #tpu.memory_space<hbm>> -> memref<117x300xf32, #tpu.memory_space<hbm>>
      tpu.enqueue_dma source(%arg8 : memref<117x300xf32, #tpu.memory_space<vmem>>) target(%dma_start3A_397 : memref<117x300xf32, #tpu.memory_space<hbm>>) target_semaphore(%arg9 : memref<!tpu.dma_semaphore, #tpu.memory_space<semaphore_mem>>)
      %dma_wait3A_398 = arith.constant 0 : i32
      %dma_wait3A_399 = arith.constant 0 : i32
      %dma_wait3A_400 = tpu.memref_slice %arg7[%select_n3A, %dma_wait3A_398, %dma_wait3A_399] : memref<504x117x300xf32, #tpu.memory_space<hbm>> -> memref<1x117x300xf32, #tpu.memory_space<hbm>>
      %dma_wait3A_401 = tpu.memref_squeeze %dma_wait3A_400 : memref<1x117x300xf32, #tpu.memory_space<hbm>> -> memref<117x300xf32, #tpu.memory_space<hbm>>
      %dma_wait3A_402 = arith.constant 0 : i32
      %dma_wait3A_403 = arith.constant 0 : i32
      %dma_wait3A_404 = tpu.memref_slice %arg7[%select_n3A, %dma_wait3A_402, %dma_wait3A_403] : memref<504x117x300xf32, #tpu.memory_space<hbm>> -> memref<1x117x300xf32, #tpu.memory_space<hbm>>
      %dma_wait3A_405 = tpu.memref_squeeze %dma_wait3A_404 : memref<1x117x300xf32, #tpu.memory_space<hbm>> -> memref<117x300xf32, #tpu.memory_space<hbm>>
      tpu.wait_dma2 semaphore(%arg9 : memref<!tpu.dma_semaphore, #tpu.memory_space<semaphore_mem>>) src(%arg8 : memref<117x300xf32, #tpu.memory_space<vmem>>) dst(%dma_wait3A_405 : memref<117x300xf32, #tpu.memory_space<hbm>>)
      %add3A_406 = arith.constant 18 : i32
      %add3A_407 = arith.addi %select_n3A, %add3A_406 : i32
      %sub3A_408 = arith.constant 1 : i32
      %sub3A_409 = arith.subi %select_n3A_62, %sub3A_408 : i32
      %min3A_410 = arith.minsi %add3A_407, %sub3A_409 : i32
      %dma_start3A_411 = arith.constant 0 : i32
      %dma_start3A_412 = arith.constant 0 : i32
      %dma_start3A_413 = tpu.memref_slice %arg7[%min3A_410, %dma_start3A_411, %dma_start3A_412] : memref<504x117x300xf32, #tpu.memory_space<hbm>> -> memref<1x117x300xf32, #tpu.memory_space<hbm>>
      %dma_start3A_414 = tpu.memref_squeeze %dma_start3A_413 : memref<1x117x300xf32, #tpu.memory_space<hbm>> -> memref<117x300xf32, #tpu.memory_space<hbm>>
      %dma_start3A_415 = arith.constant 0 : i32
      %dma_start3A_416 = arith.constant 0 : i32
      %dma_start3A_417 = tpu.memref_slice %arg7[%min3A_410, %dma_start3A_415, %dma_start3A_416] : memref<504x117x300xf32, #tpu.memory_space<hbm>> -> memref<1x117x300xf32, #tpu.memory_space<hbm>>
      %dma_start3A_418 = tpu.memref_squeeze %dma_start3A_417 : memref<1x117x300xf32, #tpu.memory_space<hbm>> -> memref<117x300xf32, #tpu.memory_space<hbm>>
      tpu.enqueue_dma source(%arg8 : memref<117x300xf32, #tpu.memory_space<vmem>>) target(%dma_start3A_418 : memref<117x300xf32, #tpu.memory_space<hbm>>) target_semaphore(%arg9 : memref<!tpu.dma_semaphore, #tpu.memory_space<semaphore_mem>>)
      %dma_wait3A_419 = arith.constant 0 : i32
      %dma_wait3A_420 = arith.constant 0 : i32
      %dma_wait3A_421 = tpu.memref_slice %arg7[%select_n3A, %dma_wait3A_419, %dma_wait3A_420] : memref<504x117x300xf32, #tpu.memory_space<hbm>> -> memref<1x117x300xf32, #tpu.memory_space<hbm>>
      %dma_wait3A_422 = tpu.memref_squeeze %dma_wait3A_421 : memref<1x117x300xf32, #tpu.memory_space<hbm>> -> memref<117x300xf32, #tpu.memory_space<hbm>>
      %dma_wait3A_423 = arith.constant 0 : i32
      %dma_wait3A_424 = arith.constant 0 : i32
      %dma_wait3A_425 = tpu.memref_slice %arg7[%select_n3A, %dma_wait3A_423, %dma_wait3A_424] : memref<504x117x300xf32, #tpu.memory_space<hbm>> -> memref<1x117x300xf32, #tpu.memory_space<hbm>>
      %dma_wait3A_426 = tpu.memref_squeeze %dma_wait3A_425 : memref<1x117x300xf32, #tpu.memory_space<hbm>> -> memref<117x300xf32, #tpu.memory_space<hbm>>
      tpu.wait_dma2 semaphore(%arg9 : memref<!tpu.dma_semaphore, #tpu.memory_space<semaphore_mem>>) src(%arg8 : memref<117x300xf32, #tpu.memory_space<vmem>>) dst(%dma_wait3A_426 : memref<117x300xf32, #tpu.memory_space<hbm>>)
      %add3A_427 = arith.constant 19 : i32
      %add3A_428 = arith.addi %select_n3A, %add3A_427 : i32
      %sub3A_429 = arith.constant 1 : i32
      %sub3A_430 = arith.subi %select_n3A_62, %sub3A_429 : i32
      %min3A_431 = arith.minsi %add3A_428, %sub3A_430 : i32
      %dma_start3A_432 = arith.constant 0 : i32
      %dma_start3A_433 = arith.constant 0 : i32
      %dma_start3A_434 = tpu.memref_slice %arg7[%min3A_431, %dma_start3A_432, %dma_start3A_433] : memref<504x117x300xf32, #tpu.memory_space<hbm>> -> memref<1x117x300xf32, #tpu.memory_space<hbm>>
      %dma_start3A_435 = tpu.memref_squeeze %dma_start3A_434 : memref<1x117x300xf32, #tpu.memory_space<hbm>> -> memref<117x300xf32, #tpu.memory_space<hbm>>
      %dma_start3A_436 = arith.constant 0 : i32
      %dma_start3A_437 = arith.constant 0 : i32
      %dma_start3A_438 = tpu.memref_slice %arg7[%min3A_431, %dma_start3A_436, %dma_start3A_437] : memref<504x117x300xf32, #tpu.memory_space<hbm>> -> memref<1x117x300xf32, #tpu.memory_space<hbm>>
      %dma_start3A_439 = tpu.memref_squeeze %dma_start3A_438 : memref<1x117x300xf32, #tpu.memory_space<hbm>> -> memref<117x300xf32, #tpu.memory_space<hbm>>
      tpu.enqueue_dma source(%arg8 : memref<117x300xf32, #tpu.memory_space<vmem>>) target(%dma_start3A_439 : memref<117x300xf32, #tpu.memory_space<hbm>>) target_semaphore(%arg9 : memref<!tpu.dma_semaphore, #tpu.memory_space<semaphore_mem>>)
      %dma_wait3A_440 = arith.constant 0 : i32
      %dma_wait3A_441 = arith.constant 0 : i32
      %dma_wait3A_442 = tpu.memref_slice %arg7[%select_n3A, %dma_wait3A_440, %dma_wait3A_441] : memref<504x117x300xf32, #tpu.memory_space<hbm>> -> memref<1x117x300xf32, #tpu.memory_space<hbm>>
      %dma_wait3A_443 = tpu.memref_squeeze %dma_wait3A_442 : memref<1x117x300xf32, #tpu.memory_space<hbm>> -> memref<117x300xf32, #tpu.memory_space<hbm>>
      %dma_wait3A_444 = arith.constant 0 : i32
      %dma_wait3A_445 = arith.constant 0 : i32
      %dma_wait3A_446 = tpu.memref_slice %arg7[%select_n3A, %dma_wait3A_444, %dma_wait3A_445] : memref<504x117x300xf32, #tpu.memory_space<hbm>> -> memref<1x117x300xf32, #tpu.memory_space<hbm>>
      %dma_wait3A_447 = tpu.memref_squeeze %dma_wait3A_446 : memref<1x117x300xf32, #tpu.memory_space<hbm>> -> memref<117x300xf32, #tpu.memory_space<hbm>>
      tpu.wait_dma2 semaphore(%arg9 : memref<!tpu.dma_semaphore, #tpu.memory_space<semaphore_mem>>) src(%arg8 : memref<117x300xf32, #tpu.memory_space<vmem>>) dst(%dma_wait3A_447 : memref<117x300xf32, #tpu.memory_space<hbm>>)
      %add3A_448 = arith.constant 20 : i32
      %add3A_449 = arith.addi %select_n3A, %add3A_448 : i32
      %sub3A_450 = arith.constant 1 : i32
      %sub3A_451 = arith.subi %select_n3A_62, %sub3A_450 : i32
      %min3A_452 = arith.minsi %add3A_449, %sub3A_451 : i32
      %dma_start3A_453 = arith.constant 0 : i32
      %dma_start3A_454 = arith.constant 0 : i32
      %dma_start3A_455 = tpu.memref_slice %arg7[%min3A_452, %dma_start3A_453, %dma_start3A_454] : memref<504x117x300xf32, #tpu.memory_space<hbm>> -> memref<1x117x300xf32, #tpu.memory_space<hbm>>
      %dma_start3A_456 = tpu.memref_squeeze %dma_start3A_455 : memref<1x117x300xf32, #tpu.memory_space<hbm>> -> memref<117x300xf32, #tpu.memory_space<hbm>>
      %dma_start3A_457 = arith.constant 0 : i32
      %dma_start3A_458 = arith.constant 0 : i32
      %dma_start3A_459 = tpu.memref_slice %arg7[%min3A_452, %dma_start3A_457, %dma_start3A_458] : memref<504x117x300xf32, #tpu.memory_space<hbm>> -> memref<1x117x300xf32, #tpu.memory_space<hbm>>
      %dma_start3A_460 = tpu.memref_squeeze %dma_start3A_459 : memref<1x117x300xf32, #tpu.memory_space<hbm>> -> memref<117x300xf32, #tpu.memory_space<hbm>>
      tpu.enqueue_dma source(%arg8 : memref<117x300xf32, #tpu.memory_space<vmem>>) target(%dma_start3A_460 : memref<117x300xf32, #tpu.memory_space<hbm>>) target_semaphore(%arg9 : memref<!tpu.dma_semaphore, #tpu.memory_space<semaphore_mem>>)
      %dma_wait3A_461 = arith.constant 0 : i32
      %dma_wait3A_462 = arith.constant 0 : i32
      %dma_wait3A_463 = tpu.memref_slice %arg7[%select_n3A, %dma_wait3A_461, %dma_wait3A_462] : memref<504x117x300xf32, #tpu.memory_space<hbm>> -> memref<1x117x300xf32, #tpu.memory_space<hbm>>
      %dma_wait3A_464 = tpu.memref_squeeze %dma_wait3A_463 : memref<1x117x300xf32, #tpu.memory_space<hbm>> -> memref<117x300xf32, #tpu.memory_space<hbm>>
      %dma_wait3A_465 = arith.constant 0 : i32
      %dma_wait3A_466 = arith.constant 0 : i32
      %dma_wait3A_467 = tpu.memref_slice %arg7[%select_n3A, %dma_wait3A_465, %dma_wait3A_466] : memref<504x117x300xf32, #tpu.memory_space<hbm>> -> memref<1x117x300xf32, #tpu.memory_space<hbm>>
      %dma_wait3A_468 = tpu.memref_squeeze %dma_wait3A_467 : memref<1x117x300xf32, #tpu.memory_space<hbm>> -> memref<117x300xf32, #tpu.memory_space<hbm>>
      tpu.wait_dma2 semaphore(%arg9 : memref<!tpu.dma_semaphore, #tpu.memory_space<semaphore_mem>>) src(%arg8 : memref<117x300xf32, #tpu.memory_space<vmem>>) dst(%dma_wait3A_468 : memref<117x300xf32, #tpu.memory_space<hbm>>)
      %add3A_469 = arith.constant 21 : i32
      %add3A_470 = arith.addi %select_n3A, %add3A_469 : i32
      %sub3A_471 = arith.constant 1 : i32
      %sub3A_472 = arith.subi %select_n3A_62, %sub3A_471 : i32
      %min3A_473 = arith.minsi %add3A_470, %sub3A_472 : i32
      %dma_start3A_474 = arith.constant 0 : i32
      %dma_start3A_475 = arith.constant 0 : i32
      %dma_start3A_476 = tpu.memref_slice %arg7[%min3A_473, %dma_start3A_474, %dma_start3A_475] : memref<504x117x300xf32, #tpu.memory_space<hbm>> -> memref<1x117x300xf32, #tpu.memory_space<hbm>>
      %dma_start3A_477 = tpu.memref_squeeze %dma_start3A_476 : memref<1x117x300xf32, #tpu.memory_space<hbm>> -> memref<117x300xf32, #tpu.memory_space<hbm>>
      %dma_start3A_478 = arith.constant 0 : i32
      %dma_start3A_479 = arith.constant 0 : i32
      %dma_start3A_480 = tpu.memref_slice %arg7[%min3A_473, %dma_start3A_478, %dma_start3A_479] : memref<504x117x300xf32, #tpu.memory_space<hbm>> -> memref<1x117x300xf32, #tpu.memory_space<hbm>>
      %dma_start3A_481 = tpu.memref_squeeze %dma_start3A_480 : memref<1x117x300xf32, #tpu.memory_space<hbm>> -> memref<117x300xf32, #tpu.memory_space<hbm>>
      tpu.enqueue_dma source(%arg8 : memref<117x300xf32, #tpu.memory_space<vmem>>) target(%dma_start3A_481 : memref<117x300xf32, #tpu.memory_space<hbm>>) target_semaphore(%arg9 : memref<!tpu.dma_semaphore, #tpu.memory_space<semaphore_mem>>)
      %dma_wait3A_482 = arith.constant 0 : i32
      %dma_wait3A_483 = arith.constant 0 : i32
      %dma_wait3A_484 = tpu.memref_slice %arg7[%select_n3A, %dma_wait3A_482, %dma_wait3A_483] : memref<504x117x300xf32, #tpu.memory_space<hbm>> -> memref<1x117x300xf32, #tpu.memory_space<hbm>>
      %dma_wait3A_485 = tpu.memref_squeeze %dma_wait3A_484 : memref<1x117x300xf32, #tpu.memory_space<hbm>> -> memref<117x300xf32, #tpu.memory_space<hbm>>
      %dma_wait3A_486 = arith.constant 0 : i32
      %dma_wait3A_487 = arith.constant 0 : i32
      %dma_wait3A_488 = tpu.memref_slice %arg7[%select_n3A, %dma_wait3A_486, %dma_wait3A_487] : memref<504x117x300xf32, #tpu.memory_space<hbm>> -> memref<1x117x300xf32, #tpu.memory_space<hbm>>
      %dma_wait3A_489 = tpu.memref_squeeze %dma_wait3A_488 : memref<1x117x300xf32, #tpu.memory_space<hbm>> -> memref<117x300xf32, #tpu.memory_space<hbm>>
      tpu.wait_dma2 semaphore(%arg9 : memref<!tpu.dma_semaphore, #tpu.memory_space<semaphore_mem>>) src(%arg8 : memref<117x300xf32, #tpu.memory_space<vmem>>) dst(%dma_wait3A_489 : memref<117x300xf32, #tpu.memory_space<hbm>>)
      %add3A_490 = arith.constant 22 : i32
      %add3A_491 = arith.addi %select_n3A, %add3A_490 : i32
      %sub3A_492 = arith.constant 1 : i32
      %sub3A_493 = arith.subi %select_n3A_62, %sub3A_492 : i32
      %min3A_494 = arith.minsi %add3A_491, %sub3A_493 : i32
      %dma_start3A_495 = arith.constant 0 : i32
      %dma_start3A_496 = arith.constant 0 : i32
      %dma_start3A_497 = tpu.memref_slice %arg7[%min3A_494, %dma_start3A_495, %dma_start3A_496] : memref<504x117x300xf32, #tpu.memory_space<hbm>> -> memref<1x117x300xf32, #tpu.memory_space<hbm>>
      %dma_start3A_498 = tpu.memref_squeeze %dma_start3A_497 : memref<1x117x300xf32, #tpu.memory_space<hbm>> -> memref<117x300xf32, #tpu.memory_space<hbm>>
      %dma_start3A_499 = arith.constant 0 : i32
      %dma_start3A_500 = arith.constant 0 : i32
      %dma_start3A_501 = tpu.memref_slice %arg7[%min3A_494, %dma_start3A_499, %dma_start3A_500] : memref<504x117x300xf32, #tpu.memory_space<hbm>> -> memref<1x117x300xf32, #tpu.memory_space<hbm>>
      %dma_start3A_502 = tpu.memref_squeeze %dma_start3A_501 : memref<1x117x300xf32, #tpu.memory_space<hbm>> -> memref<117x300xf32, #tpu.memory_space<hbm>>
      tpu.enqueue_dma source(%arg8 : memref<117x300xf32, #tpu.memory_space<vmem>>) target(%dma_start3A_502 : memref<117x300xf32, #tpu.memory_space<hbm>>) target_semaphore(%arg9 : memref<!tpu.dma_semaphore, #tpu.memory_space<semaphore_mem>>)
      %dma_wait3A_503 = arith.constant 0 : i32
      %dma_wait3A_504 = arith.constant 0 : i32
      %dma_wait3A_505 = tpu.memref_slice %arg7[%select_n3A, %dma_wait3A_503, %dma_wait3A_504] : memref<504x117x300xf32, #tpu.memory_space<hbm>> -> memref<1x117x300xf32, #tpu.memory_space<hbm>>
      %dma_wait3A_506 = tpu.memref_squeeze %dma_wait3A_505 : memref<1x117x300xf32, #tpu.memory_space<hbm>> -> memref<117x300xf32, #tpu.memory_space<hbm>>
      %dma_wait3A_507 = arith.constant 0 : i32
      %dma_wait3A_508 = arith.constant 0 : i32
      %dma_wait3A_509 = tpu.memref_slice %arg7[%select_n3A, %dma_wait3A_507, %dma_wait3A_508] : memref<504x117x300xf32, #tpu.memory_space<hbm>> -> memref<1x117x300xf32, #tpu.memory_space<hbm>>
      %dma_wait3A_510 = tpu.memref_squeeze %dma_wait3A_509 : memref<1x117x300xf32, #tpu.memory_space<hbm>> -> memref<117x300xf32, #tpu.memory_space<hbm>>
      tpu.wait_dma2 semaphore(%arg9 : memref<!tpu.dma_semaphore, #tpu.memory_space<semaphore_mem>>) src(%arg8 : memref<117x300xf32, #tpu.memory_space<vmem>>) dst(%dma_wait3A_510 : memref<117x300xf32, #tpu.memory_space<hbm>>)
      %add3A_511 = arith.constant 23 : i32
      %add3A_512 = arith.addi %select_n3A, %add3A_511 : i32
      %sub3A_513 = arith.constant 1 : i32
      %sub3A_514 = arith.subi %select_n3A_62, %sub3A_513 : i32
      %min3A_515 = arith.minsi %add3A_512, %sub3A_514 : i32
      %dma_start3A_516 = arith.constant 0 : i32
      %dma_start3A_517 = arith.constant 0 : i32
      %dma_start3A_518 = tpu.memref_slice %arg7[%min3A_515, %dma_start3A_516, %dma_start3A_517] : memref<504x117x300xf32, #tpu.memory_space<hbm>> -> memref<1x117x300xf32, #tpu.memory_space<hbm>>
      %dma_start3A_519 = tpu.memref_squeeze %dma_start3A_518 : memref<1x117x300xf32, #tpu.memory_space<hbm>> -> memref<117x300xf32, #tpu.memory_space<hbm>>
      %dma_start3A_520 = arith.constant 0 : i32
      %dma_start3A_521 = arith.constant 0 : i32
      %dma_start3A_522 = tpu.memref_slice %arg7[%min3A_515, %dma_start3A_520, %dma_start3A_521] : memref<504x117x300xf32, #tpu.memory_space<hbm>> -> memref<1x117x300xf32, #tpu.memory_space<hbm>>
      %dma_start3A_523 = tpu.memref_squeeze %dma_start3A_522 : memref<1x117x300xf32, #tpu.memory_space<hbm>> -> memref<117x300xf32, #tpu.memory_space<hbm>>
      tpu.enqueue_dma source(%arg8 : memref<117x300xf32, #tpu.memory_space<vmem>>) target(%dma_start3A_523 : memref<117x300xf32, #tpu.memory_space<hbm>>) target_semaphore(%arg9 : memref<!tpu.dma_semaphore, #tpu.memory_space<semaphore_mem>>)
      %dma_wait3A_524 = arith.constant 0 : i32
      %dma_wait3A_525 = arith.constant 0 : i32
      %dma_wait3A_526 = tpu.memref_slice %arg7[%select_n3A, %dma_wait3A_524, %dma_wait3A_525] : memref<504x117x300xf32, #tpu.memory_space<hbm>> -> memref<1x117x300xf32, #tpu.memory_space<hbm>>
      %dma_wait3A_527 = tpu.memref_squeeze %dma_wait3A_526 : memref<1x117x300xf32, #tpu.memory_space<hbm>> -> memref<117x300xf32, #tpu.memory_space<hbm>>
      %dma_wait3A_528 = arith.constant 0 : i32
      %dma_wait3A_529 = arith.constant 0 : i32
      %dma_wait3A_530 = tpu.memref_slice %arg7[%select_n3A, %dma_wait3A_528, %dma_wait3A_529] : memref<504x117x300xf32, #tpu.memory_space<hbm>> -> memref<1x117x300xf32, #tpu.memory_space<hbm>>
      %dma_wait3A_531 = tpu.memref_squeeze %dma_wait3A_530 : memref<1x117x300xf32, #tpu.memory_space<hbm>> -> memref<117x300xf32, #tpu.memory_space<hbm>>
      tpu.wait_dma2 semaphore(%arg9 : memref<!tpu.dma_semaphore, #tpu.memory_space<semaphore_mem>>) src(%arg8 : memref<117x300xf32, #tpu.memory_space<vmem>>) dst(%dma_wait3A_531 : memref<117x300xf32, #tpu.memory_space<hbm>>)
      %add3A_532 = arith.constant 24 : i32
      %add3A_533 = arith.addi %select_n3A, %add3A_532 : i32
      %sub3A_534 = arith.constant 1 : i32
      %sub3A_535 = arith.subi %select_n3A_62, %sub3A_534 : i32
      %min3A_536 = arith.minsi %add3A_533, %sub3A_535 : i32
      %dma_start3A_537 = arith.constant 0 : i32
      %dma_start3A_538 = arith.constant 0 : i32
      %dma_start3A_539 = tpu.memref_slice %arg7[%min3A_536, %dma_start3A_537, %dma_start3A_538] : memref<504x117x300xf32, #tpu.memory_space<hbm>> -> memref<1x117x300xf32, #tpu.memory_space<hbm>>
      %dma_start3A_540 = tpu.memref_squeeze %dma_start3A_539 : memref<1x117x300xf32, #tpu.memory_space<hbm>> -> memref<117x300xf32, #tpu.memory_space<hbm>>
      %dma_start3A_541 = arith.constant 0 : i32
      %dma_start3A_542 = arith.constant 0 : i32
      %dma_start3A_543 = tpu.memref_slice %arg7[%min3A_536, %dma_start3A_541, %dma_start3A_542] : memref<504x117x300xf32, #tpu.memory_space<hbm>> -> memref<1x117x300xf32, #tpu.memory_space<hbm>>
      %dma_start3A_544 = tpu.memref_squeeze %dma_start3A_543 : memref<1x117x300xf32, #tpu.memory_space<hbm>> -> memref<117x300xf32, #tpu.memory_space<hbm>>
      tpu.enqueue_dma source(%arg8 : memref<117x300xf32, #tpu.memory_space<vmem>>) target(%dma_start3A_544 : memref<117x300xf32, #tpu.memory_space<hbm>>) target_semaphore(%arg9 : memref<!tpu.dma_semaphore, #tpu.memory_space<semaphore_mem>>)
      %dma_wait3A_545 = arith.constant 0 : i32
      %dma_wait3A_546 = arith.constant 0 : i32
      %dma_wait3A_547 = tpu.memref_slice %arg7[%select_n3A, %dma_wait3A_545, %dma_wait3A_546] : memref<504x117x300xf32, #tpu.memory_space<hbm>> -> memref<1x117x300xf32, #tpu.memory_space<hbm>>
      %dma_wait3A_548 = tpu.memref_squeeze %dma_wait3A_547 : memref<1x117x300xf32, #tpu.memory_space<hbm>> -> memref<117x300xf32, #tpu.memory_space<hbm>>
      %dma_wait3A_549 = arith.constant 0 : i32
      %dma_wait3A_550 = arith.constant 0 : i32
      %dma_wait3A_551 = tpu.memref_slice %arg7[%select_n3A, %dma_wait3A_549, %dma_wait3A_550] : memref<504x117x300xf32, #tpu.memory_space<hbm>> -> memref<1x117x300xf32, #tpu.memory_space<hbm>>
      %dma_wait3A_552 = tpu.memref_squeeze %dma_wait3A_551 : memref<1x117x300xf32, #tpu.memory_space<hbm>> -> memref<117x300xf32, #tpu.memory_space<hbm>>
      tpu.wait_dma2 semaphore(%arg9 : memref<!tpu.dma_semaphore, #tpu.memory_space<semaphore_mem>>) src(%arg8 : memref<117x300xf32, #tpu.memory_space<vmem>>) dst(%dma_wait3A_552 : memref<117x300xf32, #tpu.memory_space<hbm>>)
      %add3A_553 = arith.constant 25 : i32
      %add3A_554 = arith.addi %select_n3A, %add3A_553 : i32
      %sub3A_555 = arith.constant 1 : i32
      %sub3A_556 = arith.subi %select_n3A_62, %sub3A_555 : i32
      %min3A_557 = arith.minsi %add3A_554, %sub3A_556 : i32
      %dma_start3A_558 = arith.constant 0 : i32
      %dma_start3A_559 = arith.constant 0 : i32
      %dma_start3A_560 = tpu.memref_slice %arg7[%min3A_557, %dma_start3A_558, %dma_start3A_559] : memref<504x117x300xf32, #tpu.memory_space<hbm>> -> memref<1x117x300xf32, #tpu.memory_space<hbm>>
      %dma_start3A_561 = tpu.memref_squeeze %dma_start3A_560 : memref<1x117x300xf32, #tpu.memory_space<hbm>> -> memref<117x300xf32, #tpu.memory_space<hbm>>
      %dma_start3A_562 = arith.constant 0 : i32
      %dma_start3A_563 = arith.constant 0 : i32
      %dma_start3A_564 = tpu.memref_slice %arg7[%min3A_557, %dma_start3A_562, %dma_start3A_563] : memref<504x117x300xf32, #tpu.memory_space<hbm>> -> memref<1x117x300xf32, #tpu.memory_space<hbm>>
      %dma_start3A_565 = tpu.memref_squeeze %dma_start3A_564 : memref<1x117x300xf32, #tpu.memory_space<hbm>> -> memref<117x300xf32, #tpu.memory_space<hbm>>
      tpu.enqueue_dma source(%arg8 : memref<117x300xf32, #tpu.memory_space<vmem>>) target(%dma_start3A_565 : memref<117x300xf32, #tpu.memory_space<hbm>>) target_semaphore(%arg9 : memref<!tpu.dma_semaphore, #tpu.memory_space<semaphore_mem>>)
      %dma_wait3A_566 = arith.constant 0 : i32
      %dma_wait3A_567 = arith.constant 0 : i32
      %dma_wait3A_568 = tpu.memref_slice %arg7[%select_n3A, %dma_wait3A_566, %dma_wait3A_567] : memref<504x117x300xf32, #tpu.memory_space<hbm>> -> memref<1x117x300xf32, #tpu.memory_space<hbm>>
      %dma_wait3A_569 = tpu.memref_squeeze %dma_wait3A_568 : memref<1x117x300xf32, #tpu.memory_space<hbm>> -> memref<117x300xf32, #tpu.memory_space<hbm>>
      %dma_wait3A_570 = arith.constant 0 : i32
      %dma_wait3A_571 = arith.constant 0 : i32
      %dma_wait3A_572 = tpu.memref_slice %arg7[%select_n3A, %dma_wait3A_570, %dma_wait3A_571] : memref<504x117x300xf32, #tpu.memory_space<hbm>> -> memref<1x117x300xf32, #tpu.memory_space<hbm>>
      %dma_wait3A_573 = tpu.memref_squeeze %dma_wait3A_572 : memref<1x117x300xf32, #tpu.memory_space<hbm>> -> memref<117x300xf32, #tpu.memory_space<hbm>>
      tpu.wait_dma2 semaphore(%arg9 : memref<!tpu.dma_semaphore, #tpu.memory_space<semaphore_mem>>) src(%arg8 : memref<117x300xf32, #tpu.memory_space<vmem>>) dst(%dma_wait3A_573 : memref<117x300xf32, #tpu.memory_space<hbm>>)
      %add3A_574 = arith.constant 26 : i32
      %add3A_575 = arith.addi %select_n3A, %add3A_574 : i32
      %sub3A_576 = arith.constant 1 : i32
      %sub3A_577 = arith.subi %select_n3A_62, %sub3A_576 : i32
      %min3A_578 = arith.minsi %add3A_575, %sub3A_577 : i32
      %dma_start3A_579 = arith.constant 0 : i32
      %dma_start3A_580 = arith.constant 0 : i32
      %dma_start3A_581 = tpu.memref_slice %arg7[%min3A_578, %dma_start3A_579, %dma_start3A_580] : memref<504x117x300xf32, #tpu.memory_space<hbm>> -> memref<1x117x300xf32, #tpu.memory_space<hbm>>
      %dma_start3A_582 = tpu.memref_squeeze %dma_start3A_581 : memref<1x117x300xf32, #tpu.memory_space<hbm>> -> memref<117x300xf32, #tpu.memory_space<hbm>>
      %dma_start3A_583 = arith.constant 0 : i32
      %dma_start3A_584 = arith.constant 0 : i32
      %dma_start3A_585 = tpu.memref_slice %arg7[%min3A_578, %dma_start3A_583, %dma_start3A_584] : memref<504x117x300xf32, #tpu.memory_space<hbm>> -> memref<1x117x300xf32, #tpu.memory_space<hbm>>
      %dma_start3A_586 = tpu.memref_squeeze %dma_start3A_585 : memref<1x117x300xf32, #tpu.memory_space<hbm>> -> memref<117x300xf32, #tpu.memory_space<hbm>>
      tpu.enqueue_dma source(%arg8 : memref<117x300xf32, #tpu.memory_space<vmem>>) target(%dma_start3A_586 : memref<117x300xf32, #tpu.memory_space<hbm>>) target_semaphore(%arg9 : memref<!tpu.dma_semaphore, #tpu.memory_space<semaphore_mem>>)
      %dma_wait3A_587 = arith.constant 0 : i32
      %dma_wait3A_588 = arith.constant 0 : i32
      %dma_wait3A_589 = tpu.memref_slice %arg7[%select_n3A, %dma_wait3A_587, %dma_wait3A_588] : memref<504x117x300xf32, #tpu.memory_space<hbm>> -> memref<1x117x300xf32, #tpu.memory_space<hbm>>
      %dma_wait3A_590 = tpu.memref_squeeze %dma_wait3A_589 : memref<1x117x300xf32, #tpu.memory_space<hbm>> -> memref<117x300xf32, #tpu.memory_space<hbm>>
      %dma_wait3A_591 = arith.constant 0 : i32
      %dma_wait3A_592 = arith.constant 0 : i32
      %dma_wait3A_593 = tpu.memref_slice %arg7[%select_n3A, %dma_wait3A_591, %dma_wait3A_592] : memref<504x117x300xf32, #tpu.memory_space<hbm>> -> memref<1x117x300xf32, #tpu.memory_space<hbm>>
      %dma_wait3A_594 = tpu.memref_squeeze %dma_wait3A_593 : memref<1x117x300xf32, #tpu.memory_space<hbm>> -> memref<117x300xf32, #tpu.memory_space<hbm>>
      tpu.wait_dma2 semaphore(%arg9 : memref<!tpu.dma_semaphore, #tpu.memory_space<semaphore_mem>>) src(%arg8 : memref<117x300xf32, #tpu.memory_space<vmem>>) dst(%dma_wait3A_594 : memref<117x300xf32, #tpu.memory_space<hbm>>)
      %add3A_595 = arith.constant 27 : i32
      %add3A_596 = arith.addi %select_n3A, %add3A_595 : i32
      %sub3A_597 = arith.constant 1 : i32
      %sub3A_598 = arith.subi %select_n3A_62, %sub3A_597 : i32
      %min3A_599 = arith.minsi %add3A_596, %sub3A_598 : i32
      %dma_start3A_600 = arith.constant 0 : i32
      %dma_start3A_601 = arith.constant 0 : i32
      %dma_start3A_602 = tpu.memref_slice %arg7[%min3A_599, %dma_start3A_600, %dma_start3A_601] : memref<504x117x300xf32, #tpu.memory_space<hbm>> -> memref<1x117x300xf32, #tpu.memory_space<hbm>>
      %dma_start3A_603 = tpu.memref_squeeze %dma_start3A_602 : memref<1x117x300xf32, #tpu.memory_space<hbm>> -> memref<117x300xf32, #tpu.memory_space<hbm>>
      %dma_start3A_604 = arith.constant 0 : i32
      %dma_start3A_605 = arith.constant 0 : i32
      %dma_start3A_606 = tpu.memref_slice %arg7[%min3A_599, %dma_start3A_604, %dma_start3A_605] : memref<504x117x300xf32, #tpu.memory_space<hbm>> -> memref<1x117x300xf32, #tpu.memory_space<hbm>>
      %dma_start3A_607 = tpu.memref_squeeze %dma_start3A_606 : memref<1x117x300xf32, #tpu.memory_space<hbm>> -> memref<117x300xf32, #tpu.memory_space<hbm>>
      tpu.enqueue_dma source(%arg8 : memref<117x300xf32, #tpu.memory_space<vmem>>) target(%dma_start3A_607 : memref<117x300xf32, #tpu.memory_space<hbm>>) target_semaphore(%arg9 : memref<!tpu.dma_semaphore, #tpu.memory_space<semaphore_mem>>)
      %dma_wait3A_608 = arith.constant 0 : i32
      %dma_wait3A_609 = arith.constant 0 : i32
      %dma_wait3A_610 = tpu.memref_slice %arg7[%select_n3A, %dma_wait3A_608, %dma_wait3A_609] : memref<504x117x300xf32, #tpu.memory_space<hbm>> -> memref<1x117x300xf32, #tpu.memory_space<hbm>>
      %dma_wait3A_611 = tpu.memref_squeeze %dma_wait3A_610 : memref<1x117x300xf32, #tpu.memory_space<hbm>> -> memref<117x300xf32, #tpu.memory_space<hbm>>
      %dma_wait3A_612 = arith.constant 0 : i32
      %dma_wait3A_613 = arith.constant 0 : i32
      %dma_wait3A_614 = tpu.memref_slice %arg7[%select_n3A, %dma_wait3A_612, %dma_wait3A_613] : memref<504x117x300xf32, #tpu.memory_space<hbm>> -> memref<1x117x300xf32, #tpu.memory_space<hbm>>
      %dma_wait3A_615 = tpu.memref_squeeze %dma_wait3A_614 : memref<1x117x300xf32, #tpu.memory_space<hbm>> -> memref<117x300xf32, #tpu.memory_space<hbm>>
      tpu.wait_dma2 semaphore(%arg9 : memref<!tpu.dma_semaphore, #tpu.memory_space<semaphore_mem>>) src(%arg8 : memref<117x300xf32, #tpu.memory_space<vmem>>) dst(%dma_wait3A_615 : memref<117x300xf32, #tpu.memory_space<hbm>>)
      %add3A_616 = arith.constant 28 : i32
      %add3A_617 = arith.addi %select_n3A, %add3A_616 : i32
      %sub3A_618 = arith.constant 1 : i32
      %sub3A_619 = arith.subi %select_n3A_62, %sub3A_618 : i32
      %min3A_620 = arith.minsi %add3A_617, %sub3A_619 : i32
      %dma_start3A_621 = arith.constant 0 : i32
      %dma_start3A_622 = arith.constant 0 : i32
      %dma_start3A_623 = tpu.memref_slice %arg7[%min3A_620, %dma_start3A_621, %dma_start3A_622] : memref<504x117x300xf32, #tpu.memory_space<hbm>> -> memref<1x117x300xf32, #tpu.memory_space<hbm>>
      %dma_start3A_624 = tpu.memref_squeeze %dma_start3A_623 : memref<1x117x300xf32, #tpu.memory_space<hbm>> -> memref<117x300xf32, #tpu.memory_space<hbm>>
      %dma_start3A_625 = arith.constant 0 : i32
      %dma_start3A_626 = arith.constant 0 : i32
      %dma_start3A_627 = tpu.memref_slice %arg7[%min3A_620, %dma_start3A_625, %dma_start3A_626] : memref<504x117x300xf32, #tpu.memory_space<hbm>> -> memref<1x117x300xf32, #tpu.memory_space<hbm>>
      %dma_start3A_628 = tpu.memref_squeeze %dma_start3A_627 : memref<1x117x300xf32, #tpu.memory_space<hbm>> -> memref<117x300xf32, #tpu.memory_space<hbm>>
      tpu.enqueue_dma source(%arg8 : memref<117x300xf32, #tpu.memory_space<vmem>>) target(%dma_start3A_628 : memref<117x300xf32, #tpu.memory_space<hbm>>) target_semaphore(%arg9 : memref<!tpu.dma_semaphore, #tpu.memory_space<semaphore_mem>>)
      %dma_wait3A_629 = arith.constant 0 : i32
      %dma_wait3A_630 = arith.constant 0 : i32
      %dma_wait3A_631 = tpu.memref_slice %arg7[%select_n3A, %dma_wait3A_629, %dma_wait3A_630] : memref<504x117x300xf32, #tpu.memory_space<hbm>> -> memref<1x117x300xf32, #tpu.memory_space<hbm>>
      %dma_wait3A_632 = tpu.memref_squeeze %dma_wait3A_631 : memref<1x117x300xf32, #tpu.memory_space<hbm>> -> memref<117x300xf32, #tpu.memory_space<hbm>>
      %dma_wait3A_633 = arith.constant 0 : i32
      %dma_wait3A_634 = arith.constant 0 : i32
      %dma_wait3A_635 = tpu.memref_slice %arg7[%select_n3A, %dma_wait3A_633, %dma_wait3A_634] : memref<504x117x300xf32, #tpu.memory_space<hbm>> -> memref<1x117x300xf32, #tpu.memory_space<hbm>>
      %dma_wait3A_636 = tpu.memref_squeeze %dma_wait3A_635 : memref<1x117x300xf32, #tpu.memory_space<hbm>> -> memref<117x300xf32, #tpu.memory_space<hbm>>
      tpu.wait_dma2 semaphore(%arg9 : memref<!tpu.dma_semaphore, #tpu.memory_space<semaphore_mem>>) src(%arg8 : memref<117x300xf32, #tpu.memory_space<vmem>>) dst(%dma_wait3A_636 : memref<117x300xf32, #tpu.memory_space<hbm>>)
      %add3A_637 = arith.constant 29 : i32
      %add3A_638 = arith.addi %select_n3A, %add3A_637 : i32
      %sub3A_639 = arith.constant 1 : i32
      %sub3A_640 = arith.subi %select_n3A_62, %sub3A_639 : i32
      %min3A_641 = arith.minsi %add3A_638, %sub3A_640 : i32
      %dma_start3A_642 = arith.constant 0 : i32
      %dma_start3A_643 = arith.constant 0 : i32
      %dma_start3A_644 = tpu.memref_slice %arg7[%min3A_641, %dma_start3A_642, %dma_start3A_643] : memref<504x117x300xf32, #tpu.memory_space<hbm>> -> memref<1x117x300xf32, #tpu.memory_space<hbm>>
      %dma_start3A_645 = tpu.memref_squeeze %dma_start3A_644 : memref<1x117x300xf32, #tpu.memory_space<hbm>> -> memref<117x300xf32, #tpu.memory_space<hbm>>
      %dma_start3A_646 = arith.constant 0 : i32
      %dma_start3A_647 = arith.constant 0 : i32
      %dma_start3A_648 = tpu.memref_slice %arg7[%min3A_641, %dma_start3A_646, %dma_start3A_647] : memref<504x117x300xf32, #tpu.memory_space<hbm>> -> memref<1x117x300xf32, #tpu.memory_space<hbm>>
      %dma_start3A_649 = tpu.memref_squeeze %dma_start3A_648 : memref<1x117x300xf32, #tpu.memory_space<hbm>> -> memref<117x300xf32, #tpu.memory_space<hbm>>
      tpu.enqueue_dma source(%arg8 : memref<117x300xf32, #tpu.memory_space<vmem>>) target(%dma_start3A_649 : memref<117x300xf32, #tpu.memory_space<hbm>>) target_semaphore(%arg9 : memref<!tpu.dma_semaphore, #tpu.memory_space<semaphore_mem>>)
      %dma_wait3A_650 = arith.constant 0 : i32
      %dma_wait3A_651 = arith.constant 0 : i32
      %dma_wait3A_652 = tpu.memref_slice %arg7[%select_n3A, %dma_wait3A_650, %dma_wait3A_651] : memref<504x117x300xf32, #tpu.memory_space<hbm>> -> memref<1x117x300xf32, #tpu.memory_space<hbm>>
      %dma_wait3A_653 = tpu.memref_squeeze %dma_wait3A_652 : memref<1x117x300xf32, #tpu.memory_space<hbm>> -> memref<117x300xf32, #tpu.memory_space<hbm>>
      %dma_wait3A_654 = arith.constant 0 : i32
      %dma_wait3A_655 = arith.constant 0 : i32
      %dma_wait3A_656 = tpu.memref_slice %arg7[%select_n3A, %dma_wait3A_654, %dma_wait3A_655] : memref<504x117x300xf32, #tpu.memory_space<hbm>> -> memref<1x117x300xf32, #tpu.memory_space<hbm>>
      %dma_wait3A_657 = tpu.memref_squeeze %dma_wait3A_656 : memref<1x117x300xf32, #tpu.memory_space<hbm>> -> memref<117x300xf32, #tpu.memory_space<hbm>>
      tpu.wait_dma2 semaphore(%arg9 : memref<!tpu.dma_semaphore, #tpu.memory_space<semaphore_mem>>) src(%arg8 : memref<117x300xf32, #tpu.memory_space<vmem>>) dst(%dma_wait3A_657 : memref<117x300xf32, #tpu.memory_space<hbm>>)
      %add3A_658 = arith.constant 30 : i32
      %add3A_659 = arith.addi %select_n3A, %add3A_658 : i32
      %sub3A_660 = arith.constant 1 : i32
      %sub3A_661 = arith.subi %select_n3A_62, %sub3A_660 : i32
      %min3A_662 = arith.minsi %add3A_659, %sub3A_661 : i32
      %dma_start3A_663 = arith.constant 0 : i32
      %dma_start3A_664 = arith.constant 0 : i32
      %dma_start3A_665 = tpu.memref_slice %arg7[%min3A_662, %dma_start3A_663, %dma_start3A_664] : memref<504x117x300xf32, #tpu.memory_space<hbm>> -> memref<1x117x300xf32, #tpu.memory_space<hbm>>
      %dma_start3A_666 = tpu.memref_squeeze %dma_start3A_665 : memref<1x117x300xf32, #tpu.memory_space<hbm>> -> memref<117x300xf32, #tpu.memory_space<hbm>>
      %dma_start3A_667 = arith.constant 0 : i32
      %dma_start3A_668 = arith.constant 0 : i32
      %dma_start3A_669 = tpu.memref_slice %arg7[%min3A_662, %dma_start3A_667, %dma_start3A_668] : memref<504x117x300xf32, #tpu.memory_space<hbm>> -> memref<1x117x300xf32, #tpu.memory_space<hbm>>
      %dma_start3A_670 = tpu.memref_squeeze %dma_start3A_669 : memref<1x117x300xf32, #tpu.memory_space<hbm>> -> memref<117x300xf32, #tpu.memory_space<hbm>>
      tpu.enqueue_dma source(%arg8 : memref<117x300xf32, #tpu.memory_space<vmem>>) target(%dma_start3A_670 : memref<117x300xf32, #tpu.memory_space<hbm>>) target_semaphore(%arg9 : memref<!tpu.dma_semaphore, #tpu.memory_space<semaphore_mem>>)
      %dma_wait3A_671 = arith.constant 0 : i32
      %dma_wait3A_672 = arith.constant 0 : i32
      %dma_wait3A_673 = tpu.memref_slice %arg7[%select_n3A, %dma_wait3A_671, %dma_wait3A_672] : memref<504x117x300xf32, #tpu.memory_space<hbm>> -> memref<1x117x300xf32, #tpu.memory_space<hbm>>
      %dma_wait3A_674 = tpu.memref_squeeze %dma_wait3A_673 : memref<1x117x300xf32, #tpu.memory_space<hbm>> -> memref<117x300xf32, #tpu.memory_space<hbm>>
      %dma_wait3A_675 = arith.constant 0 : i32
      %dma_wait3A_676 = arith.constant 0 : i32
      %dma_wait3A_677 = tpu.memref_slice %arg7[%select_n3A, %dma_wait3A_675, %dma_wait3A_676] : memref<504x117x300xf32, #tpu.memory_space<hbm>> -> memref<1x117x300xf32, #tpu.memory_space<hbm>>
      %dma_wait3A_678 = tpu.memref_squeeze %dma_wait3A_677 : memref<1x117x300xf32, #tpu.memory_space<hbm>> -> memref<117x300xf32, #tpu.memory_space<hbm>>
      tpu.wait_dma2 semaphore(%arg9 : memref<!tpu.dma_semaphore, #tpu.memory_space<semaphore_mem>>) src(%arg8 : memref<117x300xf32, #tpu.memory_space<vmem>>) dst(%dma_wait3A_678 : memref<117x300xf32, #tpu.memory_space<hbm>>)
      %add3A_679 = arith.constant 31 : i32
      %add3A_680 = arith.addi %select_n3A, %add3A_679 : i32
      %sub3A_681 = arith.constant 1 : i32
      %sub3A_682 = arith.subi %select_n3A_62, %sub3A_681 : i32
      %min3A_683 = arith.minsi %add3A_680, %sub3A_682 : i32
      %dma_start3A_684 = arith.constant 0 : i32
      %dma_start3A_685 = arith.constant 0 : i32
      %dma_start3A_686 = tpu.memref_slice %arg7[%min3A_683, %dma_start3A_684, %dma_start3A_685] : memref<504x117x300xf32, #tpu.memory_space<hbm>> -> memref<1x117x300xf32, #tpu.memory_space<hbm>>
      %dma_start3A_687 = tpu.memref_squeeze %dma_start3A_686 : memref<1x117x300xf32, #tpu.memory_space<hbm>> -> memref<117x300xf32, #tpu.memory_space<hbm>>
      %dma_start3A_688 = arith.constant 0 : i32
      %dma_start3A_689 = arith.constant 0 : i32
      %dma_start3A_690 = tpu.memref_slice %arg7[%min3A_683, %dma_start3A_688, %dma_start3A_689] : memref<504x117x300xf32, #tpu.memory_space<hbm>> -> memref<1x117x300xf32, #tpu.memory_space<hbm>>
      %dma_start3A_691 = tpu.memref_squeeze %dma_start3A_690 : memref<1x117x300xf32, #tpu.memory_space<hbm>> -> memref<117x300xf32, #tpu.memory_space<hbm>>
      tpu.enqueue_dma source(%arg8 : memref<117x300xf32, #tpu.memory_space<vmem>>) target(%dma_start3A_691 : memref<117x300xf32, #tpu.memory_space<hbm>>) target_semaphore(%arg9 : memref<!tpu.dma_semaphore, #tpu.memory_space<semaphore_mem>>)
      %dma_wait3A_692 = arith.constant 0 : i32
      %dma_wait3A_693 = arith.constant 0 : i32
      %dma_wait3A_694 = tpu.memref_slice %arg7[%select_n3A, %dma_wait3A_692, %dma_wait3A_693] : memref<504x117x300xf32, #tpu.memory_space<hbm>> -> memref<1x117x300xf32, #tpu.memory_space<hbm>>
      %dma_wait3A_695 = tpu.memref_squeeze %dma_wait3A_694 : memref<1x117x300xf32, #tpu.memory_space<hbm>> -> memref<117x300xf32, #tpu.memory_space<hbm>>
      %dma_wait3A_696 = arith.constant 0 : i32
      %dma_wait3A_697 = arith.constant 0 : i32
      %dma_wait3A_698 = tpu.memref_slice %arg7[%select_n3A, %dma_wait3A_696, %dma_wait3A_697] : memref<504x117x300xf32, #tpu.memory_space<hbm>> -> memref<1x117x300xf32, #tpu.memory_space<hbm>>
      %dma_wait3A_699 = tpu.memref_squeeze %dma_wait3A_698 : memref<1x117x300xf32, #tpu.memory_space<hbm>> -> memref<117x300xf32, #tpu.memory_space<hbm>>
      tpu.wait_dma2 semaphore(%arg9 : memref<!tpu.dma_semaphore, #tpu.memory_space<semaphore_mem>>) src(%arg8 : memref<117x300xf32, #tpu.memory_space<vmem>>) dst(%dma_wait3A_699 : memref<117x300xf32, #tpu.memory_space<hbm>>)
      %add3A_700 = arith.constant 32 : i32
      %add3A_701 = arith.addi %select_n3A, %add3A_700 : i32
      %sub3A_702 = arith.constant 1 : i32
      %sub3A_703 = arith.subi %select_n3A_62, %sub3A_702 : i32
      %min3A_704 = arith.minsi %add3A_701, %sub3A_703 : i32
      %dma_start3A_705 = arith.constant 0 : i32
      %dma_start3A_706 = arith.constant 0 : i32
      %dma_start3A_707 = tpu.memref_slice %arg7[%min3A_704, %dma_start3A_705, %dma_start3A_706] : memref<504x117x300xf32, #tpu.memory_space<hbm>> -> memref<1x117x300xf32, #tpu.memory_space<hbm>>
      %dma_start3A_708 = tpu.memref_squeeze %dma_start3A_707 : memref<1x117x300xf32, #tpu.memory_space<hbm>> -> memref<117x300xf32, #tpu.memory_space<hbm>>
      %dma_start3A_709 = arith.constant 0 : i32
      %dma_start3A_710 = arith.constant 0 : i32
      %dma_start3A_711 = tpu.memref_slice %arg7[%min3A_704, %dma_start3A_709, %dma_start3A_710] : memref<504x117x300xf32, #tpu.memory_space<hbm>> -> memref<1x117x300xf32, #tpu.memory_space<hbm>>
      %dma_start3A_712 = tpu.memref_squeeze %dma_start3A_711 : memref<1x117x300xf32, #tpu.memory_space<hbm>> -> memref<117x300xf32, #tpu.memory_space<hbm>>
      tpu.enqueue_dma source(%arg8 : memref<117x300xf32, #tpu.memory_space<vmem>>) target(%dma_start3A_712 : memref<117x300xf32, #tpu.memory_space<hbm>>) target_semaphore(%arg9 : memref<!tpu.dma_semaphore, #tpu.memory_space<semaphore_mem>>)
      %dma_wait3A_713 = arith.constant 0 : i32
      %dma_wait3A_714 = arith.constant 0 : i32
      %dma_wait3A_715 = tpu.memref_slice %arg7[%select_n3A, %dma_wait3A_713, %dma_wait3A_714] : memref<504x117x300xf32, #tpu.memory_space<hbm>> -> memref<1x117x300xf32, #tpu.memory_space<hbm>>
      %dma_wait3A_716 = tpu.memref_squeeze %dma_wait3A_715 : memref<1x117x300xf32, #tpu.memory_space<hbm>> -> memref<117x300xf32, #tpu.memory_space<hbm>>
      %dma_wait3A_717 = arith.constant 0 : i32
      %dma_wait3A_718 = arith.constant 0 : i32
      %dma_wait3A_719 = tpu.memref_slice %arg7[%select_n3A, %dma_wait3A_717, %dma_wait3A_718] : memref<504x117x300xf32, #tpu.memory_space<hbm>> -> memref<1x117x300xf32, #tpu.memory_space<hbm>>
      %dma_wait3A_720 = tpu.memref_squeeze %dma_wait3A_719 : memref<1x117x300xf32, #tpu.memory_space<hbm>> -> memref<117x300xf32, #tpu.memory_space<hbm>>
      tpu.wait_dma2 semaphore(%arg9 : memref<!tpu.dma_semaphore, #tpu.memory_space<semaphore_mem>>) src(%arg8 : memref<117x300xf32, #tpu.memory_space<vmem>>) dst(%dma_wait3A_720 : memref<117x300xf32, #tpu.memory_space<hbm>>)
      %add3A_721 = arith.constant 33 : i32
      %add3A_722 = arith.addi %select_n3A, %add3A_721 : i32
      %sub3A_723 = arith.constant 1 : i32
      %sub3A_724 = arith.subi %select_n3A_62, %sub3A_723 : i32
      %min3A_725 = arith.minsi %add3A_722, %sub3A_724 : i32
      %dma_start3A_726 = arith.constant 0 : i32
      %dma_start3A_727 = arith.constant 0 : i32
      %dma_start3A_728 = tpu.memref_slice %arg7[%min3A_725, %dma_start3A_726, %dma_start3A_727] : memref<504x117x300xf32, #tpu.memory_space<hbm>> -> memref<1x117x300xf32, #tpu.memory_space<hbm>>
      %dma_start3A_729 = tpu.memref_squeeze %dma_start3A_728 : memref<1x117x300xf32, #tpu.memory_space<hbm>> -> memref<117x300xf32, #tpu.memory_space<hbm>>
      %dma_start3A_730 = arith.constant 0 : i32
      %dma_start3A_731 = arith.constant 0 : i32
      %dma_start3A_732 = tpu.memref_slice %arg7[%min3A_725, %dma_start3A_730, %dma_start3A_731] : memref<504x117x300xf32, #tpu.memory_space<hbm>> -> memref<1x117x300xf32, #tpu.memory_space<hbm>>
      %dma_start3A_733 = tpu.memref_squeeze %dma_start3A_732 : memref<1x117x300xf32, #tpu.memory_space<hbm>> -> memref<117x300xf32, #tpu.memory_space<hbm>>
      tpu.enqueue_dma source(%arg8 : memref<117x300xf32, #tpu.memory_space<vmem>>) target(%dma_start3A_733 : memref<117x300xf32, #tpu.memory_space<hbm>>) target_semaphore(%arg9 : memref<!tpu.dma_semaphore, #tpu.memory_space<semaphore_mem>>)
      %dma_wait3A_734 = arith.constant 0 : i32
      %dma_wait3A_735 = arith.constant 0 : i32
      %dma_wait3A_736 = tpu.memref_slice %arg7[%select_n3A, %dma_wait3A_734, %dma_wait3A_735] : memref<504x117x300xf32, #tpu.memory_space<hbm>> -> memref<1x117x300xf32, #tpu.memory_space<hbm>>
      %dma_wait3A_737 = tpu.memref_squeeze %dma_wait3A_736 : memref<1x117x300xf32, #tpu.memory_space<hbm>> -> memref<117x300xf32, #tpu.memory_space<hbm>>
      %dma_wait3A_738 = arith.constant 0 : i32
      %dma_wait3A_739 = arith.constant 0 : i32
      %dma_wait3A_740 = tpu.memref_slice %arg7[%select_n3A, %dma_wait3A_738, %dma_wait3A_739] : memref<504x117x300xf32, #tpu.memory_space<hbm>> -> memref<1x117x300xf32, #tpu.memory_space<hbm>>
      %dma_wait3A_741 = tpu.memref_squeeze %dma_wait3A_740 : memref<1x117x300xf32, #tpu.memory_space<hbm>> -> memref<117x300xf32, #tpu.memory_space<hbm>>
      tpu.wait_dma2 semaphore(%arg9 : memref<!tpu.dma_semaphore, #tpu.memory_space<semaphore_mem>>) src(%arg8 : memref<117x300xf32, #tpu.memory_space<vmem>>) dst(%dma_wait3A_741 : memref<117x300xf32, #tpu.memory_space<hbm>>)
      %add3A_742 = arith.constant 34 : i32
      %add3A_743 = arith.addi %select_n3A, %add3A_742 : i32
      %sub3A_744 = arith.constant 1 : i32
      %sub3A_745 = arith.subi %select_n3A_62, %sub3A_744 : i32
      %min3A_746 = arith.minsi %add3A_743, %sub3A_745 : i32
      %dma_start3A_747 = arith.constant 0 : i32
      %dma_start3A_748 = arith.constant 0 : i32
      %dma_start3A_749 = tpu.memref_slice %arg7[%min3A_746, %dma_start3A_747, %dma_start3A_748] : memref<504x117x300xf32, #tpu.memory_space<hbm>> -> memref<1x117x300xf32, #tpu.memory_space<hbm>>
      %dma_start3A_750 = tpu.memref_squeeze %dma_start3A_749 : memref<1x117x300xf32, #tpu.memory_space<hbm>> -> memref<117x300xf32, #tpu.memory_space<hbm>>
      %dma_start3A_751 = arith.constant 0 : i32
      %dma_start3A_752 = arith.constant 0 : i32
      %dma_start3A_753 = tpu.memref_slice %arg7[%min3A_746, %dma_start3A_751, %dma_start3A_752] : memref<504x117x300xf32, #tpu.memory_space<hbm>> -> memref<1x117x300xf32, #tpu.memory_space<hbm>>
      %dma_start3A_754 = tpu.memref_squeeze %dma_start3A_753 : memref<1x117x300xf32, #tpu.memory_space<hbm>> -> memref<117x300xf32, #tpu.memory_space<hbm>>
      tpu.enqueue_dma source(%arg8 : memref<117x300xf32, #tpu.memory_space<vmem>>) target(%dma_start3A_754 : memref<117x300xf32, #tpu.memory_space<hbm>>) target_semaphore(%arg9 : memref<!tpu.dma_semaphore, #tpu.memory_space<semaphore_mem>>)
      %dma_wait3A_755 = arith.constant 0 : i32
      %dma_wait3A_756 = arith.constant 0 : i32
      %dma_wait3A_757 = tpu.memref_slice %arg7[%select_n3A, %dma_wait3A_755, %dma_wait3A_756] : memref<504x117x300xf32, #tpu.memory_space<hbm>> -> memref<1x117x300xf32, #tpu.memory_space<hbm>>
      %dma_wait3A_758 = tpu.memref_squeeze %dma_wait3A_757 : memref<1x117x300xf32, #tpu.memory_space<hbm>> -> memref<117x300xf32, #tpu.memory_space<hbm>>
      %dma_wait3A_759 = arith.constant 0 : i32
      %dma_wait3A_760 = arith.constant 0 : i32
      %dma_wait3A_761 = tpu.memref_slice %arg7[%select_n3A, %dma_wait3A_759, %dma_wait3A_760] : memref<504x117x300xf32, #tpu.memory_space<hbm>> -> memref<1x117x300xf32, #tpu.memory_space<hbm>>
      %dma_wait3A_762 = tpu.memref_squeeze %dma_wait3A_761 : memref<1x117x300xf32, #tpu.memory_space<hbm>> -> memref<117x300xf32, #tpu.memory_space<hbm>>
      tpu.wait_dma2 semaphore(%arg9 : memref<!tpu.dma_semaphore, #tpu.memory_space<semaphore_mem>>) src(%arg8 : memref<117x300xf32, #tpu.memory_space<vmem>>) dst(%dma_wait3A_762 : memref<117x300xf32, #tpu.memory_space<hbm>>)
      %add3A_763 = arith.constant 35 : i32
      %add3A_764 = arith.addi %select_n3A, %add3A_763 : i32
      %sub3A_765 = arith.constant 1 : i32
      %sub3A_766 = arith.subi %select_n3A_62, %sub3A_765 : i32
      %min3A_767 = arith.minsi %add3A_764, %sub3A_766 : i32
      %dma_start3A_768 = arith.constant 0 : i32
      %dma_start3A_769 = arith.constant 0 : i32
      %dma_start3A_770 = tpu.memref_slice %arg7[%min3A_767, %dma_start3A_768, %dma_start3A_769] : memref<504x117x300xf32, #tpu.memory_space<hbm>> -> memref<1x117x300xf32, #tpu.memory_space<hbm>>
      %dma_start3A_771 = tpu.memref_squeeze %dma_start3A_770 : memref<1x117x300xf32, #tpu.memory_space<hbm>> -> memref<117x300xf32, #tpu.memory_space<hbm>>
      %dma_start3A_772 = arith.constant 0 : i32
      %dma_start3A_773 = arith.constant 0 : i32
      %dma_start3A_774 = tpu.memref_slice %arg7[%min3A_767, %dma_start3A_772, %dma_start3A_773] : memref<504x117x300xf32, #tpu.memory_space<hbm>> -> memref<1x117x300xf32, #tpu.memory_space<hbm>>
      %dma_start3A_775 = tpu.memref_squeeze %dma_start3A_774 : memref<1x117x300xf32, #tpu.memory_space<hbm>> -> memref<117x300xf32, #tpu.memory_space<hbm>>
      tpu.enqueue_dma source(%arg8 : memref<117x300xf32, #tpu.memory_space<vmem>>) target(%dma_start3A_775 : memref<117x300xf32, #tpu.memory_space<hbm>>) target_semaphore(%arg9 : memref<!tpu.dma_semaphore, #tpu.memory_space<semaphore_mem>>)
      %dma_wait3A_776 = arith.constant 0 : i32
      %dma_wait3A_777 = arith.constant 0 : i32
      %dma_wait3A_778 = tpu.memref_slice %arg7[%select_n3A, %dma_wait3A_776, %dma_wait3A_777] : memref<504x117x300xf32, #tpu.memory_space<hbm>> -> memref<1x117x300xf32, #tpu.memory_space<hbm>>
      %dma_wait3A_779 = tpu.memref_squeeze %dma_wait3A_778 : memref<1x117x300xf32, #tpu.memory_space<hbm>> -> memref<117x300xf32, #tpu.memory_space<hbm>>
      %dma_wait3A_780 = arith.constant 0 : i32
      %dma_wait3A_781 = arith.constant 0 : i32
      %dma_wait3A_782 = tpu.memref_slice %arg7[%select_n3A, %dma_wait3A_780, %dma_wait3A_781] : memref<504x117x300xf32, #tpu.memory_space<hbm>> -> memref<1x117x300xf32, #tpu.memory_space<hbm>>
      %dma_wait3A_783 = tpu.memref_squeeze %dma_wait3A_782 : memref<1x117x300xf32, #tpu.memory_space<hbm>> -> memref<117x300xf32, #tpu.memory_space<hbm>>
      tpu.wait_dma2 semaphore(%arg9 : memref<!tpu.dma_semaphore, #tpu.memory_space<semaphore_mem>>) src(%arg8 : memref<117x300xf32, #tpu.memory_space<vmem>>) dst(%dma_wait3A_783 : memref<117x300xf32, #tpu.memory_space<hbm>>)
      %add3A_784 = arith.constant 36 : i32
      %add3A_785 = arith.addi %select_n3A, %add3A_784 : i32
      %sub3A_786 = arith.constant 1 : i32
      %sub3A_787 = arith.subi %select_n3A_62, %sub3A_786 : i32
      %min3A_788 = arith.minsi %add3A_785, %sub3A_787 : i32
      %dma_start3A_789 = arith.constant 0 : i32
      %dma_start3A_790 = arith.constant 0 : i32
      %dma_start3A_791 = tpu.memref_slice %arg7[%min3A_788, %dma_start3A_789, %dma_start3A_790] : memref<504x117x300xf32, #tpu.memory_space<hbm>> -> memref<1x117x300xf32, #tpu.memory_space<hbm>>
      %dma_start3A_792 = tpu.memref_squeeze %dma_start3A_791 : memref<1x117x300xf32, #tpu.memory_space<hbm>> -> memref<117x300xf32, #tpu.memory_space<hbm>>
      %dma_start3A_793 = arith.constant 0 : i32
      %dma_start3A_794 = arith.constant 0 : i32
      %dma_start3A_795 = tpu.memref_slice %arg7[%min3A_788, %dma_start3A_793, %dma_start3A_794] : memref<504x117x300xf32, #tpu.memory_space<hbm>> -> memref<1x117x300xf32, #tpu.memory_space<hbm>>
      %dma_start3A_796 = tpu.memref_squeeze %dma_start3A_795 : memref<1x117x300xf32, #tpu.memory_space<hbm>> -> memref<117x300xf32, #tpu.memory_space<hbm>>
      tpu.enqueue_dma source(%arg8 : memref<117x300xf32, #tpu.memory_space<vmem>>) target(%dma_start3A_796 : memref<117x300xf32, #tpu.memory_space<hbm>>) target_semaphore(%arg9 : memref<!tpu.dma_semaphore, #tpu.memory_space<semaphore_mem>>)
      %dma_wait3A_797 = arith.constant 0 : i32
      %dma_wait3A_798 = arith.constant 0 : i32
      %dma_wait3A_799 = tpu.memref_slice %arg7[%select_n3A, %dma_wait3A_797, %dma_wait3A_798] : memref<504x117x300xf32, #tpu.memory_space<hbm>> -> memref<1x117x300xf32, #tpu.memory_space<hbm>>
      %dma_wait3A_800 = tpu.memref_squeeze %dma_wait3A_799 : memref<1x117x300xf32, #tpu.memory_space<hbm>> -> memref<117x300xf32, #tpu.memory_space<hbm>>
      %dma_wait3A_801 = arith.constant 0 : i32
      %dma_wait3A_802 = arith.constant 0 : i32
      %dma_wait3A_803 = tpu.memref_slice %arg7[%select_n3A, %dma_wait3A_801, %dma_wait3A_802] : memref<504x117x300xf32, #tpu.memory_space<hbm>> -> memref<1x117x300xf32, #tpu.memory_space<hbm>>
      %dma_wait3A_804 = tpu.memref_squeeze %dma_wait3A_803 : memref<1x117x300xf32, #tpu.memory_space<hbm>> -> memref<117x300xf32, #tpu.memory_space<hbm>>
      tpu.wait_dma2 semaphore(%arg9 : memref<!tpu.dma_semaphore, #tpu.memory_space<semaphore_mem>>) src(%arg8 : memref<117x300xf32, #tpu.memory_space<vmem>>) dst(%dma_wait3A_804 : memref<117x300xf32, #tpu.memory_space<hbm>>)
      %add3A_805 = arith.constant 37 : i32
      %add3A_806 = arith.addi %select_n3A, %add3A_805 : i32
      %sub3A_807 = arith.constant 1 : i32
      %sub3A_808 = arith.subi %select_n3A_62, %sub3A_807 : i32
      %min3A_809 = arith.minsi %add3A_806, %sub3A_808 : i32
      %dma_start3A_810 = arith.constant 0 : i32
      %dma_start3A_811 = arith.constant 0 : i32
      %dma_start3A_812 = tpu.memref_slice %arg7[%min3A_809, %dma_start3A_810, %dma_start3A_811] : memref<504x117x300xf32, #tpu.memory_space<hbm>> -> memref<1x117x300xf32, #tpu.memory_space<hbm>>
      %dma_start3A_813 = tpu.memref_squeeze %dma_start3A_812 : memref<1x117x300xf32, #tpu.memory_space<hbm>> -> memref<117x300xf32, #tpu.memory_space<hbm>>
      %dma_start3A_814 = arith.constant 0 : i32
      %dma_start3A_815 = arith.constant 0 : i32
      %dma_start3A_816 = tpu.memref_slice %arg7[%min3A_809, %dma_start3A_814, %dma_start3A_815] : memref<504x117x300xf32, #tpu.memory_space<hbm>> -> memref<1x117x300xf32, #tpu.memory_space<hbm>>
      %dma_start3A_817 = tpu.memref_squeeze %dma_start3A_816 : memref<1x117x300xf32, #tpu.memory_space<hbm>> -> memref<117x300xf32, #tpu.memory_space<hbm>>
      tpu.enqueue_dma source(%arg8 : memref<117x300xf32, #tpu.memory_space<vmem>>) target(%dma_start3A_817 : memref<117x300xf32, #tpu.memory_space<hbm>>) target_semaphore(%arg9 : memref<!tpu.dma_semaphore, #tpu.memory_space<semaphore_mem>>)
      %dma_wait3A_818 = arith.constant 0 : i32
      %dma_wait3A_819 = arith.constant 0 : i32
      %dma_wait3A_820 = tpu.memref_slice %arg7[%select_n3A, %dma_wait3A_818, %dma_wait3A_819] : memref<504x117x300xf32, #tpu.memory_space<hbm>> -> memref<1x117x300xf32, #tpu.memory_space<hbm>>
      %dma_wait3A_821 = tpu.memref_squeeze %dma_wait3A_820 : memref<1x117x300xf32, #tpu.memory_space<hbm>> -> memref<117x300xf32, #tpu.memory_space<hbm>>
      %dma_wait3A_822 = arith.constant 0 : i32
      %dma_wait3A_823 = arith.constant 0 : i32
      %dma_wait3A_824 = tpu.memref_slice %arg7[%select_n3A, %dma_wait3A_822, %dma_wait3A_823] : memref<504x117x300xf32, #tpu.memory_space<hbm>> -> memref<1x117x300xf32, #tpu.memory_space<hbm>>
      %dma_wait3A_825 = tpu.memref_squeeze %dma_wait3A_824 : memref<1x117x300xf32, #tpu.memory_space<hbm>> -> memref<117x300xf32, #tpu.memory_space<hbm>>
      tpu.wait_dma2 semaphore(%arg9 : memref<!tpu.dma_semaphore, #tpu.memory_space<semaphore_mem>>) src(%arg8 : memref<117x300xf32, #tpu.memory_space<vmem>>) dst(%dma_wait3A_825 : memref<117x300xf32, #tpu.memory_space<hbm>>)
      %add3A_826 = arith.constant 38 : i32
      %add3A_827 = arith.addi %select_n3A, %add3A_826 : i32
      %sub3A_828 = arith.constant 1 : i32
      %sub3A_829 = arith.subi %select_n3A_62, %sub3A_828 : i32
      %min3A_830 = arith.minsi %add3A_827, %sub3A_829 : i32
      %dma_start3A_831 = arith.constant 0 : i32
      %dma_start3A_832 = arith.constant 0 : i32
      %dma_start3A_833 = tpu.memref_slice %arg7[%min3A_830, %dma_start3A_831, %dma_start3A_832] : memref<504x117x300xf32, #tpu.memory_space<hbm>> -> memref<1x117x300xf32, #tpu.memory_space<hbm>>
      %dma_start3A_834 = tpu.memref_squeeze %dma_start3A_833 : memref<1x117x300xf32, #tpu.memory_space<hbm>> -> memref<117x300xf32, #tpu.memory_space<hbm>>
      %dma_start3A_835 = arith.constant 0 : i32
      %dma_start3A_836 = arith.constant 0 : i32
      %dma_start3A_837 = tpu.memref_slice %arg7[%min3A_830, %dma_start3A_835, %dma_start3A_836] : memref<504x117x300xf32, #tpu.memory_space<hbm>> -> memref<1x117x300xf32, #tpu.memory_space<hbm>>
      %dma_start3A_838 = tpu.memref_squeeze %dma_start3A_837 : memref<1x117x300xf32, #tpu.memory_space<hbm>> -> memref<117x300xf32, #tpu.memory_space<hbm>>
      tpu.enqueue_dma source(%arg8 : memref<117x300xf32, #tpu.memory_space<vmem>>) target(%dma_start3A_838 : memref<117x300xf32, #tpu.memory_space<hbm>>) target_semaphore(%arg9 : memref<!tpu.dma_semaphore, #tpu.memory_space<semaphore_mem>>)
      %dma_wait3A_839 = arith.constant 0 : i32
      %dma_wait3A_840 = arith.constant 0 : i32
      %dma_wait3A_841 = tpu.memref_slice %arg7[%select_n3A, %dma_wait3A_839, %dma_wait3A_840] : memref<504x117x300xf32, #tpu.memory_space<hbm>> -> memref<1x117x300xf32, #tpu.memory_space<hbm>>
      %dma_wait3A_842 = tpu.memref_squeeze %dma_wait3A_841 : memref<1x117x300xf32, #tpu.memory_space<hbm>> -> memref<117x300xf32, #tpu.memory_space<hbm>>
      %dma_wait3A_843 = arith.constant 0 : i32
      %dma_wait3A_844 = arith.constant 0 : i32
      %dma_wait3A_845 = tpu.memref_slice %arg7[%select_n3A, %dma_wait3A_843, %dma_wait3A_844] : memref<504x117x300xf32, #tpu.memory_space<hbm>> -> memref<1x117x300xf32, #tpu.memory_space<hbm>>
      %dma_wait3A_846 = tpu.memref_squeeze %dma_wait3A_845 : memref<1x117x300xf32, #tpu.memory_space<hbm>> -> memref<117x300xf32, #tpu.memory_space<hbm>>
      tpu.wait_dma2 semaphore(%arg9 : memref<!tpu.dma_semaphore, #tpu.memory_space<semaphore_mem>>) src(%arg8 : memref<117x300xf32, #tpu.memory_space<vmem>>) dst(%dma_wait3A_846 : memref<117x300xf32, #tpu.memory_space<hbm>>)
      %add3A_847 = arith.constant 39 : i32
      %add3A_848 = arith.addi %select_n3A, %add3A_847 : i32
      %sub3A_849 = arith.constant 1 : i32
      %sub3A_850 = arith.subi %select_n3A_62, %sub3A_849 : i32
      %min3A_851 = arith.minsi %add3A_848, %sub3A_850 : i32
      %dma_start3A_852 = arith.constant 0 : i32
      %dma_start3A_853 = arith.constant 0 : i32
      %dma_start3A_854 = tpu.memref_slice %arg7[%min3A_851, %dma_start3A_852, %dma_start3A_853] : memref<504x117x300xf32, #tpu.memory_space<hbm>> -> memref<1x117x300xf32, #tpu.memory_space<hbm>>
      %dma_start3A_855 = tpu.memref_squeeze %dma_start3A_854 : memref<1x117x300xf32, #tpu.memory_space<hbm>> -> memref<117x300xf32, #tpu.memory_space<hbm>>
      %dma_start3A_856 = arith.constant 0 : i32
      %dma_start3A_857 = arith.constant 0 : i32
      %dma_start3A_858 = tpu.memref_slice %arg7[%min3A_851, %dma_start3A_856, %dma_start3A_857] : memref<504x117x300xf32, #tpu.memory_space<hbm>> -> memref<1x117x300xf32, #tpu.memory_space<hbm>>
      %dma_start3A_859 = tpu.memref_squeeze %dma_start3A_858 : memref<1x117x300xf32, #tpu.memory_space<hbm>> -> memref<117x300xf32, #tpu.memory_space<hbm>>
      tpu.enqueue_dma source(%arg8 : memref<117x300xf32, #tpu.memory_space<vmem>>) target(%dma_start3A_859 : memref<117x300xf32, #tpu.memory_space<hbm>>) target_semaphore(%arg9 : memref<!tpu.dma_semaphore, #tpu.memory_space<semaphore_mem>>)
      %dma_wait3A_860 = arith.constant 0 : i32
      %dma_wait3A_861 = arith.constant 0 : i32
      %dma_wait3A_862 = tpu.memref_slice %arg7[%select_n3A, %dma_wait3A_860, %dma_wait3A_861] : memref<504x117x300xf32, #tpu.memory_space<hbm>> -> memref<1x117x300xf32, #tpu.memory_space<hbm>>
      %dma_wait3A_863 = tpu.memref_squeeze %dma_wait3A_862 : memref<1x117x300xf32, #tpu.memory_space<hbm>> -> memref<117x300xf32, #tpu.memory_space<hbm>>
      %dma_wait3A_864 = arith.constant 0 : i32
      %dma_wait3A_865 = arith.constant 0 : i32
      %dma_wait3A_866 = tpu.memref_slice %arg7[%select_n3A, %dma_wait3A_864, %dma_wait3A_865] : memref<504x117x300xf32, #tpu.memory_space<hbm>> -> memref<1x117x300xf32, #tpu.memory_space<hbm>>
      %dma_wait3A_867 = tpu.memref_squeeze %dma_wait3A_866 : memref<1x117x300xf32, #tpu.memory_space<hbm>> -> memref<117x300xf32, #tpu.memory_space<hbm>>
      tpu.wait_dma2 semaphore(%arg9 : memref<!tpu.dma_semaphore, #tpu.memory_space<semaphore_mem>>) src(%arg8 : memref<117x300xf32, #tpu.memory_space<vmem>>) dst(%dma_wait3A_867 : memref<117x300xf32, #tpu.memory_space<hbm>>)
      %add3A_868 = arith.constant 40 : i32
      %add3A_869 = arith.addi %select_n3A, %add3A_868 : i32
      %sub3A_870 = arith.constant 1 : i32
      %sub3A_871 = arith.subi %select_n3A_62, %sub3A_870 : i32
      %min3A_872 = arith.minsi %add3A_869, %sub3A_871 : i32
      %dma_start3A_873 = arith.constant 0 : i32
      %dma_start3A_874 = arith.constant 0 : i32
      %dma_start3A_875 = tpu.memref_slice %arg7[%min3A_872, %dma_start3A_873, %dma_start3A_874] : memref<504x117x300xf32, #tpu.memory_space<hbm>> -> memref<1x117x300xf32, #tpu.memory_space<hbm>>
      %dma_start3A_876 = tpu.memref_squeeze %dma_start3A_875 : memref<1x117x300xf32, #tpu.memory_space<hbm>> -> memref<117x300xf32, #tpu.memory_space<hbm>>
      %dma_start3A_877 = arith.constant 0 : i32
      %dma_start3A_878 = arith.constant 0 : i32
      %dma_start3A_879 = tpu.memref_slice %arg7[%min3A_872, %dma_start3A_877, %dma_start3A_878] : memref<504x117x300xf32, #tpu.memory_space<hbm>> -> memref<1x117x300xf32, #tpu.memory_space<hbm>>
      %dma_start3A_880 = tpu.memref_squeeze %dma_start3A_879 : memref<1x117x300xf32, #tpu.memory_space<hbm>> -> memref<117x300xf32, #tpu.memory_space<hbm>>
      tpu.enqueue_dma source(%arg8 : memref<117x300xf32, #tpu.memory_space<vmem>>) target(%dma_start3A_880 : memref<117x300xf32, #tpu.memory_space<hbm>>) target_semaphore(%arg9 : memref<!tpu.dma_semaphore, #tpu.memory_space<semaphore_mem>>)
      %dma_wait3A_881 = arith.constant 0 : i32
      %dma_wait3A_882 = arith.constant 0 : i32
      %dma_wait3A_883 = tpu.memref_slice %arg7[%select_n3A, %dma_wait3A_881, %dma_wait3A_882] : memref<504x117x300xf32, #tpu.memory_space<hbm>> -> memref<1x117x300xf32, #tpu.memory_space<hbm>>
      %dma_wait3A_884 = tpu.memref_squeeze %dma_wait3A_883 : memref<1x117x300xf32, #tpu.memory_space<hbm>> -> memref<117x300xf32, #tpu.memory_space<hbm>>
      %dma_wait3A_885 = arith.constant 0 : i32
      %dma_wait3A_886 = arith.constant 0 : i32
      %dma_wait3A_887 = tpu.memref_slice %arg7[%select_n3A, %dma_wait3A_885, %dma_wait3A_886] : memref<504x117x300xf32, #tpu.memory_space<hbm>> -> memref<1x117x300xf32, #tpu.memory_space<hbm>>
      %dma_wait3A_888 = tpu.memref_squeeze %dma_wait3A_887 : memref<1x117x300xf32, #tpu.memory_space<hbm>> -> memref<117x300xf32, #tpu.memory_space<hbm>>
      tpu.wait_dma2 semaphore(%arg9 : memref<!tpu.dma_semaphore, #tpu.memory_space<semaphore_mem>>) src(%arg8 : memref<117x300xf32, #tpu.memory_space<vmem>>) dst(%dma_wait3A_888 : memref<117x300xf32, #tpu.memory_space<hbm>>)
      %add3A_889 = arith.constant 41 : i32
      %add3A_890 = arith.addi %select_n3A, %add3A_889 : i32
      %sub3A_891 = arith.constant 1 : i32
      %sub3A_892 = arith.subi %select_n3A_62, %sub3A_891 : i32
      %min3A_893 = arith.minsi %add3A_890, %sub3A_892 : i32
      %dma_start3A_894 = arith.constant 0 : i32
      %dma_start3A_895 = arith.constant 0 : i32
      %dma_start3A_896 = tpu.memref_slice %arg7[%min3A_893, %dma_start3A_894, %dma_start3A_895] : memref<504x117x300xf32, #tpu.memory_space<hbm>> -> memref<1x117x300xf32, #tpu.memory_space<hbm>>
      %dma_start3A_897 = tpu.memref_squeeze %dma_start3A_896 : memref<1x117x300xf32, #tpu.memory_space<hbm>> -> memref<117x300xf32, #tpu.memory_space<hbm>>
      %dma_start3A_898 = arith.constant 0 : i32
      %dma_start3A_899 = arith.constant 0 : i32
      %dma_start3A_900 = tpu.memref_slice %arg7[%min3A_893, %dma_start3A_898, %dma_start3A_899] : memref<504x117x300xf32, #tpu.memory_space<hbm>> -> memref<1x117x300xf32, #tpu.memory_space<hbm>>
      %dma_start3A_901 = tpu.memref_squeeze %dma_start3A_900 : memref<1x117x300xf32, #tpu.memory_space<hbm>> -> memref<117x300xf32, #tpu.memory_space<hbm>>
      tpu.enqueue_dma source(%arg8 : memref<117x300xf32, #tpu.memory_space<vmem>>) target(%dma_start3A_901 : memref<117x300xf32, #tpu.memory_space<hbm>>) target_semaphore(%arg9 : memref<!tpu.dma_semaphore, #tpu.memory_space<semaphore_mem>>)
      %dma_wait3A_902 = arith.constant 0 : i32
      %dma_wait3A_903 = arith.constant 0 : i32
      %dma_wait3A_904 = tpu.memref_slice %arg7[%select_n3A, %dma_wait3A_902, %dma_wait3A_903] : memref<504x117x300xf32, #tpu.memory_space<hbm>> -> memref<1x117x300xf32, #tpu.memory_space<hbm>>
      %dma_wait3A_905 = tpu.memref_squeeze %dma_wait3A_904 : memref<1x117x300xf32, #tpu.memory_space<hbm>> -> memref<117x300xf32, #tpu.memory_space<hbm>>
      %dma_wait3A_906 = arith.constant 0 : i32
      %dma_wait3A_907 = arith.constant 0 : i32
      %dma_wait3A_908 = tpu.memref_slice %arg7[%select_n3A, %dma_wait3A_906, %dma_wait3A_907] : memref<504x117x300xf32, #tpu.memory_space<hbm>> -> memref<1x117x300xf32, #tpu.memory_space<hbm>>
      %dma_wait3A_909 = tpu.memref_squeeze %dma_wait3A_908 : memref<1x117x300xf32, #tpu.memory_space<hbm>> -> memref<117x300xf32, #tpu.memory_space<hbm>>
      tpu.wait_dma2 semaphore(%arg9 : memref<!tpu.dma_semaphore, #tpu.memory_space<semaphore_mem>>) src(%arg8 : memref<117x300xf32, #tpu.memory_space<vmem>>) dst(%dma_wait3A_909 : memref<117x300xf32, #tpu.memory_space<hbm>>)
      %add3A_910 = arith.constant 42 : i32
      %add3A_911 = arith.addi %select_n3A, %add3A_910 : i32
      %sub3A_912 = arith.constant 1 : i32
      %sub3A_913 = arith.subi %select_n3A_62, %sub3A_912 : i32
      %min3A_914 = arith.minsi %add3A_911, %sub3A_913 : i32
      %dma_start3A_915 = arith.constant 0 : i32
      %dma_start3A_916 = arith.constant 0 : i32
      %dma_start3A_917 = tpu.memref_slice %arg7[%min3A_914, %dma_start3A_915, %dma_start3A_916] : memref<504x117x300xf32, #tpu.memory_space<hbm>> -> memref<1x117x300xf32, #tpu.memory_space<hbm>>
      %dma_start3A_918 = tpu.memref_squeeze %dma_start3A_917 : memref<1x117x300xf32, #tpu.memory_space<hbm>> -> memref<117x300xf32, #tpu.memory_space<hbm>>
      %dma_start3A_919 = arith.constant 0 : i32
      %dma_start3A_920 = arith.constant 0 : i32
      %dma_start3A_921 = tpu.memref_slice %arg7[%min3A_914, %dma_start3A_919, %dma_start3A_920] : memref<504x117x300xf32, #tpu.memory_space<hbm>> -> memref<1x117x300xf32, #tpu.memory_space<hbm>>
      %dma_start3A_922 = tpu.memref_squeeze %dma_start3A_921 : memref<1x117x300xf32, #tpu.memory_space<hbm>> -> memref<117x300xf32, #tpu.memory_space<hbm>>
      tpu.enqueue_dma source(%arg8 : memref<117x300xf32, #tpu.memory_space<vmem>>) target(%dma_start3A_922 : memref<117x300xf32, #tpu.memory_space<hbm>>) target_semaphore(%arg9 : memref<!tpu.dma_semaphore, #tpu.memory_space<semaphore_mem>>)
      %dma_wait3A_923 = arith.constant 0 : i32
      %dma_wait3A_924 = arith.constant 0 : i32
      %dma_wait3A_925 = tpu.memref_slice %arg7[%select_n3A, %dma_wait3A_923, %dma_wait3A_924] : memref<504x117x300xf32, #tpu.memory_space<hbm>> -> memref<1x117x300xf32, #tpu.memory_space<hbm>>
      %dma_wait3A_926 = tpu.memref_squeeze %dma_wait3A_925 : memref<1x117x300xf32, #tpu.memory_space<hbm>> -> memref<117x300xf32, #tpu.memory_space<hbm>>
      %dma_wait3A_927 = arith.constant 0 : i32
      %dma_wait3A_928 = arith.constant 0 : i32
      %dma_wait3A_929 = tpu.memref_slice %arg7[%select_n3A, %dma_wait3A_927, %dma_wait3A_928] : memref<504x117x300xf32, #tpu.memory_space<hbm>> -> memref<1x117x300xf32, #tpu.memory_space<hbm>>
      %dma_wait3A_930 = tpu.memref_squeeze %dma_wait3A_929 : memref<1x117x300xf32, #tpu.memory_space<hbm>> -> memref<117x300xf32, #tpu.memory_space<hbm>>
      tpu.wait_dma2 semaphore(%arg9 : memref<!tpu.dma_semaphore, #tpu.memory_space<semaphore_mem>>) src(%arg8 : memref<117x300xf32, #tpu.memory_space<vmem>>) dst(%dma_wait3A_930 : memref<117x300xf32, #tpu.memory_space<hbm>>)
      %add3A_931 = arith.constant 43 : i32
      %add3A_932 = arith.addi %select_n3A, %add3A_931 : i32
      %sub3A_933 = arith.constant 1 : i32
      %sub3A_934 = arith.subi %select_n3A_62, %sub3A_933 : i32
      %min3A_935 = arith.minsi %add3A_932, %sub3A_934 : i32
      %dma_start3A_936 = arith.constant 0 : i32
      %dma_start3A_937 = arith.constant 0 : i32
      %dma_start3A_938 = tpu.memref_slice %arg7[%min3A_935, %dma_start3A_936, %dma_start3A_937] : memref<504x117x300xf32, #tpu.memory_space<hbm>> -> memref<1x117x300xf32, #tpu.memory_space<hbm>>
      %dma_start3A_939 = tpu.memref_squeeze %dma_start3A_938 : memref<1x117x300xf32, #tpu.memory_space<hbm>> -> memref<117x300xf32, #tpu.memory_space<hbm>>
      %dma_start3A_940 = arith.constant 0 : i32
      %dma_start3A_941 = arith.constant 0 : i32
      %dma_start3A_942 = tpu.memref_slice %arg7[%min3A_935, %dma_start3A_940, %dma_start3A_941] : memref<504x117x300xf32, #tpu.memory_space<hbm>> -> memref<1x117x300xf32, #tpu.memory_space<hbm>>
      %dma_start3A_943 = tpu.memref_squeeze %dma_start3A_942 : memref<1x117x300xf32, #tpu.memory_space<hbm>> -> memref<117x300xf32, #tpu.memory_space<hbm>>
      tpu.enqueue_dma source(%arg8 : memref<117x300xf32, #tpu.memory_space<vmem>>) target(%dma_start3A_943 : memref<117x300xf32, #tpu.memory_space<hbm>>) target_semaphore(%arg9 : memref<!tpu.dma_semaphore, #tpu.memory_space<semaphore_mem>>)
      %dma_wait3A_944 = arith.constant 0 : i32
      %dma_wait3A_945 = arith.constant 0 : i32
      %dma_wait3A_946 = tpu.memref_slice %arg7[%select_n3A, %dma_wait3A_944, %dma_wait3A_945] : memref<504x117x300xf32, #tpu.memory_space<hbm>> -> memref<1x117x300xf32, #tpu.memory_space<hbm>>
      %dma_wait3A_947 = tpu.memref_squeeze %dma_wait3A_946 : memref<1x117x300xf32, #tpu.memory_space<hbm>> -> memref<117x300xf32, #tpu.memory_space<hbm>>
      %dma_wait3A_948 = arith.constant 0 : i32
      %dma_wait3A_949 = arith.constant 0 : i32
      %dma_wait3A_950 = tpu.memref_slice %arg7[%select_n3A, %dma_wait3A_948, %dma_wait3A_949] : memref<504x117x300xf32, #tpu.memory_space<hbm>> -> memref<1x117x300xf32, #tpu.memory_space<hbm>>
      %dma_wait3A_951 = tpu.memref_squeeze %dma_wait3A_950 : memref<1x117x300xf32, #tpu.memory_space<hbm>> -> memref<117x300xf32, #tpu.memory_space<hbm>>
      tpu.wait_dma2 semaphore(%arg9 : memref<!tpu.dma_semaphore, #tpu.memory_space<semaphore_mem>>) src(%arg8 : memref<117x300xf32, #tpu.memory_space<vmem>>) dst(%dma_wait3A_951 : memref<117x300xf32, #tpu.memory_space<hbm>>)
      %add3A_952 = arith.constant 44 : i32
      %add3A_953 = arith.addi %select_n3A, %add3A_952 : i32
      %sub3A_954 = arith.constant 1 : i32
      %sub3A_955 = arith.subi %select_n3A_62, %sub3A_954 : i32
      %min3A_956 = arith.minsi %add3A_953, %sub3A_955 : i32
      %dma_start3A_957 = arith.constant 0 : i32
      %dma_start3A_958 = arith.constant 0 : i32
      %dma_start3A_959 = tpu.memref_slice %arg7[%min3A_956, %dma_start3A_957, %dma_start3A_958] : memref<504x117x300xf32, #tpu.memory_space<hbm>> -> memref<1x117x300xf32, #tpu.memory_space<hbm>>
      %dma_start3A_960 = tpu.memref_squeeze %dma_start3A_959 : memref<1x117x300xf32, #tpu.memory_space<hbm>> -> memref<117x300xf32, #tpu.memory_space<hbm>>
      %dma_start3A_961 = arith.constant 0 : i32
      %dma_start3A_962 = arith.constant 0 : i32
      %dma_start3A_963 = tpu.memref_slice %arg7[%min3A_956, %dma_start3A_961, %dma_start3A_962] : memref<504x117x300xf32, #tpu.memory_space<hbm>> -> memref<1x117x300xf32, #tpu.memory_space<hbm>>
      %dma_start3A_964 = tpu.memref_squeeze %dma_start3A_963 : memref<1x117x300xf32, #tpu.memory_space<hbm>> -> memref<117x300xf32, #tpu.memory_space<hbm>>
      tpu.enqueue_dma source(%arg8 : memref<117x300xf32, #tpu.memory_space<vmem>>) target(%dma_start3A_964 : memref<117x300xf32, #tpu.memory_space<hbm>>) target_semaphore(%arg9 : memref<!tpu.dma_semaphore, #tpu.memory_space<semaphore_mem>>)
      %dma_wait3A_965 = arith.constant 0 : i32
      %dma_wait3A_966 = arith.constant 0 : i32
      %dma_wait3A_967 = tpu.memref_slice %arg7[%select_n3A, %dma_wait3A_965, %dma_wait3A_966] : memref<504x117x300xf32, #tpu.memory_space<hbm>> -> memref<1x117x300xf32, #tpu.memory_space<hbm>>
      %dma_wait3A_968 = tpu.memref_squeeze %dma_wait3A_967 : memref<1x117x300xf32, #tpu.memory_space<hbm>> -> memref<117x300xf32, #tpu.memory_space<hbm>>
      %dma_wait3A_969 = arith.constant 0 : i32
      %dma_wait3A_970 = arith.constant 0 : i32
      %dma_wait3A_971 = tpu.memref_slice %arg7[%select_n3A, %dma_wait3A_969, %dma_wait3A_970] : memref<504x117x300xf32, #tpu.memory_space<hbm>> -> memref<1x117x300xf32, #tpu.memory_space<hbm>>
      %dma_wait3A_972 = tpu.memref_squeeze %dma_wait3A_971 : memref<1x117x300xf32, #tpu.memory_space<hbm>> -> memref<117x300xf32, #tpu.memory_space<hbm>>
      tpu.wait_dma2 semaphore(%arg9 : memref<!tpu.dma_semaphore, #tpu.memory_space<semaphore_mem>>) src(%arg8 : memref<117x300xf32, #tpu.memory_space<vmem>>) dst(%dma_wait3A_972 : memref<117x300xf32, #tpu.memory_space<hbm>>)
      %add3A_973 = arith.constant 45 : i32
      %add3A_974 = arith.addi %select_n3A, %add3A_973 : i32
      %sub3A_975 = arith.constant 1 : i32
      %sub3A_976 = arith.subi %select_n3A_62, %sub3A_975 : i32
      %min3A_977 = arith.minsi %add3A_974, %sub3A_976 : i32
      %dma_start3A_978 = arith.constant 0 : i32
      %dma_start3A_979 = arith.constant 0 : i32
      %dma_start3A_980 = tpu.memref_slice %arg7[%min3A_977, %dma_start3A_978, %dma_start3A_979] : memref<504x117x300xf32, #tpu.memory_space<hbm>> -> memref<1x117x300xf32, #tpu.memory_space<hbm>>
      %dma_start3A_981 = tpu.memref_squeeze %dma_start3A_980 : memref<1x117x300xf32, #tpu.memory_space<hbm>> -> memref<117x300xf32, #tpu.memory_space<hbm>>
      %dma_start3A_982 = arith.constant 0 : i32
      %dma_start3A_983 = arith.constant 0 : i32
      %dma_start3A_984 = tpu.memref_slice %arg7[%min3A_977, %dma_start3A_982, %dma_start3A_983] : memref<504x117x300xf32, #tpu.memory_space<hbm>> -> memref<1x117x300xf32, #tpu.memory_space<hbm>>
      %dma_start3A_985 = tpu.memref_squeeze %dma_start3A_984 : memref<1x117x300xf32, #tpu.memory_space<hbm>> -> memref<117x300xf32, #tpu.memory_space<hbm>>
      tpu.enqueue_dma source(%arg8 : memref<117x300xf32, #tpu.memory_space<vmem>>) target(%dma_start3A_985 : memref<117x300xf32, #tpu.memory_space<hbm>>) target_semaphore(%arg9 : memref<!tpu.dma_semaphore, #tpu.memory_space<semaphore_mem>>)
      %dma_wait3A_986 = arith.constant 0 : i32
      %dma_wait3A_987 = arith.constant 0 : i32
      %dma_wait3A_988 = tpu.memref_slice %arg7[%select_n3A, %dma_wait3A_986, %dma_wait3A_987] : memref<504x117x300xf32, #tpu.memory_space<hbm>> -> memref<1x117x300xf32, #tpu.memory_space<hbm>>
      %dma_wait3A_989 = tpu.memref_squeeze %dma_wait3A_988 : memref<1x117x300xf32, #tpu.memory_space<hbm>> -> memref<117x300xf32, #tpu.memory_space<hbm>>
      %dma_wait3A_990 = arith.constant 0 : i32
      %dma_wait3A_991 = arith.constant 0 : i32
      %dma_wait3A_992 = tpu.memref_slice %arg7[%select_n3A, %dma_wait3A_990, %dma_wait3A_991] : memref<504x117x300xf32, #tpu.memory_space<hbm>> -> memref<1x117x300xf32, #tpu.memory_space<hbm>>
      %dma_wait3A_993 = tpu.memref_squeeze %dma_wait3A_992 : memref<1x117x300xf32, #tpu.memory_space<hbm>> -> memref<117x300xf32, #tpu.memory_space<hbm>>
      tpu.wait_dma2 semaphore(%arg9 : memref<!tpu.dma_semaphore, #tpu.memory_space<semaphore_mem>>) src(%arg8 : memref<117x300xf32, #tpu.memory_space<vmem>>) dst(%dma_wait3A_993 : memref<117x300xf32, #tpu.memory_space<hbm>>)
      %add3A_994 = arith.constant 46 : i32
      %add3A_995 = arith.addi %select_n3A, %add3A_994 : i32
      %sub3A_996 = arith.constant 1 : i32
      %sub3A_997 = arith.subi %select_n3A_62, %sub3A_996 : i32
      %min3A_998 = arith.minsi %add3A_995, %sub3A_997 : i32
      %dma_start3A_999 = arith.constant 0 : i32
      %dma_start3A_1000 = arith.constant 0 : i32
      %dma_start3A_1001 = tpu.memref_slice %arg7[%min3A_998, %dma_start3A_999, %dma_start3A_1000] : memref<504x117x300xf32, #tpu.memory_space<hbm>> -> memref<1x117x300xf32, #tpu.memory_space<hbm>>
      %dma_start3A_1002 = tpu.memref_squeeze %dma_start3A_1001 : memref<1x117x300xf32, #tpu.memory_space<hbm>> -> memref<117x300xf32, #tpu.memory_space<hbm>>
      %dma_start3A_1003 = arith.constant 0 : i32
      %dma_start3A_1004 = arith.constant 0 : i32
      %dma_start3A_1005 = tpu.memref_slice %arg7[%min3A_998, %dma_start3A_1003, %dma_start3A_1004] : memref<504x117x300xf32, #tpu.memory_space<hbm>> -> memref<1x117x300xf32, #tpu.memory_space<hbm>>
      %dma_start3A_1006 = tpu.memref_squeeze %dma_start3A_1005 : memref<1x117x300xf32, #tpu.memory_space<hbm>> -> memref<117x300xf32, #tpu.memory_space<hbm>>
      tpu.enqueue_dma source(%arg8 : memref<117x300xf32, #tpu.memory_space<vmem>>) target(%dma_start3A_1006 : memref<117x300xf32, #tpu.memory_space<hbm>>) target_semaphore(%arg9 : memref<!tpu.dma_semaphore, #tpu.memory_space<semaphore_mem>>)
      %dma_wait3A_1007 = arith.constant 0 : i32
      %dma_wait3A_1008 = arith.constant 0 : i32
      %dma_wait3A_1009 = tpu.memref_slice %arg7[%select_n3A, %dma_wait3A_1007, %dma_wait3A_1008] : memref<504x117x300xf32, #tpu.memory_space<hbm>> -> memref<1x117x300xf32, #tpu.memory_space<hbm>>
      %dma_wait3A_1010 = tpu.memref_squeeze %dma_wait3A_1009 : memref<1x117x300xf32, #tpu.memory_space<hbm>> -> memref<117x300xf32, #tpu.memory_space<hbm>>
      %dma_wait3A_1011 = arith.constant 0 : i32
      %dma_wait3A_1012 = arith.constant 0 : i32
      %dma_wait3A_1013 = tpu.memref_slice %arg7[%select_n3A, %dma_wait3A_1011, %dma_wait3A_1012] : memref<504x117x300xf32, #tpu.memory_space<hbm>> -> memref<1x117x300xf32, #tpu.memory_space<hbm>>
      %dma_wait3A_1014 = tpu.memref_squeeze %dma_wait3A_1013 : memref<1x117x300xf32, #tpu.memory_space<hbm>> -> memref<117x300xf32, #tpu.memory_space<hbm>>
      tpu.wait_dma2 semaphore(%arg9 : memref<!tpu.dma_semaphore, #tpu.memory_space<semaphore_mem>>) src(%arg8 : memref<117x300xf32, #tpu.memory_space<vmem>>) dst(%dma_wait3A_1014 : memref<117x300xf32, #tpu.memory_space<hbm>>)
      %add3A_1015 = arith.constant 47 : i32
      %add3A_1016 = arith.addi %select_n3A, %add3A_1015 : i32
      %sub3A_1017 = arith.constant 1 : i32
      %sub3A_1018 = arith.subi %select_n3A_62, %sub3A_1017 : i32
      %min3A_1019 = arith.minsi %add3A_1016, %sub3A_1018 : i32
      %dma_start3A_1020 = arith.constant 0 : i32
      %dma_start3A_1021 = arith.constant 0 : i32
      %dma_start3A_1022 = tpu.memref_slice %arg7[%min3A_1019, %dma_start3A_1020, %dma_start3A_1021] : memref<504x117x300xf32, #tpu.memory_space<hbm>> -> memref<1x117x300xf32, #tpu.memory_space<hbm>>
      %dma_start3A_1023 = tpu.memref_squeeze %dma_start3A_1022 : memref<1x117x300xf32, #tpu.memory_space<hbm>> -> memref<117x300xf32, #tpu.memory_space<hbm>>
      %dma_start3A_1024 = arith.constant 0 : i32
      %dma_start3A_1025 = arith.constant 0 : i32
      %dma_start3A_1026 = tpu.memref_slice %arg7[%min3A_1019, %dma_start3A_1024, %dma_start3A_1025] : memref<504x117x300xf32, #tpu.memory_space<hbm>> -> memref<1x117x300xf32, #tpu.memory_space<hbm>>
      %dma_start3A_1027 = tpu.memref_squeeze %dma_start3A_1026 : memref<1x117x300xf32, #tpu.memory_space<hbm>> -> memref<117x300xf32, #tpu.memory_space<hbm>>
      tpu.enqueue_dma source(%arg8 : memref<117x300xf32, #tpu.memory_space<vmem>>) target(%dma_start3A_1027 : memref<117x300xf32, #tpu.memory_space<hbm>>) target_semaphore(%arg9 : memref<!tpu.dma_semaphore, #tpu.memory_space<semaphore_mem>>)
      %dma_wait3A_1028 = arith.constant 0 : i32
      %dma_wait3A_1029 = arith.constant 0 : i32
      %dma_wait3A_1030 = tpu.memref_slice %arg7[%select_n3A, %dma_wait3A_1028, %dma_wait3A_1029] : memref<504x117x300xf32, #tpu.memory_space<hbm>> -> memref<1x117x300xf32, #tpu.memory_space<hbm>>
      %dma_wait3A_1031 = tpu.memref_squeeze %dma_wait3A_1030 : memref<1x117x300xf32, #tpu.memory_space<hbm>> -> memref<117x300xf32, #tpu.memory_space<hbm>>
      %dma_wait3A_1032 = arith.constant 0 : i32
      %dma_wait3A_1033 = arith.constant 0 : i32
      %dma_wait3A_1034 = tpu.memref_slice %arg7[%select_n3A, %dma_wait3A_1032, %dma_wait3A_1033] : memref<504x117x300xf32, #tpu.memory_space<hbm>> -> memref<1x117x300xf32, #tpu.memory_space<hbm>>
      %dma_wait3A_1035 = tpu.memref_squeeze %dma_wait3A_1034 : memref<1x117x300xf32, #tpu.memory_space<hbm>> -> memref<117x300xf32, #tpu.memory_space<hbm>>
      tpu.wait_dma2 semaphore(%arg9 : memref<!tpu.dma_semaphore, #tpu.memory_space<semaphore_mem>>) src(%arg8 : memref<117x300xf32, #tpu.memory_space<vmem>>) dst(%dma_wait3A_1035 : memref<117x300xf32, #tpu.memory_space<hbm>>)
      %add3A_1036 = arith.constant 48 : i32
      %add3A_1037 = arith.addi %select_n3A, %add3A_1036 : i32
      %sub3A_1038 = arith.constant 1 : i32
      %sub3A_1039 = arith.subi %select_n3A_62, %sub3A_1038 : i32
      %min3A_1040 = arith.minsi %add3A_1037, %sub3A_1039 : i32
      %dma_start3A_1041 = arith.constant 0 : i32
      %dma_start3A_1042 = arith.constant 0 : i32
      %dma_start3A_1043 = tpu.memref_slice %arg7[%min3A_1040, %dma_start3A_1041, %dma_start3A_1042] : memref<504x117x300xf32, #tpu.memory_space<hbm>> -> memref<1x117x300xf32, #tpu.memory_space<hbm>>
      %dma_start3A_1044 = tpu.memref_squeeze %dma_start3A_1043 : memref<1x117x300xf32, #tpu.memory_space<hbm>> -> memref<117x300xf32, #tpu.memory_space<hbm>>
      %dma_start3A_1045 = arith.constant 0 : i32
      %dma_start3A_1046 = arith.constant 0 : i32
      %dma_start3A_1047 = tpu.memref_slice %arg7[%min3A_1040, %dma_start3A_1045, %dma_start3A_1046] : memref<504x117x300xf32, #tpu.memory_space<hbm>> -> memref<1x117x300xf32, #tpu.memory_space<hbm>>
      %dma_start3A_1048 = tpu.memref_squeeze %dma_start3A_1047 : memref<1x117x300xf32, #tpu.memory_space<hbm>> -> memref<117x300xf32, #tpu.memory_space<hbm>>
      tpu.enqueue_dma source(%arg8 : memref<117x300xf32, #tpu.memory_space<vmem>>) target(%dma_start3A_1048 : memref<117x300xf32, #tpu.memory_space<hbm>>) target_semaphore(%arg9 : memref<!tpu.dma_semaphore, #tpu.memory_space<semaphore_mem>>)
      %dma_wait3A_1049 = arith.constant 0 : i32
      %dma_wait3A_1050 = arith.constant 0 : i32
      %dma_wait3A_1051 = tpu.memref_slice %arg7[%select_n3A, %dma_wait3A_1049, %dma_wait3A_1050] : memref<504x117x300xf32, #tpu.memory_space<hbm>> -> memref<1x117x300xf32, #tpu.memory_space<hbm>>
      %dma_wait3A_1052 = tpu.memref_squeeze %dma_wait3A_1051 : memref<1x117x300xf32, #tpu.memory_space<hbm>> -> memref<117x300xf32, #tpu.memory_space<hbm>>
      %dma_wait3A_1053 = arith.constant 0 : i32
      %dma_wait3A_1054 = arith.constant 0 : i32
      %dma_wait3A_1055 = tpu.memref_slice %arg7[%select_n3A, %dma_wait3A_1053, %dma_wait3A_1054] : memref<504x117x300xf32, #tpu.memory_space<hbm>> -> memref<1x117x300xf32, #tpu.memory_space<hbm>>
      %dma_wait3A_1056 = tpu.memref_squeeze %dma_wait3A_1055 : memref<1x117x300xf32, #tpu.memory_space<hbm>> -> memref<117x300xf32, #tpu.memory_space<hbm>>
      tpu.wait_dma2 semaphore(%arg9 : memref<!tpu.dma_semaphore, #tpu.memory_space<semaphore_mem>>) src(%arg8 : memref<117x300xf32, #tpu.memory_space<vmem>>) dst(%dma_wait3A_1056 : memref<117x300xf32, #tpu.memory_space<hbm>>)
      %add3A_1057 = arith.constant 49 : i32
      %add3A_1058 = arith.addi %select_n3A, %add3A_1057 : i32
      %sub3A_1059 = arith.constant 1 : i32
      %sub3A_1060 = arith.subi %select_n3A_62, %sub3A_1059 : i32
      %min3A_1061 = arith.minsi %add3A_1058, %sub3A_1060 : i32
      %dma_start3A_1062 = arith.constant 0 : i32
      %dma_start3A_1063 = arith.constant 0 : i32
      %dma_start3A_1064 = tpu.memref_slice %arg7[%min3A_1061, %dma_start3A_1062, %dma_start3A_1063] : memref<504x117x300xf32, #tpu.memory_space<hbm>> -> memref<1x117x300xf32, #tpu.memory_space<hbm>>
      %dma_start3A_1065 = tpu.memref_squeeze %dma_start3A_1064 : memref<1x117x300xf32, #tpu.memory_space<hbm>> -> memref<117x300xf32, #tpu.memory_space<hbm>>
      %dma_start3A_1066 = arith.constant 0 : i32
      %dma_start3A_1067 = arith.constant 0 : i32
      %dma_start3A_1068 = tpu.memref_slice %arg7[%min3A_1061, %dma_start3A_1066, %dma_start3A_1067] : memref<504x117x300xf32, #tpu.memory_space<hbm>> -> memref<1x117x300xf32, #tpu.memory_space<hbm>>
      %dma_start3A_1069 = tpu.memref_squeeze %dma_start3A_1068 : memref<1x117x300xf32, #tpu.memory_space<hbm>> -> memref<117x300xf32, #tpu.memory_space<hbm>>
      tpu.enqueue_dma source(%arg8 : memref<117x300xf32, #tpu.memory_space<vmem>>) target(%dma_start3A_1069 : memref<117x300xf32, #tpu.memory_space<hbm>>) target_semaphore(%arg9 : memref<!tpu.dma_semaphore, #tpu.memory_space<semaphore_mem>>)
      %dma_wait3A_1070 = arith.constant 0 : i32
      %dma_wait3A_1071 = arith.constant 0 : i32
      %dma_wait3A_1072 = tpu.memref_slice %arg7[%select_n3A, %dma_wait3A_1070, %dma_wait3A_1071] : memref<504x117x300xf32, #tpu.memory_space<hbm>> -> memref<1x117x300xf32, #tpu.memory_space<hbm>>
      %dma_wait3A_1073 = tpu.memref_squeeze %dma_wait3A_1072 : memref<1x117x300xf32, #tpu.memory_space<hbm>> -> memref<117x300xf32, #tpu.memory_space<hbm>>
      %dma_wait3A_1074 = arith.constant 0 : i32
      %dma_wait3A_1075 = arith.constant 0 : i32
      %dma_wait3A_1076 = tpu.memref_slice %arg7[%select_n3A, %dma_wait3A_1074, %dma_wait3A_1075] : memref<504x117x300xf32, #tpu.memory_space<hbm>> -> memref<1x117x300xf32, #tpu.memory_space<hbm>>
      %dma_wait3A_1077 = tpu.memref_squeeze %dma_wait3A_1076 : memref<1x117x300xf32, #tpu.memory_space<hbm>> -> memref<117x300xf32, #tpu.memory_space<hbm>>
      tpu.wait_dma2 semaphore(%arg9 : memref<!tpu.dma_semaphore, #tpu.memory_space<semaphore_mem>>) src(%arg8 : memref<117x300xf32, #tpu.memory_space<vmem>>) dst(%dma_wait3A_1077 : memref<117x300xf32, #tpu.memory_space<hbm>>)
      %add3A_1078 = arith.constant 50 : i32
      %add3A_1079 = arith.addi %select_n3A, %add3A_1078 : i32
      %sub3A_1080 = arith.constant 1 : i32
      %sub3A_1081 = arith.subi %select_n3A_62, %sub3A_1080 : i32
      %min3A_1082 = arith.minsi %add3A_1079, %sub3A_1081 : i32
      %dma_start3A_1083 = arith.constant 0 : i32
      %dma_start3A_1084 = arith.constant 0 : i32
      %dma_start3A_1085 = tpu.memref_slice %arg7[%min3A_1082, %dma_start3A_1083, %dma_start3A_1084] : memref<504x117x300xf32, #tpu.memory_space<hbm>> -> memref<1x117x300xf32, #tpu.memory_space<hbm>>
      %dma_start3A_1086 = tpu.memref_squeeze %dma_start3A_1085 : memref<1x117x300xf32, #tpu.memory_space<hbm>> -> memref<117x300xf32, #tpu.memory_space<hbm>>
      %dma_start3A_1087 = arith.constant 0 : i32
      %dma_start3A_1088 = arith.constant 0 : i32
      %dma_start3A_1089 = tpu.memref_slice %arg7[%min3A_1082, %dma_start3A_1087, %dma_start3A_1088] : memref<504x117x300xf32, #tpu.memory_space<hbm>> -> memref<1x117x300xf32, #tpu.memory_space<hbm>>
      %dma_start3A_1090 = tpu.memref_squeeze %dma_start3A_1089 : memref<1x117x300xf32, #tpu.memory_space<hbm>> -> memref<117x300xf32, #tpu.memory_space<hbm>>
      tpu.enqueue_dma source(%arg8 : memref<117x300xf32, #tpu.memory_space<vmem>>) target(%dma_start3A_1090 : memref<117x300xf32, #tpu.memory_space<hbm>>) target_semaphore(%arg9 : memref<!tpu.dma_semaphore, #tpu.memory_space<semaphore_mem>>)
      %dma_wait3A_1091 = arith.constant 0 : i32
      %dma_wait3A_1092 = arith.constant 0 : i32
      %dma_wait3A_1093 = tpu.memref_slice %arg7[%select_n3A, %dma_wait3A_1091, %dma_wait3A_1092] : memref<504x117x300xf32, #tpu.memory_space<hbm>> -> memref<1x117x300xf32, #tpu.memory_space<hbm>>
      %dma_wait3A_1094 = tpu.memref_squeeze %dma_wait3A_1093 : memref<1x117x300xf32, #tpu.memory_space<hbm>> -> memref<117x300xf32, #tpu.memory_space<hbm>>
      %dma_wait3A_1095 = arith.constant 0 : i32
      %dma_wait3A_1096 = arith.constant 0 : i32
      %dma_wait3A_1097 = tpu.memref_slice %arg7[%select_n3A, %dma_wait3A_1095, %dma_wait3A_1096] : memref<504x117x300xf32, #tpu.memory_space<hbm>> -> memref<1x117x300xf32, #tpu.memory_space<hbm>>
      %dma_wait3A_1098 = tpu.memref_squeeze %dma_wait3A_1097 : memref<1x117x300xf32, #tpu.memory_space<hbm>> -> memref<117x300xf32, #tpu.memory_space<hbm>>
      tpu.wait_dma2 semaphore(%arg9 : memref<!tpu.dma_semaphore, #tpu.memory_space<semaphore_mem>>) src(%arg8 : memref<117x300xf32, #tpu.memory_space<vmem>>) dst(%dma_wait3A_1098 : memref<117x300xf32, #tpu.memory_space<hbm>>)
      %dma_wait3A_1099 = arith.constant 0 : i32
      %dma_wait3A_1100 = arith.constant 0 : i32
      %dma_wait3A_1101 = tpu.memref_slice %arg7[%select_n3A, %dma_wait3A_1099, %dma_wait3A_1100] : memref<504x117x300xf32, #tpu.memory_space<hbm>> -> memref<1x117x300xf32, #tpu.memory_space<hbm>>
      %dma_wait3A_1102 = tpu.memref_squeeze %dma_wait3A_1101 : memref<1x117x300xf32, #tpu.memory_space<hbm>> -> memref<117x300xf32, #tpu.memory_space<hbm>>
      %dma_wait3A_1103 = arith.constant 0 : i32
      %dma_wait3A_1104 = arith.constant 0 : i32
      %dma_wait3A_1105 = tpu.memref_slice %arg7[%select_n3A, %dma_wait3A_1103, %dma_wait3A_1104] : memref<504x117x300xf32, #tpu.memory_space<hbm>> -> memref<1x117x300xf32, #tpu.memory_space<hbm>>
      %dma_wait3A_1106 = tpu.memref_squeeze %dma_wait3A_1105 : memref<1x117x300xf32, #tpu.memory_space<hbm>> -> memref<117x300xf32, #tpu.memory_space<hbm>>
      tpu.wait_dma2 semaphore(%arg9 : memref<!tpu.dma_semaphore, #tpu.memory_space<semaphore_mem>>) src(%arg8 : memref<117x300xf32, #tpu.memory_space<vmem>>) dst(%dma_wait3A_1106 : memref<117x300xf32, #tpu.memory_space<hbm>>)
      %dma_wait3A_1107 = arith.constant 0 : i32
      %dma_wait3A_1108 = arith.constant 0 : i32
      %dma_wait3A_1109 = tpu.memref_slice %arg7[%select_n3A, %dma_wait3A_1107, %dma_wait3A_1108] : memref<504x117x300xf32, #tpu.memory_space<hbm>> -> memref<1x117x300xf32, #tpu.memory_space<hbm>>
      %dma_wait3A_1110 = tpu.memref_squeeze %dma_wait3A_1109 : memref<1x117x300xf32, #tpu.memory_space<hbm>> -> memref<117x300xf32, #tpu.memory_space<hbm>>
      %dma_wait3A_1111 = arith.constant 0 : i32
      %dma_wait3A_1112 = arith.constant 0 : i32
      %dma_wait3A_1113 = tpu.memref_slice %arg7[%select_n3A, %dma_wait3A_1111, %dma_wait3A_1112] : memref<504x117x300xf32, #tpu.memory_space<hbm>> -> memref<1x117x300xf32, #tpu.memory_space<hbm>>
      %dma_wait3A_1114 = tpu.memref_squeeze %dma_wait3A_1113 : memref<1x117x300xf32, #tpu.memory_space<hbm>> -> memref<117x300xf32, #tpu.memory_space<hbm>>
      tpu.wait_dma2 semaphore(%arg9 : memref<!tpu.dma_semaphore, #tpu.memory_space<semaphore_mem>>) src(%arg8 : memref<117x300xf32, #tpu.memory_space<vmem>>) dst(%dma_wait3A_1114 : memref<117x300xf32, #tpu.memory_space<hbm>>)
      %dma_wait3A_1115 = arith.constant 0 : i32
      %dma_wait3A_1116 = arith.constant 0 : i32
      %dma_wait3A_1117 = tpu.memref_slice %arg7[%select_n3A, %dma_wait3A_1115, %dma_wait3A_1116] : memref<504x117x300xf32, #tpu.memory_space<hbm>> -> memref<1x117x300xf32, #tpu.memory_space<hbm>>
      %dma_wait3A_1118 = tpu.memref_squeeze %dma_wait3A_1117 : memref<1x117x300xf32, #tpu.memory_space<hbm>> -> memref<117x300xf32, #tpu.memory_space<hbm>>
      %dma_wait3A_1119 = arith.constant 0 : i32
      %dma_wait3A_1120 = arith.constant 0 : i32
      %dma_wait3A_1121 = tpu.memref_slice %arg7[%select_n3A, %dma_wait3A_1119, %dma_wait3A_1120] : memref<504x117x300xf32, #tpu.memory_space<hbm>> -> memref<1x117x300xf32, #tpu.memory_space<hbm>>
      %dma_wait3A_1122 = tpu.memref_squeeze %dma_wait3A_1121 : memref<1x117x300xf32, #tpu.memory_space<hbm>> -> memref<117x300xf32, #tpu.memory_space<hbm>>
      tpu.wait_dma2 semaphore(%arg9 : memref<!tpu.dma_semaphore, #tpu.memory_space<semaphore_mem>>) src(%arg8 : memref<117x300xf32, #tpu.memory_space<vmem>>) dst(%dma_wait3A_1122 : memref<117x300xf32, #tpu.memory_space<hbm>>)
      %dma_wait3A_1123 = arith.constant 0 : i32
      %dma_wait3A_1124 = arith.constant 0 : i32
      %dma_wait3A_1125 = tpu.memref_slice %arg7[%select_n3A, %dma_wait3A_1123, %dma_wait3A_1124] : memref<504x117x300xf32, #tpu.memory_space<hbm>> -> memref<1x117x300xf32, #tpu.memory_space<hbm>>
      %dma_wait3A_1126 = tpu.memref_squeeze %dma_wait3A_1125 : memref<1x117x300xf32, #tpu.memory_space<hbm>> -> memref<117x300xf32, #tpu.memory_space<hbm>>
      %dma_wait3A_1127 = arith.constant 0 : i32
      %dma_wait3A_1128 = arith.constant 0 : i32
      %dma_wait3A_1129 = tpu.memref_slice %arg7[%select_n3A, %dma_wait3A_1127, %dma_wait3A_1128] : memref<504x117x300xf32, #tpu.memory_space<hbm>> -> memref<1x117x300xf32, #tpu.memory_space<hbm>>
      %dma_wait3A_1130 = tpu.memref_squeeze %dma_wait3A_1129 : memref<1x117x300xf32, #tpu.memory_space<hbm>> -> memref<117x300xf32, #tpu.memory_space<hbm>>
      tpu.wait_dma2 semaphore(%arg9 : memref<!tpu.dma_semaphore, #tpu.memory_space<semaphore_mem>>) src(%arg8 : memref<117x300xf32, #tpu.memory_space<vmem>>) dst(%dma_wait3A_1130 : memref<117x300xf32, #tpu.memory_space<hbm>>)
    } else {
    }
    return
  }
}

module attributes {stable_mosaic.version = 14 : i64} {
  func.func @_tiles_kernel(%arg0: memref<80x300xf32, #tpu.memory_space<vmem>>, %arg1: memref<117x300xf32, #tpu.memory_space<vmem>>, %arg2: memref<117x300xf32, #tpu.memory_space<vmem>>, %arg3: memref<117x300xf32, #tpu.memory_space<vmem>>, %arg4: memref<117x300xf32, #tpu.memory_space<vmem>>, %arg5: memref<117x300xf32, #tpu.memory_space<vmem>>) attributes {dimension_semantics = [], scalar_prefetch = 0 : i64, scratch_operands = 0 : i64, tpu.core_type = #tpu.core_type<tc>} {
    %get3A = arith.constant 49 : index
    %get3A_0 = arith.constant 0 : index
    %get3A_1 = vector.load %arg0[%get3A, %get3A_0] : memref<80x300xf32, #tpu.memory_space<vmem>>, vector<1x300xf32>
    %mul3A = arith.mulf %get3A_1, %get3A_1 : vector<1x300xf32>
    %reduce_sum3A = arith.constant dense<0.000000e+00> : vector<1xf32>
    %reduce_sum3A_2 = vector.multi_reduction <add>, %mul3A, %reduce_sum3A [1] : vector<1x300xf32> to vector<1xf32>
    %broadcast_in_dim3A = vector.shape_cast %reduce_sum3A_2 : vector<1xf32> to vector<1x1xf32>
    %sqrt3A = math.sqrt %broadcast_in_dim3A : vector<1x1xf32>
    %max3A = arith.constant 9.99999996E-13 : f32
    %max3A_3 = vector.broadcast %max3A : f32 to vector<1x1xf32>
    %max3A_4 = arith.maximumf %sqrt3A, %max3A_3 : vector<1x1xf32>
    %div3A = vector.broadcast %max3A_4 : vector<1x1xf32> to vector<1x300xf32>
    %div3A_5 = arith.divf %get3A_1, %div3A : vector<1x300xf32>
    %get3A_6 = arith.constant 0 : index
    %get3A_7 = arith.constant 0 : index
    %get3A_8 = vector.load %arg1[%get3A_6, %get3A_7] : memref<117x300xf32, #tpu.memory_space<vmem>>, vector<117x300xf32>
    %mul3A_9 = arith.mulf %get3A_8, %get3A_8 : vector<117x300xf32>
    %reduce_sum3A_10 = arith.constant dense<0.000000e+00> : vector<117xf32>
    %reduce_sum3A_11 = vector.multi_reduction <add>, %mul3A_9, %reduce_sum3A_10 [1] : vector<117x300xf32> to vector<117xf32>
    %broadcast_in_dim3A_12 = vector.shape_cast %reduce_sum3A_11 : vector<117xf32> to vector<117x1xf32>
    %sqrt3A_13 = math.sqrt %broadcast_in_dim3A_12 : vector<117x1xf32>
    %max3A_14 = arith.constant 9.99999996E-13 : f32
    %max3A_15 = vector.broadcast %max3A_14 : f32 to vector<117x1xf32>
    %max3A_16 = arith.maximumf %sqrt3A_13, %max3A_15 : vector<117x1xf32>
    %div3A_17 = vector.broadcast %max3A_16 : vector<117x1xf32> to vector<117x300xf32>
    %div3A_18 = arith.divf %get3A_8, %div3A_17 : vector<117x300xf32>
    %get3A_19 = arith.constant 0 : index
    %get3A_20 = arith.constant 0 : index
    %get3A_21 = vector.load %arg2[%get3A_19, %get3A_20] : memref<117x300xf32, #tpu.memory_space<vmem>>, vector<117x300xf32>
    %mul3A_22 = arith.mulf %get3A_21, %get3A_21 : vector<117x300xf32>
    %reduce_sum3A_23 = arith.constant dense<0.000000e+00> : vector<117xf32>
    %reduce_sum3A_24 = vector.multi_reduction <add>, %mul3A_22, %reduce_sum3A_23 [1] : vector<117x300xf32> to vector<117xf32>
    %broadcast_in_dim3A_25 = vector.shape_cast %reduce_sum3A_24 : vector<117xf32> to vector<117x1xf32>
    %sqrt3A_26 = math.sqrt %broadcast_in_dim3A_25 : vector<117x1xf32>
    %max3A_27 = arith.constant 9.99999996E-13 : f32
    %max3A_28 = vector.broadcast %max3A_27 : f32 to vector<117x1xf32>
    %max3A_29 = arith.maximumf %sqrt3A_26, %max3A_28 : vector<117x1xf32>
    %div3A_30 = vector.broadcast %max3A_29 : vector<117x1xf32> to vector<117x300xf32>
    %div3A_31 = arith.divf %get3A_21, %div3A_30 : vector<117x300xf32>
    %mul3A_32 = vector.broadcast %div3A_5 : vector<1x300xf32> to vector<117x300xf32>
    %mul3A_33 = arith.mulf %mul3A_32, %div3A_31 : vector<117x300xf32>
    %reduce_sum3A_34 = arith.constant dense<0.000000e+00> : vector<117xf32>
    %reduce_sum3A_35 = vector.multi_reduction <add>, %mul3A_33, %reduce_sum3A_34 [1] : vector<117x300xf32> to vector<117xf32>
    %broadcast_in_dim3A_36 = vector.shape_cast %reduce_sum3A_35 : vector<117xf32> to vector<117x1xf32>
    %mul3A_37 = vector.broadcast %broadcast_in_dim3A_36 : vector<117x1xf32> to vector<117x300xf32>
    %mul3A_38 = arith.mulf %mul3A_37, %div3A_31 : vector<117x300xf32>
    %sub3A = vector.broadcast %div3A_5 : vector<1x300xf32> to vector<117x300xf32>
    %sub3A_39 = arith.subf %sub3A, %mul3A_38 : vector<117x300xf32>
    %swap3A = arith.constant 0 : index
    %swap3A_40 = arith.constant 0 : index
    %swap3A_41 = vector.load %arg3[%swap3A, %swap3A_40] : memref<117x300xf32, #tpu.memory_space<vmem>>, vector<117x300xf32>
    tpu.vector_store %arg3[%swap3A, %swap3A_40], %sub3A_39 {strides = array<i32>} : memref<117x300xf32, #tpu.memory_space<vmem>>, vector<117x300xf32>,
    %swap3A_42 = arith.constant 0 : index
    %swap3A_43 = arith.constant 0 : index
    %swap3A_44 = vector.load %arg4[%swap3A_42, %swap3A_43] : memref<117x300xf32, #tpu.memory_space<vmem>>, vector<117x300xf32>
    tpu.vector_store %arg4[%swap3A_42, %swap3A_43], %div3A_18 {strides = array<i32>} : memref<117x300xf32, #tpu.memory_space<vmem>>, vector<117x300xf32>,
    %swap3A_45 = arith.constant 0 : index
    %swap3A_46 = arith.constant 0 : index
    %swap3A_47 = vector.load %arg5[%swap3A_45, %swap3A_46] : memref<117x300xf32, #tpu.memory_space<vmem>>, vector<117x300xf32>
    tpu.vector_store %arg5[%swap3A_45, %swap3A_46], %div3A_31 {strides = array<i32>} : memref<117x300xf32, #tpu.memory_space<vmem>>, vector<117x300xf32>,
    return
  }
}

module attributes {stable_mosaic.version = 14 : i64} {
  func.func @_t_stream_kernel(%arg0: i32, %arg1: memref<64x1xi32, #tpu.memory_space<vmem>>, %arg2: memref<80x300xf32, #tpu.memory_space<vmem>>, %arg3: memref<117x300xf32, #tpu.memory_space<vmem>>, %arg4: memref<117x300xf32, #tpu.memory_space<vmem>>, %arg5: memref<24x117x300xf32, #tpu.memory_space<vmem>>, %arg6: memref<24x117xf32, #tpu.memory_space<vmem>>, %arg7: memref<64x300xf32, #tpu.memory_space<vmem>>, %arg8: memref<117x300xf32, #tpu.memory_space<vmem>>, %arg9: memref<64x117xf32, #tpu.memory_space<vmem>>) attributes {dimension_semantics = [#tpu.dimension_semantics<arbitrary>], iteration_bounds = array<i64: 21>, scalar_prefetch = 0 : i64, scratch_operands = 3 : i64, tpu.core_type = #tpu.core_type<tc>, window_params = [{pipeline_mode = #tpu.pipeline_mode<synchronous>, transform_indices = @transform_0, window_bounds = array<i64: 64, 1>}, {pipeline_mode = #tpu.pipeline_mode<synchronous>, transform_indices = @transform_1, window_bounds = array<i64: 80, 300>}, {pipeline_mode = #tpu.pipeline_mode<synchronous>, transform_indices = @transform_2, window_bounds = array<i64: 117, 300>}, {pipeline_mode = #tpu.pipeline_mode<synchronous>, transform_indices = @transform_3, window_bounds = array<i64: 117, 300>}, {transform_indices = @transform_4, window_bounds = array<i64: 24, 117, 300>}, {transform_indices = @transform_5, window_bounds = array<i64: 24, 117>}]} {
    %eq3A = arith.constant 0 : i32
    %eq3A_0 = arith.cmpi eq, %arg0, %eq3A : i32
    %convert_element_type3A = arith.extui %eq3A_0 : i1 to i32
    %cond3A = arith.constant 0 : i32
    %cond3A_1 = arith.cmpi ne, %convert_element_type3A, %cond3A : i32
    scf.if %cond3A_1 {
      %iota3A_434 = tpu.iota {dimensions = array<i32: 0>} : vector<64x1xi32>
      %lt3A = arith.constant 8 : i32
      %lt3A_435 = vector.broadcast %lt3A : i32 to vector<64x1xi32>
      %lt3A_436 = arith.cmpi slt, %iota3A_434, %lt3A_435 : vector<64x1xi32>
      %get3A_437 = arith.constant 0 : index
      %get3A_438 = arith.constant 0 : index
      %get3A_439 = vector.load %arg1[%get3A_437, %get3A_438] : memref<64x1xi32, #tpu.memory_space<vmem>>, vector<64x1xi32>
      %jit3A_440 = arith.constant 49 : i32
      %broadcast_in_dim3A_441 = vector.broadcast %jit3A_440 : i32 to vector<64x1xi32>
      %select_n3A_442 = arith.select %lt3A_436, %broadcast_in_dim3A_441, %get3A_439 : vector<64x1xi1>, vector<64x1xi32>
      %iota3A_443 = tpu.iota {dimensions = array<i32: 1>} : vector<64x80xi32>
      %eq3A_444 = vector.broadcast %select_n3A_442 : vector<64x1xi32> to vector<64x80xi32>
      %eq3A_445 = arith.cmpi eq, %eq3A_444, %iota3A_443 : vector<64x80xi32>
      %convert_element_type3A_446 = arith.extui %eq3A_445 : vector<64x80xi1> to vector<64x80xi32>
      %convert_element_type3A_447 = arith.sitofp %convert_element_type3A_446 : vector<64x80xi32> to vector<64x80xf32>
      %get3A_448 = arith.constant 0 : index
      %get3A_449 = arith.constant 0 : index
      %get3A_450 = vector.load %arg2[%get3A_448, %get3A_449] : memref<80x300xf32, #tpu.memory_space<vmem>>, vector<80x300xf32>
      %dot_general3A_451 = arith.constant dense<0.000000e+00> : vector<64x300xf32>
      %dot_general3A_452 = tpu.matmul %convert_element_type3A_447, %get3A_450, %dot_general3A_451 {dimension_numbers = #tpu.dot_dimension_numbers<[1], [0], [0], [1], [0, 0, 1, 1], [], []>, transpose_lhs_hint = false} : vector<64x80xf32>, vector<80x300xf32>, vector<64x300xf32> -> vector<64x300xf32>
      %mul3A_453 = arith.mulf %dot_general3A_452, %dot_general3A_452 : vector<64x300xf32>
      %reduce_sum3A_454 = arith.constant dense<0.000000e+00> : vector<64xf32>
      %reduce_sum3A_455 = vector.multi_reduction <add>, %mul3A_453, %reduce_sum3A_454 [1] : vector<64x300xf32> to vector<64xf32>
      %broadcast_in_dim3A_456 = vector.shape_cast %reduce_sum3A_455 : vector<64xf32> to vector<64x1xf32>
      %sqrt3A = math.sqrt %broadcast_in_dim3A_456 : vector<64x1xf32>
      %max3A = arith.constant 9.99999996E-13 : f32
      %max3A_457 = vector.broadcast %max3A : f32 to vector<64x1xf32>
      %max3A_458 = arith.maximumf %sqrt3A, %max3A_457 : vector<64x1xf32>
      %div3A_459 = vector.broadcast %max3A_458 : vector<64x1xf32> to vector<64x300xf32>
      %div3A_460 = arith.divf %dot_general3A_452, %div3A_459 : vector<64x300xf32>
      %get3A_461 = arith.constant 49 : index
      %get3A_462 = arith.constant 0 : index
      %get3A_463 = vector.load %arg2[%get3A_461, %get3A_462] : memref<80x300xf32, #tpu.memory_space<vmem>>, vector<1x300xf32>
      %mul3A_464 = arith.mulf %get3A_463, %get3A_463 : vector<1x300xf32>
      %reduce_sum3A_465 = arith.constant dense<0.000000e+00> : vector<1xf32>
      %reduce_sum3A_466 = vector.multi_reduction <add>, %mul3A_464, %reduce_sum3A_465 [1] : vector<1x300xf32> to vector<1xf32>
      %broadcast_in_dim3A_467 = vector.shape_cast %reduce_sum3A_466 : vector<1xf32> to vector<1x1xf32>
      %sqrt3A_468 = math.sqrt %broadcast_in_dim3A_467 : vector<1x1xf32>
      %max3A_469 = arith.constant 9.99999996E-13 : f32
      %max3A_470 = vector.broadcast %max3A_469 : f32 to vector<1x1xf32>
      %max3A_471 = arith.maximumf %sqrt3A_468, %max3A_470 : vector<1x1xf32>
      %div3A_472 = vector.broadcast %max3A_471 : vector<1x1xf32> to vector<1x300xf32>
      %div3A_473 = arith.divf %get3A_463, %div3A_472 : vector<1x300xf32>
      %get3A_474 = arith.constant 0 : index
      %get3A_475 = arith.constant 0 : index
      %get3A_476 = vector.load %arg3[%get3A_474, %get3A_475] : memref<117x300xf32, #tpu.memory_space<vmem>>, vector<117x300xf32>
      %mul3A_477 = arith.mulf %get3A_476, %get3A_476 : vector<117x300xf32>
      %reduce_sum3A_478 = arith.constant dense<0.000000e+00> : vector<117xf32>
      %reduce_sum3A_479 = vector.multi_reduction <add>, %mul3A_477, %reduce_sum3A_478 [1] : vector<117x300xf32> to vector<117xf32>
      %broadcast_in_dim3A_480 = vector.shape_cast %reduce_sum3A_479 : vector<117xf32> to vector<117x1xf32>
      %sqrt3A_481 = math.sqrt %broadcast_in_dim3A_480 : vector<117x1xf32>
      %max3A_482 = arith.constant 9.99999996E-13 : f32
      %max3A_483 = vector.broadcast %max3A_482 : f32 to vector<117x1xf32>
      %max3A_484 = arith.maximumf %sqrt3A_481, %max3A_483 : vector<117x1xf32>
      %div3A_485 = vector.broadcast %max3A_484 : vector<117x1xf32> to vector<117x300xf32>
      %div3A_486 = arith.divf %get3A_476, %div3A_485 : vector<117x300xf32>
      %get3A_487 = arith.constant 0 : index
      %get3A_488 = arith.constant 0 : index
      %get3A_489 = vector.load %arg4[%get3A_487, %get3A_488] : memref<117x300xf32, #tpu.memory_space<vmem>>, vector<117x300xf32>
      %mul3A_490 = arith.mulf %get3A_489, %get3A_489 : vector<117x300xf32>
      %reduce_sum3A_491 = arith.constant dense<0.000000e+00> : vector<117xf32>
      %reduce_sum3A_492 = vector.multi_reduction <add>, %mul3A_490, %reduce_sum3A_491 [1] : vector<117x300xf32> to vector<117xf32>
      %broadcast_in_dim3A_493 = vector.shape_cast %reduce_sum3A_492 : vector<117xf32> to vector<117x1xf32>
      %sqrt3A_494 = math.sqrt %broadcast_in_dim3A_493 : vector<117x1xf32>
      %max3A_495 = arith.constant 9.99999996E-13 : f32
      %max3A_496 = vector.broadcast %max3A_495 : f32 to vector<117x1xf32>
      %max3A_497 = arith.maximumf %sqrt3A_494, %max3A_496 : vector<117x1xf32>
      %div3A_498 = vector.broadcast %max3A_497 : vector<117x1xf32> to vector<117x300xf32>
      %div3A_499 = arith.divf %get3A_489, %div3A_498 : vector<117x300xf32>
      %mul3A_500 = vector.broadcast %div3A_473 : vector<1x300xf32> to vector<117x300xf32>
      %mul3A_501 = arith.mulf %mul3A_500, %div3A_499 : vector<117x300xf32>
      %reduce_sum3A_502 = arith.constant dense<0.000000e+00> : vector<117xf32>
      %reduce_sum3A_503 = vector.multi_reduction <add>, %mul3A_501, %reduce_sum3A_502 [1] : vector<117x300xf32> to vector<117xf32>
      %broadcast_in_dim3A_504 = vector.shape_cast %reduce_sum3A_503 : vector<117xf32> to vector<117x1xf32>
      %mul3A_505 = vector.broadcast %broadcast_in_dim3A_504 : vector<117x1xf32> to vector<117x300xf32>
      %mul3A_506 = arith.mulf %mul3A_505, %div3A_499 : vector<117x300xf32>
      %sub3A_507 = vector.broadcast %div3A_473 : vector<1x300xf32> to vector<117x300xf32>
      %sub3A_508 = arith.subf %sub3A_507, %mul3A_506 : vector<117x300xf32>
      %swap3A_509 = arith.constant 0 : index
      %swap3A_510 = arith.constant 0 : index
      %swap3A_511 = vector.load %arg7[%swap3A_509, %swap3A_510] : memref<64x300xf32, #tpu.memory_space<vmem>>, vector<64x300xf32>
      tpu.vector_store %arg7[%swap3A_509, %swap3A_510], %div3A_460 {strides = array<i32>} : memref<64x300xf32, #tpu.memory_space<vmem>>, vector<64x300xf32>,
      %swap3A_512 = arith.constant 0 : index
      %swap3A_513 = arith.constant 0 : index
      %swap3A_514 = vector.load %arg8[%swap3A_512, %swap3A_513] : memref<117x300xf32, #tpu.memory_space<vmem>>, vector<117x300xf32>
      tpu.vector_store %arg8[%swap3A_512, %swap3A_513], %div3A_499 {strides = array<i32>} : memref<117x300xf32, #tpu.memory_space<vmem>>, vector<117x300xf32>,
      %add3A_515 = arith.addf %sub3A_508, %div3A_486 : vector<117x300xf32>
      %broadcast_in_dim3A_516 = arith.constant 1.000000e+00 : f32
      %broadcast_in_dim3A_517 = vector.broadcast %broadcast_in_dim3A_516 : f32 to vector<1x300xf32>
      %mul3A_518 = arith.mulf %add3A_515, %add3A_515 : vector<117x300xf32>
      %dot_general3A_519 = arith.constant dense<0.000000e+00> : vector<1x117xf32>
      %dot_general3A_520 = tpu.matmul %broadcast_in_dim3A_517, %mul3A_518, %dot_general3A_519 {dimension_numbers = #tpu.dot_dimension_numbers<[1], [1], [0], [0], [0, 0, 1, 0], [], []>, transpose_lhs_hint = false} : vector<1x300xf32>, vector<117x300xf32>, vector<1x117xf32> -> vector<1x117xf32>
      %mul3A_521 = arith.mulf %add3A_515, %div3A_499 : vector<117x300xf32>
      %dot_general3A_522 = arith.constant dense<0.000000e+00> : vector<1x117xf32>
      %dot_general3A_523 = tpu.matmul %broadcast_in_dim3A_517, %mul3A_521, %dot_general3A_522 {dimension_numbers = #tpu.dot_dimension_numbers<[1], [1], [0], [0], [0, 0, 1, 0], [], []>, transpose_lhs_hint = false} : vector<1x300xf32>, vector<117x300xf32>, vector<1x117xf32> -> vector<1x117xf32>
      %dot_general3A_524 = arith.constant dense<0.000000e+00> : vector<64x117xf32>
      %dot_general3A_525 = tpu.matmul %div3A_460, %div3A_499, %dot_general3A_524 {dimension_numbers = #tpu.dot_dimension_numbers<[1], [1], [0], [0], [0, 0, 1, 0], [], []>, transpose_lhs_hint = false} : vector<64x300xf32>, vector<117x300xf32>, vector<64x117xf32> -> vector<64x117xf32>
      %dot_general3A_526 = arith.constant dense<0.000000e+00> : vector<64x117xf32>
      %dot_general3A_527 = tpu.matmul %div3A_460, %add3A_515, %dot_general3A_526 {dimension_numbers = #tpu.dot_dimension_numbers<[1], [1], [0], [0], [0, 0, 1, 0], [], []>, transpose_lhs_hint = false} : vector<64x300xf32>, vector<117x300xf32>, vector<64x117xf32> -> vector<64x117xf32>
      %mul3A_528 = arith.mulf %div3A_460, %div3A_460 : vector<64x300xf32>
      %reduce_sum3A_529 = arith.constant dense<0.000000e+00> : vector<64xf32>
      %reduce_sum3A_530 = vector.multi_reduction <add>, %mul3A_528, %reduce_sum3A_529 [1] : vector<64x300xf32> to vector<64xf32>
      %broadcast_in_dim3A_531 = vector.shape_cast %reduce_sum3A_530 : vector<64xf32> to vector<64x1xf32>
      %add3A_532 = vector.broadcast %dot_general3A_520 : vector<1x117xf32> to vector<64x117xf32>
      %add3A_533 = vector.broadcast %broadcast_in_dim3A_531 : vector<64x1xf32> to vector<64x117xf32>
      %add3A_534 = arith.addf %add3A_532, %add3A_533 : vector<64x117xf32>
      %mul3A_535 = arith.mulf %dot_general3A_525, %dot_general3A_525 : vector<64x117xf32>
      %sub3A_536 = arith.subf %add3A_534, %mul3A_535 : vector<64x117xf32>
      %mul3A_537 = arith.constant 2.000000e+00 : f32
      %mul3A_538 = vector.broadcast %mul3A_537 : f32 to vector<64x117xf32>
      %mul3A_539 = arith.mulf %mul3A_538, %dot_general3A_527 : vector<64x117xf32>
      %sub3A_540 = arith.subf %sub3A_536, %mul3A_539 : vector<64x117xf32>
      %mul3A_541 = arith.constant 2.000000e+00 : f32
      %mul3A_542 = vector.broadcast %mul3A_541 : f32 to vector<64x117xf32>
      %mul3A_543 = arith.mulf %mul3A_542, %dot_general3A_525 : vector<64x117xf32>
      %mul3A_544 = vector.broadcast %dot_general3A_523 : vector<1x117xf32> to vector<64x117xf32>
      %mul3A_545 = arith.mulf %mul3A_543, %mul3A_544 : vector<64x117xf32>
      %add3A_546 = arith.addf %sub3A_540, %mul3A_545 : vector<64x117xf32>
      %max3A_547 = arith.constant 0.000000e+00 : f32
      %max3A_548 = vector.broadcast %max3A_547 : f32 to vector<64x117xf32>
      %max3A_549 = arith.maximumf %add3A_546, %max3A_548 : vector<64x117xf32>
      %sqrt3A_550 = math.sqrt %max3A_549 : vector<64x117xf32>
      %swap3A_551 = arith.constant 0 : index
      %swap3A_552 = arith.constant 0 : index
      %swap3A_553 = vector.load %arg9[%swap3A_551, %swap3A_552] : memref<64x117xf32, #tpu.memory_space<vmem>>, vector<64x117xf32>
      tpu.vector_store %arg9[%swap3A_551, %swap3A_552], %sqrt3A_550 {strides = array<i32>} : memref<64x117xf32, #tpu.memory_space<vmem>>, vector<64x117xf32>,
    } else {
    }
    %get3A = arith.constant 0 : index
    %get3A_2 = arith.constant 0 : index
    %get3A_3 = vector.load %arg8[%get3A, %get3A_2] : memref<117x300xf32, #tpu.memory_space<vmem>>, vector<117x300xf32>
    %iota3A = tpu.iota {dimensions = array<i32: 0>} : vector<24x1xi32>
    %mul3A = arith.constant 24 : i32
    %mul3A_4 = arith.muli %arg0, %mul3A : i32
    %add3A = vector.broadcast %mul3A_4 : i32 to vector<24x1xi32>
    %add3A_5 = arith.addi %add3A, %iota3A : vector<24x1xi32>
    %jit3A = arith.constant 63 : i32
    %div3A = vector.broadcast %jit3A : i32 to vector<24x1xi32>
    %div3A_6 = arith.divsi %add3A_5, %div3A : vector<24x1xi32>
    %sign3A = arith.constant 0 : i32
    %sign3A_7 = vector.broadcast %sign3A : i32 to vector<24x1xi32>
    %sign3A_8 = arith.cmpi sgt, %add3A_5, %sign3A_7 : vector<24x1xi32>
    %sign3A_9 = arith.extui %sign3A_8 : vector<24x1xi1> to vector<24x1xi32>
    %sign3A_10 = arith.constant 0 : i32
    %sign3A_11 = vector.broadcast %sign3A_10 : i32 to vector<24x1xi32>
    %sign3A_12 = arith.cmpi slt, %add3A_5, %sign3A_11 : vector<24x1xi32>
    %sign3A_13 = arith.extui %sign3A_12 : vector<24x1xi1> to vector<24x1xi32>
    %sign3A_14 = arith.subi %sign3A_9, %sign3A_13 : vector<24x1xi32>
    %sign3A_15 = arith.constant 0 : i32
    %sign3A_16 = arith.cmpi sgt, %jit3A, %sign3A_15 : i32
    %sign3A_17 = arith.extui %sign3A_16 : i1 to i32
    %sign3A_18 = arith.constant 0 : i32
    %sign3A_19 = arith.cmpi slt, %jit3A, %sign3A_18 : i32
    %sign3A_20 = arith.extui %sign3A_19 : i1 to i32
    %sign3A_21 = arith.subi %sign3A_17, %sign3A_20 : i32
    %ne3A = vector.broadcast %sign3A_21 : i32 to vector<24x1xi32>
    %ne3A_22 = arith.cmpi ne, %sign3A_14, %ne3A : vector<24x1xi32>
    %rem3A = vector.broadcast %jit3A : i32 to vector<24x1xi32>
    %rem3A_23 = arith.remsi %add3A_5, %rem3A : vector<24x1xi32>
    %ne3A_24 = arith.constant 0 : i32
    %ne3A_25 = vector.broadcast %ne3A_24 : i32 to vector<24x1xi32>
    %ne3A_26 = arith.cmpi ne, %rem3A_23, %ne3A_25 : vector<24x1xi32>
    %and3A = arith.andi %ne3A_22, %ne3A_26 : vector<24x1xi1>
    %sub3A = arith.constant 1 : i32
    %sub3A_27 = vector.broadcast %sub3A : i32 to vector<24x1xi32>
    %sub3A_28 = arith.subi %div3A_6, %sub3A_27 : vector<24x1xi32>
    %select_n3A = arith.select %and3A, %sub3A_28, %div3A_6 : vector<24x1xi1>, vector<24x1xi32>
    %mul3A_29 = arith.constant 63 : i32
    %mul3A_30 = vector.broadcast %mul3A_29 : i32 to vector<24x1xi32>
    %mul3A_31 = arith.muli %select_n3A, %mul3A_30 : vector<24x1xi32>
    %sub3A_32 = arith.subi %add3A_5, %mul3A_31 : vector<24x1xi32>
    %ge3A = arith.cmpi sge, %sub3A_32, %select_n3A : vector<24x1xi32>
    %add3A_33 = arith.constant 1 : i32
    %add3A_34 = vector.broadcast %add3A_33 : i32 to vector<24x1xi32>
    %add3A_35 = arith.addi %sub3A_32, %add3A_34 : vector<24x1xi32>
    %select_n3A_36 = arith.select %ge3A, %add3A_35, %sub3A_32 : vector<24x1xi1>, vector<24x1xi32>
    %iota3A_37 = tpu.iota {dimensions = array<i32: 1>} : vector<24x64xi32>
    %eq3A_38 = vector.broadcast %select_n3A_36 : vector<24x1xi32> to vector<24x64xi32>
    %eq3A_39 = arith.cmpi eq, %eq3A_38, %iota3A_37 : vector<24x64xi32>
    %convert_element_type3A_40 = arith.extui %eq3A_39 : vector<24x64xi1> to vector<24x64xi32>
    %convert_element_type3A_41 = arith.sitofp %convert_element_type3A_40 : vector<24x64xi32> to vector<24x64xf32>
    %get3A_42 = arith.constant 0 : index
    %get3A_43 = arith.constant 0 : index
    %get3A_44 = vector.load %arg9[%get3A_42, %get3A_43] : memref<64x117xf32, #tpu.memory_space<vmem>>, vector<64x117xf32>
    %dot_general3A = arith.constant dense<0.000000e+00> : vector<24x117xf32>
    %dot_general3A_45 = tpu.matmul %convert_element_type3A_41, %get3A_44, %dot_general3A {dimension_numbers = #tpu.dot_dimension_numbers<[1], [0], [0], [1], [0, 0, 1, 1], [], []>, transpose_lhs_hint = false} : vector<24x64xf32>, vector<64x117xf32>, vector<24x117xf32> -> vector<24x117xf32>
    %swap3A = arith.constant 0 : index
    %swap3A_46 = arith.constant 0 : index
    %swap3A_47 = vector.load %arg6[%swap3A, %swap3A_46] : memref<24x117xf32, #tpu.memory_space<vmem>>, vector<24x117xf32>
    tpu.vector_store %arg6[%swap3A, %swap3A_46], %dot_general3A_45 {strides = array<i32>} : memref<24x117xf32, #tpu.memory_space<vmem>>, vector<24x117xf32>,
    %get3A_48 = arith.constant 0 : index
    %get3A_49 = arith.constant 0 : index
    %get3A_50 = vector.load %arg7[%get3A_48, %get3A_49] : memref<64x300xf32, #tpu.memory_space<vmem>>, vector<64x300xf32>
    %dot_general3A_51 = arith.constant dense<0.000000e+00> : vector<24x300xf32>
    %dot_general3A_52 = tpu.matmul %convert_element_type3A_41, %get3A_50, %dot_general3A_51 {dimension_numbers = #tpu.dot_dimension_numbers<[1], [0], [0], [1], [0, 0, 1, 1], [], []>, transpose_lhs_hint = false} : vector<24x64xf32>, vector<64x300xf32>, vector<24x300xf32> -> vector<24x300xf32>
    %slice3A = vector.extract_strided_slice %dot_general3A_52 {offsets = [0, 0], sizes = [1, 300], strides = [1, 1]} : vector<24x300xf32> to vector<1x300xf32>
    %mul3A_53 = vector.broadcast %slice3A : vector<1x300xf32> to vector<117x300xf32>
    %mul3A_54 = arith.mulf %mul3A_53, %get3A_3 : vector<117x300xf32>
    %reduce_sum3A = arith.constant dense<0.000000e+00> : vector<117xf32>
    %reduce_sum3A_55 = vector.multi_reduction <add>, %mul3A_54, %reduce_sum3A [1] : vector<117x300xf32> to vector<117xf32>
    %broadcast_in_dim3A = vector.shape_cast %reduce_sum3A_55 : vector<117xf32> to vector<117x1xf32>
    %mul3A_56 = vector.broadcast %broadcast_in_dim3A : vector<117x1xf32> to vector<117x300xf32>
    %mul3A_57 = arith.mulf %mul3A_56, %get3A_3 : vector<117x300xf32>
    %sub3A_58 = vector.broadcast %slice3A : vector<1x300xf32> to vector<117x300xf32>
    %sub3A_59 = arith.subf %sub3A_58, %mul3A_57 : vector<117x300xf32>
    %swap3A_60 = arith.constant 0 : index
    %swap3A_61 = arith.constant 0 : index
    %swap3A_62 = arith.constant 0 : index
    %swap3A_63 = vector.load %arg5[%swap3A_60, %swap3A_61, %swap3A_62] : memref<24x117x300xf32, #tpu.memory_space<vmem>>, vector<1x117x300xf32>
    %swap3A_64 = vector.shape_cast %swap3A_63 : vector<1x117x300xf32> to vector<117x300xf32>
    %swap3A_65 = vector.shape_cast %sub3A_59 : vector<117x300xf32> to vector<1x117x300xf32>
    tpu.vector_store %arg5[%swap3A_60, %swap3A_61, %swap3A_62], %swap3A_65 {strides = array<i32>} : memref<24x117x300xf32, #tpu.memory_space<vmem>>, vector<1x117x300xf32>,
    %slice3A_66 = vector.extract_strided_slice %dot_general3A_52 {offsets = [1, 0], sizes = [1, 300], strides = [1, 1]} : vector<24x300xf32> to vector<1x300xf32>
    %mul3A_67 = vector.broadcast %slice3A_66 : vector<1x300xf32> to vector<117x300xf32>
    %mul3A_68 = arith.mulf %mul3A_67, %get3A_3 : vector<117x300xf32>
    %reduce_sum3A_69 = arith.constant dense<0.000000e+00> : vector<117xf32>
    %reduce_sum3A_70 = vector.multi_reduction <add>, %mul3A_68, %reduce_sum3A_69 [1] : vector<117x300xf32> to vector<117xf32>
    %broadcast_in_dim3A_71 = vector.shape_cast %reduce_sum3A_70 : vector<117xf32> to vector<117x1xf32>
    %mul3A_72 = vector.broadcast %broadcast_in_dim3A_71 : vector<117x1xf32> to vector<117x300xf32>
    %mul3A_73 = arith.mulf %mul3A_72, %get3A_3 : vector<117x300xf32>
    %sub3A_74 = vector.broadcast %slice3A_66 : vector<1x300xf32> to vector<117x300xf32>
    %sub3A_75 = arith.subf %sub3A_74, %mul3A_73 : vector<117x300xf32>
    %swap3A_76 = arith.constant 1 : index
    %swap3A_77 = arith.constant 0 : index
    %swap3A_78 = arith.constant 0 : index
    %swap3A_79 = vector.load %arg5[%swap3A_76, %swap3A_77, %swap3A_78] : memref<24x117x300xf32, #tpu.memory_space<vmem>>, vector<1x117x300xf32>
    %swap3A_80 = vector.shape_cast %swap3A_79 : vector<1x117x300xf32> to vector<117x300xf32>
    %swap3A_81 = vector.shape_cast %sub3A_75 : vector<117x300xf32> to vector<1x117x300xf32>
    tpu.vector_store %arg5[%swap3A_76, %swap3A_77, %swap3A_78], %swap3A_81 {strides = array<i32>} : memref<24x117x300xf32, #tpu.memory_space<vmem>>, vector<1x117x300xf32>,
    %slice3A_82 = vector.extract_strided_slice %dot_general3A_52 {offsets = [2, 0], sizes = [1, 300], strides = [1, 1]} : vector<24x300xf32> to vector<1x300xf32>
    %mul3A_83 = vector.broadcast %slice3A_82 : vector<1x300xf32> to vector<117x300xf32>
    %mul3A_84 = arith.mulf %mul3A_83, %get3A_3 : vector<117x300xf32>
    %reduce_sum3A_85 = arith.constant dense<0.000000e+00> : vector<117xf32>
    %reduce_sum3A_86 = vector.multi_reduction <add>, %mul3A_84, %reduce_sum3A_85 [1] : vector<117x300xf32> to vector<117xf32>
    %broadcast_in_dim3A_87 = vector.shape_cast %reduce_sum3A_86 : vector<117xf32> to vector<117x1xf32>
    %mul3A_88 = vector.broadcast %broadcast_in_dim3A_87 : vector<117x1xf32> to vector<117x300xf32>
    %mul3A_89 = arith.mulf %mul3A_88, %get3A_3 : vector<117x300xf32>
    %sub3A_90 = vector.broadcast %slice3A_82 : vector<1x300xf32> to vector<117x300xf32>
    %sub3A_91 = arith.subf %sub3A_90, %mul3A_89 : vector<117x300xf32>
    %swap3A_92 = arith.constant 2 : index
    %swap3A_93 = arith.constant 0 : index
    %swap3A_94 = arith.constant 0 : index
    %swap3A_95 = vector.load %arg5[%swap3A_92, %swap3A_93, %swap3A_94] : memref<24x117x300xf32, #tpu.memory_space<vmem>>, vector<1x117x300xf32>
    %swap3A_96 = vector.shape_cast %swap3A_95 : vector<1x117x300xf32> to vector<117x300xf32>
    %swap3A_97 = vector.shape_cast %sub3A_91 : vector<117x300xf32> to vector<1x117x300xf32>
    tpu.vector_store %arg5[%swap3A_92, %swap3A_93, %swap3A_94], %swap3A_97 {strides = array<i32>} : memref<24x117x300xf32, #tpu.memory_space<vmem>>, vector<1x117x300xf32>,
    %slice3A_98 = vector.extract_strided_slice %dot_general3A_52 {offsets = [3, 0], sizes = [1, 300], strides = [1, 1]} : vector<24x300xf32> to vector<1x300xf32>
    %mul3A_99 = vector.broadcast %slice3A_98 : vector<1x300xf32> to vector<117x300xf32>
    %mul3A_100 = arith.mulf %mul3A_99, %get3A_3 : vector<117x300xf32>
    %reduce_sum3A_101 = arith.constant dense<0.000000e+00> : vector<117xf32>
    %reduce_sum3A_102 = vector.multi_reduction <add>, %mul3A_100, %reduce_sum3A_101 [1] : vector<117x300xf32> to vector<117xf32>
    %broadcast_in_dim3A_103 = vector.shape_cast %reduce_sum3A_102 : vector<117xf32> to vector<117x1xf32>
    %mul3A_104 = vector.broadcast %broadcast_in_dim3A_103 : vector<117x1xf32> to vector<117x300xf32>
    %mul3A_105 = arith.mulf %mul3A_104, %get3A_3 : vector<117x300xf32>
    %sub3A_106 = vector.broadcast %slice3A_98 : vector<1x300xf32> to vector<117x300xf32>
    %sub3A_107 = arith.subf %sub3A_106, %mul3A_105 : vector<117x300xf32>
    %swap3A_108 = arith.constant 3 : index
    %swap3A_109 = arith.constant 0 : index
    %swap3A_110 = arith.constant 0 : index
    %swap3A_111 = vector.load %arg5[%swap3A_108, %swap3A_109, %swap3A_110] : memref<24x117x300xf32, #tpu.memory_space<vmem>>, vector<1x117x300xf32>
    %swap3A_112 = vector.shape_cast %swap3A_111 : vector<1x117x300xf32> to vector<117x300xf32>
    %swap3A_113 = vector.shape_cast %sub3A_107 : vector<117x300xf32> to vector<1x117x300xf32>
    tpu.vector_store %arg5[%swap3A_108, %swap3A_109, %swap3A_110], %swap3A_113 {strides = array<i32>} : memref<24x117x300xf32, #tpu.memory_space<vmem>>, vector<1x117x300xf32>,
    %slice3A_114 = vector.extract_strided_slice %dot_general3A_52 {offsets = [4, 0], sizes = [1, 300], strides = [1, 1]} : vector<24x300xf32> to vector<1x300xf32>
    %mul3A_115 = vector.broadcast %slice3A_114 : vector<1x300xf32> to vector<117x300xf32>
    %mul3A_116 = arith.mulf %mul3A_115, %get3A_3 : vector<117x300xf32>
    %reduce_sum3A_117 = arith.constant dense<0.000000e+00> : vector<117xf32>
    %reduce_sum3A_118 = vector.multi_reduction <add>, %mul3A_116, %reduce_sum3A_117 [1] : vector<117x300xf32> to vector<117xf32>
    %broadcast_in_dim3A_119 = vector.shape_cast %reduce_sum3A_118 : vector<117xf32> to vector<117x1xf32>
    %mul3A_120 = vector.broadcast %broadcast_in_dim3A_119 : vector<117x1xf32> to vector<117x300xf32>
    %mul3A_121 = arith.mulf %mul3A_120, %get3A_3 : vector<117x300xf32>
    %sub3A_122 = vector.broadcast %slice3A_114 : vector<1x300xf32> to vector<117x300xf32>
    %sub3A_123 = arith.subf %sub3A_122, %mul3A_121 : vector<117x300xf32>
    %swap3A_124 = arith.constant 4 : index
    %swap3A_125 = arith.constant 0 : index
    %swap3A_126 = arith.constant 0 : index
    %swap3A_127 = vector.load %arg5[%swap3A_124, %swap3A_125, %swap3A_126] : memref<24x117x300xf32, #tpu.memory_space<vmem>>, vector<1x117x300xf32>
    %swap3A_128 = vector.shape_cast %swap3A_127 : vector<1x117x300xf32> to vector<117x300xf32>
    %swap3A_129 = vector.shape_cast %sub3A_123 : vector<117x300xf32> to vector<1x117x300xf32>
    tpu.vector_store %arg5[%swap3A_124, %swap3A_125, %swap3A_126], %swap3A_129 {strides = array<i32>} : memref<24x117x300xf32, #tpu.memory_space<vmem>>, vector<1x117x300xf32>,
    %slice3A_130 = vector.extract_strided_slice %dot_general3A_52 {offsets = [5, 0], sizes = [1, 300], strides = [1, 1]} : vector<24x300xf32> to vector<1x300xf32>
    %mul3A_131 = vector.broadcast %slice3A_130 : vector<1x300xf32> to vector<117x300xf32>
    %mul3A_132 = arith.mulf %mul3A_131, %get3A_3 : vector<117x300xf32>
    %reduce_sum3A_133 = arith.constant dense<0.000000e+00> : vector<117xf32>
    %reduce_sum3A_134 = vector.multi_reduction <add>, %mul3A_132, %reduce_sum3A_133 [1] : vector<117x300xf32> to vector<117xf32>
    %broadcast_in_dim3A_135 = vector.shape_cast %reduce_sum3A_134 : vector<117xf32> to vector<117x1xf32>
    %mul3A_136 = vector.broadcast %broadcast_in_dim3A_135 : vector<117x1xf32> to vector<117x300xf32>
    %mul3A_137 = arith.mulf %mul3A_136, %get3A_3 : vector<117x300xf32>
    %sub3A_138 = vector.broadcast %slice3A_130 : vector<1x300xf32> to vector<117x300xf32>
    %sub3A_139 = arith.subf %sub3A_138, %mul3A_137 : vector<117x300xf32>
    %swap3A_140 = arith.constant 5 : index
    %swap3A_141 = arith.constant 0 : index
    %swap3A_142 = arith.constant 0 : index
    %swap3A_143 = vector.load %arg5[%swap3A_140, %swap3A_141, %swap3A_142] : memref<24x117x300xf32, #tpu.memory_space<vmem>>, vector<1x117x300xf32>
    %swap3A_144 = vector.shape_cast %swap3A_143 : vector<1x117x300xf32> to vector<117x300xf32>
    %swap3A_145 = vector.shape_cast %sub3A_139 : vector<117x300xf32> to vector<1x117x300xf32>
    tpu.vector_store %arg5[%swap3A_140, %swap3A_141, %swap3A_142], %swap3A_145 {strides = array<i32>} : memref<24x117x300xf32, #tpu.memory_space<vmem>>, vector<1x117x300xf32>,
    %slice3A_146 = vector.extract_strided_slice %dot_general3A_52 {offsets = [6, 0], sizes = [1, 300], strides = [1, 1]} : vector<24x300xf32> to vector<1x300xf32>
    %mul3A_147 = vector.broadcast %slice3A_146 : vector<1x300xf32> to vector<117x300xf32>
    %mul3A_148 = arith.mulf %mul3A_147, %get3A_3 : vector<117x300xf32>
    %reduce_sum3A_149 = arith.constant dense<0.000000e+00> : vector<117xf32>
    %reduce_sum3A_150 = vector.multi_reduction <add>, %mul3A_148, %reduce_sum3A_149 [1] : vector<117x300xf32> to vector<117xf32>
    %broadcast_in_dim3A_151 = vector.shape_cast %reduce_sum3A_150 : vector<117xf32> to vector<117x1xf32>
    %mul3A_152 = vector.broadcast %broadcast_in_dim3A_151 : vector<117x1xf32> to vector<117x300xf32>
    %mul3A_153 = arith.mulf %mul3A_152, %get3A_3 : vector<117x300xf32>
    %sub3A_154 = vector.broadcast %slice3A_146 : vector<1x300xf32> to vector<117x300xf32>
    %sub3A_155 = arith.subf %sub3A_154, %mul3A_153 : vector<117x300xf32>
    %swap3A_156 = arith.constant 6 : index
    %swap3A_157 = arith.constant 0 : index
    %swap3A_158 = arith.constant 0 : index
    %swap3A_159 = vector.load %arg5[%swap3A_156, %swap3A_157, %swap3A_158] : memref<24x117x300xf32, #tpu.memory_space<vmem>>, vector<1x117x300xf32>
    %swap3A_160 = vector.shape_cast %swap3A_159 : vector<1x117x300xf32> to vector<117x300xf32>
    %swap3A_161 = vector.shape_cast %sub3A_155 : vector<117x300xf32> to vector<1x117x300xf32>
    tpu.vector_store %arg5[%swap3A_156, %swap3A_157, %swap3A_158], %swap3A_161 {strides = array<i32>} : memref<24x117x300xf32, #tpu.memory_space<vmem>>, vector<1x117x300xf32>,
    %slice3A_162 = vector.extract_strided_slice %dot_general3A_52 {offsets = [7, 0], sizes = [1, 300], strides = [1, 1]} : vector<24x300xf32> to vector<1x300xf32>
    %mul3A_163 = vector.broadcast %slice3A_162 : vector<1x300xf32> to vector<117x300xf32>
    %mul3A_164 = arith.mulf %mul3A_163, %get3A_3 : vector<117x300xf32>
    %reduce_sum3A_165 = arith.constant dense<0.000000e+00> : vector<117xf32>
    %reduce_sum3A_166 = vector.multi_reduction <add>, %mul3A_164, %reduce_sum3A_165 [1] : vector<117x300xf32> to vector<117xf32>
    %broadcast_in_dim3A_167 = vector.shape_cast %reduce_sum3A_166 : vector<117xf32> to vector<117x1xf32>
    %mul3A_168 = vector.broadcast %broadcast_in_dim3A_167 : vector<117x1xf32> to vector<117x300xf32>
    %mul3A_169 = arith.mulf %mul3A_168, %get3A_3 : vector<117x300xf32>
    %sub3A_170 = vector.broadcast %slice3A_162 : vector<1x300xf32> to vector<117x300xf32>
    %sub3A_171 = arith.subf %sub3A_170, %mul3A_169 : vector<117x300xf32>
    %swap3A_172 = arith.constant 7 : index
    %swap3A_173 = arith.constant 0 : index
    %swap3A_174 = arith.constant 0 : index
    %swap3A_175 = vector.load %arg5[%swap3A_172, %swap3A_173, %swap3A_174] : memref<24x117x300xf32, #tpu.memory_space<vmem>>, vector<1x117x300xf32>
    %swap3A_176 = vector.shape_cast %swap3A_175 : vector<1x117x300xf32> to vector<117x300xf32>
    %swap3A_177 = vector.shape_cast %sub3A_171 : vector<117x300xf32> to vector<1x117x300xf32>
    tpu.vector_store %arg5[%swap3A_172, %swap3A_173, %swap3A_174], %swap3A_177 {strides = array<i32>} : memref<24x117x300xf32, #tpu.memory_space<vmem>>, vector<1x117x300xf32>,
    %slice3A_178 = vector.extract_strided_slice %dot_general3A_52 {offsets = [8, 0], sizes = [1, 300], strides = [1, 1]} : vector<24x300xf32> to vector<1x300xf32>
    %mul3A_179 = vector.broadcast %slice3A_178 : vector<1x300xf32> to vector<117x300xf32>
    %mul3A_180 = arith.mulf %mul3A_179, %get3A_3 : vector<117x300xf32>
    %reduce_sum3A_181 = arith.constant dense<0.000000e+00> : vector<117xf32>
    %reduce_sum3A_182 = vector.multi_reduction <add>, %mul3A_180, %reduce_sum3A_181 [1] : vector<117x300xf32> to vector<117xf32>
    %broadcast_in_dim3A_183 = vector.shape_cast %reduce_sum3A_182 : vector<117xf32> to vector<117x1xf32>
    %mul3A_184 = vector.broadcast %broadcast_in_dim3A_183 : vector<117x1xf32> to vector<117x300xf32>
    %mul3A_185 = arith.mulf %mul3A_184, %get3A_3 : vector<117x300xf32>
    %sub3A_186 = vector.broadcast %slice3A_178 : vector<1x300xf32> to vector<117x300xf32>
    %sub3A_187 = arith.subf %sub3A_186, %mul3A_185 : vector<117x300xf32>
    %swap3A_188 = arith.constant 8 : index
    %swap3A_189 = arith.constant 0 : index
    %swap3A_190 = arith.constant 0 : index
    %swap3A_191 = vector.load %arg5[%swap3A_188, %swap3A_189, %swap3A_190] : memref<24x117x300xf32, #tpu.memory_space<vmem>>, vector<1x117x300xf32>
    %swap3A_192 = vector.shape_cast %swap3A_191 : vector<1x117x300xf32> to vector<117x300xf32>
    %swap3A_193 = vector.shape_cast %sub3A_187 : vector<117x300xf32> to vector<1x117x300xf32>
    tpu.vector_store %arg5[%swap3A_188, %swap3A_189, %swap3A_190], %swap3A_193 {strides = array<i32>} : memref<24x117x300xf32, #tpu.memory_space<vmem>>, vector<1x117x300xf32>,
    %slice3A_194 = vector.extract_strided_slice %dot_general3A_52 {offsets = [9, 0], sizes = [1, 300], strides = [1, 1]} : vector<24x300xf32> to vector<1x300xf32>
    %mul3A_195 = vector.broadcast %slice3A_194 : vector<1x300xf32> to vector<117x300xf32>
    %mul3A_196 = arith.mulf %mul3A_195, %get3A_3 : vector<117x300xf32>
    %reduce_sum3A_197 = arith.constant dense<0.000000e+00> : vector<117xf32>
    %reduce_sum3A_198 = vector.multi_reduction <add>, %mul3A_196, %reduce_sum3A_197 [1] : vector<117x300xf32> to vector<117xf32>
    %broadcast_in_dim3A_199 = vector.shape_cast %reduce_sum3A_198 : vector<117xf32> to vector<117x1xf32>
    %mul3A_200 = vector.broadcast %broadcast_in_dim3A_199 : vector<117x1xf32> to vector<117x300xf32>
    %mul3A_201 = arith.mulf %mul3A_200, %get3A_3 : vector<117x300xf32>
    %sub3A_202 = vector.broadcast %slice3A_194 : vector<1x300xf32> to vector<117x300xf32>
    %sub3A_203 = arith.subf %sub3A_202, %mul3A_201 : vector<117x300xf32>
    %swap3A_204 = arith.constant 9 : index
    %swap3A_205 = arith.constant 0 : index
    %swap3A_206 = arith.constant 0 : index
    %swap3A_207 = vector.load %arg5[%swap3A_204, %swap3A_205, %swap3A_206] : memref<24x117x300xf32, #tpu.memory_space<vmem>>, vector<1x117x300xf32>
    %swap3A_208 = vector.shape_cast %swap3A_207 : vector<1x117x300xf32> to vector<117x300xf32>
    %swap3A_209 = vector.shape_cast %sub3A_203 : vector<117x300xf32> to vector<1x117x300xf32>
    tpu.vector_store %arg5[%swap3A_204, %swap3A_205, %swap3A_206], %swap3A_209 {strides = array<i32>} : memref<24x117x300xf32, #tpu.memory_space<vmem>>, vector<1x117x300xf32>,
    %slice3A_210 = vector.extract_strided_slice %dot_general3A_52 {offsets = [10, 0], sizes = [1, 300], strides = [1, 1]} : vector<24x300xf32> to vector<1x300xf32>
    %mul3A_211 = vector.broadcast %slice3A_210 : vector<1x300xf32> to vector<117x300xf32>
    %mul3A_212 = arith.mulf %mul3A_211, %get3A_3 : vector<117x300xf32>
    %reduce_sum3A_213 = arith.constant dense<0.000000e+00> : vector<117xf32>
    %reduce_sum3A_214 = vector.multi_reduction <add>, %mul3A_212, %reduce_sum3A_213 [1] : vector<117x300xf32> to vector<117xf32>
    %broadcast_in_dim3A_215 = vector.shape_cast %reduce_sum3A_214 : vector<117xf32> to vector<117x1xf32>
    %mul3A_216 = vector.broadcast %broadcast_in_dim3A_215 : vector<117x1xf32> to vector<117x300xf32>
    %mul3A_217 = arith.mulf %mul3A_216, %get3A_3 : vector<117x300xf32>
    %sub3A_218 = vector.broadcast %slice3A_210 : vector<1x300xf32> to vector<117x300xf32>
    %sub3A_219 = arith.subf %sub3A_218, %mul3A_217 : vector<117x300xf32>
    %swap3A_220 = arith.constant 10 : index
    %swap3A_221 = arith.constant 0 : index
    %swap3A_222 = arith.constant 0 : index
    %swap3A_223 = vector.load %arg5[%swap3A_220, %swap3A_221, %swap3A_222] : memref<24x117x300xf32, #tpu.memory_space<vmem>>, vector<1x117x300xf32>
    %swap3A_224 = vector.shape_cast %swap3A_223 : vector<1x117x300xf32> to vector<117x300xf32>
    %swap3A_225 = vector.shape_cast %sub3A_219 : vector<117x300xf32> to vector<1x117x300xf32>
    tpu.vector_store %arg5[%swap3A_220, %swap3A_221, %swap3A_222], %swap3A_225 {strides = array<i32>} : memref<24x117x300xf32, #tpu.memory_space<vmem>>, vector<1x117x300xf32>,
    %slice3A_226 = vector.extract_strided_slice %dot_general3A_52 {offsets = [11, 0], sizes = [1, 300], strides = [1, 1]} : vector<24x300xf32> to vector<1x300xf32>
    %mul3A_227 = vector.broadcast %slice3A_226 : vector<1x300xf32> to vector<117x300xf32>
    %mul3A_228 = arith.mulf %mul3A_227, %get3A_3 : vector<117x300xf32>
    %reduce_sum3A_229 = arith.constant dense<0.000000e+00> : vector<117xf32>
    %reduce_sum3A_230 = vector.multi_reduction <add>, %mul3A_228, %reduce_sum3A_229 [1] : vector<117x300xf32> to vector<117xf32>
    %broadcast_in_dim3A_231 = vector.shape_cast %reduce_sum3A_230 : vector<117xf32> to vector<117x1xf32>
    %mul3A_232 = vector.broadcast %broadcast_in_dim3A_231 : vector<117x1xf32> to vector<117x300xf32>
    %mul3A_233 = arith.mulf %mul3A_232, %get3A_3 : vector<117x300xf32>
    %sub3A_234 = vector.broadcast %slice3A_226 : vector<1x300xf32> to vector<117x300xf32>
    %sub3A_235 = arith.subf %sub3A_234, %mul3A_233 : vector<117x300xf32>
    %swap3A_236 = arith.constant 11 : index
    %swap3A_237 = arith.constant 0 : index
    %swap3A_238 = arith.constant 0 : index
    %swap3A_239 = vector.load %arg5[%swap3A_236, %swap3A_237, %swap3A_238] : memref<24x117x300xf32, #tpu.memory_space<vmem>>, vector<1x117x300xf32>
    %swap3A_240 = vector.shape_cast %swap3A_239 : vector<1x117x300xf32> to vector<117x300xf32>
    %swap3A_241 = vector.shape_cast %sub3A_235 : vector<117x300xf32> to vector<1x117x300xf32>
    tpu.vector_store %arg5[%swap3A_236, %swap3A_237, %swap3A_238], %swap3A_241 {strides = array<i32>} : memref<24x117x300xf32, #tpu.memory_space<vmem>>, vector<1x117x300xf32>,
    %slice3A_242 = vector.extract_strided_slice %dot_general3A_52 {offsets = [12, 0], sizes = [1, 300], strides = [1, 1]} : vector<24x300xf32> to vector<1x300xf32>
    %mul3A_243 = vector.broadcast %slice3A_242 : vector<1x300xf32> to vector<117x300xf32>
    %mul3A_244 = arith.mulf %mul3A_243, %get3A_3 : vector<117x300xf32>
    %reduce_sum3A_245 = arith.constant dense<0.000000e+00> : vector<117xf32>
    %reduce_sum3A_246 = vector.multi_reduction <add>, %mul3A_244, %reduce_sum3A_245 [1] : vector<117x300xf32> to vector<117xf32>
    %broadcast_in_dim3A_247 = vector.shape_cast %reduce_sum3A_246 : vector<117xf32> to vector<117x1xf32>
    %mul3A_248 = vector.broadcast %broadcast_in_dim3A_247 : vector<117x1xf32> to vector<117x300xf32>
    %mul3A_249 = arith.mulf %mul3A_248, %get3A_3 : vector<117x300xf32>
    %sub3A_250 = vector.broadcast %slice3A_242 : vector<1x300xf32> to vector<117x300xf32>
    %sub3A_251 = arith.subf %sub3A_250, %mul3A_249 : vector<117x300xf32>
    %swap3A_252 = arith.constant 12 : index
    %swap3A_253 = arith.constant 0 : index
    %swap3A_254 = arith.constant 0 : index
    %swap3A_255 = vector.load %arg5[%swap3A_252, %swap3A_253, %swap3A_254] : memref<24x117x300xf32, #tpu.memory_space<vmem>>, vector<1x117x300xf32>
    %swap3A_256 = vector.shape_cast %swap3A_255 : vector<1x117x300xf32> to vector<117x300xf32>
    %swap3A_257 = vector.shape_cast %sub3A_251 : vector<117x300xf32> to vector<1x117x300xf32>
    tpu.vector_store %arg5[%swap3A_252, %swap3A_253, %swap3A_254], %swap3A_257 {strides = array<i32>} : memref<24x117x300xf32, #tpu.memory_space<vmem>>, vector<1x117x300xf32>,
    %slice3A_258 = vector.extract_strided_slice %dot_general3A_52 {offsets = [13, 0], sizes = [1, 300], strides = [1, 1]} : vector<24x300xf32> to vector<1x300xf32>
    %mul3A_259 = vector.broadcast %slice3A_258 : vector<1x300xf32> to vector<117x300xf32>
    %mul3A_260 = arith.mulf %mul3A_259, %get3A_3 : vector<117x300xf32>
    %reduce_sum3A_261 = arith.constant dense<0.000000e+00> : vector<117xf32>
    %reduce_sum3A_262 = vector.multi_reduction <add>, %mul3A_260, %reduce_sum3A_261 [1] : vector<117x300xf32> to vector<117xf32>
    %broadcast_in_dim3A_263 = vector.shape_cast %reduce_sum3A_262 : vector<117xf32> to vector<117x1xf32>
    %mul3A_264 = vector.broadcast %broadcast_in_dim3A_263 : vector<117x1xf32> to vector<117x300xf32>
    %mul3A_265 = arith.mulf %mul3A_264, %get3A_3 : vector<117x300xf32>
    %sub3A_266 = vector.broadcast %slice3A_258 : vector<1x300xf32> to vector<117x300xf32>
    %sub3A_267 = arith.subf %sub3A_266, %mul3A_265 : vector<117x300xf32>
    %swap3A_268 = arith.constant 13 : index
    %swap3A_269 = arith.constant 0 : index
    %swap3A_270 = arith.constant 0 : index
    %swap3A_271 = vector.load %arg5[%swap3A_268, %swap3A_269, %swap3A_270] : memref<24x117x300xf32, #tpu.memory_space<vmem>>, vector<1x117x300xf32>
    %swap3A_272 = vector.shape_cast %swap3A_271 : vector<1x117x300xf32> to vector<117x300xf32>
    %swap3A_273 = vector.shape_cast %sub3A_267 : vector<117x300xf32> to vector<1x117x300xf32>
    tpu.vector_store %arg5[%swap3A_268, %swap3A_269, %swap3A_270], %swap3A_273 {strides = array<i32>} : memref<24x117x300xf32, #tpu.memory_space<vmem>>, vector<1x117x300xf32>,
    %slice3A_274 = vector.extract_strided_slice %dot_general3A_52 {offsets = [14, 0], sizes = [1, 300], strides = [1, 1]} : vector<24x300xf32> to vector<1x300xf32>
    %mul3A_275 = vector.broadcast %slice3A_274 : vector<1x300xf32> to vector<117x300xf32>
    %mul3A_276 = arith.mulf %mul3A_275, %get3A_3 : vector<117x300xf32>
    %reduce_sum3A_277 = arith.constant dense<0.000000e+00> : vector<117xf32>
    %reduce_sum3A_278 = vector.multi_reduction <add>, %mul3A_276, %reduce_sum3A_277 [1] : vector<117x300xf32> to vector<117xf32>
    %broadcast_in_dim3A_279 = vector.shape_cast %reduce_sum3A_278 : vector<117xf32> to vector<117x1xf32>
    %mul3A_280 = vector.broadcast %broadcast_in_dim3A_279 : vector<117x1xf32> to vector<117x300xf32>
    %mul3A_281 = arith.mulf %mul3A_280, %get3A_3 : vector<117x300xf32>
    %sub3A_282 = vector.broadcast %slice3A_274 : vector<1x300xf32> to vector<117x300xf32>
    %sub3A_283 = arith.subf %sub3A_282, %mul3A_281 : vector<117x300xf32>
    %swap3A_284 = arith.constant 14 : index
    %swap3A_285 = arith.constant 0 : index
    %swap3A_286 = arith.constant 0 : index
    %swap3A_287 = vector.load %arg5[%swap3A_284, %swap3A_285, %swap3A_286] : memref<24x117x300xf32, #tpu.memory_space<vmem>>, vector<1x117x300xf32>
    %swap3A_288 = vector.shape_cast %swap3A_287 : vector<1x117x300xf32> to vector<117x300xf32>
    %swap3A_289 = vector.shape_cast %sub3A_283 : vector<117x300xf32> to vector<1x117x300xf32>
    tpu.vector_store %arg5[%swap3A_284, %swap3A_285, %swap3A_286], %swap3A_289 {strides = array<i32>} : memref<24x117x300xf32, #tpu.memory_space<vmem>>, vector<1x117x300xf32>,
    %slice3A_290 = vector.extract_strided_slice %dot_general3A_52 {offsets = [15, 0], sizes = [1, 300], strides = [1, 1]} : vector<24x300xf32> to vector<1x300xf32>
    %mul3A_291 = vector.broadcast %slice3A_290 : vector<1x300xf32> to vector<117x300xf32>
    %mul3A_292 = arith.mulf %mul3A_291, %get3A_3 : vector<117x300xf32>
    %reduce_sum3A_293 = arith.constant dense<0.000000e+00> : vector<117xf32>
    %reduce_sum3A_294 = vector.multi_reduction <add>, %mul3A_292, %reduce_sum3A_293 [1] : vector<117x300xf32> to vector<117xf32>
    %broadcast_in_dim3A_295 = vector.shape_cast %reduce_sum3A_294 : vector<117xf32> to vector<117x1xf32>
    %mul3A_296 = vector.broadcast %broadcast_in_dim3A_295 : vector<117x1xf32> to vector<117x300xf32>
    %mul3A_297 = arith.mulf %mul3A_296, %get3A_3 : vector<117x300xf32>
    %sub3A_298 = vector.broadcast %slice3A_290 : vector<1x300xf32> to vector<117x300xf32>
    %sub3A_299 = arith.subf %sub3A_298, %mul3A_297 : vector<117x300xf32>
    %swap3A_300 = arith.constant 15 : index
    %swap3A_301 = arith.constant 0 : index
    %swap3A_302 = arith.constant 0 : index
    %swap3A_303 = vector.load %arg5[%swap3A_300, %swap3A_301, %swap3A_302] : memref<24x117x300xf32, #tpu.memory_space<vmem>>, vector<1x117x300xf32>
    %swap3A_304 = vector.shape_cast %swap3A_303 : vector<1x117x300xf32> to vector<117x300xf32>
    %swap3A_305 = vector.shape_cast %sub3A_299 : vector<117x300xf32> to vector<1x117x300xf32>
    tpu.vector_store %arg5[%swap3A_300, %swap3A_301, %swap3A_302], %swap3A_305 {strides = array<i32>} : memref<24x117x300xf32, #tpu.memory_space<vmem>>, vector<1x117x300xf32>,
    %slice3A_306 = vector.extract_strided_slice %dot_general3A_52 {offsets = [16, 0], sizes = [1, 300], strides = [1, 1]} : vector<24x300xf32> to vector<1x300xf32>
    %mul3A_307 = vector.broadcast %slice3A_306 : vector<1x300xf32> to vector<117x300xf32>
    %mul3A_308 = arith.mulf %mul3A_307, %get3A_3 : vector<117x300xf32>
    %reduce_sum3A_309 = arith.constant dense<0.000000e+00> : vector<117xf32>
    %reduce_sum3A_310 = vector.multi_reduction <add>, %mul3A_308, %reduce_sum3A_309 [1] : vector<117x300xf32> to vector<117xf32>
    %broadcast_in_dim3A_311 = vector.shape_cast %reduce_sum3A_310 : vector<117xf32> to vector<117x1xf32>
    %mul3A_312 = vector.broadcast %broadcast_in_dim3A_311 : vector<117x1xf32> to vector<117x300xf32>
    %mul3A_313 = arith.mulf %mul3A_312, %get3A_3 : vector<117x300xf32>
    %sub3A_314 = vector.broadcast %slice3A_306 : vector<1x300xf32> to vector<117x300xf32>
    %sub3A_315 = arith.subf %sub3A_314, %mul3A_313 : vector<117x300xf32>
    %swap3A_316 = arith.constant 16 : index
    %swap3A_317 = arith.constant 0 : index
    %swap3A_318 = arith.constant 0 : index
    %swap3A_319 = vector.load %arg5[%swap3A_316, %swap3A_317, %swap3A_318] : memref<24x117x300xf32, #tpu.memory_space<vmem>>, vector<1x117x300xf32>
    %swap3A_320 = vector.shape_cast %swap3A_319 : vector<1x117x300xf32> to vector<117x300xf32>
    %swap3A_321 = vector.shape_cast %sub3A_315 : vector<117x300xf32> to vector<1x117x300xf32>
    tpu.vector_store %arg5[%swap3A_316, %swap3A_317, %swap3A_318], %swap3A_321 {strides = array<i32>} : memref<24x117x300xf32, #tpu.memory_space<vmem>>, vector<1x117x300xf32>,
    %slice3A_322 = vector.extract_strided_slice %dot_general3A_52 {offsets = [17, 0], sizes = [1, 300], strides = [1, 1]} : vector<24x300xf32> to vector<1x300xf32>
    %mul3A_323 = vector.broadcast %slice3A_322 : vector<1x300xf32> to vector<117x300xf32>
    %mul3A_324 = arith.mulf %mul3A_323, %get3A_3 : vector<117x300xf32>
    %reduce_sum3A_325 = arith.constant dense<0.000000e+00> : vector<117xf32>
    %reduce_sum3A_326 = vector.multi_reduction <add>, %mul3A_324, %reduce_sum3A_325 [1] : vector<117x300xf32> to vector<117xf32>
    %broadcast_in_dim3A_327 = vector.shape_cast %reduce_sum3A_326 : vector<117xf32> to vector<117x1xf32>
    %mul3A_328 = vector.broadcast %broadcast_in_dim3A_327 : vector<117x1xf32> to vector<117x300xf32>
    %mul3A_329 = arith.mulf %mul3A_328, %get3A_3 : vector<117x300xf32>
    %sub3A_330 = vector.broadcast %slice3A_322 : vector<1x300xf32> to vector<117x300xf32>
    %sub3A_331 = arith.subf %sub3A_330, %mul3A_329 : vector<117x300xf32>
    %swap3A_332 = arith.constant 17 : index
    %swap3A_333 = arith.constant 0 : index
    %swap3A_334 = arith.constant 0 : index
    %swap3A_335 = vector.load %arg5[%swap3A_332, %swap3A_333, %swap3A_334] : memref<24x117x300xf32, #tpu.memory_space<vmem>>, vector<1x117x300xf32>
    %swap3A_336 = vector.shape_cast %swap3A_335 : vector<1x117x300xf32> to vector<117x300xf32>
    %swap3A_337 = vector.shape_cast %sub3A_331 : vector<117x300xf32> to vector<1x117x300xf32>
    tpu.vector_store %arg5[%swap3A_332, %swap3A_333, %swap3A_334], %swap3A_337 {strides = array<i32>} : memref<24x117x300xf32, #tpu.memory_space<vmem>>, vector<1x117x300xf32>,
    %slice3A_338 = vector.extract_strided_slice %dot_general3A_52 {offsets = [18, 0], sizes = [1, 300], strides = [1, 1]} : vector<24x300xf32> to vector<1x300xf32>
    %mul3A_339 = vector.broadcast %slice3A_338 : vector<1x300xf32> to vector<117x300xf32>
    %mul3A_340 = arith.mulf %mul3A_339, %get3A_3 : vector<117x300xf32>
    %reduce_sum3A_341 = arith.constant dense<0.000000e+00> : vector<117xf32>
    %reduce_sum3A_342 = vector.multi_reduction <add>, %mul3A_340, %reduce_sum3A_341 [1] : vector<117x300xf32> to vector<117xf32>
    %broadcast_in_dim3A_343 = vector.shape_cast %reduce_sum3A_342 : vector<117xf32> to vector<117x1xf32>
    %mul3A_344 = vector.broadcast %broadcast_in_dim3A_343 : vector<117x1xf32> to vector<117x300xf32>
    %mul3A_345 = arith.mulf %mul3A_344, %get3A_3 : vector<117x300xf32>
    %sub3A_346 = vector.broadcast %slice3A_338 : vector<1x300xf32> to vector<117x300xf32>
    %sub3A_347 = arith.subf %sub3A_346, %mul3A_345 : vector<117x300xf32>
    %swap3A_348 = arith.constant 18 : index
    %swap3A_349 = arith.constant 0 : index
    %swap3A_350 = arith.constant 0 : index
    %swap3A_351 = vector.load %arg5[%swap3A_348, %swap3A_349, %swap3A_350] : memref<24x117x300xf32, #tpu.memory_space<vmem>>, vector<1x117x300xf32>
    %swap3A_352 = vector.shape_cast %swap3A_351 : vector<1x117x300xf32> to vector<117x300xf32>
    %swap3A_353 = vector.shape_cast %sub3A_347 : vector<117x300xf32> to vector<1x117x300xf32>
    tpu.vector_store %arg5[%swap3A_348, %swap3A_349, %swap3A_350], %swap3A_353 {strides = array<i32>} : memref<24x117x300xf32, #tpu.memory_space<vmem>>, vector<1x117x300xf32>,
    %slice3A_354 = vector.extract_strided_slice %dot_general3A_52 {offsets = [19, 0], sizes = [1, 300], strides = [1, 1]} : vector<24x300xf32> to vector<1x300xf32>
    %mul3A_355 = vector.broadcast %slice3A_354 : vector<1x300xf32> to vector<117x300xf32>
    %mul3A_356 = arith.mulf %mul3A_355, %get3A_3 : vector<117x300xf32>
    %reduce_sum3A_357 = arith.constant dense<0.000000e+00> : vector<117xf32>
    %reduce_sum3A_358 = vector.multi_reduction <add>, %mul3A_356, %reduce_sum3A_357 [1] : vector<117x300xf32> to vector<117xf32>
    %broadcast_in_dim3A_359 = vector.shape_cast %reduce_sum3A_358 : vector<117xf32> to vector<117x1xf32>
    %mul3A_360 = vector.broadcast %broadcast_in_dim3A_359 : vector<117x1xf32> to vector<117x300xf32>
    %mul3A_361 = arith.mulf %mul3A_360, %get3A_3 : vector<117x300xf32>
    %sub3A_362 = vector.broadcast %slice3A_354 : vector<1x300xf32> to vector<117x300xf32>
    %sub3A_363 = arith.subf %sub3A_362, %mul3A_361 : vector<117x300xf32>
    %swap3A_364 = arith.constant 19 : index
    %swap3A_365 = arith.constant 0 : index
    %swap3A_366 = arith.constant 0 : index
    %swap3A_367 = vector.load %arg5[%swap3A_364, %swap3A_365, %swap3A_366] : memref<24x117x300xf32, #tpu.memory_space<vmem>>, vector<1x117x300xf32>
    %swap3A_368 = vector.shape_cast %swap3A_367 : vector<1x117x300xf32> to vector<117x300xf32>
    %swap3A_369 = vector.shape_cast %sub3A_363 : vector<117x300xf32> to vector<1x117x300xf32>
    tpu.vector_store %arg5[%swap3A_364, %swap3A_365, %swap3A_366], %swap3A_369 {strides = array<i32>} : memref<24x117x300xf32, #tpu.memory_space<vmem>>, vector<1x117x300xf32>,
    %slice3A_370 = vector.extract_strided_slice %dot_general3A_52 {offsets = [20, 0], sizes = [1, 300], strides = [1, 1]} : vector<24x300xf32> to vector<1x300xf32>
    %mul3A_371 = vector.broadcast %slice3A_370 : vector<1x300xf32> to vector<117x300xf32>
    %mul3A_372 = arith.mulf %mul3A_371, %get3A_3 : vector<117x300xf32>
    %reduce_sum3A_373 = arith.constant dense<0.000000e+00> : vector<117xf32>
    %reduce_sum3A_374 = vector.multi_reduction <add>, %mul3A_372, %reduce_sum3A_373 [1] : vector<117x300xf32> to vector<117xf32>
    %broadcast_in_dim3A_375 = vector.shape_cast %reduce_sum3A_374 : vector<117xf32> to vector<117x1xf32>
    %mul3A_376 = vector.broadcast %broadcast_in_dim3A_375 : vector<117x1xf32> to vector<117x300xf32>
    %mul3A_377 = arith.mulf %mul3A_376, %get3A_3 : vector<117x300xf32>
    %sub3A_378 = vector.broadcast %slice3A_370 : vector<1x300xf32> to vector<117x300xf32>
    %sub3A_379 = arith.subf %sub3A_378, %mul3A_377 : vector<117x300xf32>
    %swap3A_380 = arith.constant 20 : index
    %swap3A_381 = arith.constant 0 : index
    %swap3A_382 = arith.constant 0 : index
    %swap3A_383 = vector.load %arg5[%swap3A_380, %swap3A_381, %swap3A_382] : memref<24x117x300xf32, #tpu.memory_space<vmem>>, vector<1x117x300xf32>
    %swap3A_384 = vector.shape_cast %swap3A_383 : vector<1x117x300xf32> to vector<117x300xf32>
    %swap3A_385 = vector.shape_cast %sub3A_379 : vector<117x300xf32> to vector<1x117x300xf32>
    tpu.vector_store %arg5[%swap3A_380, %swap3A_381, %swap3A_382], %swap3A_385 {strides = array<i32>} : memref<24x117x300xf32, #tpu.memory_space<vmem>>, vector<1x117x300xf32>,
    %slice3A_386 = vector.extract_strided_slice %dot_general3A_52 {offsets = [21, 0], sizes = [1, 300], strides = [1, 1]} : vector<24x300xf32> to vector<1x300xf32>
    %mul3A_387 = vector.broadcast %slice3A_386 : vector<1x300xf32> to vector<117x300xf32>
    %mul3A_388 = arith.mulf %mul3A_387, %get3A_3 : vector<117x300xf32>
    %reduce_sum3A_389 = arith.constant dense<0.000000e+00> : vector<117xf32>
    %reduce_sum3A_390 = vector.multi_reduction <add>, %mul3A_388, %reduce_sum3A_389 [1] : vector<117x300xf32> to vector<117xf32>
    %broadcast_in_dim3A_391 = vector.shape_cast %reduce_sum3A_390 : vector<117xf32> to vector<117x1xf32>
    %mul3A_392 = vector.broadcast %broadcast_in_dim3A_391 : vector<117x1xf32> to vector<117x300xf32>
    %mul3A_393 = arith.mulf %mul3A_392, %get3A_3 : vector<117x300xf32>
    %sub3A_394 = vector.broadcast %slice3A_386 : vector<1x300xf32> to vector<117x300xf32>
    %sub3A_395 = arith.subf %sub3A_394, %mul3A_393 : vector<117x300xf32>
    %swap3A_396 = arith.constant 21 : index
    %swap3A_397 = arith.constant 0 : index
    %swap3A_398 = arith.constant 0 : index
    %swap3A_399 = vector.load %arg5[%swap3A_396, %swap3A_397, %swap3A_398] : memref<24x117x300xf32, #tpu.memory_space<vmem>>, vector<1x117x300xf32>
    %swap3A_400 = vector.shape_cast %swap3A_399 : vector<1x117x300xf32> to vector<117x300xf32>
    %swap3A_401 = vector.shape_cast %sub3A_395 : vector<117x300xf32> to vector<1x117x300xf32>
    tpu.vector_store %arg5[%swap3A_396, %swap3A_397, %swap3A_398], %swap3A_401 {strides = array<i32>} : memref<24x117x300xf32, #tpu.memory_space<vmem>>, vector<1x117x300xf32>,
    %slice3A_402 = vector.extract_strided_slice %dot_general3A_52 {offsets = [22, 0], sizes = [1, 300], strides = [1, 1]} : vector<24x300xf32> to vector<1x300xf32>
    %mul3A_403 = vector.broadcast %slice3A_402 : vector<1x300xf32> to vector<117x300xf32>
    %mul3A_404 = arith.mulf %mul3A_403, %get3A_3 : vector<117x300xf32>
    %reduce_sum3A_405 = arith.constant dense<0.000000e+00> : vector<117xf32>
    %reduce_sum3A_406 = vector.multi_reduction <add>, %mul3A_404, %reduce_sum3A_405 [1] : vector<117x300xf32> to vector<117xf32>
    %broadcast_in_dim3A_407 = vector.shape_cast %reduce_sum3A_406 : vector<117xf32> to vector<117x1xf32>
    %mul3A_408 = vector.broadcast %broadcast_in_dim3A_407 : vector<117x1xf32> to vector<117x300xf32>
    %mul3A_409 = arith.mulf %mul3A_408, %get3A_3 : vector<117x300xf32>
    %sub3A_410 = vector.broadcast %slice3A_402 : vector<1x300xf32> to vector<117x300xf32>
    %sub3A_411 = arith.subf %sub3A_410, %mul3A_409 : vector<117x300xf32>
    %swap3A_412 = arith.constant 22 : index
    %swap3A_413 = arith.constant 0 : index
    %swap3A_414 = arith.constant 0 : index
    %swap3A_415 = vector.load %arg5[%swap3A_412, %swap3A_413, %swap3A_414] : memref<24x117x300xf32, #tpu.memory_space<vmem>>, vector<1x117x300xf32>
    %swap3A_416 = vector.shape_cast %swap3A_415 : vector<1x117x300xf32> to vector<117x300xf32>
    %swap3A_417 = vector.shape_cast %sub3A_411 : vector<117x300xf32> to vector<1x117x300xf32>
    tpu.vector_store %arg5[%swap3A_412, %swap3A_413, %swap3A_414], %swap3A_417 {strides = array<i32>} : memref<24x117x300xf32, #tpu.memory_space<vmem>>, vector<1x117x300xf32>,
    %slice3A_418 = vector.extract_strided_slice %dot_general3A_52 {offsets = [23, 0], sizes = [1, 300], strides = [1, 1]} : vector<24x300xf32> to vector<1x300xf32>
    %mul3A_419 = vector.broadcast %slice3A_418 : vector<1x300xf32> to vector<117x300xf32>
    %mul3A_420 = arith.mulf %mul3A_419, %get3A_3 : vector<117x300xf32>
    %reduce_sum3A_421 = arith.constant dense<0.000000e+00> : vector<117xf32>
    %reduce_sum3A_422 = vector.multi_reduction <add>, %mul3A_420, %reduce_sum3A_421 [1] : vector<117x300xf32> to vector<117xf32>
    %broadcast_in_dim3A_423 = vector.shape_cast %reduce_sum3A_422 : vector<117xf32> to vector<117x1xf32>
    %mul3A_424 = vector.broadcast %broadcast_in_dim3A_423 : vector<117x1xf32> to vector<117x300xf32>
    %mul3A_425 = arith.mulf %mul3A_424, %get3A_3 : vector<117x300xf32>
    %sub3A_426 = vector.broadcast %slice3A_418 : vector<1x300xf32> to vector<117x300xf32>
    %sub3A_427 = arith.subf %sub3A_426, %mul3A_425 : vector<117x300xf32>
    %swap3A_428 = arith.constant 23 : index
    %swap3A_429 = arith.constant 0 : index
    %swap3A_430 = arith.constant 0 : index
    %swap3A_431 = vector.load %arg5[%swap3A_428, %swap3A_429, %swap3A_430] : memref<24x117x300xf32, #tpu.memory_space<vmem>>, vector<1x117x300xf32>
    %swap3A_432 = vector.shape_cast %swap3A_431 : vector<1x117x300xf32> to vector<117x300xf32>
    %swap3A_433 = vector.shape_cast %sub3A_427 : vector<117x300xf32> to vector<1x117x300xf32>
    tpu.vector_store %arg5[%swap3A_428, %swap3A_429, %swap3A_430], %swap3A_433 {strides = array<i32>} : memref<24x117x300xf32, #tpu.memory_space<vmem>>, vector<1x117x300xf32>,
    return
  }
  func.func @transform_0(%arg0: i32) -> (i32, i32) {
    %c0_i32 = arith.constant 0 : i32
    %c0_i32_0 = arith.constant 0 : i32
    %c0_i32_1 = arith.constant 0 : i32
    return %c0_i32, %c0_i32_0 : i32, i32
  }
  func.func @transform_1(%arg0: i32) -> (i32, i32) {
    %c0_i32 = arith.constant 0 : i32
    %c0_i32_0 = arith.constant 0 : i32
    %c0_i32_1 = arith.constant 0 : i32
    return %c0_i32, %c0_i32_0 : i32, i32
  }
  func.func @transform_2(%arg0: i32) -> (i32, i32) {
    %c0_i32 = arith.constant 0 : i32
    %c0_i32_0 = arith.constant 0 : i32
    %c0_i32_1 = arith.constant 0 : i32
    return %c0_i32, %c0_i32_0 : i32, i32
  }
  func.func @transform_3(%arg0: i32) -> (i32, i32) {
    %c0_i32 = arith.constant 0 : i32
    %c0_i32_0 = arith.constant 0 : i32
    %c0_i32_1 = arith.constant 0 : i32
    return %c0_i32, %c0_i32_0 : i32, i32
  }
  func.func @transform_4(%arg0: i32) -> (i32, i32, i32) {
    %c0_i32 = arith.constant 0 : i32
    %c0_i32_0 = arith.constant 0 : i32
    %c0_i32_1 = arith.constant 0 : i32
    return %arg0, %c0_i32, %c0_i32_0 : i32, i32, i32
  }
  func.func @transform_5(%arg0: i32) -> (i32, i32) {
    %c0_i32 = arith.constant 0 : i32
    %c0_i32_0 = arith.constant 0 : i32
    return %arg0, %c0_i32 : i32, i32
  }
}

</mosaic_0001>

<sc_bundles>
// kernel: kernel.5.cloned.1.call-start
scs
__scs_entry_jumppad:
0x0: {  	(pc) =	sbr.rel $0x88, $3  }
0x1: {  	(tag) =	ssettag $0x0;
	lr =	simm.s32 $0x1  }
0x2: {  	[smem:$0x3F9D] =	sst lr;
	_ =	strace $0xD0000000  }
0x3: {  	_ = 	snop  }
0x4: {  	_ = 	snop  }
0x5: {  	_ = 	snop  }
0x6: {  	_ = 	snop  }
0x7: {  	_ = 	snop  }
__scs_overlays_trampoline_lowered:
0x8: {  	[smem:$0x3FAC] =	sst s0  }
0x9: {  	[smem:$0x3FAD] =	sst s1  }
0xa: {  	[smem:$0x3FAE] =	sst s2  }
0xb: {  	[smem:$0x3FAF] =	sst s3  }
0xc: {  	[smem:$0x3FB0] =	sst s4  }
0xd: {  	[smem:$0x3FB1] =	sst s5  }
0xe: {  	[smem:$0x3FB2] =	sst s6  }
0xf: {  	[smem:$0x3FB3] =	sst s7  }
0x10: {  	[smem:$0x3FB4] =	sst s8  }
0x11: {  	[smem:$0x3FB5] =	sst s9;
	s0 =	simm.s32 @!p0 $0x0  }
0x12: {  	s1 =	sld [smem:$0x3F9B];
	s0 =	simm.s32 @p0 $0x1  }
0x13: {  	[smem:$0x3FB6] =	sst s0;
	s0 =	simm.s32 @!p1 $0x0  }
0x14: {  	s2 =	sld [smem:$0x3F9A];
	s0 =	simm.s32 @p1 $0x1  }
0x15: {  	[smem:$0x3FB7] =	sst s0;
	s0 =	simm.s32 @!p2 $0x0  }
0x16: {  	s3 =	sld [smem:$0x3FDB];
	s0 =	simm.s32 @p2 $0x1  }
0x17: {  	s4 =	simm.s32 $0x1BF5;
	[smem:$0x3FB9] =	sst s0  }
0x18: {  	s0 =	sld [smem:$0x3F9C];
	_ =	swait.ge [sflag:s4], $0x0  }
0x19: {  	s7 =	sld [smem:$0x3F9D]  }
0x1a: {  	s8 =	sadd.s32 $0xFFFFE003, lr  }
0x1b: {  	s9 =	sadd.s32 $0xFFFFFEF7, lr;
	s5 =	simm.s32 $0xFFFFFFFF;
	p2 =	slt.u32 s8, $0xFFFFF086  }
0x1c: {  	p1 =	slt.u32 s9, $0xF7A;
	s5 =	simm.s32 @!p2 $0x0  }
0x1d: {  	s5 =	simm.s32 @p1 $0x1;
	p0 =	seq.s32 s7, s2  }
0x1e: {  	s7 =	smul.u32 @!p0 $0xF7A, s2;
	p2 =	seq.s32 @!p0 s5, $0x0  }
0x1f: {  	s9 =	smul.u32 $0xF7A, s1;
	s8 =	simm.s32 @!p0 $0x1BF5;
	p2 =	por !p2, p0  }
0x20: {  	[sflag:s8] =	ssyncset.s32 @!p0 $0xFFFFF086;
	s6 =	sadd.s32 @!p0 s3, s7;
	s7 =	simm.s32 @!p0 $0x108  }
0x21: {  	s3 =	sadd.s32 s3, s9;
	s6 =	sadd.s32 @!p0 $0x88, s6;
	s7 =	simm.s32 @p2 $0x1082  }
0x22: {  	[simem:s7], [sflag:s8] =	dma.local @!p0 [hbm:s6], $0xF7A  }
0x23: {  	s9 =	sor.u32 $0xD0000000, s2;
	s6 =	simm.s32 $0x108;
	_ =	swait.ge @!p0 [sflag:s8], $0x0  }
0x24: {  	s3 =	sadd.s32 $0x88, s3;
	s6 =	simm.s32 @!p1 $0x1082;
	[sflag:s4] =	ssyncset.s32 $0xFFFFF086  }
0x25: {  	[simem:s6], [sflag:s4] =	dma.local [hbm:s3], $0xF7A  }
0x26: {  	[smem:$0x3F9D] =	sst s1;
	(tag) =	ssettag s2;
	_ =	strace s9  }
0x27: {  	s1 =	sld [smem:$0x3FAD]  }
0x28: {  	s2 =	sld [smem:$0x3FAE]  }
0x29: {  	s4 =	sld [smem:$0x3FB0]  }
0x2a: {  	p0 =	seq.s32 s5, $0x0;
	s5 =	sld [smem:$0x3FB1]  }
0x2b: {  	s6 =	sld [smem:$0x3FB2]  }
0x2c: {  	s7 =	sld [smem:$0x3FB3]  }
0x2d: {  	s3 =	simm.s32 $0x108;
	s8 =	sld [smem:$0x3FB4]  }
0x2e: {  	s3 =	simm.s32 @!p0 $0x1082;
	s9 =	sld [smem:$0x3FB5]  }
0x2f: {  	lr =	sadd.s32 s0, s3;
	s0 =	sld [smem:$0x3FAC]  }
0x30: {  	s3 =	sld [smem:$0x3FAF]  }
0x31: {  	[smem:$0x3FB8] =	sst s10  }
0x32: {  	s10 =	sld [smem:$0x3FB6];
	_ =	sdelay $0x3  }
0x33: {  	p0 =	seq.s32 s10, $0x1;
	s10 =	sld [smem:$0x3FB8];
	_ =	sdelay $0x3  }
0x34: {  	[smem:$0x3FB8] =	sst s10  }
0x35: {  	s10 =	sld [smem:$0x3FB7];
	_ =	sdelay $0x3  }
0x36: {  	p1 =	seq.s32 s10, $0x1;
	s10 =	sld [smem:$0x3FB8];
	_ =	sdelay $0x3  }
0x37: {  	[smem:$0x3FB8] =	sst s10  }
0x38: {  	s10 =	sld [smem:$0x3FB9]  }
0x39: {  	_ = 	snop;
	(pc) =	sbr.ind lr, $3  }
0x3a: {  	_ = 	snop  }
0x3b: {  	_ = 	snop  }
0x3c: {  	p2 =	seq.s32 s10, $0x1;
	s10 =	sld [smem:$0x3FB8]  }
0x3d: {  	_ =	shalt  }
0x3e: {  	_ =	shalt  }
0x3f: {  	_ =	shalt  }
0x40: {  	_ =	shalt  }
0x41: {  	_ =	shalt  }
0x42: {  	_ =	shalt  }
0x43: {  	_ =	shalt  }
0x44: {  	_ =	shalt  }
0x45: {  	_ =	shalt  }
0x46: {  	_ =	shalt  }
0x47: {  	_ =	shalt  }
0x48: {  	_ =	shalt  }
0x49: {  	_ =	shalt  }
0x4a: {  	_ =	shalt  }
0x4b: {  	_ =	shalt  }
0x4c: {  	_ =	shalt  }
0x4d: {  	_ =	shalt  }
0x4e: {  	_ =	shalt  }
0x4f: {  	_ =	shalt  }
0x50: {  	_ =	shalt  }
0x51: {  	_ =	shalt  }
0x52: {  	_ =	shalt  }
0x53: {  	_ =	shalt  }
0x54: {  	_ =	shalt  }
0x55: {  	_ =	shalt  }
0x56: {  	_ =	shalt  }
0x57: {  	_ =	shalt  }
0x58: {  	_ =	shalt  }
0x59: {  	_ =	shalt  }
0x5a: {  	_ =	shalt  }
0x5b: {  	_ =	shalt  }
0x5c: {  	_ =	shalt  }
0x5d: {  	_ =	shalt  }
0x5e: {  	_ =	shalt  }
0x5f: {  	_ =	shalt  }
0x60: {  	_ =	shalt  }
0x61: {  	_ =	shalt  }
0x62: {  	_ =	shalt  }
0x63: {  	_ =	shalt  }
0x64: {  	_ =	shalt  }
0x65: {  	_ =	shalt  }
0x66: {  	_ =	shalt  }
0x67: {  	_ =	shalt  }
0x68: {  	_ =	shalt  }
0x69: {  	_ =	shalt  }
0x6a: {  	_ =	shalt  }
0x6b: {  	_ =	shalt  }
0x6c: {  	_ =	shalt  }
0x6d: {  	_ =	shalt  }
0x6e: {  	_ =	shalt  }
0x6f: {  	_ =	shalt  }
0x70: {  	_ =	shalt  }
0x71: {  	_ =	shalt  }
0x72: {  	_ =	shalt  }
0x73: {  	_ =	shalt  }
0x74: {  	_ =	shalt  }
0x75: {  	_ =	shalt  }
0x76: {  	_ =	shalt  }
0x77: {  	_ =	shalt  }
0x78: {  	_ =	shalt  }
0x79: {  	_ =	shalt  }
0x7a: {  	_ =	shalt  }
0x7b: {  	_ =	shalt  }
0x7c: {  	_ =	shalt  }
0x7d: {  	_ =	shalt  }
0x7e: {  	_ =	shalt  }
0x7f: {  	_ =	shalt  }
0x80: {  	_ =	shalt  }
0x81: {  	_ =	shalt  }
0x82: {  	_ =	shalt  }
0x83: {  	_ =	shalt  }
0x84: {  	_ =	shalt  }
0x85: {  	_ =	shalt  }
0x86: {  	_ =	shalt  }
0x87: {  	_ =	shalt  }
.Lfunc_end0:
.L_simem_size_0:
called_computation_lowered:
.L_overlay_start_0:
0x88: {  	s2 =	sld [smem:$0x3FD9]  }
0x89: {  	s3 =	sld [smem:$0x3FFE];
	_ =	sdelay $0x1  }
0x8a: {  	s1 =	srdreg.scid  }
0x8b: {  	s0 =	sand.u32 $0x1, s1  }
0x8c: {  	s14 =	sshll.u32 s0, $0xA;
	s2 =	sadd.s32 s3, s2  }
0x8d: {  	s2 =	sadd.s32 s2, s14  }
0x8e: {  	[smem:$0x3FC4] =	sst s2  }
0x8f: {  	_ = 	snop  }
0x90: {  	s2 =	sld [smem:$0x3FD0];
	_ =	sdelay $0x2  }
0x91: {  	s15 =	simm.s32 $0xA;
	s4 =	simm.s32 $0x10  }
0x92: {  	[smem:s4], [sflag:s15] =	dma.local [hbm:s2], $0x1  }
0x93: {  	_ =	swait.eq [sflag:s15], $0x1  }
0x94: {  	s16 =	sld [smem:$0x10];
	[sflag:s15] =	ssyncset.done $0x0  }
0x95: {  	s17 =	sld [smem:$0x11];
	[sflag:s15] =	ssyncadd.s32 $0xFFFFFFFF  }
0x96: {  	s18 =	sld [smem:$0x12];
	(tm) =	ssettm $0x1  }
0x97: {  	s5 =	sld [smem:$0x3FFB];
	_ =	sdelay $0x3  }
0x98: {  	_ =	strace s5  }
0x99: {  	s5 =	sld [smem:$0x3FFC];
	_ =	sdelay $0x3  }
0x9a: {  	_ =	strace s5  }
0x9b: {  	s5 =	sld [smem:$0x3FFD];
	_ =	sdelay $0x3  }
0x9c: {  	_ =	strace s5  }
0x9d: {  	_ =	strace $0x8FFFFFFF  }
0x9e: {  	s19 =	sld [smem:$0x3FDB];
	_ =	sdelay $0x1  }
0x9f: {  	s6 =	simm.s32 $_scs_section_size  }
0xa0: {  	s7 =	simm.s32 $_size__tile_overlayer_lowered;
	s8 =	simm.s32 $_tile_overlayer_lowered  }
0xa1: {  	s22 =	simm.s32 $0x1BFF;
	s21 =	sshll.u32 s8, $0x1;
	s5 =	sadd.s32 s6, s19  }
0xa2: {  	s9 =	simm.s32 $0x0;
	s20 =	sshll.u32 s7, $0x1;
	s7 =	sadd.s32 s21, s5  }
0xa3: {  	[timem:s9], [sflag:s22] =	dma.local [hbm:s7], s20  }
0xa4: {  	_ =	swait.ge [sflag:s22], s20  }
0xa5: {  	s6 =	ssub.s32 $0x0, s20;
	[sflag:s22] =	ssyncset.done $0x0  }
0xa6: {  	[sflag:s22] =	ssyncadd.s32 s6;
	_ =	sdelay $0x1  }
0xa7: {  	s23 =	simm.s32 $0x1B8B  }
0xa8: {  	_ =	swait.ge [sflag:s23], $0x1  }
0xa9: {  	[sflag:s23] =	ssyncset.done $0x0  }
0xaa: {  	s25 =	simm.s32 $0x1B8E;
	s24 =	sld [smem:$0x3FFE];
	[sflag:s23] =	ssyncadd.s32 $0xFFFFFFFF  }
0xab: {  	s26 =	simm.s32 $execute0_lowered;
	[smem:$0x3FD2] =	sst s25  }
0xac: {  	s7 =	sshll.u32 s26, $0x1;
	_ =	strace $0x80000046;
	[dreg:$0x1] =	wrdreg $0xFFFFFFFF  }
0xad: {  	s28 =	simm.s32 $_size_execute0_lowered;
	s5 =	sadd.s32 s5, s7;
	[dreg:$0x0] =	wrdreg $0x0  }
0xae: {  	s7 =	sshll.u32 s28, $0x1;
	[dreg:$0x2] =	wrdreg s5  }
0xaf: {  	[dreg:$0x3] =	wrdreg s7  }
0xb0: {  	[dreg:$0x4] =	wrdreg $0xC0  }
0xb1: {  	_ =	task [dreg:s9], $0x5FFFF  }
0xb2: {  	[dreg:$0x1] =	wrdreg $0xFFFFFFFF  }
0xb3: {  	[dreg:$0x0] =	wrdreg $0x60  }
0xb4: {  	[dreg:$0x2] =	wrdreg s18  }
0xb5: {  	[dreg:$0x3] =	wrdreg s17  }
0xb6: {  	[dreg:$0x4] =	wrdreg s16  }
0xb7: {  	[dreg:$0x5] =	wrdreg s24  }
0xb8: {  	[dreg:$0x6] =	wrdreg $0x9  }
0xb9: {  	_ =	task.clear_ibuf [dreg:s9], $0x7FFFF;
	_ =	strace $0x90000046  }
0xba: {  	s29 =	simm.s32 $0x9;
	_ =	strace $0x80000048  }
0xbb: {  	_ =	swait.ge [sflag:s29], $0x1  }
0xbc: {  	[sflag:s29] =	ssyncadd.s32 $0xFFFFFFFF  }
0xbd: {  	_ =	strace $0x90000048  }
0xbe: {  	_ =	sfence  }
0xbf: {  	s30 =	sld [smem:$0x0];
	_ =	sdelay $0x2  }
0xc0: {  	s31 =	sshll.u32 s1, $0xD;
	s1 =	sshrl.u32 s1, $0x2  }
0xc1: {  	s3 =	sand.u32 $0x4000, s31;
	s1 =	sadd.s32 s1, s30  }
0xc2: {  	s0 =	sor.u32 s3, s0;
	s1 =	sshll.u32 s1, $0x11  }
0xc3: {  	s0 =	sor.u32 s1, s0  }
0xc4: {  	s0 =	sadd.s32 $0x8F2B, s0  }
0xc5: {  	[sflag:s0] =	ssyncadd.remote.s32 $0x1  }
0xc6: {  	_ =	sfence.sel $0xFFFF  }
0xc7: {  	[dreg:$0x0] =	wrdreg $0xFFFFFFFF;
	(pc) =	sbr.abs _section_cstart, $3  }
0xc8: {  	[dreg:$0x1] =	wrdreg $0xFFFFFFFF  }
0xc9: {  	_ =	task.clear_ibuf [dreg:s9], $0x2FFFF;
	_ =	strace $0x9FFFFFFF  }
0xca: {  	(tm) =	ssettm $0x7FFFFFFF  }
0xcb: {  	_ =	shalt  }
tec
execute0_lowered:
.L_overlay_start_1:
0x0: {  	(tag) =	ssettag $0x1  }
0x1: {  	s0 =	srdreg.scid;
	s2 =	stileid.u32  }
0x2: {  	s1 =	sand.u32 $0x1, s0;
	s20 =	sshll.u32 s2, $0x1  }
0x3: {  	s23 =	sor.u32 s1, s20  }
0x4: {  	s0 =	smul.u32 $0x56, s23;
	_ =	sdelay $0x1  }
0x5: {  	s13 =	sshrl.u32 s0, $0x8  }
0x6: {  	s21 =	smul.u32 $0x3398, s13  }
0x7: {  	s3 =	smul.u32 $0x1F8, s13  }
0x8: {  	s2 =	sand.u32 $0xFFF8, s21  }
0x9: {  	p0 =	slt.u32 s23, $0x3;
	s3 =	sadd.s32 $0x1F8, s3;
	s2 =	sshrl.u32 s2, $0x1  }
0xa: {  	s4 =	smul.u32 $0x1933398, s13;
	s22 =	sand.u32 $0xFFF8, s3;
	p1 =	sgt.u32 s2, $0x1999  }
0xb: {  	s24 =	smul.u32 $0xCCCD, s22;
	p1 =	por !p0, !p1  }
0xc: {  	s1 =	ssub.s32 $0x2, s1;
	s3 =	simm.s32 $0x1;
	p1 =	por !p1, !p1  }
0xd: {  	s4 =	sshrl.u32 s4, $0x13;
	s5 =	sshrl.u32 s24, $0x13;
	s3 =	simm.s32 @!p1 $0x0  }
0xe: {  	[smem:$0x781] =	sst s22;
	s10 =	sadd.s32 $0xFFFFFFFF, s5;
	s2 =	ssub.s32 s4, s3  }
0xf: {  	s3 =	smov.u32 s10;
	p1 =	slt.s32 s2, s10;
	s4 =	sadd.s32 $0x1, s2  }
0x10: {  	s28 =	sadd.s32 $0x2, s2;
	s31 =	sadd.s32 $0x3, s2;
	s6 =	sadd.s32 $0x4, s2  }
0x11: {  	s9 =	sadd.s32 $0x5, s2;
	s14 =	sadd.s32 $0x6, s2;
	s3 =	smov.u32 @p1 s2  }
0x12: {  	s17 =	sadd.s32 $0x7, s2;
	s26 =	smin.u32 s4, s10;
	s25 =	smul.u32 $0xB400, s3  }
0x13: {  	s20 =	sadd.s32 $0x8, s2;
	s30 =	smin.u32 s28, s10;
	s29 =	smul.u32 $0x1680, s26  }
0x14: {  	s24 =	sadd.s32 $0x9, s2;
	s5 =	smin.u32 s31, s10;
	s3 =	smul.u32 $0x1680, s30  }
0x15: {  	s0 =	sadd.s32 $0x2F, s2;
	s8 =	smin.u32 s6, s10;
	s7 =	smul.u32 $0x1680, s5  }
0x16: {  	s12 =	smin.u32 s9, s10;
	s16 =	smin.u32 s14, s10;
	s11 =	smul.u32 $0x1680, s8  }
0x17: {  	s19 =	smin.u32 s17, s10;
	s22 =	smin.u32 s20, s10;
	s15 =	smul.u32 $0x1680, s12  }
0x18: {  	s28 =	sadd.s32 $0xA, s2;
	s18 =	smul.u32 $0x1680, s16;
	[smem:$0x759] =	sst s25  }
0x19: {  	s31 =	sadd.s32 $0xB, s2;
	s21 =	smul.u32 $0x1680, s19;
	[smem:$0x75A] =	sst s29  }
0x1a: {  	s26 =	smin.u32 s24, s10;
	s30 =	smin.u32 s28, s10;
	[smem:$0x75B] =	sst s3  }
0x1b: {  	s4 =	smin.u32 s31, s10;
	s5 =	sadd.s32 $0xC, s2;
	[smem:$0x75C] =	sst s7  }
0x1c: {  	s8 =	sadd.s32 $0xD, s2;
	s31 =	smul.u32 $0x3, s13;
	[smem:$0x75D] =	sst s11  }
0x1d: {  	s12 =	sadd.s32 $0xE, s2;
	s6 =	smul.u32 $0x1680, s4;
	[smem:$0x75E] =	sst s15  }
0x1e: {  	s16 =	sadd.s32 $0xF, s2;
	[smem:$0x75F] =	sst s18;
	s25 =	smul.u32 $0x1680, s22  }
0x1f: {  	s19 =	sadd.s32 $0x10, s2;
	[smem:$0x760] =	sst s21;
	s29 =	smul.u32 $0x1680, s26  }
0x20: {  	s3 =	smul.u32 $0x1680, s30;
	s7 =	smin.u32 s5, s10;
	s11 =	smin.u32 s8, s10  }
0x21: {  	s15 =	smin.u32 s12, s10;
	s18 =	smin.u32 s16, s10;
	s21 =	smin.u32 s19, s10  }
0x22: {  	s22 =	sadd.s32 $0x11, s2;
	s26 =	sadd.s32 $0x12, s2;
	s9 =	smul.u32 $0x1680, s7  }
0x23: {  	s30 =	sshrl.u32 s1, $0x1;
	s8 =	ssub.s32 s23, s31;
	s14 =	smul.u32 $0x1680, s11  }
0x24: {  	s12 =	sadd.s32 $0x15, s2;
	s23 =	sadd.s32 $0x18, s2;
	s17 =	smul.u32 $0x1680, s15  }
0x25: {  	s31 =	sadd.s32 $0x2D, s2;
	[smem:$0x764] =	sst s6;
	s20 =	smul.u32 $0x1680, s18  }
0x26: {  	s24 =	smul.u32 $0x1680, s21;
	s6 =	sadd.s32 $0x13, s2;
	[smem:$0x7FC] =	sst s8  }
0x27: {  	s1 =	ssub.s32 s1, s30;
	s11 =	sadd.s32 $0x14, s2;
	[smem:$0x761] =	sst s25  }
0x28: {  	s16 =	smin.u32 s12, s10;
	s8 =	sadd.s32 $0x1D, s2;
	[smem:$0x762] =	sst s29  }
0x29: {  	s12 =	sadd.s32 $0x20, s2;
	s30 =	sadd.s32 $0x2B, s2;
	[smem:$0x763] =	sst s3  }
0x2a: {  	s25 =	smin.u32 s22, s10;
	s29 =	smin.u32 s26, s10;
	[smem:$0x7FD] =	sst s1  }
0x2b: {  	s7 =	smin.u32 s6, s10;
	s1 =	smin.u32 s11, s10;
	s18 =	smul.u32 $0x1680, s16  }
0x2c: {  	s22 =	sadd.s32 $0x17, s2;
	s3 =	smin.u32 s23, s10;
	s26 =	sadd.s32 $0x1B, s2  }
0x2d: {  	s8 =	smin.u32 s8, s10;
	s11 =	sadd.s32 $0x1F, s2;
	[smem:$0x765] =	sst s9  }
0x2e: {  	s16 =	sadd.s32 $0x24, s2;
	[smem:$0x766] =	sst s14;
	s28 =	smul.u32 $0x1680, s25  }
0x2f: {  	s23 =	smin.u32 s30, s10;
	[smem:$0x767] =	sst s17;
	s4 =	smul.u32 $0x1680, s29  }
0x30: {  	s30 =	smin.u32 s0, s10;
	[smem:$0x768] =	sst s20;
	s9 =	smul.u32 $0x1680, s7  }
0x31: {  	s0 =	sadd.s32 $0x31, s2;
	[smem:$0x769] =	sst s24;
	s14 =	smul.u32 $0xFFFFE8E8, s13  }
0x32: {  	s15 =	smul.u32 $0x1680, s1;
	s17 =	sadd.s32 $0x16, s2;
	s1 =	smin.u32 s22, s10  }
0x33: {  	s24 =	sadd.s32 $0x19, s2;
	s25 =	sadd.s32 $0x1A, s2;
	s7 =	sadd.s32 $0x1C, s2  }
0x34: {  	s6 =	smin.u32 s26, s10;
	s11 =	smin.u32 s11, s10;
	s16 =	smin.u32 s16, s10  }
0x35: {  	s29 =	sadd.s32 $0x27, s2;
	s22 =	sadd.s32 $0x2A, s2;
	[smem:$0x76E] =	sst s18  }
0x36: {  	s13 =	smul.u32 $0x16E8C88, s13;
	s19 =	smin.u32 s17, s10;
	[smem:$0x76A] =	sst s28  }
0x37: {  	s5 =	smin.u32 s25, s10;
	s7 =	smin.u32 s7, s10;
	[smem:$0x76B] =	sst s4  }
0x38: {  	s17 =	sadd.s32 $0x25, s2;
	s18 =	sadd.s32 $0x26, s2;
	[smem:$0x76C] =	sst s9  }
0x39: {  	s22 =	smin.u32 s22, s10;
	[smem:$0x76D] =	sst s15;
	s20 =	sand.u32 $0xFFF8, s14  }
0x3a: {  	s21 =	smul.u32 $0x1680, s19;
	s4 =	smin.u32 s24, s10;
	s9 =	sadd.s32 $0x1E, s2  }
0x3b: {  	s19 =	smin.u32 s12, s10;
	s28 =	sadd.s32 $0x21, s2;
	s14 =	sadd.s32 $0x22, s2  }
0x3c: {  	s15 =	sadd.s32 $0x23, s2;
	s17 =	smin.u32 s17, s10;
	s25 =	smin.u32 s18, s10  }
0x3d: {  	s18 =	smin.u32 s29, s10;
	s24 =	sadd.s32 $0x2C, s2;
	s29 =	sadd.s32 $0x30, s2  }
0x3e: {  	p6 =	sgt.u32 s20, $0x1745;
	s9 =	smin.u32 s9, s10;
	s12 =	smin.u32 s28, s10  }
0x3f: {  	s14 =	smin.u32 s14, s10;
	s20 =	sadd.s32 $0x28, s2;
	s26 =	smin.u32 s24, s10  }
0x40: {  	s28 =	sadd.s32 $0x2E, s2;
	s24 =	smin.u32 s31, s10;
	[smem:$0x76F] =	sst s21  }
0x41: {  	s21 =	sadd.s32 $0x29, s2;
	s31 =	smin.u32 s28, s10;
	s2 =	sadd.s32 $0x32, s2  }
0x42: {  	s28 =	smin.u32 s0, s10;
	p0 =	por !p0, !p6;
	s0 =	smin.u32 s2, s10  }
0x43: {  	s15 =	smin.u32 s15, s10;
	p0 =	por !p0, !p0;
	[smem:$0x786] =	sst s0  }
0x44: {  	s2 =	simm.s32 $0x1;
	s0 =	sshrl.u32 s13, $0x13;
	s13 =	sld [smem:$0x759]  }
0x45: {  	s29 =	smin.u32 s29, s10;
	s20 =	smin.u32 s20, s10;
	s2 =	simm.s32 @!p0 $0x0  }
0x46: {  	s21 =	smin.u32 s21, s10;
	s2 =	ssub.s32 s0, s2;
	s0 =	rddreg [dreg:$0x3]  }
0x47: {  	s10 =	smul.u32 $0x1680, s1;
	s0 =	sadd.s32 $0x58AE00, s0;
	s1 =	sshrl.u32 s13, $0x3  }
0x48: {  	s13 =	sadd.s32 s0, s1  }
0x49: {  	[dreg:$0x5] =	wrdreg s13  }
0x4a: {  	s13 =	sld [smem:$0x75A];
	_ =	sdelay $0x2  }
0x4b: {  	s1 =	sadd.s32 s0, s13;
	s13 =	sld [smem:$0x75B];
	_ =	sdelay $0x1  }
0x4c: {  	[dreg:$0x6] =	wrdreg s1  }
0x4d: {  	s1 =	sadd.s32 s0, s13;
	s13 =	sld [smem:$0x75C];
	_ =	sdelay $0x1  }
0x4e: {  	[dreg:$0x7] =	wrdreg s1  }
0x4f: {  	s1 =	sadd.s32 s0, s13;
	s13 =	sld [smem:$0x75D];
	_ =	sdelay $0x1  }
0x50: {  	[dreg:$0x8] =	wrdreg s1  }
0x51: {  	s1 =	sadd.s32 s0, s13;
	s13 =	sld [smem:$0x75E];
	_ =	sdelay $0x1  }
0x52: {  	[dreg:$0x9] =	wrdreg s1  }
0x53: {  	s1 =	sadd.s32 s0, s13;
	s13 =	sld [smem:$0x75F];
	_ =	sdelay $0x1  }
0x54: {  	[dreg:$0xa] =	wrdreg s1  }
0x55: {  	s1 =	sadd.s32 s0, s13;
	s13 =	sld [smem:$0x760];
	_ =	sdelay $0x1  }
0x56: {  	[dreg:$0xb] =	wrdreg s1  }
0x57: {  	s1 =	sadd.s32 s0, s13;
	s13 =	sld [smem:$0x761];
	_ =	sdelay $0x1  }
0x58: {  	[dreg:$0xc] =	wrdreg s1  }
0x59: {  	s1 =	sadd.s32 s0, s13;
	s13 =	sld [smem:$0x762]  }
0x5a: {  	s3 =	smul.u32 $0x1680, s3  }
0x5b: {  	[dreg:$0xd] =	wrdreg s1  }
0x5c: {  	s3 =	sadd.s32 s0, s3;
	s1 =	sadd.s32 s0, s13;
	s13 =	sld [smem:$0x763]  }
0x5d: {  	s4 =	smul.u32 $0x1680, s4;
	[dreg:$0x1d] =	wrdreg s3  }
0x5e: {  	s5 =	smul.u32 $0x1680, s5;
	[dreg:$0xe] =	wrdreg s1  }
0x5f: {  	s4 =	sadd.s32 s0, s4;
	s1 =	sadd.s32 s0, s13;
	s13 =	sld [smem:$0x764]  }
0x60: {  	[dreg:$0x1e] =	wrdreg s4  }
0x61: {  	s5 =	sadd.s32 s0, s5;
	[dreg:$0xf] =	wrdreg s1  }
0x62: {  	s1 =	sadd.s32 s0, s13;
	s13 =	smul.u32 $0x1680, s19;
	s19 =	sld [smem:$0x765]  }
0x63: {  	s6 =	smul.u32 $0x1680, s6;
	[dreg:$0x1f] =	wrdreg s5  }
0x64: {  	[dreg:$0x10] =	wrdreg s1  }
0x65: {  	s6 =	sadd.s32 s0, s6;
	s1 =	sadd.s32 s0, s19;
	s19 =	sld [smem:$0x766]  }
0x66: {  	s7 =	smul.u32 $0x1680, s7;
	[smem:$0x770] =	sst s6  }
0x67: {  	[dreg:$0x11] =	wrdreg s1  }
0x68: {  	s7 =	sadd.s32 s0, s7;
	s1 =	sadd.s32 s0, s19;
	s19 =	sld [smem:$0x767]  }
0x69: {  	s8 =	smul.u32 $0x1680, s8;
	[smem:$0x771] =	sst s7  }
0x6a: {  	[dreg:$0x12] =	wrdreg s1  }
0x6b: {  	s8 =	sadd.s32 s0, s8;
	s1 =	sadd.s32 s0, s19;
	s19 =	sld [smem:$0x768]  }
0x6c: {  	s11 =	smul.u32 $0x1680, s11;
	[smem:$0x772] =	sst s8  }
0x6d: {  	s3 =	smul.u32 $0x1680, s18;
	[dreg:$0x13] =	wrdreg s1  }
0x6e: {  	s18 =	sadd.s32 s0, s11;
	s1 =	sadd.s32 s0, s19;
	s19 =	sld [smem:$0x769]  }
0x6f: {  	s12 =	smul.u32 $0x1680, s12;
	[smem:$0x774] =	sst s18  }
0x70: {  	s5 =	smul.u32 $0x1680, s21;
	[dreg:$0x14] =	wrdreg s1  }
0x71: {  	s21 =	sadd.s32 s0, s12;
	s1 =	sadd.s32 s0, s19;
	s19 =	sld [smem:$0x76A]  }
0x72: {  	s17 =	smul.u32 $0x1680, s17;
	[smem:$0x776] =	sst s21  }
0x73: {  	[dreg:$0x15] =	wrdreg s1  }
0x74: {  	s11 =	sadd.s32 s0, s17;
	s1 =	sadd.s32 s0, s19;
	s19 =	sld [smem:$0x76B]  }
0x75: {  	s26 =	smul.u32 $0x1680, s26;
	[smem:$0x77A] =	sst s11  }
0x76: {  	[dreg:$0x16] =	wrdreg s1  }
0x77: {  	s21 =	sadd.s32 s0, s26;
	s1 =	sadd.s32 s0, s19;
	s19 =	sld [smem:$0x76C]  }
0x78: {  	[smem:$0x782] =	sst s21  }
0x79: {  	s4 =	smul.u32 $0x1680, s20;
	[dreg:$0x17] =	wrdreg s1  }
0x7a: {  	s20 =	sadd.s32 s0, s13;
	s1 =	sadd.s32 s0, s19;
	s19 =	sld [smem:$0x76D]  }
0x7b: {  	s16 =	smul.u32 $0x1680, s16;
	[smem:$0x775] =	sst s20  }
0x7c: {  	s9 =	smul.u32 $0x1680, s9;
	[dreg:$0x18] =	wrdreg s1  }
0x7d: {  	s13 =	sadd.s32 s0, s3;
	s1 =	sadd.s32 s0, s19;
	s19 =	sld [smem:$0x76E]  }
0x7e: {  	s14 =	smul.u32 $0x1680, s14;
	[smem:$0x77C] =	sst s13  }
0x7f: {  	s17 =	smul.u32 $0x1680, s30;
	[dreg:$0x19] =	wrdreg s1  }
0x80: {  	s15 =	smul.u32 $0x1680, s15;
	s1 =	sadd.s32 s0, s19;
	s19 =	sld [smem:$0x76F]  }
0x81: {  	s12 =	smul.u32 $0x1680, s24;
	s3 =	sadd.s32 s0, s17;
	s20 =	sld [smem:$0x781]  }
0x82: {  	s24 =	smul.u32 $0x1680, s28;
	s28 =	sadd.s32 $0x1, s2;
	[smem:$0x785] =	sst s3  }
0x83: {  	s7 =	sadd.s32 $0x4, s2;
	[dreg:$0x1a] =	wrdreg s1;
	s1 =	sadd.s32 s0, s19  }
0x84: {  	s11 =	sadd.s32 $0x6, s2;
	s19 =	sadd.s32 s0, s10;
	[dreg:$0x1b] =	wrdreg s1  }
0x85: {  	s10 =	sadd.s32 s0, s9;
	[dreg:$0x1c] =	wrdreg s19;
	s19 =	smul.u32 $0x1680, s22  }
0x86: {  	[smem:$0x773] =	sst s10;
	s22 =	smul.u32 $0x1680, s23;
	s23 =	sadd.s32 s0, s14  }
0x87: {  	s1 =	smul.u32 $0x1680, s25;
	s25 =	sadd.s32 s0, s15;
	[smem:$0x777] =	sst s23  }
0x88: {  	s21 =	sadd.s32 $0xB, s2;
	s10 =	sadd.s32 s0, s16;
	[smem:$0x778] =	sst s25  }
0x89: {  	s17 =	sadd.s32 $0x9, s2;
	s15 =	sadd.s32 s0, s4;
	[smem:$0x779] =	sst s10  }
0x8a: {  	s13 =	sadd.s32 $0x7, s2;
	s16 =	sadd.s32 s0, s5;
	[smem:$0x77D] =	sst s15  }
0x8b: {  	s9 =	sadd.s32 $0x5, s2;
	s14 =	smul.u32 $0x1680, s31;
	[smem:$0x77E] =	sst s16  }
0x8c: {  	s4 =	smul.u32 $0xBA2F, s20;
	s25 =	sld [smem:$0x786];
	s1 =	sadd.s32 s0, s1  }
0x8d: {  	s31 =	sadd.s32 $0x3, s2;
	s18 =	sadd.s32 s0, s19;
	[smem:$0x77B] =	sst s1  }
0x8e: {  	s23 =	smul.u32 $0x1680, s29;
	s19 =	sadd.s32 s0, s22;
	[smem:$0x77F] =	sst s18  }
0x8f: {  	s29 =	sadd.s32 $0x2, s2;
	s22 =	sadd.s32 s0, s12;
	[smem:$0x780] =	sst s19  }
0x90: {  	s15 =	sadd.s32 $0x8, s2;
	s4 =	sshrl.u32 s4, $0x13;
	[smem:$0x783] =	sst s22  }
0x91: {  	s1 =	sadd.s32 s0, s14;
	s26 =	sadd.s32 s0, s23;
	s19 =	sadd.s32 $0xA, s2  }
0x92: {  	s23 =	sadd.s32 $0xC, s2;
	[smem:$0x784] =	sst s1;
	s3 =	smul.u32 $0x1680, s25  }
0x93: {  	s25 =	sadd.s32 $0xFFFFFFFF, s4;
	[smem:$0x787] =	sst s26;
	s1 =	sadd.s32 s0, s24  }
0x94: {  	s26 =	sadd.s32 $0xD, s2;
	[smem:$0x788] =	sst s1;
	s30 =	smin.u32 s29, s25  }
0x95: {  	p0 =	slt.s32 s2, s25;
	s8 =	smin.u32 s7, s25;
	s4 =	smul.u32 $0x1680, s30  }
0x96: {  	s1 =	smov.u32 s25;
	s10 =	smin.u32 s9, s25;
	s7 =	smul.u32 $0x1680, s8  }
0x97: {  	s6 =	smin.u32 s31, s25;
	s12 =	smin.u32 s11, s25;
	s8 =	smul.u32 $0x1680, s10  }
0x98: {  	s14 =	smin.u32 s13, s25;
	s16 =	smin.u32 s15, s25;
	s9 =	smul.u32 $0x1680, s12  }
0x99: {  	s18 =	smin.u32 s17, s25;
	s20 =	smin.u32 s19, s25;
	s10 =	smul.u32 $0x1680, s14  }
0x9a: {  	s22 =	smin.u32 s21, s25;
	s24 =	smin.u32 s23, s25;
	s11 =	smul.u32 $0x1680, s16  }
0x9b: {  	s29 =	sadd.s32 $0xE, s2;
	s31 =	sadd.s32 $0xF, s2;
	s12 =	smul.u32 $0x1680, s18  }
0x9c: {  	s19 =	sadd.s32 $0x10, s2;
	s21 =	sadd.s32 $0x11, s2;
	s13 =	smul.u32 $0x1680, s20  }
0x9d: {  	s23 =	sadd.s32 $0x12, s2;
	s0 =	sadd.s32 s0, s3;
	s14 =	smul.u32 $0x1680, s22  }
0x9e: {  	s1 =	smov.u32 @p0 s2;
	s15 =	smul.u32 $0x1680, s24;
	s30 =	smin.u32 s29, s25  }
0x9f: {  	s18 =	smin.u32 s31, s25;
	s20 =	smin.u32 s19, s25;
	s5 =	smul.u32 $0xB400, s1  }
0xa0: {  	s22 =	smin.u32 s21, s25;
	s24 =	smin.u32 s23, s25;
	s17 =	smul.u32 $0x1680, s30  }
0xa1: {  	s29 =	sadd.s32 $0x14, s2;
	s31 =	sadd.s32 $0x15, s2;
	s19 =	smul.u32 $0x1680, s20  }
0xa2: {  	s21 =	sadd.s32 $0x16, s2;
	[smem:$0x789] =	sst s0;
	s20 =	smul.u32 $0x1680, s22  }
0xa3: {  	s0 =	smin.u32 s28, s25;
	s28 =	smin.u32 s26, s25;
	s22 =	smul.u32 $0x1680, s24  }
0xa4: {  	s26 =	sadd.s32 $0x13, s2;
	s30 =	smin.u32 s29, s25;
	s3 =	smul.u32 $0x1680, s0  }
0xa5: {  	s1 =	smin.u32 s31, s25;
	s29 =	sadd.s32 $0x17, s2;
	s16 =	smul.u32 $0x1680, s28  }
0xa6: {  	s31 =	sadd.s32 $0x18, s2;
	s28 =	smin.u32 s26, s25;
	s24 =	smul.u32 $0x1680, s30  }
0xa7: {  	s30 =	smin.u32 s29, s25;
	s23 =	smul.u32 $0x1680, s28;
	s28 =	smin.u32 s21, s25  }
0xa8: {  	s29 =	smul.u32 $0x1680, s30;
	s21 =	smin.u32 s31, s25;
	s30 =	sadd.s32 $0x19, s2  }
0xa9: {  	s31 =	smul.u32 $0x1680, s21;
	s21 =	smin.u32 s30, s25  }
0xaa: {  	s30 =	sadd.s32 $0x1A, s2;
	s0 =	smul.u32 $0x1680, s21  }
0xab: {  	s21 =	smin.u32 s30, s25  }
0xac: {  	s30 =	sadd.s32 $0x1B, s2;
	[smem:$0x7A3] =	sst s0;
	s0 =	smul.u32 $0x1680, s21  }
0xad: {  	s21 =	smin.u32 s30, s25  }
0xae: {  	s30 =	sadd.s32 $0x1C, s2;
	[smem:$0x7A5] =	sst s0;
	s0 =	smul.u32 $0x1680, s21  }
0xaf: {  	s21 =	smin.u32 s30, s25  }
0xb0: {  	s30 =	sadd.s32 $0x1D, s2;
	[smem:$0x7A7] =	sst s0;
	s0 =	smul.u32 $0x1680, s21  }
0xb1: {  	s21 =	smin.u32 s30, s25  }
0xb2: {  	s30 =	sadd.s32 $0x1E, s2;
	[smem:$0x7D9] =	sst s0;
	s0 =	smul.u32 $0x1680, s21  }
0xb3: {  	s21 =	smin.u32 s30, s25  }
0xb4: {  	s30 =	sadd.s32 $0x1F, s2;
	[smem:$0x7DB] =	sst s0;
	s0 =	smul.u32 $0x1680, s21  }
0xb5: {  	s21 =	smin.u32 s30, s25  }
0xb6: {  	s30 =	sadd.s32 $0x20, s2;
	[smem:$0x7DD] =	sst s0;
	s0 =	smul.u32 $0x1680, s21  }
0xb7: {  	s21 =	smin.u32 s30, s25  }
0xb8: {  	s30 =	sadd.s32 $0x21, s2;
	[smem:$0x7DF] =	sst s0;
	s0 =	smul.u32 $0x1680, s21  }
0xb9: {  	s21 =	smin.u32 s30, s25  }
0xba: {  	s30 =	sadd.s32 $0x22, s2;
	[smem:$0x7E1] =	sst s0;
	s0 =	smul.u32 $0x1680, s21  }
0xbb: {  	s21 =	smin.u32 s30, s25  }
0xbc: {  	s30 =	sadd.s32 $0x23, s2;
	[smem:$0x7E3] =	sst s0;
	s0 =	smul.u32 $0x1680, s21  }
0xbd: {  	s21 =	smin.u32 s30, s25  }
0xbe: {  	s30 =	sadd.s32 $0x24, s2;
	[smem:$0x7E5] =	sst s0;
	s0 =	smul.u32 $0x1680, s21  }
0xbf: {  	s21 =	smin.u32 s30, s25  }
0xc0: {  	s30 =	sadd.s32 $0x25, s2;
	[smem:$0x7E7] =	sst s0;
	s0 =	smul.u32 $0x1680, s21  }
0xc1: {  	s21 =	smin.u32 s30, s25  }
0xc2: {  	s30 =	sadd.s32 $0x26, s2;
	[smem:$0x7E9] =	sst s0;
	s0 =	smul.u32 $0x1680, s21  }
0xc3: {  	s21 =	smin.u32 s30, s25  }
0xc4: {  	s30 =	sadd.s32 $0x27, s2;
	[smem:$0x7EB] =	sst s0;
	s0 =	smul.u32 $0x1680, s21  }
0xc5: {  	s6 =	smul.u32 $0x1680, s6;
	s21 =	smin.u32 s30, s25  }
0xc6: {  	s30 =	sadd.s32 $0x28, s2;
	[smem:$0x7ED] =	sst s0;
	s0 =	smul.u32 $0x1680, s21  }
0xc7: {  	s18 =	smul.u32 $0x1680, s18;
	s21 =	smin.u32 s30, s25  }
0xc8: {  	s30 =	sadd.s32 $0x29, s2;
	[smem:$0x7EF] =	sst s0;
	s0 =	smul.u32 $0x1680, s21  }
0xc9: {  	s26 =	smul.u32 $0x1680, s1;
	s21 =	smin.u32 s30, s25  }
0xca: {  	s30 =	sadd.s32 $0x2A, s2;
	[smem:$0x7F1] =	sst s0;
	s0 =	smul.u32 $0x1680, s21  }
0xcb: {  	s5 =	sshrl.u32 s5, $0x3;
	s28 =	smul.u32 $0x1680, s28;
	s1 =	smin.u32 s30, s25  }
0xcc: {  	s21 =	sadd.s32 $0x2B, s2;
	[smem:$0x7F3] =	sst s0;
	s0 =	smul.u32 $0x1680, s1  }
0xcd: {  	[smem:$0x7BC] =	sst s5;
	s30 =	smin.u32 s21, s25;
	s21 =	sadd.s32 $0x2C, s2  }
0xce: {  	s1 =	smin.u32 s21, s25;
	[smem:$0x7F5] =	sst s0;
	s0 =	smul.u32 $0x1680, s30  }
0xcf: {  	s2 =	sadd.s32 $0x2D, s2;
	s30 =	smul.u32 $0x1680, s1;
	s1 =	rddreg [dreg:$0x3]  }
0xd0: {  	s2 =	smin.u32 s2, s25;
	[smem:$0x7F7] =	sst s0;
	s0 =	sadd.s32 $0x2C6200, s1  }
0xd1: {  	s25 =	sadd.s32 $0x1600, s1;
	[smem:$0x7F9] =	sst s30;
	s1 =	sadd.s32 s0, s5  }
0xd2: {  	s30 =	smul.u32 $0x1680, s2;
	s2 =	sadd.s32 s0, s3;
	[smem:$0x78A] =	sst s1  }
0xd3: {  	s5 =	sadd.s32 s0, s7;
	s1 =	smov.u32 s3;
	[smem:$0x78B] =	sst s2  }
0xd4: {  	s2 =	smov.u32 s4;
	s3 =	sadd.s32 s0, s4;
	[smem:$0x78E] =	sst s5  }
0xd5: {  	s4 =	sadd.s32 s0, s6;
	s5 =	smov.u32 s8;
	[smem:$0x78C] =	sst s3  }
0xd6: {  	s3 =	smov.u32 s6;
	[smem:$0x78D] =	sst s4;
	s6 =	sadd.s32 s0, s8  }
0xd7: {  	s4 =	smov.u32 s7;
	s7 =	sadd.s32 s0, s9;
	[smem:$0x78F] =	sst s6  }
0xd8: {  	s8 =	sadd.s32 s0, s10;
	s6 =	smov.u32 s9;
	[smem:$0x790] =	sst s7  }
0xd9: {  	s7 =	smov.u32 s10;
	[smem:$0x791] =	sst s8;
	s9 =	sadd.s32 s0, s11  }
0xda: {  	s8 =	smov.u32 s11;
	s10 =	sadd.s32 s0, s12;
	[smem:$0x792] =	sst s9  }
0xdb: {  	s11 =	sadd.s32 s0, s13;
	s9 =	smov.u32 s12;
	[smem:$0x793] =	sst s10  }
0xdc: {  	s10 =	smov.u32 s13;
	[smem:$0x794] =	sst s11;
	s12 =	sadd.s32 s0, s14  }
0xdd: {  	s11 =	smov.u32 s14;
	s13 =	sadd.s32 s0, s15;
	[smem:$0x795] =	sst s12  }
0xde: {  	s14 =	sadd.s32 s0, s16;
	s12 =	smov.u32 s15;
	[smem:$0x796] =	sst s13  }
0xdf: {  	s13 =	smov.u32 s16;
	[smem:$0x797] =	sst s14;
	s15 =	sadd.s32 s0, s17  }
0xe0: {  	s14 =	smov.u32 s17;
	s16 =	sadd.s32 s0, s18;
	[smem:$0x798] =	sst s15  }
0xe1: {  	s17 =	sadd.s32 s0, s19;
	s15 =	smov.u32 s18;
	[smem:$0x799] =	sst s16  }
0xe2: {  	s16 =	smov.u32 s19;
	[smem:$0x79A] =	sst s17;
	s18 =	sadd.s32 s0, s20  }
0xe3: {  	s17 =	smov.u32 s20;
	s19 =	sadd.s32 s0, s22;
	[smem:$0x79B] =	sst s18  }
0xe4: {  	s20 =	sadd.s32 s0, s23;
	s18 =	smov.u32 s22;
	[smem:$0x79C] =	sst s19  }
0xe5: {  	s19 =	smov.u32 s23;
	[smem:$0x79D] =	sst s20;
	s20 =	smov.u32 s24  }
0xe6: {  	s22 =	sadd.s32 s0, s24;
	s23 =	sadd.s32 s0, s26;
	s24 =	sadd.s32 s0, s28  }
0xe7: {  	[smem:$0x79F] =	sst s23;
	s23 =	smov.u32 s28;
	s28 =	sadd.s32 s0, s31  }
0xe8: {  	[smem:$0x7A2] =	sst s28  }
0xe9: {  	s28 =	sld [smem:$0x7A3]  }
0xea: {  	[smem:$0x79E] =	sst s22  }
0xeb: {  	s22 =	smov.u32 s26;
	[smem:$0x7A0] =	sst s24  }
0xec: {  	s24 =	smov.u32 s29;
	s26 =	sadd.s32 s0, s29;
	s29 =	sadd.s32 s0, s28  }
0xed: {  	[smem:$0x7A4] =	sst s29  }
0xee: {  	s29 =	sld [smem:$0x7A5];
	_ =	sdelay $0x2  }
0xef: {  	[smem:$0x7A1] =	sst s26;
	s26 =	smov.u32 s31;
	s31 =	sadd.s32 s0, s29  }
0xf0: {  	[smem:$0x7A6] =	sst s31  }
0xf1: {  	s31 =	sld [smem:$0x7A7];
	_ =	sdelay $0x2  }
0xf2: {  	[smem:$0x7BA] =	sst s30;
	s30 =	sadd.s32 s0, s31  }
0xf3: {  	[smem:$0x7A8] =	sst s30  }
0xf4: {  	s30 =	sld [smem:$0x7D9];
	_ =	sdelay $0x2  }
0xf5: {  	s30 =	sadd.s32 s0, s30  }
0xf6: {  	[smem:$0x7A9] =	sst s30  }
0xf7: {  	s30 =	sld [smem:$0x7DB];
	_ =	sdelay $0x2  }
0xf8: {  	s30 =	sadd.s32 s0, s30  }
0xf9: {  	[smem:$0x7AA] =	sst s30  }
0xfa: {  	s30 =	sld [smem:$0x7DD];
	_ =	sdelay $0x2  }
0xfb: {  	s30 =	sadd.s32 s0, s30  }
0xfc: {  	[smem:$0x7AB] =	sst s30  }
0xfd: {  	s30 =	sld [smem:$0x7DF];
	_ =	sdelay $0x1  }
0xfe: {  	s21 =	simm.s32 $0x0  }
0xff: {  	[smem:$0x7FF] =	sst s21;
	s30 =	sadd.s32 s0, s30  }
0x100: {  	[smem:$0x7AC] =	sst s30  }
0x101: {  	s1 =	sadd.s32 s25, s1;
	s30 =	sld [smem:$0x7E1]  }
0x102: {  	s2 =	sadd.s32 s25, s2;
	[smem:$0x7BE] =	sst s1  }
0x103: {  	s5 =	sadd.s32 s25, s5;
	[smem:$0x7BF] =	sst s2  }
0x104: {  	[smem:$0x7C2] =	sst s5;
	s30 =	sadd.s32 s0, s30  }
0x105: {  	[smem:$0x7AD] =	sst s30  }
0x106: {  	s3 =	sadd.s32 s25, s3;
	s30 =	sld [smem:$0x7E3]  }
0x107: {  	s4 =	sadd.s32 s25, s4;
	[smem:$0x7C0] =	sst s3  }
0x108: {  	[smem:$0x7C1] =	sst s4;
	s6 =	sadd.s32 s25, s6  }
0x109: {  	[smem:$0x7C3] =	sst s6;
	s30 =	sadd.s32 s0, s30  }
0x10a: {  	[smem:$0x7AE] =	sst s30  }
0x10b: {  	s7 =	sadd.s32 s25, s7;
	s30 =	sld [smem:$0x7E5]  }
0x10c: {  	s8 =	sadd.s32 s25, s8;
	[smem:$0x7C4] =	sst s7  }
0x10d: {  	[smem:$0x7C5] =	sst s8;
	s9 =	sadd.s32 s25, s9  }
0x10e: {  	[smem:$0x7C6] =	sst s9;
	s30 =	sadd.s32 s0, s30  }
0x10f: {  	[smem:$0x7AF] =	sst s30  }
0x110: {  	s10 =	sadd.s32 s25, s10;
	s30 =	sld [smem:$0x7E7]  }
0x111: {  	s11 =	sadd.s32 s25, s11;
	[smem:$0x7C7] =	sst s10  }
0x112: {  	[smem:$0x7C8] =	sst s11  }
0x113: {  	s9 =	sld [smem:$0x7D9];
	s30 =	sadd.s32 s0, s30  }
0x114: {  	[smem:$0x7B0] =	sst s30  }
0x115: {  	s30 =	sld [smem:$0x7E9]  }
0x116: {  	s10 =	sld [smem:$0x7DB]  }
0x117: {  	s12 =	sadd.s32 s25, s12;
	s11 =	sld [smem:$0x7DD]  }
0x118: {  	[smem:$0x7C9] =	sst s12;
	s30 =	sadd.s32 s0, s30  }
0x119: {  	[smem:$0x7B1] =	sst s30  }
0x11a: {  	s13 =	sadd.s32 s25, s13;
	s30 =	sld [smem:$0x7EB]  }
0x11b: {  	s14 =	sadd.s32 s25, s14;
	[smem:$0x7CA] =	sst s13  }
0x11c: {  	[smem:$0x7CB] =	sst s14  }
0x11d: {  	s12 =	sld [smem:$0x7DF];
	s30 =	sadd.s32 s0, s30  }
0x11e: {  	[smem:$0x7B2] =	sst s30  }
0x11f: {  	s30 =	sld [smem:$0x7ED]  }
0x120: {  	s13 =	sld [smem:$0x7E1]  }
0x121: {  	s15 =	sadd.s32 s25, s15;
	s14 =	sld [smem:$0x7E3]  }
0x122: {  	[smem:$0x7CC] =	sst s15;
	s30 =	sadd.s32 s0, s30  }
0x123: {  	[smem:$0x7B3] =	sst s30  }
0x124: {  	s16 =	sadd.s32 s25, s16;
	s30 =	sld [smem:$0x7EF]  }
0x125: {  	s17 =	sadd.s32 s25, s17;
	[smem:$0x7CD] =	sst s16  }
0x126: {  	[smem:$0x7CE] =	sst s17  }
0x127: {  	s15 =	sld [smem:$0x7E5];
	s30 =	sadd.s32 s0, s30  }
0x128: {  	[smem:$0x7B4] =	sst s30  }
0x129: {  	s30 =	sld [smem:$0x7F1]  }
0x12a: {  	s16 =	sld [smem:$0x7E7]  }
0x12b: {  	s17 =	sld [smem:$0x7E9]  }
0x12c: {  	s1 =	sadd.s32 s25, s20;
	s20 =	sld [smem:$0x7EF];
	s30 =	sadd.s32 s0, s30  }
0x12d: {  	[smem:$0x7B5] =	sst s30  }
0x12e: {  	s18 =	sadd.s32 s25, s18;
	s30 =	sld [smem:$0x7F3]  }
0x12f: {  	s19 =	sadd.s32 s25, s19;
	[smem:$0x7CF] =	sst s18  }
0x130: {  	[smem:$0x7D0] =	sst s19  }
0x131: {  	[smem:$0x7D1] =	sst s1;
	s30 =	sadd.s32 s0, s30  }
0x132: {  	[smem:$0x7B6] =	sst s30  }
0x133: {  	s30 =	sld [smem:$0x7F5]  }
0x134: {  	s18 =	sld [smem:$0x7EB]  }
0x135: {  	s19 =	sld [smem:$0x7ED]  }
0x136: {  	s2 =	sadd.s32 s25, s22;
	s22 =	sld [smem:$0x7F1];
	s30 =	sadd.s32 s0, s30  }
0x137: {  	[smem:$0x7B7] =	sst s30  }
0x138: {  	s30 =	sld [smem:$0x7F7]  }
0x139: {  	s3 =	sadd.s32 s25, s23;
	s23 =	sld [smem:$0x7F3]  }
0x13a: {  	s4 =	sadd.s32 s25, s24;
	s24 =	sld [smem:$0x7F5]  }
0x13b: {  	[smem:$0x7D2] =	sst s2;
	s30 =	sadd.s32 s0, s30  }
0x13c: {  	[smem:$0x7B8] =	sst s30  }
0x13d: {  	s30 =	sld [smem:$0x7F9]  }
0x13e: {  	[smem:$0x7D3] =	sst s3  }
0x13f: {  	[smem:$0x7D4] =	sst s4  }
0x140: {  	s5 =	sadd.s32 s25, s26;
	s26 =	sld [smem:$0x7F7];
	s30 =	sadd.s32 s0, s30  }
0x141: {  	[smem:$0x7B9] =	sst s30  }
0x142: {  	s30 =	sld [smem:$0x7BA]  }
0x143: {  	[smem:$0x7D5] =	sst s5  }
0x144: {  	s6 =	sadd.s32 s25, s28;
	s28 =	sld [smem:$0x7F9]  }
0x145: {  	[smem:$0x7D6] =	sst s6;
	s0 =	sadd.s32 s0, s30  }
0x146: {  	[smem:$0x7BB] =	sst s0  }
0x147: {  	s7 =	sadd.s32 s25, s29;
	s0 =	sld [smem:$0x7BC]  }
0x148: {  	[smem:$0x7D7] =	sst s7;
	s8 =	sadd.s32 s25, s31  }
0x149: {  	[smem:$0x7D8] =	sst s8;
	s29 =	sadd.s32 s25, s30  }
0x14a: {  	[smem:$0x7FB] =	sst s29;
	s0 =	sadd.s32 s25, s0  }
0x14b: {  	[smem:$0x7BD] =	sst s0;
	s0 =	sadd.s32 s25, s9  }
0x14c: {  	[smem:$0x7DA] =	sst s0;
	s0 =	sadd.s32 s25, s10  }
0x14d: {  	[smem:$0x7DC] =	sst s0;
	s0 =	sadd.s32 s25, s11  }
0x14e: {  	[smem:$0x7DE] =	sst s0;
	s0 =	sadd.s32 s25, s12  }
0x14f: {  	[smem:$0x7E0] =	sst s0;
	s0 =	sadd.s32 s25, s13  }
0x150: {  	[smem:$0x7E2] =	sst s0;
	s0 =	sadd.s32 s25, s14  }
0x151: {  	[smem:$0x7E4] =	sst s0;
	s0 =	sadd.s32 s25, s15  }
0x152: {  	[smem:$0x7E6] =	sst s0;
	s0 =	sadd.s32 s25, s16  }
0x153: {  	[smem:$0x7E8] =	sst s0;
	s0 =	sadd.s32 s25, s17  }
0x154: {  	[smem:$0x7EA] =	sst s0;
	s0 =	sadd.s32 s25, s18  }
0x155: {  	[smem:$0x7EC] =	sst s0;
	s0 =	sadd.s32 s25, s19  }
0x156: {  	[smem:$0x7EE] =	sst s0;
	s0 =	sadd.s32 s25, s20  }
0x157: {  	[smem:$0x7F0] =	sst s0;
	s0 =	sadd.s32 s25, s22  }
0x158: {  	[smem:$0x7F2] =	sst s0;
	s0 =	sadd.s32 s25, s23  }
0x159: {  	[smem:$0x7F4] =	sst s0;
	s0 =	sadd.s32 s25, s24  }
0x15a: {  	[smem:$0x7F6] =	sst s0;
	s0 =	sadd.s32 s25, s26  }
0x15b: {  	[smem:$0x7F8] =	sst s0;
	s0 =	sadd.s32 s25, s28  }
0x15c: {  	[smem:$0x7FA] =	sst s0  }
.Ltmp0:
0x15d: {  	s30 =	sld [smem:$0x7FC];
	_ =	strace $0x80000047;
	(pc) =	sbr.rel .LBB2_1-.Ltmp0, $3  }
0x15e: {  	s31 =	sld [smem:$0x7FD];
	_ =	sdelay $0x1  }
0x15f: {  	s25 =	simm.s32 $0x1;
	s0 =	sand.u32 $0xFF, s30  }
0x160: {  	p0 =	seq.s32 s0, $0x2;
	p1 =	seq.s32 s0, $0x1;
	s24 =	smax.u32 s31, $0x1  }
.LBB2_5:
0x161: {  	s0 =	rddreg [dreg:$0x2];
	s14 =	simm.s32 $0x2  }
0x162: {  	[tilespmem:s21], [sflag:$0x2] =	stream.linear.gather [hbm4b:s0+s21], $0xB400, $0x38;
	[tilespmem:$0xB400] =	vst v63  }
0x163: {  	_ =	swait.ge [sflag:s14], $0xB400  }
0x164: {  	[sflag:s14] =	ssyncset.done $0x0  }
0x165: {  	s15 =	rddreg [dreg:$0x5];
	[sflag:s14] =	ssyncadd.s32 $0xFFFF4C00  }
0x166: {  	[hbm4b:s15+s21] =	stream.linear.scatter [tilespmem:s21], [sflag:$0x1], $0xB400, $0x38;
	[tilespmem:$0xB400] =	vst v63  }
0x167: {  	s16 =	rddreg [dreg:$0x6]  }
0x168: {  	[hbm4b:s16+s21] =	stream.linear.scatter [tilespmem:s21], [sflag:$0x1], $0xB400, $0x38;
	[tilespmem:$0xB400] =	vst v63  }
0x169: {  	s17 =	rddreg [dreg:$0x7]  }
0x16a: {  	[hbm4b:s17+s21] =	stream.linear.scatter [tilespmem:s21], [sflag:$0x1], $0xB400, $0x38;
	[tilespmem:$0xB400] =	vst v63  }
0x16b: {  	s18 =	rddreg [dreg:$0x8]  }
0x16c: {  	[hbm4b:s18+s21] =	stream.linear.scatter [tilespmem:s21], [sflag:$0x1], $0xB400, $0x38;
	[tilespmem:$0xB400] =	vst v63  }
0x16d: {  	s19 =	rddreg [dreg:$0x9]  }
0x16e: {  	[hbm4b:s19+s21] =	stream.linear.scatter [tilespmem:s21], [sflag:$0x1], $0xB400, $0x38;
	[tilespmem:$0xB400] =	vst v63  }
0x16f: {  	_ =	swait.ge [sflag:s25], $0xB400  }
0x170: {  	[sflag:s25] =	ssyncset.done $0x0  }
0x171: {  	s20 =	rddreg [dreg:$0xa];
	[sflag:s25] =	ssyncadd.s32 $0xFFFF4C00  }
0x172: {  	[hbm4b:s20+s21] =	stream.linear.scatter [tilespmem:s21], [sflag:$0x1], $0xB400, $0x38;
	[tilespmem:$0xB400] =	vst v63  }
0x173: {  	_ =	swait.ge [sflag:s25], $0xB400  }
0x174: {  	[sflag:s25] =	ssyncset.done $0x0  }
0x175: {  	s22 =	rddreg [dreg:$0xb];
	[sflag:s25] =	ssyncadd.s32 $0xFFFF4C00  }
0x176: {  	[hbm4b:s22+s21] =	stream.linear.scatter [tilespmem:s21], [sflag:$0x1], $0xB400, $0x38;
	[tilespmem:$0xB400] =	vst v63  }
0x177: {  	_ =	swait.ge [sflag:s25], $0xB400  }
0x178: {  	[sflag:s25] =	ssyncset.done $0x0  }
0x179: {  	s23 =	rddreg [dreg:$0xc];
	[sflag:s25] =	ssyncadd.s32 $0xFFFF4C00  }
0x17a: {  	[hbm4b:s23+s21] =	stream.linear.scatter [tilespmem:s21], [sflag:$0x1], $0xB400, $0x38;
	[tilespmem:$0xB400] =	vst v63  }
0x17b: {  	_ =	swait.ge [sflag:s25], $0xB400  }
0x17c: {  	[sflag:s25] =	ssyncset.done $0x0  }
0x17d: {  	s26 =	rddreg [dreg:$0xd];
	[sflag:s25] =	ssyncadd.s32 $0xFFFF4C00  }
0x17e: {  	[hbm4b:s26+s21] =	stream.linear.scatter [tilespmem:s21], [sflag:$0x1], $0xB400, $0x38;
	[tilespmem:$0xB400] =	vst v63  }
0x17f: {  	_ =	swait.ge [sflag:s25], $0xB400  }
0x180: {  	s5 =	sld [smem:$0x779];
	_ =	sdelay $0x2  }
0x181: {  	[smem:$0x74A] =	sst s5  }
0x182: {  	s5 =	sld [smem:$0x77A];
	_ =	sdelay $0x1  }
0x183: {  	s10 =	rddreg [dreg:$0xe]  }
0x184: {  	[smem:$0x74B] =	sst s5  }
0x185: {  	s5 =	sld [smem:$0x77B]  }
0x186: {  	s6 =	rddreg [dreg:$0xf]  }
0x187: {  	s11 =	rddreg [dreg:$0x10]  }
0x188: {  	[smem:$0x74C] =	sst s5  }
0x189: {  	s5 =	sld [smem:$0x77C]  }
0x18a: {  	s12 =	rddreg [dreg:$0x11]  }
0x18b: {  	s13 =	rddreg [dreg:$0x12]  }
0x18c: {  	[smem:$0x74D] =	sst s5  }
0x18d: {  	s5 =	sld [smem:$0x77D]  }
0x18e: {  	s14 =	rddreg [dreg:$0x13]  }
0x18f: {  	s15 =	rddreg [dreg:$0x14]  }
0x190: {  	[smem:$0x74E] =	sst s5  }
0x191: {  	s5 =	sld [smem:$0x77E]  }
0x192: {  	s16 =	rddreg [dreg:$0x15]  }
0x193: {  	s17 =	rddreg [dreg:$0x16]  }
0x194: {  	[smem:$0x74F] =	sst s5  }
0x195: {  	s5 =	sld [smem:$0x77F]  }
0x196: {  	s18 =	rddreg [dreg:$0x17]  }
0x197: {  	s19 =	rddreg [dreg:$0x18]  }
0x198: {  	[smem:$0x750] =	sst s5  }
0x199: {  	s5 =	sld [smem:$0x780]  }
0x19a: {  	s20 =	rddreg [dreg:$0x19]  }
0x19b: {  	s22 =	rddreg [dreg:$0x1a]  }
0x19c: {  	[smem:$0x751] =	sst s5  }
0x19d: {  	s5 =	sld [smem:$0x782]  }
0x19e: {  	s23 =	rddreg [dreg:$0x1b]  }
0x19f: {  	s26 =	rddreg [dreg:$0x1c]  }
0x1a0: {  	[smem:$0x752] =	sst s5  }
0x1a1: {  	s5 =	sld [smem:$0x783]  }
0x1a2: {  	s28 =	rddreg [dreg:$0x1d]  }
0x1a3: {  	s29 =	rddreg [dreg:$0x1e]  }
0x1a4: {  	[smem:$0x753] =	sst s5  }
0x1a5: {  	s5 =	sld [smem:$0x784]  }
0x1a6: {  	s30 =	rddreg [dreg:$0x1f]  }
0x1a7: {  	s31 =	sld [smem:$0x770]  }
0x1a8: {  	[smem:$0x754] =	sst s5  }
0x1a9: {  	s5 =	sld [smem:$0x785]  }
0x1aa: {  	s0 =	sld [smem:$0x771]  }
0x1ab: {  	s1 =	sld [smem:$0x772]  }
0x1ac: {  	[smem:$0x755] =	sst s5  }
0x1ad: {  	s5 =	sld [smem:$0x787]  }
0x1ae: {  	s2 =	sld [smem:$0x773]  }
0x1af: {  	s7 =	sld [smem:$0x774]  }
0x1b0: {  	[smem:$0x756] =	sst s5  }
0x1b1: {  	s5 =	sld [smem:$0x788]  }
0x1b2: {  	s3 =	sld [smem:$0x775]  }
0x1b3: {  	s8 =	sld [smem:$0x776]  }
0x1b4: {  	[smem:$0x757] =	sst s5  }
0x1b5: {  	s5 =	sld [smem:$0x789]  }
0x1b6: {  	s4 =	sld [smem:$0x777]  }
0x1b7: {  	[sflag:s25] =	ssyncset.done $0x0;
	s9 =	sld [smem:$0x778]  }
0x1b8: {  	[sflag:s25] =	ssyncadd.s32 $0xFFFF4C00;
	[smem:$0x758] =	sst s5  }
.LBB2_6:
0x1b9: {  	[hbm4b:s10+s21] =	stream.linear.scatter [tilespmem:s21], [sflag:$0x1], $0xB400, $0x38;
	[tilespmem:$0xB400] =	vst v63  }
0x1ba: {  	_ =	swait.ge [sflag:s25], $0xB400  }
0x1bb: {  	[sflag:s25] =	ssyncset.done $0x0  }
0x1bc: {  	[sflag:s25] =	ssyncadd.s32 $0xFFFF4C00  }
0x1bd: {  	[hbm4b:s6+s21] =	stream.linear.scatter [tilespmem:s21], [sflag:$0x1], $0xB400, $0x38;
	[tilespmem:$0xB400] =	vst v63  }
0x1be: {  	_ =	swait.ge [sflag:s25], $0xB400  }
0x1bf: {  	[sflag:s25] =	ssyncset.done $0x0  }
0x1c0: {  	[sflag:s25] =	ssyncadd.s32 $0xFFFF4C00  }
0x1c1: {  	[hbm4b:s11+s21] =	stream.linear.scatter [tilespmem:s21], [sflag:$0x1], $0xB400, $0x38;
	[tilespmem:$0xB400] =	vst v63  }
0x1c2: {  	_ =	swait.ge [sflag:s25], $0xB400  }
0x1c3: {  	[sflag:s25] =	ssyncset.done $0x0  }
0x1c4: {  	[sflag:s25] =	ssyncadd.s32 $0xFFFF4C00  }
0x1c5: {  	[hbm4b:s12+s21] =	stream.linear.scatter [tilespmem:s21], [sflag:$0x1], $0xB400, $0x38;
	[tilespmem:$0xB400] =	vst v63  }
0x1c6: {  	_ =	swait.ge [sflag:s25], $0xB400  }
0x1c7: {  	[sflag:s25] =	ssyncset.done $0x0  }
0x1c8: {  	[sflag:s25] =	ssyncadd.s32 $0xFFFF4C00  }
0x1c9: {  	[hbm4b:s13+s21] =	stream.linear.scatter [tilespmem:s21], [sflag:$0x1], $0xB400, $0x38;
	[tilespmem:$0xB400] =	vst v63  }
0x1ca: {  	_ =	swait.ge [sflag:s25], $0xB400  }
0x1cb: {  	[sflag:s25] =	ssyncset.done $0x0  }
0x1cc: {  	[sflag:s25] =	ssyncadd.s32 $0xFFFF4C00  }
0x1cd: {  	[hbm4b:s14+s21] =	stream.linear.scatter [tilespmem:s21], [sflag:$0x1], $0xB400, $0x38;
	[tilespmem:$0xB400] =	vst v63  }
0x1ce: {  	_ =	swait.ge [sflag:s25], $0xB400  }
0x1cf: {  	[sflag:s25] =	ssyncset.done $0x0  }
0x1d0: {  	[sflag:s25] =	ssyncadd.s32 $0xFFFF4C00  }
0x1d1: {  	[hbm4b:s15+s21] =	stream.linear.scatter [tilespmem:s21], [sflag:$0x1], $0xB400, $0x38;
	[tilespmem:$0xB400] =	vst v63  }
0x1d2: {  	_ =	swait.ge [sflag:s25], $0xB400  }
0x1d3: {  	[sflag:s25] =	ssyncset.done $0x0  }
0x1d4: {  	[sflag:s25] =	ssyncadd.s32 $0xFFFF4C00  }
0x1d5: {  	[hbm4b:s16+s21] =	stream.linear.scatter [tilespmem:s21], [sflag:$0x1], $0xB400, $0x38;
	[tilespmem:$0xB400] =	vst v63  }
0x1d6: {  	_ =	swait.ge [sflag:s25], $0xB400  }
0x1d7: {  	[sflag:s25] =	ssyncset.done $0x0  }
0x1d8: {  	[sflag:s25] =	ssyncadd.s32 $0xFFFF4C00  }
0x1d9: {  	[hbm4b:s17+s21] =	stream.linear.scatter [tilespmem:s21], [sflag:$0x1], $0xB400, $0x38;
	[tilespmem:$0xB400] =	vst v63  }
0x1da: {  	_ =	swait.ge [sflag:s25], $0xB400  }
0x1db: {  	[sflag:s25] =	ssyncset.done $0x0  }
0x1dc: {  	[sflag:s25] =	ssyncadd.s32 $0xFFFF4C00  }
0x1dd: {  	[hbm4b:s18+s21] =	stream.linear.scatter [tilespmem:s21], [sflag:$0x1], $0xB400, $0x38;
	[tilespmem:$0xB400] =	vst v63  }
0x1de: {  	_ =	swait.ge [sflag:s25], $0xB400  }
0x1df: {  	[sflag:s25] =	ssyncset.done $0x0  }
0x1e0: {  	[sflag:s25] =	ssyncadd.s32 $0xFFFF4C00  }
0x1e1: {  	[hbm4b:s19+s21] =	stream.linear.scatter [tilespmem:s21], [sflag:$0x1], $0xB400, $0x38;
	[tilespmem:$0xB400] =	vst v63  }
0x1e2: {  	_ =	swait.ge [sflag:s25], $0xB400  }
0x1e3: {  	[sflag:s25] =	ssyncset.done $0x0  }
0x1e4: {  	[sflag:s25] =	ssyncadd.s32 $0xFFFF4C00  }
0x1e5: {  	[hbm4b:s20+s21] =	stream.linear.scatter [tilespmem:s21], [sflag:$0x1], $0xB400, $0x38;
	[tilespmem:$0xB400] =	vst v63  }
0x1e6: {  	_ =	swait.ge [sflag:s25], $0xB400  }
0x1e7: {  	[sflag:s25] =	ssyncset.done $0x0  }
0x1e8: {  	[sflag:s25] =	ssyncadd.s32 $0xFFFF4C00  }
0x1e9: {  	[hbm4b:s22+s21] =	stream.linear.scatter [tilespmem:s21], [sflag:$0x1], $0xB400, $0x38;
	[tilespmem:$0xB400] =	vst v63  }
0x1ea: {  	_ =	swait.ge [sflag:s25], $0xB400  }
0x1eb: {  	[sflag:s25] =	ssyncset.done $0x0  }
0x1ec: {  	[sflag:s25] =	ssyncadd.s32 $0xFFFF4C00  }
0x1ed: {  	[hbm4b:s23+s21] =	stream.linear.scatter [tilespmem:s21], [sflag:$0x1], $0xB400, $0x38;
	[tilespmem:$0xB400] =	vst v63  }
0x1ee: {  	_ =	swait.ge [sflag:s25], $0xB400  }
0x1ef: {  	[sflag:s25] =	ssyncset.done $0x0  }
0x1f0: {  	[sflag:s25] =	ssyncadd.s32 $0xFFFF4C00  }
0x1f1: {  	[hbm4b:s26+s21] =	stream.linear.scatter [tilespmem:s21], [sflag:$0x1], $0xB400, $0x38;
	[tilespmem:$0xB400] =	vst v63  }
0x1f2: {  	_ =	swait.ge [sflag:s25], $0xB400  }
0x1f3: {  	[sflag:s25] =	ssyncset.done $0x0  }
0x1f4: {  	[sflag:s25] =	ssyncadd.s32 $0xFFFF4C00  }
0x1f5: {  	[hbm4b:s28+s21] =	stream.linear.scatter [tilespmem:s21], [sflag:$0x1], $0xB400, $0x38;
	[tilespmem:$0xB400] =	vst v63  }
0x1f6: {  	_ =	swait.ge [sflag:s25], $0xB400  }
0x1f7: {  	[sflag:s25] =	ssyncset.done $0x0  }
0x1f8: {  	[sflag:s25] =	ssyncadd.s32 $0xFFFF4C00  }
0x1f9: {  	[hbm4b:s29+s21] =	stream.linear.scatter [tilespmem:s21], [sflag:$0x1], $0xB400, $0x38;
	[tilespmem:$0xB400] =	vst v63  }
0x1fa: {  	_ =	swait.ge [sflag:s25], $0xB400  }
0x1fb: {  	[sflag:s25] =	ssyncset.done $0x0  }
0x1fc: {  	[sflag:s25] =	ssyncadd.s32 $0xFFFF4C00  }
0x1fd: {  	[hbm4b:s30+s21] =	stream.linear.scatter [tilespmem:s21], [sflag:$0x1], $0xB400, $0x38;
	[tilespmem:$0xB400] =	vst v63  }
0x1fe: {  	_ =	swait.ge [sflag:s25], $0xB400  }
0x1ff: {  	[sflag:s25] =	ssyncset.done $0x0  }
0x200: {  	[sflag:s25] =	ssyncadd.s32 $0xFFFF4C00  }
0x201: {  	[hbm4b:s31+s21] =	stream.linear.scatter [tilespmem:s21], [sflag:$0x1], $0xB400, $0x38;
	[tilespmem:$0xB400] =	vst v63  }
0x202: {  	_ =	swait.ge [sflag:s25], $0xB400  }
0x203: {  	[sflag:s25] =	ssyncset.done $0x0  }
0x204: {  	[sflag:s25] =	ssyncadd.s32 $0xFFFF4C00  }
0x205: {  	[hbm4b:s0+s21] =	stream.linear.scatter [tilespmem:s21], [sflag:$0x1], $0xB400, $0x38;
	[tilespmem:$0xB400] =	vst v63  }
0x206: {  	_ =	swait.ge [sflag:s25], $0xB400  }
0x207: {  	[sflag:s25] =	ssyncset.done $0x0  }
0x208: {  	[sflag:s25] =	ssyncadd.s32 $0xFFFF4C00  }
0x209: {  	[hbm4b:s1+s21] =	stream.linear.scatter [tilespmem:s21], [sflag:$0x1], $0xB400, $0x38;
	[tilespmem:$0xB400] =	vst v63  }
0x20a: {  	_ =	swait.ge [sflag:s25], $0xB400  }
0x20b: {  	[sflag:s25] =	ssyncset.done $0x0  }
0x20c: {  	[sflag:s25] =	ssyncadd.s32 $0xFFFF4C00  }
0x20d: {  	[hbm4b:s2+s21] =	stream.linear.scatter [tilespmem:s21], [sflag:$0x1], $0xB400, $0x38;
	[tilespmem:$0xB400] =	vst v63  }
0x20e: {  	_ =	swait.ge [sflag:s25], $0xB400  }
0x20f: {  	[sflag:s25] =	ssyncset.done $0x0  }
0x210: {  	[sflag:s25] =	ssyncadd.s32 $0xFFFF4C00  }
0x211: {  	[hbm4b:s7+s21] =	stream.linear.scatter [tilespmem:s21], [sflag:$0x1], $0xB400, $0x38;
	[tilespmem:$0xB400] =	vst v63  }
0x212: {  	_ =	swait.ge [sflag:s25], $0xB400  }
0x213: {  	[sflag:s25] =	ssyncset.done $0x0  }
0x214: {  	[sflag:s25] =	ssyncadd.s32 $0xFFFF4C00  }
0x215: {  	[hbm4b:s3+s21] =	stream.linear.scatter [tilespmem:s21], [sflag:$0x1], $0xB400, $0x38;
	[tilespmem:$0xB400] =	vst v63  }
0x216: {  	_ =	swait.ge [sflag:s25], $0xB400  }
0x217: {  	[sflag:s25] =	ssyncset.done $0x0  }
0x218: {  	[sflag:s25] =	ssyncadd.s32 $0xFFFF4C00  }
0x219: {  	[hbm4b:s8+s21] =	stream.linear.scatter [tilespmem:s21], [sflag:$0x1], $0xB400, $0x38;
	[tilespmem:$0xB400] =	vst v63  }
0x21a: {  	_ =	swait.ge [sflag:s25], $0xB400  }
0x21b: {  	[sflag:s25] =	ssyncset.done $0x0  }
0x21c: {  	[sflag:s25] =	ssyncadd.s32 $0xFFFF4C00  }
0x21d: {  	[hbm4b:s4+s21] =	stream.linear.scatter [tilespmem:s21], [sflag:$0x1], $0xB400, $0x38;
	[tilespmem:$0xB400] =	vst v63  }
0x21e: {  	_ =	swait.ge [sflag:s25], $0xB400  }
0x21f: {  	[sflag:s25] =	ssyncset.done $0x0  }
0x220: {  	[sflag:s25] =	ssyncadd.s32 $0xFFFF4C00  }
0x221: {  	[hbm4b:s9+s21] =	stream.linear.scatter [tilespmem:s21], [sflag:$0x1], $0xB400, $0x38;
	[tilespmem:$0xB400] =	vst v63  }
0x222: {  	_ =	swait.ge [sflag:s25], $0xB400  }
0x223: {  	s13 =	sld [smem:$0x74A]  }
0x224: {  	[sflag:s25] =	ssyncset.done $0x0  }
0x225: {  	[sflag:s25] =	ssyncadd.s32 $0xFFFF4C00  }
0x226: {  	[hbm4b:s13+s21] =	stream.linear.scatter [tilespmem:s21], [sflag:$0x1], $0xB400, $0x38;
	[tilespmem:$0xB400] =	vst v63  }
0x227: {  	_ =	swait.ge [sflag:s25], $0xB400  }
0x228: {  	s14 =	sld [smem:$0x74B]  }
0x229: {  	[sflag:s25] =	ssyncset.done $0x0  }
0x22a: {  	[sflag:s25] =	ssyncadd.s32 $0xFFFF4C00  }
0x22b: {  	[hbm4b:s14+s21] =	stream.linear.scatter [tilespmem:s21], [sflag:$0x1], $0xB400, $0x38;
	[tilespmem:$0xB400] =	vst v63  }
0x22c: {  	_ =	swait.ge [sflag:s25], $0xB400  }
0x22d: {  	s15 =	sld [smem:$0x74C]  }
0x22e: {  	[sflag:s25] =	ssyncset.done $0x0  }
0x22f: {  	[sflag:s25] =	ssyncadd.s32 $0xFFFF4C00  }
0x230: {  	[hbm4b:s15+s21] =	stream.linear.scatter [tilespmem:s21], [sflag:$0x1], $0xB400, $0x38;
	[tilespmem:$0xB400] =	vst v63  }
0x231: {  	_ =	swait.ge [sflag:s25], $0xB400  }
0x232: {  	s16 =	sld [smem:$0x74D]  }
0x233: {  	[sflag:s25] =	ssyncset.done $0x0  }
0x234: {  	[sflag:s25] =	ssyncadd.s32 $0xFFFF4C00  }
0x235: {  	[hbm4b:s16+s21] =	stream.linear.scatter [tilespmem:s21], [sflag:$0x1], $0xB400, $0x38;
	[tilespmem:$0xB400] =	vst v63  }
0x236: {  	_ =	swait.ge [sflag:s25], $0xB400  }
0x237: {  	s17 =	sld [smem:$0x74E]  }
0x238: {  	[sflag:s25] =	ssyncset.done $0x0  }
0x239: {  	[sflag:s25] =	ssyncadd.s32 $0xFFFF4C00  }
0x23a: {  	[hbm4b:s17+s21] =	stream.linear.scatter [tilespmem:s21], [sflag:$0x1], $0xB400, $0x38;
	[tilespmem:$0xB400] =	vst v63  }
0x23b: {  	_ =	swait.ge [sflag:s25], $0xB400  }
0x23c: {  	s18 =	sld [smem:$0x74F]  }
0x23d: {  	[sflag:s25] =	ssyncset.done $0x0  }
0x23e: {  	[sflag:s25] =	ssyncadd.s32 $0xFFFF4C00  }
0x23f: {  	[hbm4b:s18+s21] =	stream.linear.scatter [tilespmem:s21], [sflag:$0x1], $0xB400, $0x38;
	[tilespmem:$0xB400] =	vst v63  }
0x240: {  	_ =	swait.ge [sflag:s25], $0xB400  }
0x241: {  	s19 =	sld [smem:$0x750]  }
0x242: {  	[sflag:s25] =	ssyncset.done $0x0  }
0x243: {  	[sflag:s25] =	ssyncadd.s32 $0xFFFF4C00  }
0x244: {  	[hbm4b:s19+s21] =	stream.linear.scatter [tilespmem:s21], [sflag:$0x1], $0xB400, $0x38;
	[tilespmem:$0xB400] =	vst v63  }
0x245: {  	_ =	swait.ge [sflag:s25], $0xB400  }
0x246: {  	s20 =	sld [smem:$0x751]  }
0x247: {  	[sflag:s25] =	ssyncset.done $0x0  }
0x248: {  	[sflag:s25] =	ssyncadd.s32 $0xFFFF4C00  }
0x249: {  	[hbm4b:s20+s21] =	stream.linear.scatter [tilespmem:s21], [sflag:$0x1], $0xB400, $0x38;
	[tilespmem:$0xB400] =	vst v63  }
0x24a: {  	_ =	swait.ge [sflag:s25], $0xB400  }
0x24b: {  	s22 =	sld [smem:$0x752]  }
0x24c: {  	[sflag:s25] =	ssyncset.done $0x0  }
0x24d: {  	[sflag:s25] =	ssyncadd.s32 $0xFFFF4C00  }
0x24e: {  	[hbm4b:s22+s21] =	stream.linear.scatter [tilespmem:s21], [sflag:$0x1], $0xB400, $0x38;
	[tilespmem:$0xB400] =	vst v63  }
0x24f: {  	_ =	swait.ge [sflag:s25], $0xB400  }
0x250: {  	s23 =	sld [smem:$0x753]  }
0x251: {  	[sflag:s25] =	ssyncset.done $0x0  }
0x252: {  	[sflag:s25] =	ssyncadd.s32 $0xFFFF4C00  }
0x253: {  	[hbm4b:s23+s21] =	stream.linear.scatter [tilespmem:s21], [sflag:$0x1], $0xB400, $0x38;
	[tilespmem:$0xB400] =	vst v63  }
0x254: {  	_ =	swait.ge [sflag:s25], $0xB400  }
0x255: {  	s26 =	sld [smem:$0x754]  }
0x256: {  	[sflag:s25] =	ssyncset.done $0x0  }
0x257: {  	[sflag:s25] =	ssyncadd.s32 $0xFFFF4C00  }
0x258: {  	[hbm4b:s26+s21] =	stream.linear.scatter [tilespmem:s21], [sflag:$0x1], $0xB400, $0x38;
	[tilespmem:$0xB400] =	vst v63  }
0x259: {  	_ =	swait.ge [sflag:s25], $0xB400  }
0x25a: {  	s28 =	sld [smem:$0x755]  }
0x25b: {  	[sflag:s25] =	ssyncset.done $0x0  }
0x25c: {  	[sflag:s25] =	ssyncadd.s32 $0xFFFF4C00  }
0x25d: {  	[hbm4b:s28+s21] =	stream.linear.scatter [tilespmem:s21], [sflag:$0x1], $0xB400, $0x38;
	[tilespmem:$0xB400] =	vst v63  }
0x25e: {  	_ =	swait.ge [sflag:s25], $0xB400  }
0x25f: {  	s29 =	sld [smem:$0x756]  }
0x260: {  	[sflag:s25] =	ssyncset.done $0x0  }
0x261: {  	[sflag:s25] =	ssyncadd.s32 $0xFFFF4C00  }
0x262: {  	[hbm4b:s29+s21] =	stream.linear.scatter [tilespmem:s21], [sflag:$0x1], $0xB400, $0x38;
	[tilespmem:$0xB400] =	vst v63  }
0x263: {  	_ =	swait.ge [sflag:s25], $0xB400  }
0x264: {  	s30 =	sld [smem:$0x757]  }
0x265: {  	[sflag:s25] =	ssyncset.done $0x0  }
0x266: {  	[sflag:s25] =	ssyncadd.s32 $0xFFFF4C00  }
0x267: {  	[hbm4b:s30+s21] =	stream.linear.scatter [tilespmem:s21], [sflag:$0x1], $0xB400, $0x38;
	[tilespmem:$0xB400] =	vst v63  }
0x268: {  	_ =	swait.ge [sflag:s25], $0xB400  }
0x269: {  	s31 =	sld [smem:$0x758]  }
0x26a: {  	[sflag:s25] =	ssyncset.done $0x0  }
0x26b: {  	[sflag:s25] =	ssyncadd.s32 $0xFFFF4C00  }
0x26c: {  	[hbm4b:s31+s21] =	stream.linear.scatter [tilespmem:s21], [sflag:$0x1], $0xB400, $0x38;
	[tilespmem:$0xB400] =	vst v63  }
0x26d: {  	_ =	swait.ge [sflag:s25], $0xB400  }
0x26e: {  	[sflag:s25] =	ssyncset.done $0x0  }
0x26f: {  	[sflag:s25] =	ssyncadd.s32 $0xFFFF4C00  }
0x270: {  	_ =	swait.ge [sflag:s25], $0xB400  }
0x271: {  	[sflag:s25] =	ssyncset.done $0x0  }
0x272: {  	[sflag:s25] =	ssyncadd.s32 $0xFFFF4C00  }
0x273: {  	_ =	swait.ge [sflag:s25], $0xB400  }
0x274: {  	[sflag:s25] =	ssyncset.done $0x0  }
0x275: {  	s24 =	sadd.s32 $0xFFFFFFFF, s24;
	[sflag:s25] =	ssyncadd.s32 $0xFFFF4C00  }
0x276: {  	p2 =	sne.s32 s24, $0x0;
	_ =	swait.ge [sflag:s25], $0xB400  }
.Ltmp1:
0x277: {  	[sflag:s25] =	ssyncset.done $0x0;
	(pc) =	sbr.rel @!p2 .LBB2_7-.Ltmp1, $4  }
0x278: {  	[sflag:s25] =	ssyncadd.s32 $0xFFFF4C00  }
0x279: {  	_ =	swait.ge [sflag:s25], $0xB400  }
0x27a: {  	[sflag:s25] =	ssyncset.done $0x0  }
0x27b: {  	[sflag:s25] =	ssyncadd.s32 $0xFFFF4C00  }
.LBB2_1:
.Ltmp2:
0x27c: {  	(pc) =	sbr.rel @p0 .LBB2_5-.Ltmp2, $1  }
0x27d: {  	_ =	sdelay $0x3  }
.Ltmp3:
0x27e: {  	(pc) =	sbr.rel @!p1 .LBB2_3-.Ltmp3, $1  }
0x27f: {  	_ =	sdelay $0x3  }
0x280: {  	s0 =	rddreg [dreg:$0x1];
	s19 =	simm.s32 $0x2  }
0x281: {  	[tilespmem:s21], [sflag:$0x2] =	stream.linear.gather [hbm4b:s0+s21], $0xB400, $0x38;
	[tilespmem:$0xB400] =	vst v63  }
0x282: {  	_ =	swait.ge [sflag:s19], $0xB400  }
0x283: {  	s20 =	sld [smem:$0x78A]  }
0x284: {  	s22 =	sld [smem:$0x78B]  }
0x285: {  	s23 =	sld [smem:$0x78C]  }
0x286: {  	s26 =	sld [smem:$0x78D]  }
0x287: {  	s10 =	sld [smem:$0x78E]  }
0x288: {  	s5 =	sld [smem:$0x7AC]  }
0x289: {  	s6 =	sld [smem:$0x78F]  }
0x28a: {  	s11 =	sld [smem:$0x790]  }
0x28b: {  	[smem:$0x74A] =	sst s5  }
0x28c: {  	s5 =	sld [smem:$0x7AD]  }
0x28d: {  	s12 =	sld [smem:$0x791]  }
0x28e: {  	s13 =	sld [smem:$0x792]  }
0x28f: {  	[smem:$0x74B] =	sst s5  }
0x290: {  	s5 =	sld [smem:$0x7AE]  }
0x291: {  	s14 =	sld [smem:$0x793]  }
0x292: {  	s15 =	sld [smem:$0x794]  }
0x293: {  	[smem:$0x74C] =	sst s5  }
0x294: {  	s5 =	sld [smem:$0x7AF]  }
0x295: {  	s16 =	sld [smem:$0x795]  }
0x296: {  	s17 =	sld [smem:$0x796]  }
0x297: {  	[smem:$0x74D] =	sst s5  }
0x298: {  	s5 =	sld [smem:$0x7B0]  }
0x299: {  	s18 =	sld [smem:$0x797]  }
0x29a: {  	s28 =	sld [smem:$0x79D]  }
0x29b: {  	[smem:$0x74E] =	sst s5  }
0x29c: {  	s5 =	sld [smem:$0x7B1]  }
0x29d: {  	s29 =	sld [smem:$0x79E]  }
0x29e: {  	s30 =	sld [smem:$0x79F]  }
0x29f: {  	[smem:$0x74F] =	sst s5  }
0x2a0: {  	s5 =	sld [smem:$0x7B2]  }
0x2a1: {  	s31 =	sld [smem:$0x7A0]  }
0x2a2: {  	s0 =	sld [smem:$0x7A1]  }
0x2a3: {  	[smem:$0x750] =	sst s5  }
0x2a4: {  	s5 =	sld [smem:$0x7B3]  }
0x2a5: {  	s1 =	sld [smem:$0x7A2]  }
0x2a6: {  	s2 =	sld [smem:$0x7A4]  }
0x2a7: {  	[smem:$0x751] =	sst s5  }
0x2a8: {  	s5 =	sld [smem:$0x7B4]  }
0x2a9: {  	s7 =	sld [smem:$0x7A6]  }
0x2aa: {  	s3 =	sld [smem:$0x7A8]  }
0x2ab: {  	[smem:$0x752] =	sst s5  }
0x2ac: {  	s5 =	sld [smem:$0x7B5]  }
0x2ad: {  	s8 =	sld [smem:$0x7A9]  }
0x2ae: {  	s4 =	sld [smem:$0x7AA]  }
0x2af: {  	[smem:$0x753] =	sst s5  }
0x2b0: {  	s5 =	sld [smem:$0x7B6]  }
0x2b1: {  	[sflag:s19] =	ssyncset.done $0x0;
	s9 =	sld [smem:$0x7AB]  }
0x2b2: {  	[sflag:s19] =	ssyncadd.s32 $0xFFFF4C00;
	s19 =	sld [smem:$0x798]  }
0x2b3: {  	[smem:$0x754] =	sst s5  }
0x2b4: {  	s5 =	sld [smem:$0x7B7]  }
0x2b5: {  	[hbm4b:s20+s21] =	stream.linear.scatter [tilespmem:s21], [sflag:$0x1], $0xB400, $0x38;
	[tilespmem:$0xB400] =	vst v63  }
0x2b6: {  	s20 =	sld [smem:$0x799]  }
0x2b7: {  	[smem:$0x755] =	sst s5  }
0x2b8: {  	s5 =	sld [smem:$0x7B8]  }
0x2b9: {  	[hbm4b:s22+s21] =	stream.linear.scatter [tilespmem:s21], [sflag:$0x1], $0xB400, $0x38;
	[tilespmem:$0xB400] =	vst v63  }
0x2ba: {  	s22 =	sld [smem:$0x79A]  }
0x2bb: {  	[smem:$0x756] =	sst s5  }
0x2bc: {  	s5 =	sld [smem:$0x7B9]  }
0x2bd: {  	[hbm4b:s23+s21] =	stream.linear.scatter [tilespmem:s21], [sflag:$0x1], $0xB400, $0x38;
	[tilespmem:$0xB400] =	vst v63  }
0x2be: {  	s23 =	sld [smem:$0x79B]  }
.Ltmp4:
0x2bf: {  	[smem:$0x757] =	sst s5;
	(pc) =	sbr.rel .LBB2_6-.Ltmp4, $4  }
0x2c0: {  	s5 =	sld [smem:$0x7BB]  }
0x2c1: {  	[hbm4b:s26+s21] =	stream.linear.scatter [tilespmem:s21], [sflag:$0x1], $0xB400, $0x38;
	[tilespmem:$0xB400] =	vst v63  }
0x2c2: {  	s26 =	sld [smem:$0x79C]  }
0x2c3: {  	[smem:$0x758] =	sst s5  }
.LBB2_3:
0x2c4: {  	s0 =	rddreg [dreg:$0x0];
	s19 =	simm.s32 $0x2  }
0x2c5: {  	[tilespmem:s21], [sflag:$0x2] =	stream.linear.gather [hbm4b:s0+s21], $0xB400, $0x38;
	[tilespmem:$0xB400] =	vst v63  }
0x2c6: {  	_ =	swait.ge [sflag:s19], $0xB400  }
0x2c7: {  	s20 =	sld [smem:$0x7BD]  }
0x2c8: {  	s22 =	sld [smem:$0x7BE]  }
0x2c9: {  	s23 =	sld [smem:$0x7BF]  }
0x2ca: {  	s26 =	sld [smem:$0x7C0]  }
0x2cb: {  	s10 =	sld [smem:$0x7C1]  }
0x2cc: {  	s5 =	sld [smem:$0x7E0]  }
0x2cd: {  	s6 =	sld [smem:$0x7C2]  }
0x2ce: {  	s11 =	sld [smem:$0x7C3]  }
0x2cf: {  	[smem:$0x74A] =	sst s5  }
0x2d0: {  	s5 =	sld [smem:$0x7E2]  }
0x2d1: {  	s12 =	sld [smem:$0x7C4]  }
0x2d2: {  	s13 =	sld [smem:$0x7C5]  }
0x2d3: {  	[smem:$0x74B] =	sst s5  }
0x2d4: {  	s5 =	sld [smem:$0x7E4]  }
0x2d5: {  	s14 =	sld [smem:$0x7C6]  }
0x2d6: {  	s15 =	sld [smem:$0x7C7]  }
0x2d7: {  	[smem:$0x74C] =	sst s5  }
0x2d8: {  	s5 =	sld [smem:$0x7E6]  }
0x2d9: {  	s16 =	sld [smem:$0x7C8]  }
0x2da: {  	s17 =	sld [smem:$0x7C9]  }
0x2db: {  	[smem:$0x74D] =	sst s5  }
0x2dc: {  	s5 =	sld [smem:$0x7E8]  }
0x2dd: {  	s18 =	sld [smem:$0x7CA]  }
0x2de: {  	s28 =	sld [smem:$0x7D0]  }
0x2df: {  	[smem:$0x74E] =	sst s5  }
0x2e0: {  	s5 =	sld [smem:$0x7EA]  }
0x2e1: {  	s29 =	sld [smem:$0x7D1]  }
0x2e2: {  	s30 =	sld [smem:$0x7D2]  }
0x2e3: {  	[smem:$0x74F] =	sst s5  }
0x2e4: {  	s5 =	sld [smem:$0x7EC]  }
0x2e5: {  	s31 =	sld [smem:$0x7D3]  }
0x2e6: {  	s0 =	sld [smem:$0x7D4]  }
0x2e7: {  	[smem:$0x750] =	sst s5  }
0x2e8: {  	s5 =	sld [smem:$0x7EE]  }
0x2e9: {  	s1 =	sld [smem:$0x7D5]  }
0x2ea: {  	s2 =	sld [smem:$0x7D6]  }
0x2eb: {  	[smem:$0x751] =	sst s5  }
0x2ec: {  	s5 =	sld [smem:$0x7F0]  }
0x2ed: {  	s7 =	sld [smem:$0x7D7]  }
0x2ee: {  	s3 =	sld [smem:$0x7D8]  }
0x2ef: {  	[smem:$0x752] =	sst s5  }
0x2f0: {  	s5 =	sld [smem:$0x7F2]  }
0x2f1: {  	s8 =	sld [smem:$0x7DA]  }
0x2f2: {  	s4 =	sld [smem:$0x7DC]  }
0x2f3: {  	[smem:$0x753] =	sst s5  }
0x2f4: {  	s5 =	sld [smem:$0x7F4]  }
0x2f5: {  	[sflag:s19] =	ssyncset.done $0x0;
	s9 =	sld [smem:$0x7DE]  }
0x2f6: {  	[sflag:s19] =	ssyncadd.s32 $0xFFFF4C00;
	s19 =	sld [smem:$0x7CB]  }
0x2f7: {  	[smem:$0x754] =	sst s5  }
0x2f8: {  	s5 =	sld [smem:$0x7F6]  }
0x2f9: {  	[hbm4b:s20+s21] =	stream.linear.scatter [tilespmem:s21], [sflag:$0x1], $0xB400, $0x38;
	[tilespmem:$0xB400] =	vst v63  }
0x2fa: {  	s20 =	sld [smem:$0x7CC]  }
0x2fb: {  	[smem:$0x755] =	sst s5  }
0x2fc: {  	s5 =	sld [smem:$0x7F8]  }
0x2fd: {  	[hbm4b:s22+s21] =	stream.linear.scatter [tilespmem:s21], [sflag:$0x1], $0xB400, $0x38;
	[tilespmem:$0xB400] =	vst v63  }
0x2fe: {  	s22 =	sld [smem:$0x7CD]  }
0x2ff: {  	[smem:$0x756] =	sst s5  }
0x300: {  	s5 =	sld [smem:$0x7FA]  }
0x301: {  	[hbm4b:s23+s21] =	stream.linear.scatter [tilespmem:s21], [sflag:$0x1], $0xB400, $0x38;
	[tilespmem:$0xB400] =	vst v63  }
0x302: {  	s23 =	sld [smem:$0x7CE]  }
.Ltmp5:
0x303: {  	[smem:$0x757] =	sst s5;
	(pc) =	sbr.rel .LBB2_6-.Ltmp5, $4  }
0x304: {  	s5 =	sld [smem:$0x7FB]  }
0x305: {  	[hbm4b:s26+s21] =	stream.linear.scatter [tilespmem:s21], [sflag:$0x1], $0xB400, $0x38;
	[tilespmem:$0xB400] =	vst v63  }
0x306: {  	s26 =	sld [smem:$0x7CF]  }
0x307: {  	[smem:$0x758] =	sst s5  }
.LBB2_7:
0x308: {  	_ =	sfence.sel $0x180000  }
0x309: {  	[bflag:$0x0] =	sbarrier.arrive $0xFFFF  }
0x30a: {  	_ =	strace $0x90000047  }
0x30b: {  	s0 =	stileid.u32;
	[bflag:$0x2] =	sbarrier.arrive $0xFFFF  }
0x30c: {  	p0 =	sne.s32 s0, $0x0;
	s0 =	rddreg [dreg:$0x4]  }
0x30d: {  	s0 =	sadd.s32 @!p0 $0x100000, s0  }
0x30e: {  	[sflag:s0] =	ssyncadd.tile.s32 @!p0 $0x1;
	_ =	shalt  }
.Lfunc_end2:
_tile_overlayer_lowered:
.L_overlay_start_2:
0x30f: {  	(tag) =	ssettag $0x2  }
0x310: {  	s0 =	rddreg [dreg:$0x0];
	s2 =	stileid.u32  }
0x311: {  	s1 =	rddreg [dreg:$0x1];
	p0 =	sne.s32 s2, $0x0  }
0x312: {  	s3 =	rddreg [dreg:$0x2];
	[bflag:$0x3] =	sbarrier.arrive $0xFFFF;
	s2 =	simm.s32 @!p0 $0x1C02  }
0x313: {  	[timem:s3], [sflag:s2] =	dma.local @!p0 [hbm:s0], s1  }
0x314: {  	s0 =	simm.s32 @!p0 $0x2  }
0x315: {  	_ =	swait.ge @!p0 [sflag:s0], s1  }
0x316: {  	s1 =	ssub.s32 @!p0 $0x0, s1;
	[sflag:s0] =	ssyncset.done @!p0 $0x0  }
0x317: {  	[sflag:s0] =	ssyncadd.s32 @!p0 s1  }
0x318: {  	[bflag:$0x3] =	sbarrier.arrive $0xFFFF  }
0x319: {  	_ =	shalt  }

</sc_bundles>
